<compile_context>
chip_gen: v7x
topology: tpu7x:2x2x1
jax: 0.10.2.dev20260603
libtpu: 0.0.44.dev20260713+nightly
codegen_flags: <defaults>
</compile_context>

<pallas_src>
import functools

import jax
import jax.numpy as jnp
from jax import lax
from jax.experimental import pallas as pl
from jax.experimental.pallas import tpu as pltpu
from jax.experimental.pallas import tpu_sc as plsc

NC = 2
NS = 16
NW = NC * NS

CH = 80
HCOLS = 128


def _sc_degree_kernel(npad, edges_per_tile):
    nchunk = edges_per_tile // CH
    zrows = npad // NS
    mesh = plsc.VectorSubcoreMesh(core_axis_name="c", subcore_axis_name="s")

    @functools.partial(
        pl.kernel,
        out_type=jax.ShapeDtypeStruct((NC, 2, NS, zrows, HCOLS), jnp.float32),
        mesh=mesh,
        scratch_types=[
            pltpu.VMEM((nchunk, CH), jnp.int32),
            pltpu.VMEM((CH, HCOLS), jnp.float32),
            pltpu.VMEM_SHARED((npad, HCOLS), jnp.float32),
            pltpu.SemaphoreType.DMA,
        ],
    )
    def deg_kernel(edge_hbm, ones_hbm, zeros_hbm, deg_hbm,
                   idx_v, ones_v, hist, hsem):
        c = lax.axis_index("c")
        s = lax.axis_index("s")
        w = c * NS + s

        pltpu.sync_copy(ones_hbm, ones_v)
        for r in (0, 1):
            pltpu.sync_copy(zeros_hbm, hist.at[pl.ds(s * zrows, zrows)])
            pltpu.sync_copy(edge_hbm.at[r, w], idx_v)
            plsc.subcore_barrier()

            def body(g, _):
                for k in range(5):
                    pltpu.async_copy(ones_v, hist.at[idx_v.at[g * 5 + k]],
                                     hsem, add=True)
                for k in range(5):
                    pltpu.make_async_copy(ones_v, hist.at[idx_v.at[g * 5 + k]],
                                          hsem).wait()
                return 0
            lax.fori_loop(0, nchunk // 5, body, 0)

            plsc.subcore_barrier()
            pltpu.sync_copy(hist.at[pl.ds(s * zrows, zrows)],
                            deg_hbm.at[c, r, s])

    return deg_kernel


NSEC = 5
SECCH = 25


def _sc_aggregate_kernel(n_nodes, feat, edges_per_tile):
    arows = n_nodes // NS
    mesh = plsc.VectorSubcoreMesh(core_axis_name="c", subcore_axis_name="s")

    @functools.partial(
        pl.kernel,
        out_type=jax.ShapeDtypeStruct((NC, NS, n_nodes // NS, feat),
                                      jnp.float32),
        mesh=mesh,
        scratch_types=[
            pltpu.VMEM((SECCH, CH), jnp.int32),
            pltpu.VMEM((SECCH, CH), jnp.int32),
            pltpu.VMEM((SECCH, CH), jnp.int32),
            pltpu.VMEM((3 * CH, feat), jnp.float32),
            pltpu.VMEM_SHARED((n_nodes, feat), jnp.float32),
            pltpu.SemaphoreType.DMA((3,)),
            pltpu.SemaphoreType.DMA,
        ],
    )
    def agg_kernel(xs_hbm, edge_hbm, zeros_hbm, out_hbm,
                   src_a, src_b, dst_v, rows_v, agg_sh, sems, isem):
        c = lax.axis_index("c")
        s = lax.axis_index("s")
        w = c * NS + s
        wins = (src_a, src_b)

        def slot(k):
            return rows_v.at[pl.ds(k * CH, CH)]

        def gissue(winref, row, k):
            pltpu.async_copy(xs_hbm.at[winref.at[row]], slot(k), sems.at[k])

        def gwait(winref, row, k):
            pltpu.make_async_copy(xs_hbm.at[winref.at[row]], slot(k),
                                  sems.at[k]).wait()

        pltpu.sync_copy(zeros_hbm, agg_sh.at[pl.ds(s * arows, arows)])
        plsc.subcore_barrier()

        pltpu.sync_copy(edge_hbm.at[0, w, 0], src_a)
        pltpu.sync_copy(edge_hbm.at[1, w, 0], dst_v)
        pltpu.async_copy(edge_hbm.at[0, w, 1], src_b, isem)
        for k in range(3):
            gissue(src_a, k, k)

        for sec in range(NSEC):
            cur = wins[sec % 2]
            nxt = wins[(sec + 1) % 2]
            if sec > 0:
                pltpu.sync_copy(edge_hbm.at[1, w, sec], dst_v)

            def body(g, _):
                for k in range(3):
                    ks = (k + sec) % 3
                    p = g * 3 + k
                    gwait(cur, p, ks)
                    pltpu.sync_copy(slot(ks), agg_sh.at[dst_v.at[p]],
                                    add=True)
                    gissue(cur, p + 3, ks)
                return 0
            lax.fori_loop(0, 7, body, 0)

            if sec < NSEC - 1:
                pltpu.make_async_copy(edge_hbm.at[0, w, sec + 1],
                                      nxt, isem).wait()

            for p in (21, 22, 23, 24):
                sp = (p + sec) % 3
                gwait(cur, p, sp)
                pltpu.sync_copy(slot(sp), agg_sh.at[dst_v.at[p]], add=True)
                if p == 21:
                    gissue(cur, 24, sp)
                elif sec < NSEC - 1:
                    gissue(nxt, p - 22, sp)

            if sec < NSEC - 2:
                pltpu.async_copy(edge_hbm.at[0, w, sec + 2], cur, isem)

        plsc.subcore_barrier()
        pltpu.sync_copy(agg_sh.at[pl.ds(s * arows, arows)], out_hbm.at[c, s])

    return agg_kernel


def _tc_scale_transpose(x_ref, d_ref, xs_ref):
    x = x_ref[0]
    od = d_ref[0, 0, 0, :] + d_ref[0, 1, 0, :]
    ois = lax.rsqrt(jnp.maximum(od, 1.0))
    xsc = x * ois[None, :]
    f = x.shape[0]
    eye = (lax.broadcasted_iota(jnp.int32, (f, f), 0)
           == lax.broadcasted_iota(jnp.int32, (f, f), 1)).astype(jnp.float32)
    xs_ref[0] = lax.dot_general(xsc, eye, (((0,), (0,)), ((), ())),
                                preferred_element_type=jnp.float32)


def _tc_output(p_ref, d_ref, w_ref, b_ref, o_ref):
    agg = p_ref[0, 0] + p_ref[1, 0]
    iis = lax.rsqrt(jnp.maximum(d_ref[0, 0, 1, :] + d_ref[0, 1, 1, :], 1.0))
    ht = lax.dot_general(w_ref[...], agg, (((0,), (1,)), ((), ())),
                         preferred_element_type=jnp.float32)
    ht = ht * iis[None, :] + b_ref[...]
    o_ref[0] = jnp.where(ht >= 0, ht, 0.01 * ht)


def kernel(inputs, edge_index, W, b):
    sli, feat, node = inputs.shape
    n_nodes = sli * node
    E = edge_index.shape[1]
    npad = 10240
    edges_per_tile = E // NW

    nchunk = edges_per_tile // CH
    edge4d = edge_index.reshape(2, NW, nchunk, CH)
    ones_rows = jnp.ones((CH, HCOLS), jnp.float32)
    zeros_hist = jnp.zeros((npad // NS, HCOLS), jnp.float32)
    zeros_agg = jnp.zeros((n_nodes // NS, feat), jnp.float32)

    deg_fn = _sc_degree_kernel(npad, edges_per_tile)
    deg_part = deg_fn(edge4d, ones_rows, zeros_hist)
    degs = deg_part.reshape(NC, 2, npad, HCOLS)[:, :, :n_nodes, 0]
    degs = jnp.transpose(degs.reshape(NC, 2, sli, node), (2, 0, 1, 3))

    xs = pl.pallas_call(
        _tc_scale_transpose,
        grid=(sli,),
        in_specs=[
            pl.BlockSpec((1, feat, node), lambda s: (s, 0, 0)),
            pl.BlockSpec((1, NC, 2, node), lambda s: (s, 0, 0, 0)),
        ],
        out_specs=pl.BlockSpec((1, node, feat), lambda s: (s, 0, 0)),
        out_shape=jax.ShapeDtypeStruct((sli, node, feat), jnp.float32),
    )(inputs, degs)
    xs = xs.reshape(n_nodes, feat)

    agg_fn = _sc_aggregate_kernel(n_nodes, feat, edges_per_tile)
    edge5d = edge_index.reshape(2, NW, NSEC, SECCH, CH)
    partials = agg_fn(xs, edge5d, zeros_agg)
    partials = partials.reshape(NC, sli, node, feat)

    out = pl.pallas_call(
        _tc_output,
        grid=(sli,),
        in_specs=[
            pl.BlockSpec((NC, 1, node, feat), lambda s: (0, s, 0, 0)),
            pl.BlockSpec((1, NC, 2, node), lambda s: (s, 0, 0, 0)),
            pl.BlockSpec((feat, feat), lambda s: (0, 0)),
            pl.BlockSpec((feat, 1), lambda s: (0, 0)),
        ],
        out_specs=pl.BlockSpec((1, feat, node), lambda s: (s, 0, 0)),
        out_shape=jax.ShapeDtypeStruct((sli, feat, node), jnp.float32),
    )(partials, degs, W, b.reshape(feat, 1))
    return out

# --- scband reference (transcript-rebuilt; emitter-appended) ---
"""Pipeline reference for scband-graph-sage-72292889526467 (READ-ONLY COPY).

The authoritative reference and input builder live on the scoring server;
editing this copy changes nothing except your own understanding.
"""

import jax, jax.numpy as jnp
import numpy as np


def setup_inputs(seed: int = 0) -> dict:
    key = jax.random.key(seed)
    k1, k2, k3 = jax.random.split(key, 3)
    inputs = jax.random.normal(k1, (10, 128, 1000), dtype=jnp.float32)
    edge_index = jax.random.randint(k2, (2, 320000), 0, 10000, dtype=jnp.int32)
    W = jax.random.normal(k3, (128, 128), dtype=jnp.float32) * (1.0 / np.sqrt(128.0))
    b = jnp.zeros((128,), dtype=jnp.float32)
    return {"inputs": inputs, "edge_index": edge_index, "W": W, "b": b}


def reference(inputs, edge_index, W, b):
    # GraphSAGE.forward: permute [sli, feat, node] -> [sli, node, feat], flatten nodes,
    # dropout (eval mode: identity), DGL GraphConv (norm='both', weight, bias,
    # activation=LeakyReLU(0.01)), reshape back and permute.
    sli, feat, node = inputs.shape
    x = jnp.transpose(inputs, (0, 2, 1)).reshape(-1, feat)  # [N, feat], N = sli*node
    N = x.shape[0]
    src = edge_index[0]
    dst = edge_index[1]
    E = edge_index.shape[1]
    ones = jnp.ones((E,), dtype=jnp.float32)
    out_deg = jnp.maximum(jnp.zeros((N,), jnp.float32).at[src].add(ones), 1.0)
    in_deg = jnp.maximum(jnp.zeros((N,), jnp.float32).at[dst].add(ones), 1.0)
    # norm='both': scale src feats by out_deg^{-1/2}
    xs = x * (out_deg ** -0.5)[:, None]
    msg = jnp.take(xs, src, axis=0)                      # gather (SparseCore)
    agg = jnp.zeros((N, feat), jnp.float32).at[dst].add(msg)  # scatter-add
    agg = agg * (in_deg ** -0.5)[:, None]
    h = agg @ W + b
    h = jnp.where(h >= 0, h, 0.01 * h)  # LeakyReLU(0.01)
    h = h.reshape(sli, node, -1)
    return jnp.transpose(h, (0, 2, 1))

if __name__ == "__main__":
    import jax
    _d = setup_inputs()
    print(jax.jit(kernel)(*tuple(_d.values())))

</pallas_src>

<mosaic_0001>
#map = affine_map<(d0, d1) -> (0, 0)>
#map1 = affine_map<(d0, d1) -> (0, 0, 0, 0, 0)>
#map2 = affine_map<(d0, d1) -> (0, 0, 0, 0)>
module attributes {stable_mosaic.version = 14 : i64} {
  func.func @agg_kernel(%arg0: i32, %arg1: i32, %arg2: memref<10000x128xf32, #tpu.memory_space<hbm>>, %arg3: memref<2x32x5x25x80xi32, #tpu.memory_space<hbm>>, %arg4: memref<625x128xf32, #tpu.memory_space<hbm>>, %arg5: memref<2x16x625x128xf32, #tpu.memory_space<hbm>>, %arg6: memref<25x80xi32, #tpu.memory_space<vmem>>, %arg7: memref<25x80xi32, #tpu.memory_space<vmem>>, %arg8: memref<25x80xi32, #tpu.memory_space<vmem>>, %arg9: memref<240x128xf32, #tpu.memory_space<vmem>>, %arg10: memref<10000x128xf32, #tpu.memory_space<vmem_shared>>, %arg11: memref<3x!tpu.dma_semaphore, #tpu.memory_space<semaphore_mem>>, %arg12: memref<!tpu.dma_semaphore, #tpu.memory_space<semaphore_mem>>) attributes {dimension_semantics = [#tpu.dimension_semantics<core_parallel>, #tpu.dimension_semantics<subcore_parallel>], iteration_bounds = array<i64: 2, 16>, scalar_prefetch = 0 : i64, scratch_operands = 7 : i64, tpu.core_type = #tpu.core_type<sc_vector_subcore>, window_params = [{transform_indices = #map}, {transform_indices = #map1}, {transform_indices = #map}, {transform_indices = #map2}]} {
    %mul3A = arith.constant 16 : i32
    %mul3A_0 = arith.muli %arg0, %mul3A : i32
    %add3A = arith.addi %mul3A_0, %arg1 : i32
    %mul3A_1 = arith.constant 625 : i32
    %mul3A_2 = arith.muli %arg1, %mul3A_1 : i32
    "tpu.region"() ({
      %run_scoped3A_669 = tpu.sem_alloc : memref<!tpu.dma_semaphore, #tpu.memory_space<semaphore_mem>>
      %dma_start3A_670 = arith.constant 0 : i32
      %dma_start3A_671 = tpu.memref_slice %arg10[%mul3A_2, %dma_start3A_670] : memref<10000x128xf32, #tpu.memory_space<vmem_shared>> -> memref<625x128xf32, #tpu.memory_space<vmem_shared>>
      tpu.enqueue_dma source(%arg4 : memref<625x128xf32, #tpu.memory_space<hbm>>) target(%dma_start3A_671 : memref<625x128xf32, #tpu.memory_space<vmem_shared>>) target_semaphore(%run_scoped3A_669 : memref<!tpu.dma_semaphore, #tpu.memory_space<semaphore_mem>>)
      %dma_wait3A_672 = arith.constant 0 : i32
      %dma_wait3A_673 = tpu.memref_slice %arg10[%mul3A_2, %dma_wait3A_672] : memref<10000x128xf32, #tpu.memory_space<vmem_shared>> -> memref<625x128xf32, #tpu.memory_space<vmem_shared>>
      tpu.wait_dma2 semaphore(%run_scoped3A_669 : memref<!tpu.dma_semaphore, #tpu.memory_space<semaphore_mem>>) src(%arg4 : memref<625x128xf32, #tpu.memory_space<hbm>>) dst(%dma_wait3A_673 : memref<625x128xf32, #tpu.memory_space<vmem_shared>>)
      tpu.yield
    }) : () -> ()
    %barrier3A = arith.constant 0 : index
    tpu.barrier barrier_id(%barrier3A)
    %run_scoped3A = arith.constant 0 : i32
    %run_scoped3A_3 = arith.constant 0 : i32
    "tpu.region"() ({
      %run_scoped3A_669 = tpu.sem_alloc : memref<!tpu.dma_semaphore, #tpu.memory_space<semaphore_mem>>
      %dma_start3A_670 = arith.constant 0 : i32
      %dma_start3A_671 = arith.constant 0 : i32
      %dma_start3A_672 = tpu.memref_slice %arg3[%run_scoped3A, %add3A, %run_scoped3A_3, %dma_start3A_670, %dma_start3A_671] : memref<2x32x5x25x80xi32, #tpu.memory_space<hbm>> -> memref<1x1x1x25x80xi32, #tpu.memory_space<hbm>>
      %dma_start3A_673 = tpu.memref_squeeze %dma_start3A_672 : memref<1x1x1x25x80xi32, #tpu.memory_space<hbm>> -> memref<25x80xi32, #tpu.memory_space<hbm>>
      %dma_start3A_674 = arith.constant 0 : i32
      %dma_start3A_675 = arith.constant 0 : i32
      %dma_start3A_676 = tpu.memref_slice %arg3[%run_scoped3A, %add3A, %run_scoped3A_3, %dma_start3A_674, %dma_start3A_675] : memref<2x32x5x25x80xi32, #tpu.memory_space<hbm>> -> memref<1x1x1x25x80xi32, #tpu.memory_space<hbm>>
      %dma_start3A_677 = tpu.memref_squeeze %dma_start3A_676 : memref<1x1x1x25x80xi32, #tpu.memory_space<hbm>> -> memref<25x80xi32, #tpu.memory_space<hbm>>
      tpu.enqueue_dma source(%dma_start3A_677 : memref<25x80xi32, #tpu.memory_space<hbm>>) target(%arg6 : memref<25x80xi32, #tpu.memory_space<vmem>>) target_semaphore(%run_scoped3A_669 : memref<!tpu.dma_semaphore, #tpu.memory_space<semaphore_mem>>)
      %dma_wait3A_678 = arith.constant 0 : i32
      %dma_wait3A_679 = arith.constant 0 : i32
      %dma_wait3A_680 = tpu.memref_slice %arg3[%run_scoped3A, %add3A, %run_scoped3A_3, %dma_wait3A_678, %dma_wait3A_679] : memref<2x32x5x25x80xi32, #tpu.memory_space<hbm>> -> memref<1x1x1x25x80xi32, #tpu.memory_space<hbm>>
      %dma_wait3A_681 = tpu.memref_squeeze %dma_wait3A_680 : memref<1x1x1x25x80xi32, #tpu.memory_space<hbm>> -> memref<25x80xi32, #tpu.memory_space<hbm>>
      %dma_wait3A_682 = arith.constant 0 : i32
      %dma_wait3A_683 = arith.constant 0 : i32
      %dma_wait3A_684 = tpu.memref_slice %arg3[%run_scoped3A, %add3A, %run_scoped3A_3, %dma_wait3A_682, %dma_wait3A_683] : memref<2x32x5x25x80xi32, #tpu.memory_space<hbm>> -> memref<1x1x1x25x80xi32, #tpu.memory_space<hbm>>
      %dma_wait3A_685 = tpu.memref_squeeze %dma_wait3A_684 : memref<1x1x1x25x80xi32, #tpu.memory_space<hbm>> -> memref<25x80xi32, #tpu.memory_space<hbm>>
      tpu.wait_dma2 semaphore(%run_scoped3A_669 : memref<!tpu.dma_semaphore, #tpu.memory_space<semaphore_mem>>) src(%dma_wait3A_685 : memref<25x80xi32, #tpu.memory_space<hbm>>) dst(%arg6 : memref<25x80xi32, #tpu.memory_space<vmem>>)
      tpu.yield
    }) : () -> ()
    %run_scoped3A_4 = arith.constant 1 : i32
    %run_scoped3A_5 = arith.constant 0 : i32
    "tpu.region"() ({
      %run_scoped3A_669 = tpu.sem_alloc : memref<!tpu.dma_semaphore, #tpu.memory_space<semaphore_mem>>
      %dma_start3A_670 = arith.constant 0 : i32
      %dma_start3A_671 = arith.constant 0 : i32
      %dma_start3A_672 = tpu.memref_slice %arg3[%run_scoped3A_4, %add3A, %run_scoped3A_5, %dma_start3A_670, %dma_start3A_671] : memref<2x32x5x25x80xi32, #tpu.memory_space<hbm>> -> memref<1x1x1x25x80xi32, #tpu.memory_space<hbm>>
      %dma_start3A_673 = tpu.memref_squeeze %dma_start3A_672 : memref<1x1x1x25x80xi32, #tpu.memory_space<hbm>> -> memref<25x80xi32, #tpu.memory_space<hbm>>
      %dma_start3A_674 = arith.constant 0 : i32
      %dma_start3A_675 = arith.constant 0 : i32
      %dma_start3A_676 = tpu.memref_slice %arg3[%run_scoped3A_4, %add3A, %run_scoped3A_5, %dma_start3A_674, %dma_start3A_675] : memref<2x32x5x25x80xi32, #tpu.memory_space<hbm>> -> memref<1x1x1x25x80xi32, #tpu.memory_space<hbm>>
      %dma_start3A_677 = tpu.memref_squeeze %dma_start3A_676 : memref<1x1x1x25x80xi32, #tpu.memory_space<hbm>> -> memref<25x80xi32, #tpu.memory_space<hbm>>
      tpu.enqueue_dma source(%dma_start3A_677 : memref<25x80xi32, #tpu.memory_space<hbm>>) target(%arg8 : memref<25x80xi32, #tpu.memory_space<vmem>>) target_semaphore(%run_scoped3A_669 : memref<!tpu.dma_semaphore, #tpu.memory_space<semaphore_mem>>)
      %dma_wait3A_678 = arith.constant 0 : i32
      %dma_wait3A_679 = arith.constant 0 : i32
      %dma_wait3A_680 = tpu.memref_slice %arg3[%run_scoped3A_4, %add3A, %run_scoped3A_5, %dma_wait3A_678, %dma_wait3A_679] : memref<2x32x5x25x80xi32, #tpu.memory_space<hbm>> -> memref<1x1x1x25x80xi32, #tpu.memory_space<hbm>>
      %dma_wait3A_681 = tpu.memref_squeeze %dma_wait3A_680 : memref<1x1x1x25x80xi32, #tpu.memory_space<hbm>> -> memref<25x80xi32, #tpu.memory_space<hbm>>
      %dma_wait3A_682 = arith.constant 0 : i32
      %dma_wait3A_683 = arith.constant 0 : i32
      %dma_wait3A_684 = tpu.memref_slice %arg3[%run_scoped3A_4, %add3A, %run_scoped3A_5, %dma_wait3A_682, %dma_wait3A_683] : memref<2x32x5x25x80xi32, #tpu.memory_space<hbm>> -> memref<1x1x1x25x80xi32, #tpu.memory_space<hbm>>
      %dma_wait3A_685 = tpu.memref_squeeze %dma_wait3A_684 : memref<1x1x1x25x80xi32, #tpu.memory_space<hbm>> -> memref<25x80xi32, #tpu.memory_space<hbm>>
      tpu.wait_dma2 semaphore(%run_scoped3A_669 : memref<!tpu.dma_semaphore, #tpu.memory_space<semaphore_mem>>) src(%dma_wait3A_685 : memref<25x80xi32, #tpu.memory_space<hbm>>) dst(%arg8 : memref<25x80xi32, #tpu.memory_space<vmem>>)
      tpu.yield
    }) : () -> ()
    %dma_start3A = arith.constant 0 : i32
    %dma_start3A_6 = arith.constant 1 : i32
    %dma_start3A_7 = arith.constant 0 : i32
    %dma_start3A_8 = arith.constant 0 : i32
    %dma_start3A_9 = tpu.memref_slice %arg3[%dma_start3A, %add3A, %dma_start3A_6, %dma_start3A_7, %dma_start3A_8] : memref<2x32x5x25x80xi32, #tpu.memory_space<hbm>> -> memref<1x1x1x25x80xi32, #tpu.memory_space<hbm>>
    %dma_start3A_10 = tpu.memref_squeeze %dma_start3A_9 : memref<1x1x1x25x80xi32, #tpu.memory_space<hbm>> -> memref<25x80xi32, #tpu.memory_space<hbm>>
    %dma_start3A_11 = arith.constant 0 : i32
    %dma_start3A_12 = arith.constant 0 : i32
    %dma_start3A_13 = tpu.memref_slice %arg3[%dma_start3A, %add3A, %dma_start3A_6, %dma_start3A_11, %dma_start3A_12] : memref<2x32x5x25x80xi32, #tpu.memory_space<hbm>> -> memref<1x1x1x25x80xi32, #tpu.memory_space<hbm>>
    %dma_start3A_14 = tpu.memref_squeeze %dma_start3A_13 : memref<1x1x1x25x80xi32, #tpu.memory_space<hbm>> -> memref<25x80xi32, #tpu.memory_space<hbm>>
    tpu.enqueue_dma source(%dma_start3A_14 : memref<25x80xi32, #tpu.memory_space<hbm>>) target(%arg7 : memref<25x80xi32, #tpu.memory_space<vmem>>) target_semaphore(%arg12 : memref<!tpu.dma_semaphore, #tpu.memory_space<semaphore_mem>>)
    %dma_start3A_15 = arith.constant 0 : i32
    %dma_start3A_16 = arith.constant 0 : i32
    %dma_start3A_17 = arith.constant 0 : i32
    %dma_start3A_18 = arith.constant 0 : i32
    %dma_start3A_19 = tpu.memref_slice %arg9[%dma_start3A_17, %dma_start3A_18] : memref<240x128xf32, #tpu.memory_space<vmem>> -> memref<80x128xf32, #tpu.memory_space<vmem>>
    %dma_start3A_20 = arith.constant 0 : i32
    %dma_start3A_21 = tpu.memref_slice %arg6[%dma_start3A_15, %dma_start3A_20] : memref<25x80xi32, #tpu.memory_space<vmem>> -> memref<1x80xi32, #tpu.memory_space<vmem>>
    %dma_start3A_22 = tpu.memref_squeeze %dma_start3A_21 : memref<1x80xi32, #tpu.memory_space<vmem>> -> memref<80xi32, #tpu.memory_space<vmem>>
    %dma_start3A_23 = arith.constant 0 : i32
    %dma_start3A_24 = arith.constant 0 : i32
    %dma_start3A_25 = tpu.memref_slice %arg2[%dma_start3A_23, %dma_start3A_24] : memref<10000x128xf32, #tpu.memory_space<hbm>> -> memref<10000x128xf32, #tpu.memory_space<hbm>>
    %dma_start3A_26 = tpu.memref_slice %arg11[%dma_start3A_16] : memref<3x!tpu.dma_semaphore, #tpu.memory_space<semaphore_mem>> -> memref<1x!tpu.dma_semaphore, #tpu.memory_space<semaphore_mem>>
    %dma_start3A_27 = tpu.memref_squeeze %dma_start3A_26 : memref<1x!tpu.dma_semaphore, #tpu.memory_space<semaphore_mem>> -> memref<!tpu.dma_semaphore, #tpu.memory_space<semaphore_mem>>
    tpu.enqueue_indirect_dma source(%dma_start3A_25 : memref<10000x128xf32, #tpu.memory_space<hbm>>) target(%dma_start3A_19 : memref<80x128xf32, #tpu.memory_space<vmem>>) offsets(%dma_start3A_22 : memref<80xi32, #tpu.memory_space<vmem>>) semaphore(%dma_start3A_27 : memref<!tpu.dma_semaphore, #tpu.memory_space<semaphore_mem>>)
    %dma_start3A_28 = arith.constant 1 : i32
    %dma_start3A_29 = arith.constant 1 : i32
    %dma_start3A_30 = arith.constant 80 : i32
    %dma_start3A_31 = arith.constant 0 : i32
    %dma_start3A_32 = tpu.memref_slice %arg9[%dma_start3A_30, %dma_start3A_31] : memref<240x128xf32, #tpu.memory_space<vmem>> -> memref<80x128xf32, #tpu.memory_space<vmem>>
    %dma_start3A_33 = arith.constant 0 : i32
    %dma_start3A_34 = tpu.memref_slice %arg6[%dma_start3A_28, %dma_start3A_33] : memref<25x80xi32, #tpu.memory_space<vmem>> -> memref<1x80xi32, #tpu.memory_space<vmem>>
    %dma_start3A_35 = tpu.memref_squeeze %dma_start3A_34 : memref<1x80xi32, #tpu.memory_space<vmem>> -> memref<80xi32, #tpu.memory_space<vmem>>
    %dma_start3A_36 = arith.constant 0 : i32
    %dma_start3A_37 = arith.constant 0 : i32
    %dma_start3A_38 = tpu.memref_slice %arg2[%dma_start3A_36, %dma_start3A_37] : memref<10000x128xf32, #tpu.memory_space<hbm>> -> memref<10000x128xf32, #tpu.memory_space<hbm>>
    %dma_start3A_39 = tpu.memref_slice %arg11[%dma_start3A_29] : memref<3x!tpu.dma_semaphore, #tpu.memory_space<semaphore_mem>> -> memref<1x!tpu.dma_semaphore, #tpu.memory_space<semaphore_mem>>
    %dma_start3A_40 = tpu.memref_squeeze %dma_start3A_39 : memref<1x!tpu.dma_semaphore, #tpu.memory_space<semaphore_mem>> -> memref<!tpu.dma_semaphore, #tpu.memory_space<semaphore_mem>>
    tpu.enqueue_indirect_dma source(%dma_start3A_38 : memref<10000x128xf32, #tpu.memory_space<hbm>>) target(%dma_start3A_32 : memref<80x128xf32, #tpu.memory_space<vmem>>) offsets(%dma_start3A_35 : memref<80xi32, #tpu.memory_space<vmem>>) semaphore(%dma_start3A_40 : memref<!tpu.dma_semaphore, #tpu.memory_space<semaphore_mem>>)
    %dma_start3A_41 = arith.constant 2 : i32
    %dma_start3A_42 = arith.constant 2 : i32
    %dma_start3A_43 = arith.constant 160 : i32
    %dma_start3A_44 = arith.constant 0 : i32
    %dma_start3A_45 = tpu.memref_slice %arg9[%dma_start3A_43, %dma_start3A_44] : memref<240x128xf32, #tpu.memory_space<vmem>> -> memref<80x128xf32, #tpu.memory_space<vmem>>
    %dma_start3A_46 = arith.constant 0 : i32
    %dma_start3A_47 = tpu.memref_slice %arg6[%dma_start3A_41, %dma_start3A_46] : memref<25x80xi32, #tpu.memory_space<vmem>> -> memref<1x80xi32, #tpu.memory_space<vmem>>
    %dma_start3A_48 = tpu.memref_squeeze %dma_start3A_47 : memref<1x80xi32, #tpu.memory_space<vmem>> -> memref<80xi32, #tpu.memory_space<vmem>>
    %dma_start3A_49 = arith.constant 0 : i32
    %dma_start3A_50 = arith.constant 0 : i32
    %dma_start3A_51 = tpu.memref_slice %arg2[%dma_start3A_49, %dma_start3A_50] : memref<10000x128xf32, #tpu.memory_space<hbm>> -> memref<10000x128xf32, #tpu.memory_space<hbm>>
    %dma_start3A_52 = tpu.memref_slice %arg11[%dma_start3A_42] : memref<3x!tpu.dma_semaphore, #tpu.memory_space<semaphore_mem>> -> memref<1x!tpu.dma_semaphore, #tpu.memory_space<semaphore_mem>>
    %dma_start3A_53 = tpu.memref_squeeze %dma_start3A_52 : memref<1x!tpu.dma_semaphore, #tpu.memory_space<semaphore_mem>> -> memref<!tpu.dma_semaphore, #tpu.memory_space<semaphore_mem>>
    tpu.enqueue_indirect_dma source(%dma_start3A_51 : memref<10000x128xf32, #tpu.memory_space<hbm>>) target(%dma_start3A_45 : memref<80x128xf32, #tpu.memory_space<vmem>>) offsets(%dma_start3A_48 : memref<80xi32, #tpu.memory_space<vmem>>) semaphore(%dma_start3A_53 : memref<!tpu.dma_semaphore, #tpu.memory_space<semaphore_mem>>)
    %scan3A = arith.constant 0 : i32
    %scan3A_54 = arith.constant 0 : i32
    %scan3A_55 = arith.constant 7 : i32
    %scan3A_56 = arith.addi %scan3A_54, %scan3A_55 : i32
    %scan3A_57 = arith.constant 1 : i32
    %scan3A_58 = scf.for %scan3A_669 = %scan3A_54 to %scan3A_56 step %scan3A_57 iter_args(%scan3A_670 = %scan3A) -> (i32)  : i32 {
      %mul3A_671 = arith.constant 3 : i32
      %mul3A_672 = arith.muli %scan3A_669, %mul3A_671 : i32
      %add3A_673 = arith.constant 0 : i32
      %add3A_674 = arith.addi %mul3A_672, %add3A_673 : i32
      %dma_wait3A_675 = arith.constant 0 : i32
      %dma_wait3A_676 = arith.constant 0 : i32
      %dma_wait3A_677 = arith.constant 0 : i32
      %dma_wait3A_678 = tpu.memref_slice %arg9[%dma_wait3A_676, %dma_wait3A_677] : memref<240x128xf32, #tpu.memory_space<vmem>> -> memref<80x128xf32, #tpu.memory_space<vmem>>
      %dma_wait3A_679 = arith.constant 0 : i32
      %dma_wait3A_680 = tpu.memref_slice %arg6[%add3A_674, %dma_wait3A_679] : memref<25x80xi32, #tpu.memory_space<vmem>> -> memref<1x80xi32, #tpu.memory_space<vmem>>
      %dma_wait3A_681 = tpu.memref_squeeze %dma_wait3A_680 : memref<1x80xi32, #tpu.memory_space<vmem>> -> memref<80xi32, #tpu.memory_space<vmem>>
      %dma_wait3A_682 = arith.constant 0 : i32
      %dma_wait3A_683 = arith.constant 0 : i32
      %dma_wait3A_684 = tpu.memref_slice %arg2[%dma_wait3A_682, %dma_wait3A_683] : memref<10000x128xf32, #tpu.memory_space<hbm>> -> memref<10000x128xf32, #tpu.memory_space<hbm>>
      %dma_wait3A_685 = tpu.memref_slice %arg11[%dma_wait3A_675] : memref<3x!tpu.dma_semaphore, #tpu.memory_space<semaphore_mem>> -> memref<1x!tpu.dma_semaphore, #tpu.memory_space<semaphore_mem>>
      %dma_wait3A_686 = tpu.memref_squeeze %dma_wait3A_685 : memref<1x!tpu.dma_semaphore, #tpu.memory_space<semaphore_mem>> -> memref<!tpu.dma_semaphore, #tpu.memory_space<semaphore_mem>>
      tpu.wait_indirect_dma semaphore(%dma_wait3A_686 : memref<!tpu.dma_semaphore, #tpu.memory_space<semaphore_mem>>) src(%dma_wait3A_684 : memref<10000x128xf32, #tpu.memory_space<hbm>>) dst(%dma_wait3A_678 : memref<80x128xf32, #tpu.memory_space<vmem>>)
      "tpu.region"() ({
        %run_scoped3A_762 = tpu.sem_alloc : memref<!tpu.dma_semaphore, #tpu.memory_space<semaphore_mem>>
        %dma_start3A_763 = arith.constant 0 : i32
        %dma_start3A_764 = arith.constant 0 : i32
        %dma_start3A_765 = tpu.memref_slice %arg9[%dma_start3A_763, %dma_start3A_764] : memref<240x128xf32, #tpu.memory_space<vmem>> -> memref<80x128xf32, #tpu.memory_space<vmem>>
        %dma_start3A_766 = arith.constant 0 : i32
        %dma_start3A_767 = tpu.memref_slice %arg8[%add3A_674, %dma_start3A_766] : memref<25x80xi32, #tpu.memory_space<vmem>> -> memref<1x80xi32, #tpu.memory_space<vmem>>
        %dma_start3A_768 = tpu.memref_squeeze %dma_start3A_767 : memref<1x80xi32, #tpu.memory_space<vmem>> -> memref<80xi32, #tpu.memory_space<vmem>>
        %dma_start3A_769 = arith.constant 0 : i32
        %dma_start3A_770 = arith.constant 0 : i32
        %dma_start3A_771 = tpu.memref_slice %arg10[%dma_start3A_769, %dma_start3A_770] : memref<10000x128xf32, #tpu.memory_space<vmem_shared>> -> memref<10000x128xf32, #tpu.memory_space<vmem_shared>>
        tpu.enqueue_indirect_dma source(%dma_start3A_765 : memref<80x128xf32, #tpu.memory_space<vmem>>) target(%dma_start3A_771 : memref<10000x128xf32, #tpu.memory_space<vmem_shared>>) offsets(%dma_start3A_768 : memref<80xi32, #tpu.memory_space<vmem>>) semaphore(%run_scoped3A_762 : memref<!tpu.dma_semaphore, #tpu.memory_space<semaphore_mem>>) {add = true}
        %dma_wait3A_772 = arith.constant 0 : i32
        %dma_wait3A_773 = arith.constant 0 : i32
        %dma_wait3A_774 = tpu.memref_slice %arg9[%dma_wait3A_772, %dma_wait3A_773] : memref<240x128xf32, #tpu.memory_space<vmem>> -> memref<80x128xf32, #tpu.memory_space<vmem>>
        %dma_wait3A_775 = arith.constant 0 : i32
        %dma_wait3A_776 = tpu.memref_slice %arg8[%add3A_674, %dma_wait3A_775] : memref<25x80xi32, #tpu.memory_space<vmem>> -> memref<1x80xi32, #tpu.memory_space<vmem>>
        %dma_wait3A_777 = tpu.memref_squeeze %dma_wait3A_776 : memref<1x80xi32, #tpu.memory_space<vmem>> -> memref<80xi32, #tpu.memory_space<vmem>>
        %dma_wait3A_778 = arith.constant 0 : i32
        %dma_wait3A_779 = arith.constant 0 : i32
        %dma_wait3A_780 = tpu.memref_slice %arg10[%dma_wait3A_778, %dma_wait3A_779] : memref<10000x128xf32, #tpu.memory_space<vmem_shared>> -> memref<10000x128xf32, #tpu.memory_space<vmem_shared>>
        tpu.wait_indirect_dma semaphore(%run_scoped3A_762 : memref<!tpu.dma_semaphore, #tpu.memory_space<semaphore_mem>>) src(%dma_wait3A_774 : memref<80x128xf32, #tpu.memory_space<vmem>>) dst(%dma_wait3A_780 : memref<10000x128xf32, #tpu.memory_space<vmem_shared>>)
        tpu.yield
      }) : () -> ()
      %add3A_687 = arith.constant 3 : i32
      %add3A_688 = arith.addi %add3A_674, %add3A_687 : i32
      %dma_start3A_689 = arith.constant 0 : i32
      %dma_start3A_690 = arith.constant 0 : i32
      %dma_start3A_691 = arith.constant 0 : i32
      %dma_start3A_692 = tpu.memref_slice %arg9[%dma_start3A_690, %dma_start3A_691] : memref<240x128xf32, #tpu.memory_space<vmem>> -> memref<80x128xf32, #tpu.memory_space<vmem>>
      %dma_start3A_693 = arith.constant 0 : i32
      %dma_start3A_694 = tpu.memref_slice %arg6[%add3A_688, %dma_start3A_693] : memref<25x80xi32, #tpu.memory_space<vmem>> -> memref<1x80xi32, #tpu.memory_space<vmem>>
      %dma_start3A_695 = tpu.memref_squeeze %dma_start3A_694 : memref<1x80xi32, #tpu.memory_space<vmem>> -> memref<80xi32, #tpu.memory_space<vmem>>
      %dma_start3A_696 = arith.constant 0 : i32
      %dma_start3A_697 = arith.constant 0 : i32
      %dma_start3A_698 = tpu.memref_slice %arg2[%dma_start3A_696, %dma_start3A_697] : memref<10000x128xf32, #tpu.memory_space<hbm>> -> memref<10000x128xf32, #tpu.memory_space<hbm>>
      %dma_start3A_699 = tpu.memref_slice %arg11[%dma_start3A_689] : memref<3x!tpu.dma_semaphore, #tpu.memory_space<semaphore_mem>> -> memref<1x!tpu.dma_semaphore, #tpu.memory_space<semaphore_mem>>
      %dma_start3A_700 = tpu.memref_squeeze %dma_start3A_699 : memref<1x!tpu.dma_semaphore, #tpu.memory_space<semaphore_mem>> -> memref<!tpu.dma_semaphore, #tpu.memory_space<semaphore_mem>>
      tpu.enqueue_indirect_dma source(%dma_start3A_698 : memref<10000x128xf32, #tpu.memory_space<hbm>>) target(%dma_start3A_692 : memref<80x128xf32, #tpu.memory_space<vmem>>) offsets(%dma_start3A_695 : memref<80xi32, #tpu.memory_space<vmem>>) semaphore(%dma_start3A_700 : memref<!tpu.dma_semaphore, #tpu.memory_space<semaphore_mem>>)
      %mul3A_701 = arith.constant 3 : i32
      %mul3A_702 = arith.muli %scan3A_669, %mul3A_701 : i32
      %add3A_703 = arith.constant 1 : i32
      %add3A_704 = arith.addi %mul3A_702, %add3A_703 : i32
      %dma_wait3A_705 = arith.constant 1 : i32
      %dma_wait3A_706 = arith.constant 80 : i32
      %dma_wait3A_707 = arith.constant 0 : i32
      %dma_wait3A_708 = tpu.memref_slice %arg9[%dma_wait3A_706, %dma_wait3A_707] : memref<240x128xf32, #tpu.memory_space<vmem>> -> memref<80x128xf32, #tpu.memory_space<vmem>>
      %dma_wait3A_709 = arith.constant 0 : i32
      %dma_wait3A_710 = tpu.memref_slice %arg6[%add3A_704, %dma_wait3A_709] : memref<25x80xi32, #tpu.memory_space<vmem>> -> memref<1x80xi32, #tpu.memory_space<vmem>>
      %dma_wait3A_711 = tpu.memref_squeeze %dma_wait3A_710 : memref<1x80xi32, #tpu.memory_space<vmem>> -> memref<80xi32, #tpu.memory_space<vmem>>
      %dma_wait3A_712 = arith.constant 0 : i32
      %dma_wait3A_713 = arith.constant 0 : i32
      %dma_wait3A_714 = tpu.memref_slice %arg2[%dma_wait3A_712, %dma_wait3A_713] : memref<10000x128xf32, #tpu.memory_space<hbm>> -> memref<10000x128xf32, #tpu.memory_space<hbm>>
      %dma_wait3A_715 = tpu.memref_slice %arg11[%dma_wait3A_705] : memref<3x!tpu.dma_semaphore, #tpu.memory_space<semaphore_mem>> -> memref<1x!tpu.dma_semaphore, #tpu.memory_space<semaphore_mem>>
      %dma_wait3A_716 = tpu.memref_squeeze %dma_wait3A_715 : memref<1x!tpu.dma_semaphore, #tpu.memory_space<semaphore_mem>> -> memref<!tpu.dma_semaphore, #tpu.memory_space<semaphore_mem>>
      tpu.wait_indirect_dma semaphore(%dma_wait3A_716 : memref<!tpu.dma_semaphore, #tpu.memory_space<semaphore_mem>>) src(%dma_wait3A_714 : memref<10000x128xf32, #tpu.memory_space<hbm>>) dst(%dma_wait3A_708 : memref<80x128xf32, #tpu.memory_space<vmem>>)
      "tpu.region"() ({
        %run_scoped3A_762 = tpu.sem_alloc : memref<!tpu.dma_semaphore, #tpu.memory_space<semaphore_mem>>
        %dma_start3A_763 = arith.constant 80 : i32
        %dma_start3A_764 = arith.constant 0 : i32
        %dma_start3A_765 = tpu.memref_slice %arg9[%dma_start3A_763, %dma_start3A_764] : memref<240x128xf32, #tpu.memory_space<vmem>> -> memref<80x128xf32, #tpu.memory_space<vmem>>
        %dma_start3A_766 = arith.constant 0 : i32
        %dma_start3A_767 = tpu.memref_slice %arg8[%add3A_704, %dma_start3A_766] : memref<25x80xi32, #tpu.memory_space<vmem>> -> memref<1x80xi32, #tpu.memory_space<vmem>>
        %dma_start3A_768 = tpu.memref_squeeze %dma_start3A_767 : memref<1x80xi32, #tpu.memory_space<vmem>> -> memref<80xi32, #tpu.memory_space<vmem>>
        %dma_start3A_769 = arith.constant 0 : i32
        %dma_start3A_770 = arith.constant 0 : i32
        %dma_start3A_771 = tpu.memref_slice %arg10[%dma_start3A_769, %dma_start3A_770] : memref<10000x128xf32, #tpu.memory_space<vmem_shared>> -> memref<10000x128xf32, #tpu.memory_space<vmem_shared>>
        tpu.enqueue_indirect_dma source(%dma_start3A_765 : memref<80x128xf32, #tpu.memory_space<vmem>>) target(%dma_start3A_771 : memref<10000x128xf32, #tpu.memory_space<vmem_shared>>) offsets(%dma_start3A_768 : memref<80xi32, #tpu.memory_space<vmem>>) semaphore(%run_scoped3A_762 : memref<!tpu.dma_semaphore, #tpu.memory_space<semaphore_mem>>) {add = true}
        %dma_wait3A_772 = arith.constant 80 : i32
        %dma_wait3A_773 = arith.constant 0 : i32
        %dma_wait3A_774 = tpu.memref_slice %arg9[%dma_wait3A_772, %dma_wait3A_773] : memref<240x128xf32, #tpu.memory_space<vmem>> -> memref<80x128xf32, #tpu.memory_space<vmem>>
        %dma_wait3A_775 = arith.constant 0 : i32
        %dma_wait3A_776 = tpu.memref_slice %arg8[%add3A_704, %dma_wait3A_775] : memref<25x80xi32, #tpu.memory_space<vmem>> -> memref<1x80xi32, #tpu.memory_space<vmem>>
        %dma_wait3A_777 = tpu.memref_squeeze %dma_wait3A_776 : memref<1x80xi32, #tpu.memory_space<vmem>> -> memref<80xi32, #tpu.memory_space<vmem>>
        %dma_wait3A_778 = arith.constant 0 : i32
        %dma_wait3A_779 = arith.constant 0 : i32
        %dma_wait3A_780 = tpu.memref_slice %arg10[%dma_wait3A_778, %dma_wait3A_779] : memref<10000x128xf32, #tpu.memory_space<vmem_shared>> -> memref<10000x128xf32, #tpu.memory_space<vmem_shared>>
        tpu.wait_indirect_dma semaphore(%run_scoped3A_762 : memref<!tpu.dma_semaphore, #tpu.memory_space<semaphore_mem>>) src(%dma_wait3A_774 : memref<80x128xf32, #tpu.memory_space<vmem>>) dst(%dma_wait3A_780 : memref<10000x128xf32, #tpu.memory_space<vmem_shared>>)
        tpu.yield
      }) : () -> ()
      %add3A_717 = arith.constant 3 : i32
      %add3A_718 = arith.addi %add3A_704, %add3A_717 : i32
      %dma_start3A_719 = arith.constant 1 : i32
      %dma_start3A_720 = arith.constant 80 : i32
      %dma_start3A_721 = arith.constant 0 : i32
      %dma_start3A_722 = tpu.memref_slice %arg9[%dma_start3A_720, %dma_start3A_721] : memref<240x128xf32, #tpu.memory_space<vmem>> -> memref<80x128xf32, #tpu.memory_space<vmem>>
      %dma_start3A_723 = arith.constant 0 : i32
      %dma_start3A_724 = tpu.memref_slice %arg6[%add3A_718, %dma_start3A_723] : memref<25x80xi32, #tpu.memory_space<vmem>> -> memref<1x80xi32, #tpu.memory_space<vmem>>
      %dma_start3A_725 = tpu.memref_squeeze %dma_start3A_724 : memref<1x80xi32, #tpu.memory_space<vmem>> -> memref<80xi32, #tpu.memory_space<vmem>>
      %dma_start3A_726 = arith.constant 0 : i32
      %dma_start3A_727 = arith.constant 0 : i32
      %dma_start3A_728 = tpu.memref_slice %arg2[%dma_start3A_726, %dma_start3A_727] : memref<10000x128xf32, #tpu.memory_space<hbm>> -> memref<10000x128xf32, #tpu.memory_space<hbm>>
      %dma_start3A_729 = tpu.memref_slice %arg11[%dma_start3A_719] : memref<3x!tpu.dma_semaphore, #tpu.memory_space<semaphore_mem>> -> memref<1x!tpu.dma_semaphore, #tpu.memory_space<semaphore_mem>>
      %dma_start3A_730 = tpu.memref_squeeze %dma_start3A_729 : memref<1x!tpu.dma_semaphore, #tpu.memory_space<semaphore_mem>> -> memref<!tpu.dma_semaphore, #tpu.memory_space<semaphore_mem>>
      tpu.enqueue_indirect_dma source(%dma_start3A_728 : memref<10000x128xf32, #tpu.memory_space<hbm>>) target(%dma_start3A_722 : memref<80x128xf32, #tpu.memory_space<vmem>>) offsets(%dma_start3A_725 : memref<80xi32, #tpu.memory_space<vmem>>) semaphore(%dma_start3A_730 : memref<!tpu.dma_semaphore, #tpu.memory_space<semaphore_mem>>)
      %mul3A_731 = arith.constant 3 : i32
      %mul3A_732 = arith.muli %scan3A_669, %mul3A_731 : i32
      %add3A_733 = arith.constant 2 : i32
      %add3A_734 = arith.addi %mul3A_732, %add3A_733 : i32
      %dma_wait3A_735 = arith.constant 2 : i32
      %dma_wait3A_736 = arith.constant 160 : i32
      %dma_wait3A_737 = arith.constant 0 : i32
      %dma_wait3A_738 = tpu.memref_slice %arg9[%dma_wait3A_736, %dma_wait3A_737] : memref<240x128xf32, #tpu.memory_space<vmem>> -> memref<80x128xf32, #tpu.memory_space<vmem>>
      %dma_wait3A_739 = arith.constant 0 : i32
      %dma_wait3A_740 = tpu.memref_slice %arg6[%add3A_734, %dma_wait3A_739] : memref<25x80xi32, #tpu.memory_space<vmem>> -> memref<1x80xi32, #tpu.memory_space<vmem>>
      %dma_wait3A_741 = tpu.memref_squeeze %dma_wait3A_740 : memref<1x80xi32, #tpu.memory_space<vmem>> -> memref<80xi32, #tpu.memory_space<vmem>>
      %dma_wait3A_742 = arith.constant 0 : i32
      %dma_wait3A_743 = arith.constant 0 : i32
      %dma_wait3A_744 = tpu.memref_slice %arg2[%dma_wait3A_742, %dma_wait3A_743] : memref<10000x128xf32, #tpu.memory_space<hbm>> -> memref<10000x128xf32, #tpu.memory_space<hbm>>
      %dma_wait3A_745 = tpu.memref_slice %arg11[%dma_wait3A_735] : memref<3x!tpu.dma_semaphore, #tpu.memory_space<semaphore_mem>> -> memref<1x!tpu.dma_semaphore, #tpu.memory_space<semaphore_mem>>
      %dma_wait3A_746 = tpu.memref_squeeze %dma_wait3A_745 : memref<1x!tpu.dma_semaphore, #tpu.memory_space<semaphore_mem>> -> memref<!tpu.dma_semaphore, #tpu.memory_space<semaphore_mem>>
      tpu.wait_indirect_dma semaphore(%dma_wait3A_746 : memref<!tpu.dma_semaphore, #tpu.memory_space<semaphore_mem>>) src(%dma_wait3A_744 : memref<10000x128xf32, #tpu.memory_space<hbm>>) dst(%dma_wait3A_738 : memref<80x128xf32, #tpu.memory_space<vmem>>)
      "tpu.region"() ({
        %run_scoped3A_762 = tpu.sem_alloc : memref<!tpu.dma_semaphore, #tpu.memory_space<semaphore_mem>>
        %dma_start3A_763 = arith.constant 160 : i32
        %dma_start3A_764 = arith.constant 0 : i32
        %dma_start3A_765 = tpu.memref_slice %arg9[%dma_start3A_763, %dma_start3A_764] : memref<240x128xf32, #tpu.memory_space<vmem>> -> memref<80x128xf32, #tpu.memory_space<vmem>>
        %dma_start3A_766 = arith.constant 0 : i32
        %dma_start3A_767 = tpu.memref_slice %arg8[%add3A_734, %dma_start3A_766] : memref<25x80xi32, #tpu.memory_space<vmem>> -> memref<1x80xi32, #tpu.memory_space<vmem>>
        %dma_start3A_768 = tpu.memref_squeeze %dma_start3A_767 : memref<1x80xi32, #tpu.memory_space<vmem>> -> memref<80xi32, #tpu.memory_space<vmem>>
        %dma_start3A_769 = arith.constant 0 : i32
        %dma_start3A_770 = arith.constant 0 : i32
        %dma_start3A_771 = tpu.memref_slice %arg10[%dma_start3A_769, %dma_start3A_770] : memref<10000x128xf32, #tpu.memory_space<vmem_shared>> -> memref<10000x128xf32, #tpu.memory_space<vmem_shared>>
        tpu.enqueue_indirect_dma source(%dma_start3A_765 : memref<80x128xf32, #tpu.memory_space<vmem>>) target(%dma_start3A_771 : memref<10000x128xf32, #tpu.memory_space<vmem_shared>>) offsets(%dma_start3A_768 : memref<80xi32, #tpu.memory_space<vmem>>) semaphore(%run_scoped3A_762 : memref<!tpu.dma_semaphore, #tpu.memory_space<semaphore_mem>>) {add = true}
        %dma_wait3A_772 = arith.constant 160 : i32
        %dma_wait3A_773 = arith.constant 0 : i32
        %dma_wait3A_774 = tpu.memref_slice %arg9[%dma_wait3A_772, %dma_wait3A_773] : memref<240x128xf32, #tpu.memory_space<vmem>> -> memref<80x128xf32, #tpu.memory_space<vmem>>
        %dma_wait3A_775 = arith.constant 0 : i32
        %dma_wait3A_776 = tpu.memref_slice %arg8[%add3A_734, %dma_wait3A_775] : memref<25x80xi32, #tpu.memory_space<vmem>> -> memref<1x80xi32, #tpu.memory_space<vmem>>
        %dma_wait3A_777 = tpu.memref_squeeze %dma_wait3A_776 : memref<1x80xi32, #tpu.memory_space<vmem>> -> memref<80xi32, #tpu.memory_space<vmem>>
        %dma_wait3A_778 = arith.constant 0 : i32
        %dma_wait3A_779 = arith.constant 0 : i32
        %dma_wait3A_780 = tpu.memref_slice %arg10[%dma_wait3A_778, %dma_wait3A_779] : memref<10000x128xf32, #tpu.memory_space<vmem_shared>> -> memref<10000x128xf32, #tpu.memory_space<vmem_shared>>
        tpu.wait_indirect_dma semaphore(%run_scoped3A_762 : memref<!tpu.dma_semaphore, #tpu.memory_space<semaphore_mem>>) src(%dma_wait3A_774 : memref<80x128xf32, #tpu.memory_space<vmem>>) dst(%dma_wait3A_780 : memref<10000x128xf32, #tpu.memory_space<vmem_shared>>)
        tpu.yield
      }) : () -> ()
      %add3A_747 = arith.constant 3 : i32
      %add3A_748 = arith.addi %add3A_734, %add3A_747 : i32
      %dma_start3A_749 = arith.constant 2 : i32
      %dma_start3A_750 = arith.constant 160 : i32
      %dma_start3A_751 = arith.constant 0 : i32
      %dma_start3A_752 = tpu.memref_slice %arg9[%dma_start3A_750, %dma_start3A_751] : memref<240x128xf32, #tpu.memory_space<vmem>> -> memref<80x128xf32, #tpu.memory_space<vmem>>
      %dma_start3A_753 = arith.constant 0 : i32
      %dma_start3A_754 = tpu.memref_slice %arg6[%add3A_748, %dma_start3A_753] : memref<25x80xi32, #tpu.memory_space<vmem>> -> memref<1x80xi32, #tpu.memory_space<vmem>>
      %dma_start3A_755 = tpu.memref_squeeze %dma_start3A_754 : memref<1x80xi32, #tpu.memory_space<vmem>> -> memref<80xi32, #tpu.memory_space<vmem>>
      %dma_start3A_756 = arith.constant 0 : i32
      %dma_start3A_757 = arith.constant 0 : i32
      %dma_start3A_758 = tpu.memref_slice %arg2[%dma_start3A_756, %dma_start3A_757] : memref<10000x128xf32, #tpu.memory_space<hbm>> -> memref<10000x128xf32, #tpu.memory_space<hbm>>
      %dma_start3A_759 = tpu.memref_slice %arg11[%dma_start3A_749] : memref<3x!tpu.dma_semaphore, #tpu.memory_space<semaphore_mem>> -> memref<1x!tpu.dma_semaphore, #tpu.memory_space<semaphore_mem>>
      %dma_start3A_760 = tpu.memref_squeeze %dma_start3A_759 : memref<1x!tpu.dma_semaphore, #tpu.memory_space<semaphore_mem>> -> memref<!tpu.dma_semaphore, #tpu.memory_space<semaphore_mem>>
      tpu.enqueue_indirect_dma source(%dma_start3A_758 : memref<10000x128xf32, #tpu.memory_space<hbm>>) target(%dma_start3A_752 : memref<80x128xf32, #tpu.memory_space<vmem>>) offsets(%dma_start3A_755 : memref<80xi32, #tpu.memory_space<vmem>>) semaphore(%dma_start3A_760 : memref<!tpu.dma_semaphore, #tpu.memory_space<semaphore_mem>>)
      %scan3A_761 = arith.constant 0 : i32
      scf.yield %scan3A_761 : i32
    }
    %scan3A_59 = arith.constant 7 : i32
    %dma_wait3A = arith.constant 0 : i32
    %dma_wait3A_60 = arith.constant 1 : i32
    %dma_wait3A_61 = arith.constant 0 : i32
    %dma_wait3A_62 = arith.constant 0 : i32
    %dma_wait3A_63 = tpu.memref_slice %arg3[%dma_wait3A, %add3A, %dma_wait3A_60, %dma_wait3A_61, %dma_wait3A_62] : memref<2x32x5x25x80xi32, #tpu.memory_space<hbm>> -> memref<1x1x1x25x80xi32, #tpu.memory_space<hbm>>
    %dma_wait3A_64 = tpu.memref_squeeze %dma_wait3A_63 : memref<1x1x1x25x80xi32, #tpu.memory_space<hbm>> -> memref<25x80xi32, #tpu.memory_space<hbm>>
    %dma_wait3A_65 = arith.constant 0 : i32
    %dma_wait3A_66 = arith.constant 0 : i32
    %dma_wait3A_67 = tpu.memref_slice %arg3[%dma_wait3A, %add3A, %dma_wait3A_60, %dma_wait3A_65, %dma_wait3A_66] : memref<2x32x5x25x80xi32, #tpu.memory_space<hbm>> -> memref<1x1x1x25x80xi32, #tpu.memory_space<hbm>>
    %dma_wait3A_68 = tpu.memref_squeeze %dma_wait3A_67 : memref<1x1x1x25x80xi32, #tpu.memory_space<hbm>> -> memref<25x80xi32, #tpu.memory_space<hbm>>
    tpu.wait_dma2 semaphore(%arg12 : memref<!tpu.dma_semaphore, #tpu.memory_space<semaphore_mem>>) src(%dma_wait3A_68 : memref<25x80xi32, #tpu.memory_space<hbm>>) dst(%arg7 : memref<25x80xi32, #tpu.memory_space<vmem>>)
    %dma_wait3A_69 = arith.constant 21 : i32
    %dma_wait3A_70 = arith.constant 0 : i32
    %dma_wait3A_71 = arith.constant 0 : i32
    %dma_wait3A_72 = arith.constant 0 : i32
    %dma_wait3A_73 = tpu.memref_slice %arg9[%dma_wait3A_71, %dma_wait3A_72] : memref<240x128xf32, #tpu.memory_space<vmem>> -> memref<80x128xf32, #tpu.memory_space<vmem>>
    %dma_wait3A_74 = arith.constant 0 : i32
    %dma_wait3A_75 = tpu.memref_slice %arg6[%dma_wait3A_69, %dma_wait3A_74] : memref<25x80xi32, #tpu.memory_space<vmem>> -> memref<1x80xi32, #tpu.memory_space<vmem>>
    %dma_wait3A_76 = tpu.memref_squeeze %dma_wait3A_75 : memref<1x80xi32, #tpu.memory_space<vmem>> -> memref<80xi32, #tpu.memory_space<vmem>>
    %dma_wait3A_77 = arith.constant 0 : i32
    %dma_wait3A_78 = arith.constant 0 : i32
    %dma_wait3A_79 = tpu.memref_slice %arg2[%dma_wait3A_77, %dma_wait3A_78] : memref<10000x128xf32, #tpu.memory_space<hbm>> -> memref<10000x128xf32, #tpu.memory_space<hbm>>
    %dma_wait3A_80 = tpu.memref_slice %arg11[%dma_wait3A_70] : memref<3x!tpu.dma_semaphore, #tpu.memory_space<semaphore_mem>> -> memref<1x!tpu.dma_semaphore, #tpu.memory_space<semaphore_mem>>
    %dma_wait3A_81 = tpu.memref_squeeze %dma_wait3A_80 : memref<1x!tpu.dma_semaphore, #tpu.memory_space<semaphore_mem>> -> memref<!tpu.dma_semaphore, #tpu.memory_space<semaphore_mem>>
    tpu.wait_indirect_dma semaphore(%dma_wait3A_81 : memref<!tpu.dma_semaphore, #tpu.memory_space<semaphore_mem>>) src(%dma_wait3A_79 : memref<10000x128xf32, #tpu.memory_space<hbm>>) dst(%dma_wait3A_73 : memref<80x128xf32, #tpu.memory_space<vmem>>)
    %run_scoped3A_82 = arith.constant 21 : i32
    "tpu.region"() ({
      %run_scoped3A_669 = tpu.sem_alloc : memref<!tpu.dma_semaphore, #tpu.memory_space<semaphore_mem>>
      %dma_start3A_670 = arith.constant 0 : i32
      %dma_start3A_671 = arith.constant 0 : i32
      %dma_start3A_672 = tpu.memref_slice %arg9[%dma_start3A_670, %dma_start3A_671] : memref<240x128xf32, #tpu.memory_space<vmem>> -> memref<80x128xf32, #tpu.memory_space<vmem>>
      %dma_start3A_673 = arith.constant 0 : i32
      %dma_start3A_674 = tpu.memref_slice %arg8[%run_scoped3A_82, %dma_start3A_673] : memref<25x80xi32, #tpu.memory_space<vmem>> -> memref<1x80xi32, #tpu.memory_space<vmem>>
      %dma_start3A_675 = tpu.memref_squeeze %dma_start3A_674 : memref<1x80xi32, #tpu.memory_space<vmem>> -> memref<80xi32, #tpu.memory_space<vmem>>
      %dma_start3A_676 = arith.constant 0 : i32
      %dma_start3A_677 = arith.constant 0 : i32
      %dma_start3A_678 = tpu.memref_slice %arg10[%dma_start3A_676, %dma_start3A_677] : memref<10000x128xf32, #tpu.memory_space<vmem_shared>> -> memref<10000x128xf32, #tpu.memory_space<vmem_shared>>
      tpu.enqueue_indirect_dma source(%dma_start3A_672 : memref<80x128xf32, #tpu.memory_space<vmem>>) target(%dma_start3A_678 : memref<10000x128xf32, #tpu.memory_space<vmem_shared>>) offsets(%dma_start3A_675 : memref<80xi32, #tpu.memory_space<vmem>>) semaphore(%run_scoped3A_669 : memref<!tpu.dma_semaphore, #tpu.memory_space<semaphore_mem>>) {add = true}
      %dma_wait3A_679 = arith.constant 0 : i32
      %dma_wait3A_680 = arith.constant 0 : i32
      %dma_wait3A_681 = tpu.memref_slice %arg9[%dma_wait3A_679, %dma_wait3A_680] : memref<240x128xf32, #tpu.memory_space<vmem>> -> memref<80x128xf32, #tpu.memory_space<vmem>>
      %dma_wait3A_682 = arith.constant 0 : i32
      %dma_wait3A_683 = tpu.memref_slice %arg8[%run_scoped3A_82, %dma_wait3A_682] : memref<25x80xi32, #tpu.memory_space<vmem>> -> memref<1x80xi32, #tpu.memory_space<vmem>>
      %dma_wait3A_684 = tpu.memref_squeeze %dma_wait3A_683 : memref<1x80xi32, #tpu.memory_space<vmem>> -> memref<80xi32, #tpu.memory_space<vmem>>
      %dma_wait3A_685 = arith.constant 0 : i32
      %dma_wait3A_686 = arith.constant 0 : i32
      %dma_wait3A_687 = tpu.memref_slice %arg10[%dma_wait3A_685, %dma_wait3A_686] : memref<10000x128xf32, #tpu.memory_space<vmem_shared>> -> memref<10000x128xf32, #tpu.memory_space<vmem_shared>>
      tpu.wait_indirect_dma semaphore(%run_scoped3A_669 : memref<!tpu.dma_semaphore, #tpu.memory_space<semaphore_mem>>) src(%dma_wait3A_681 : memref<80x128xf32, #tpu.memory_space<vmem>>) dst(%dma_wait3A_687 : memref<10000x128xf32, #tpu.memory_space<vmem_shared>>)
      tpu.yield
    }) : () -> ()
    %dma_start3A_83 = arith.constant 24 : i32
    %dma_start3A_84 = arith.constant 0 : i32
    %dma_start3A_85 = arith.constant 0 : i32
    %dma_start3A_86 = arith.constant 0 : i32
    %dma_start3A_87 = tpu.memref_slice %arg9[%dma_start3A_85, %dma_start3A_86] : memref<240x128xf32, #tpu.memory_space<vmem>> -> memref<80x128xf32, #tpu.memory_space<vmem>>
    %dma_start3A_88 = arith.constant 0 : i32
    %dma_start3A_89 = tpu.memref_slice %arg6[%dma_start3A_83, %dma_start3A_88] : memref<25x80xi32, #tpu.memory_space<vmem>> -> memref<1x80xi32, #tpu.memory_space<vmem>>
    %dma_start3A_90 = tpu.memref_squeeze %dma_start3A_89 : memref<1x80xi32, #tpu.memory_space<vmem>> -> memref<80xi32, #tpu.memory_space<vmem>>
    %dma_start3A_91 = arith.constant 0 : i32
    %dma_start3A_92 = arith.constant 0 : i32
    %dma_start3A_93 = tpu.memref_slice %arg2[%dma_start3A_91, %dma_start3A_92] : memref<10000x128xf32, #tpu.memory_space<hbm>> -> memref<10000x128xf32, #tpu.memory_space<hbm>>
    %dma_start3A_94 = tpu.memref_slice %arg11[%dma_start3A_84] : memref<3x!tpu.dma_semaphore, #tpu.memory_space<semaphore_mem>> -> memref<1x!tpu.dma_semaphore, #tpu.memory_space<semaphore_mem>>
    %dma_start3A_95 = tpu.memref_squeeze %dma_start3A_94 : memref<1x!tpu.dma_semaphore, #tpu.memory_space<semaphore_mem>> -> memref<!tpu.dma_semaphore, #tpu.memory_space<semaphore_mem>>
    tpu.enqueue_indirect_dma source(%dma_start3A_93 : memref<10000x128xf32, #tpu.memory_space<hbm>>) target(%dma_start3A_87 : memref<80x128xf32, #tpu.memory_space<vmem>>) offsets(%dma_start3A_90 : memref<80xi32, #tpu.memory_space<vmem>>) semaphore(%dma_start3A_95 : memref<!tpu.dma_semaphore, #tpu.memory_space<semaphore_mem>>)
    %dma_wait3A_96 = arith.constant 22 : i32
    %dma_wait3A_97 = arith.constant 1 : i32
    %dma_wait3A_98 = arith.constant 80 : i32
    %dma_wait3A_99 = arith.constant 0 : i32
    %dma_wait3A_100 = tpu.memref_slice %arg9[%dma_wait3A_98, %dma_wait3A_99] : memref<240x128xf32, #tpu.memory_space<vmem>> -> memref<80x128xf32, #tpu.memory_space<vmem>>
    %dma_wait3A_101 = arith.constant 0 : i32
    %dma_wait3A_102 = tpu.memref_slice %arg6[%dma_wait3A_96, %dma_wait3A_101] : memref<25x80xi32, #tpu.memory_space<vmem>> -> memref<1x80xi32, #tpu.memory_space<vmem>>
    %dma_wait3A_103 = tpu.memref_squeeze %dma_wait3A_102 : memref<1x80xi32, #tpu.memory_space<vmem>> -> memref<80xi32, #tpu.memory_space<vmem>>
    %dma_wait3A_104 = arith.constant 0 : i32
    %dma_wait3A_105 = arith.constant 0 : i32
    %dma_wait3A_106 = tpu.memref_slice %arg2[%dma_wait3A_104, %dma_wait3A_105] : memref<10000x128xf32, #tpu.memory_space<hbm>> -> memref<10000x128xf32, #tpu.memory_space<hbm>>
    %dma_wait3A_107 = tpu.memref_slice %arg11[%dma_wait3A_97] : memref<3x!tpu.dma_semaphore, #tpu.memory_space<semaphore_mem>> -> memref<1x!tpu.dma_semaphore, #tpu.memory_space<semaphore_mem>>
    %dma_wait3A_108 = tpu.memref_squeeze %dma_wait3A_107 : memref<1x!tpu.dma_semaphore, #tpu.memory_space<semaphore_mem>> -> memref<!tpu.dma_semaphore, #tpu.memory_space<semaphore_mem>>
    tpu.wait_indirect_dma semaphore(%dma_wait3A_108 : memref<!tpu.dma_semaphore, #tpu.memory_space<semaphore_mem>>) src(%dma_wait3A_106 : memref<10000x128xf32, #tpu.memory_space<hbm>>) dst(%dma_wait3A_100 : memref<80x128xf32, #tpu.memory_space<vmem>>)
    %run_scoped3A_109 = arith.constant 22 : i32
    "tpu.region"() ({
      %run_scoped3A_669 = tpu.sem_alloc : memref<!tpu.dma_semaphore, #tpu.memory_space<semaphore_mem>>
      %dma_start3A_670 = arith.constant 80 : i32
      %dma_start3A_671 = arith.constant 0 : i32
      %dma_start3A_672 = tpu.memref_slice %arg9[%dma_start3A_670, %dma_start3A_671] : memref<240x128xf32, #tpu.memory_space<vmem>> -> memref<80x128xf32, #tpu.memory_space<vmem>>
      %dma_start3A_673 = arith.constant 0 : i32
      %dma_start3A_674 = tpu.memref_slice %arg8[%run_scoped3A_109, %dma_start3A_673] : memref<25x80xi32, #tpu.memory_space<vmem>> -> memref<1x80xi32, #tpu.memory_space<vmem>>
      %dma_start3A_675 = tpu.memref_squeeze %dma_start3A_674 : memref<1x80xi32, #tpu.memory_space<vmem>> -> memref<80xi32, #tpu.memory_space<vmem>>
      %dma_start3A_676 = arith.constant 0 : i32
      %dma_start3A_677 = arith.constant 0 : i32
      %dma_start3A_678 = tpu.memref_slice %arg10[%dma_start3A_676, %dma_start3A_677] : memref<10000x128xf32, #tpu.memory_space<vmem_shared>> -> memref<10000x128xf32, #tpu.memory_space<vmem_shared>>
      tpu.enqueue_indirect_dma source(%dma_start3A_672 : memref<80x128xf32, #tpu.memory_space<vmem>>) target(%dma_start3A_678 : memref<10000x128xf32, #tpu.memory_space<vmem_shared>>) offsets(%dma_start3A_675 : memref<80xi32, #tpu.memory_space<vmem>>) semaphore(%run_scoped3A_669 : memref<!tpu.dma_semaphore, #tpu.memory_space<semaphore_mem>>) {add = true}
      %dma_wait3A_679 = arith.constant 80 : i32
      %dma_wait3A_680 = arith.constant 0 : i32
      %dma_wait3A_681 = tpu.memref_slice %arg9[%dma_wait3A_679, %dma_wait3A_680] : memref<240x128xf32, #tpu.memory_space<vmem>> -> memref<80x128xf32, #tpu.memory_space<vmem>>
      %dma_wait3A_682 = arith.constant 0 : i32
      %dma_wait3A_683 = tpu.memref_slice %arg8[%run_scoped3A_109, %dma_wait3A_682] : memref<25x80xi32, #tpu.memory_space<vmem>> -> memref<1x80xi32, #tpu.memory_space<vmem>>
      %dma_wait3A_684 = tpu.memref_squeeze %dma_wait3A_683 : memref<1x80xi32, #tpu.memory_space<vmem>> -> memref<80xi32, #tpu.memory_space<vmem>>
      %dma_wait3A_685 = arith.constant 0 : i32
      %dma_wait3A_686 = arith.constant 0 : i32
      %dma_wait3A_687 = tpu.memref_slice %arg10[%dma_wait3A_685, %dma_wait3A_686] : memref<10000x128xf32, #tpu.memory_space<vmem_shared>> -> memref<10000x128xf32, #tpu.memory_space<vmem_shared>>
      tpu.wait_indirect_dma semaphore(%run_scoped3A_669 : memref<!tpu.dma_semaphore, #tpu.memory_space<semaphore_mem>>) src(%dma_wait3A_681 : memref<80x128xf32, #tpu.memory_space<vmem>>) dst(%dma_wait3A_687 : memref<10000x128xf32, #tpu.memory_space<vmem_shared>>)
      tpu.yield
    }) : () -> ()
    %dma_start3A_110 = arith.constant 0 : i32
    %dma_start3A_111 = arith.constant 1 : i32
    %dma_start3A_112 = arith.constant 80 : i32
    %dma_start3A_113 = arith.constant 0 : i32
    %dma_start3A_114 = tpu.memref_slice %arg9[%dma_start3A_112, %dma_start3A_113] : memref<240x128xf32, #tpu.memory_space<vmem>> -> memref<80x128xf32, #tpu.memory_space<vmem>>
    %dma_start3A_115 = arith.constant 0 : i32
    %dma_start3A_116 = tpu.memref_slice %arg7[%dma_start3A_110, %dma_start3A_115] : memref<25x80xi32, #tpu.memory_space<vmem>> -> memref<1x80xi32, #tpu.memory_space<vmem>>
    %dma_start3A_117 = tpu.memref_squeeze %dma_start3A_116 : memref<1x80xi32, #tpu.memory_space<vmem>> -> memref<80xi32, #tpu.memory_space<vmem>>
    %dma_start3A_118 = arith.constant 0 : i32
    %dma_start3A_119 = arith.constant 0 : i32
    %dma_start3A_120 = tpu.memref_slice %arg2[%dma_start3A_118, %dma_start3A_119] : memref<10000x128xf32, #tpu.memory_space<hbm>> -> memref<10000x128xf32, #tpu.memory_space<hbm>>
    %dma_start3A_121 = tpu.memref_slice %arg11[%dma_start3A_111] : memref<3x!tpu.dma_semaphore, #tpu.memory_space<semaphore_mem>> -> memref<1x!tpu.dma_semaphore, #tpu.memory_space<semaphore_mem>>
    %dma_start3A_122 = tpu.memref_squeeze %dma_start3A_121 : memref<1x!tpu.dma_semaphore, #tpu.memory_space<semaphore_mem>> -> memref<!tpu.dma_semaphore, #tpu.memory_space<semaphore_mem>>
    tpu.enqueue_indirect_dma source(%dma_start3A_120 : memref<10000x128xf32, #tpu.memory_space<hbm>>) target(%dma_start3A_114 : memref<80x128xf32, #tpu.memory_space<vmem>>) offsets(%dma_start3A_117 : memref<80xi32, #tpu.memory_space<vmem>>) semaphore(%dma_start3A_122 : memref<!tpu.dma_semaphore, #tpu.memory_space<semaphore_mem>>)
    %dma_wait3A_123 = arith.constant 23 : i32
    %dma_wait3A_124 = arith.constant 2 : i32
    %dma_wait3A_125 = arith.constant 160 : i32
    %dma_wait3A_126 = arith.constant 0 : i32
    %dma_wait3A_127 = tpu.memref_slice %arg9[%dma_wait3A_125, %dma_wait3A_126] : memref<240x128xf32, #tpu.memory_space<vmem>> -> memref<80x128xf32, #tpu.memory_space<vmem>>
    %dma_wait3A_128 = arith.constant 0 : i32
    %dma_wait3A_129 = tpu.memref_slice %arg6[%dma_wait3A_123, %dma_wait3A_128] : memref<25x80xi32, #tpu.memory_space<vmem>> -> memref<1x80xi32, #tpu.memory_space<vmem>>
    %dma_wait3A_130 = tpu.memref_squeeze %dma_wait3A_129 : memref<1x80xi32, #tpu.memory_space<vmem>> -> memref<80xi32, #tpu.memory_space<vmem>>
    %dma_wait3A_131 = arith.constant 0 : i32
    %dma_wait3A_132 = arith.constant 0 : i32
    %dma_wait3A_133 = tpu.memref_slice %arg2[%dma_wait3A_131, %dma_wait3A_132] : memref<10000x128xf32, #tpu.memory_space<hbm>> -> memref<10000x128xf32, #tpu.memory_space<hbm>>
    %dma_wait3A_134 = tpu.memref_slice %arg11[%dma_wait3A_124] : memref<3x!tpu.dma_semaphore, #tpu.memory_space<semaphore_mem>> -> memref<1x!tpu.dma_semaphore, #tpu.memory_space<semaphore_mem>>
    %dma_wait3A_135 = tpu.memref_squeeze %dma_wait3A_134 : memref<1x!tpu.dma_semaphore, #tpu.memory_space<semaphore_mem>> -> memref<!tpu.dma_semaphore, #tpu.memory_space<semaphore_mem>>
    tpu.wait_indirect_dma semaphore(%dma_wait3A_135 : memref<!tpu.dma_semaphore, #tpu.memory_space<semaphore_mem>>) src(%dma_wait3A_133 : memref<10000x128xf32, #tpu.memory_space<hbm>>) dst(%dma_wait3A_127 : memref<80x128xf32, #tpu.memory_space<vmem>>)
    %run_scoped3A_136 = arith.constant 23 : i32
    "tpu.region"() ({
      %run_scoped3A_669 = tpu.sem_alloc : memref<!tpu.dma_semaphore, #tpu.memory_space<semaphore_mem>>
      %dma_start3A_670 = arith.constant 160 : i32
      %dma_start3A_671 = arith.constant 0 : i32
      %dma_start3A_672 = tpu.memref_slice %arg9[%dma_start3A_670, %dma_start3A_671] : memref<240x128xf32, #tpu.memory_space<vmem>> -> memref<80x128xf32, #tpu.memory_space<vmem>>
      %dma_start3A_673 = arith.constant 0 : i32
      %dma_start3A_674 = tpu.memref_slice %arg8[%run_scoped3A_136, %dma_start3A_673] : memref<25x80xi32, #tpu.memory_space<vmem>> -> memref<1x80xi32, #tpu.memory_space<vmem>>
      %dma_start3A_675 = tpu.memref_squeeze %dma_start3A_674 : memref<1x80xi32, #tpu.memory_space<vmem>> -> memref<80xi32, #tpu.memory_space<vmem>>
      %dma_start3A_676 = arith.constant 0 : i32
      %dma_start3A_677 = arith.constant 0 : i32
      %dma_start3A_678 = tpu.memref_slice %arg10[%dma_start3A_676, %dma_start3A_677] : memref<10000x128xf32, #tpu.memory_space<vmem_shared>> -> memref<10000x128xf32, #tpu.memory_space<vmem_shared>>
      tpu.enqueue_indirect_dma source(%dma_start3A_672 : memref<80x128xf32, #tpu.memory_space<vmem>>) target(%dma_start3A_678 : memref<10000x128xf32, #tpu.memory_space<vmem_shared>>) offsets(%dma_start3A_675 : memref<80xi32, #tpu.memory_space<vmem>>) semaphore(%run_scoped3A_669 : memref<!tpu.dma_semaphore, #tpu.memory_space<semaphore_mem>>) {add = true}
      %dma_wait3A_679 = arith.constant 160 : i32
      %dma_wait3A_680 = arith.constant 0 : i32
      %dma_wait3A_681 = tpu.memref_slice %arg9[%dma_wait3A_679, %dma_wait3A_680] : memref<240x128xf32, #tpu.memory_space<vmem>> -> memref<80x128xf32, #tpu.memory_space<vmem>>
      %dma_wait3A_682 = arith.constant 0 : i32
      %dma_wait3A_683 = tpu.memref_slice %arg8[%run_scoped3A_136, %dma_wait3A_682] : memref<25x80xi32, #tpu.memory_space<vmem>> -> memref<1x80xi32, #tpu.memory_space<vmem>>
      %dma_wait3A_684 = tpu.memref_squeeze %dma_wait3A_683 : memref<1x80xi32, #tpu.memory_space<vmem>> -> memref<80xi32, #tpu.memory_space<vmem>>
      %dma_wait3A_685 = arith.constant 0 : i32
      %dma_wait3A_686 = arith.constant 0 : i32
      %dma_wait3A_687 = tpu.memref_slice %arg10[%dma_wait3A_685, %dma_wait3A_686] : memref<10000x128xf32, #tpu.memory_space<vmem_shared>> -> memref<10000x128xf32, #tpu.memory_space<vmem_shared>>
      tpu.wait_indirect_dma semaphore(%run_scoped3A_669 : memref<!tpu.dma_semaphore, #tpu.memory_space<semaphore_mem>>) src(%dma_wait3A_681 : memref<80x128xf32, #tpu.memory_space<vmem>>) dst(%dma_wait3A_687 : memref<10000x128xf32, #tpu.memory_space<vmem_shared>>)
      tpu.yield
    }) : () -> ()
    %dma_start3A_137 = arith.constant 1 : i32
    %dma_start3A_138 = arith.constant 2 : i32
    %dma_start3A_139 = arith.constant 160 : i32
    %dma_start3A_140 = arith.constant 0 : i32
    %dma_start3A_141 = tpu.memref_slice %arg9[%dma_start3A_139, %dma_start3A_140] : memref<240x128xf32, #tpu.memory_space<vmem>> -> memref<80x128xf32, #tpu.memory_space<vmem>>
    %dma_start3A_142 = arith.constant 0 : i32
    %dma_start3A_143 = tpu.memref_slice %arg7[%dma_start3A_137, %dma_start3A_142] : memref<25x80xi32, #tpu.memory_space<vmem>> -> memref<1x80xi32, #tpu.memory_space<vmem>>
    %dma_start3A_144 = tpu.memref_squeeze %dma_start3A_143 : memref<1x80xi32, #tpu.memory_space<vmem>> -> memref<80xi32, #tpu.memory_space<vmem>>
    %dma_start3A_145 = arith.constant 0 : i32
    %dma_start3A_146 = arith.constant 0 : i32
    %dma_start3A_147 = tpu.memref_slice %arg2[%dma_start3A_145, %dma_start3A_146] : memref<10000x128xf32, #tpu.memory_space<hbm>> -> memref<10000x128xf32, #tpu.memory_space<hbm>>
    %dma_start3A_148 = tpu.memref_slice %arg11[%dma_start3A_138] : memref<3x!tpu.dma_semaphore, #tpu.memory_space<semaphore_mem>> -> memref<1x!tpu.dma_semaphore, #tpu.memory_space<semaphore_mem>>
    %dma_start3A_149 = tpu.memref_squeeze %dma_start3A_148 : memref<1x!tpu.dma_semaphore, #tpu.memory_space<semaphore_mem>> -> memref<!tpu.dma_semaphore, #tpu.memory_space<semaphore_mem>>
    tpu.enqueue_indirect_dma source(%dma_start3A_147 : memref<10000x128xf32, #tpu.memory_space<hbm>>) target(%dma_start3A_141 : memref<80x128xf32, #tpu.memory_space<vmem>>) offsets(%dma_start3A_144 : memref<80xi32, #tpu.memory_space<vmem>>) semaphore(%dma_start3A_149 : memref<!tpu.dma_semaphore, #tpu.memory_space<semaphore_mem>>)
    %dma_wait3A_150 = arith.constant 24 : i32
    %dma_wait3A_151 = arith.constant 0 : i32
    %dma_wait3A_152 = arith.constant 0 : i32
    %dma_wait3A_153 = arith.constant 0 : i32
    %dma_wait3A_154 = tpu.memref_slice %arg9[%dma_wait3A_152, %dma_wait3A_153] : memref<240x128xf32, #tpu.memory_space<vmem>> -> memref<80x128xf32, #tpu.memory_space<vmem>>
    %dma_wait3A_155 = arith.constant 0 : i32
    %dma_wait3A_156 = tpu.memref_slice %arg6[%dma_wait3A_150, %dma_wait3A_155] : memref<25x80xi32, #tpu.memory_space<vmem>> -> memref<1x80xi32, #tpu.memory_space<vmem>>
    %dma_wait3A_157 = tpu.memref_squeeze %dma_wait3A_156 : memref<1x80xi32, #tpu.memory_space<vmem>> -> memref<80xi32, #tpu.memory_space<vmem>>
    %dma_wait3A_158 = arith.constant 0 : i32
    %dma_wait3A_159 = arith.constant 0 : i32
    %dma_wait3A_160 = tpu.memref_slice %arg2[%dma_wait3A_158, %dma_wait3A_159] : memref<10000x128xf32, #tpu.memory_space<hbm>> -> memref<10000x128xf32, #tpu.memory_space<hbm>>
    %dma_wait3A_161 = tpu.memref_slice %arg11[%dma_wait3A_151] : memref<3x!tpu.dma_semaphore, #tpu.memory_space<semaphore_mem>> -> memref<1x!tpu.dma_semaphore, #tpu.memory_space<semaphore_mem>>
    %dma_wait3A_162 = tpu.memref_squeeze %dma_wait3A_161 : memref<1x!tpu.dma_semaphore, #tpu.memory_space<semaphore_mem>> -> memref<!tpu.dma_semaphore, #tpu.memory_space<semaphore_mem>>
    tpu.wait_indirect_dma semaphore(%dma_wait3A_162 : memref<!tpu.dma_semaphore, #tpu.memory_space<semaphore_mem>>) src(%dma_wait3A_160 : memref<10000x128xf32, #tpu.memory_space<hbm>>) dst(%dma_wait3A_154 : memref<80x128xf32, #tpu.memory_space<vmem>>)
    %run_scoped3A_163 = arith.constant 24 : i32
    "tpu.region"() ({
      %run_scoped3A_669 = tpu.sem_alloc : memref<!tpu.dma_semaphore, #tpu.memory_space<semaphore_mem>>
      %dma_start3A_670 = arith.constant 0 : i32
      %dma_start3A_671 = arith.constant 0 : i32
      %dma_start3A_672 = tpu.memref_slice %arg9[%dma_start3A_670, %dma_start3A_671] : memref<240x128xf32, #tpu.memory_space<vmem>> -> memref<80x128xf32, #tpu.memory_space<vmem>>
      %dma_start3A_673 = arith.constant 0 : i32
      %dma_start3A_674 = tpu.memref_slice %arg8[%run_scoped3A_163, %dma_start3A_673] : memref<25x80xi32, #tpu.memory_space<vmem>> -> memref<1x80xi32, #tpu.memory_space<vmem>>
      %dma_start3A_675 = tpu.memref_squeeze %dma_start3A_674 : memref<1x80xi32, #tpu.memory_space<vmem>> -> memref<80xi32, #tpu.memory_space<vmem>>
      %dma_start3A_676 = arith.constant 0 : i32
      %dma_start3A_677 = arith.constant 0 : i32
      %dma_start3A_678 = tpu.memref_slice %arg10[%dma_start3A_676, %dma_start3A_677] : memref<10000x128xf32, #tpu.memory_space<vmem_shared>> -> memref<10000x128xf32, #tpu.memory_space<vmem_shared>>
      tpu.enqueue_indirect_dma source(%dma_start3A_672 : memref<80x128xf32, #tpu.memory_space<vmem>>) target(%dma_start3A_678 : memref<10000x128xf32, #tpu.memory_space<vmem_shared>>) offsets(%dma_start3A_675 : memref<80xi32, #tpu.memory_space<vmem>>) semaphore(%run_scoped3A_669 : memref<!tpu.dma_semaphore, #tpu.memory_space<semaphore_mem>>) {add = true}
      %dma_wait3A_679 = arith.constant 0 : i32
      %dma_wait3A_680 = arith.constant 0 : i32
      %dma_wait3A_681 = tpu.memref_slice %arg9[%dma_wait3A_679, %dma_wait3A_680] : memref<240x128xf32, #tpu.memory_space<vmem>> -> memref<80x128xf32, #tpu.memory_space<vmem>>
      %dma_wait3A_682 = arith.constant 0 : i32
      %dma_wait3A_683 = tpu.memref_slice %arg8[%run_scoped3A_163, %dma_wait3A_682] : memref<25x80xi32, #tpu.memory_space<vmem>> -> memref<1x80xi32, #tpu.memory_space<vmem>>
      %dma_wait3A_684 = tpu.memref_squeeze %dma_wait3A_683 : memref<1x80xi32, #tpu.memory_space<vmem>> -> memref<80xi32, #tpu.memory_space<vmem>>
      %dma_wait3A_685 = arith.constant 0 : i32
      %dma_wait3A_686 = arith.constant 0 : i32
      %dma_wait3A_687 = tpu.memref_slice %arg10[%dma_wait3A_685, %dma_wait3A_686] : memref<10000x128xf32, #tpu.memory_space<vmem_shared>> -> memref<10000x128xf32, #tpu.memory_space<vmem_shared>>
      tpu.wait_indirect_dma semaphore(%run_scoped3A_669 : memref<!tpu.dma_semaphore, #tpu.memory_space<semaphore_mem>>) src(%dma_wait3A_681 : memref<80x128xf32, #tpu.memory_space<vmem>>) dst(%dma_wait3A_687 : memref<10000x128xf32, #tpu.memory_space<vmem_shared>>)
      tpu.yield
    }) : () -> ()
    %dma_start3A_164 = arith.constant 2 : i32
    %dma_start3A_165 = arith.constant 0 : i32
    %dma_start3A_166 = arith.constant 0 : i32
    %dma_start3A_167 = arith.constant 0 : i32
    %dma_start3A_168 = tpu.memref_slice %arg9[%dma_start3A_166, %dma_start3A_167] : memref<240x128xf32, #tpu.memory_space<vmem>> -> memref<80x128xf32, #tpu.memory_space<vmem>>
    %dma_start3A_169 = arith.constant 0 : i32
    %dma_start3A_170 = tpu.memref_slice %arg7[%dma_start3A_164, %dma_start3A_169] : memref<25x80xi32, #tpu.memory_space<vmem>> -> memref<1x80xi32, #tpu.memory_space<vmem>>
    %dma_start3A_171 = tpu.memref_squeeze %dma_start3A_170 : memref<1x80xi32, #tpu.memory_space<vmem>> -> memref<80xi32, #tpu.memory_space<vmem>>
    %dma_start3A_172 = arith.constant 0 : i32
    %dma_start3A_173 = arith.constant 0 : i32
    %dma_start3A_174 = tpu.memref_slice %arg2[%dma_start3A_172, %dma_start3A_173] : memref<10000x128xf32, #tpu.memory_space<hbm>> -> memref<10000x128xf32, #tpu.memory_space<hbm>>
    %dma_start3A_175 = tpu.memref_slice %arg11[%dma_start3A_165] : memref<3x!tpu.dma_semaphore, #tpu.memory_space<semaphore_mem>> -> memref<1x!tpu.dma_semaphore, #tpu.memory_space<semaphore_mem>>
    %dma_start3A_176 = tpu.memref_squeeze %dma_start3A_175 : memref<1x!tpu.dma_semaphore, #tpu.memory_space<semaphore_mem>> -> memref<!tpu.dma_semaphore, #tpu.memory_space<semaphore_mem>>
    tpu.enqueue_indirect_dma source(%dma_start3A_174 : memref<10000x128xf32, #tpu.memory_space<hbm>>) target(%dma_start3A_168 : memref<80x128xf32, #tpu.memory_space<vmem>>) offsets(%dma_start3A_171 : memref<80xi32, #tpu.memory_space<vmem>>) semaphore(%dma_start3A_176 : memref<!tpu.dma_semaphore, #tpu.memory_space<semaphore_mem>>)
    %dma_start3A_177 = arith.constant 0 : i32
    %dma_start3A_178 = arith.constant 2 : i32
    %dma_start3A_179 = arith.constant 0 : i32
    %dma_start3A_180 = arith.constant 0 : i32
    %dma_start3A_181 = tpu.memref_slice %arg3[%dma_start3A_177, %add3A, %dma_start3A_178, %dma_start3A_179, %dma_start3A_180] : memref<2x32x5x25x80xi32, #tpu.memory_space<hbm>> -> memref<1x1x1x25x80xi32, #tpu.memory_space<hbm>>
    %dma_start3A_182 = tpu.memref_squeeze %dma_start3A_181 : memref<1x1x1x25x80xi32, #tpu.memory_space<hbm>> -> memref<25x80xi32, #tpu.memory_space<hbm>>
    %dma_start3A_183 = arith.constant 0 : i32
    %dma_start3A_184 = arith.constant 0 : i32
    %dma_start3A_185 = tpu.memref_slice %arg3[%dma_start3A_177, %add3A, %dma_start3A_178, %dma_start3A_183, %dma_start3A_184] : memref<2x32x5x25x80xi32, #tpu.memory_space<hbm>> -> memref<1x1x1x25x80xi32, #tpu.memory_space<hbm>>
    %dma_start3A_186 = tpu.memref_squeeze %dma_start3A_185 : memref<1x1x1x25x80xi32, #tpu.memory_space<hbm>> -> memref<25x80xi32, #tpu.memory_space<hbm>>
    tpu.enqueue_dma source(%dma_start3A_186 : memref<25x80xi32, #tpu.memory_space<hbm>>) target(%arg6 : memref<25x80xi32, #tpu.memory_space<vmem>>) target_semaphore(%arg12 : memref<!tpu.dma_semaphore, #tpu.memory_space<semaphore_mem>>)
    %run_scoped3A_187 = arith.constant 1 : i32
    %run_scoped3A_188 = arith.constant 1 : i32
    "tpu.region"() ({
      %run_scoped3A_669 = tpu.sem_alloc : memref<!tpu.dma_semaphore, #tpu.memory_space<semaphore_mem>>
      %dma_start3A_670 = arith.constant 0 : i32
      %dma_start3A_671 = arith.constant 0 : i32
      %dma_start3A_672 = tpu.memref_slice %arg3[%run_scoped3A_187, %add3A, %run_scoped3A_188, %dma_start3A_670, %dma_start3A_671] : memref<2x32x5x25x80xi32, #tpu.memory_space<hbm>> -> memref<1x1x1x25x80xi32, #tpu.memory_space<hbm>>
      %dma_start3A_673 = tpu.memref_squeeze %dma_start3A_672 : memref<1x1x1x25x80xi32, #tpu.memory_space<hbm>> -> memref<25x80xi32, #tpu.memory_space<hbm>>
      %dma_start3A_674 = arith.constant 0 : i32
      %dma_start3A_675 = arith.constant 0 : i32
      %dma_start3A_676 = tpu.memref_slice %arg3[%run_scoped3A_187, %add3A, %run_scoped3A_188, %dma_start3A_674, %dma_start3A_675] : memref<2x32x5x25x80xi32, #tpu.memory_space<hbm>> -> memref<1x1x1x25x80xi32, #tpu.memory_space<hbm>>
      %dma_start3A_677 = tpu.memref_squeeze %dma_start3A_676 : memref<1x1x1x25x80xi32, #tpu.memory_space<hbm>> -> memref<25x80xi32, #tpu.memory_space<hbm>>
      tpu.enqueue_dma source(%dma_start3A_677 : memref<25x80xi32, #tpu.memory_space<hbm>>) target(%arg8 : memref<25x80xi32, #tpu.memory_space<vmem>>) target_semaphore(%run_scoped3A_669 : memref<!tpu.dma_semaphore, #tpu.memory_space<semaphore_mem>>)
      %dma_wait3A_678 = arith.constant 0 : i32
      %dma_wait3A_679 = arith.constant 0 : i32
      %dma_wait3A_680 = tpu.memref_slice %arg3[%run_scoped3A_187, %add3A, %run_scoped3A_188, %dma_wait3A_678, %dma_wait3A_679] : memref<2x32x5x25x80xi32, #tpu.memory_space<hbm>> -> memref<1x1x1x25x80xi32, #tpu.memory_space<hbm>>
      %dma_wait3A_681 = tpu.memref_squeeze %dma_wait3A_680 : memref<1x1x1x25x80xi32, #tpu.memory_space<hbm>> -> memref<25x80xi32, #tpu.memory_space<hbm>>
      %dma_wait3A_682 = arith.constant 0 : i32
      %dma_wait3A_683 = arith.constant 0 : i32
      %dma_wait3A_684 = tpu.memref_slice %arg3[%run_scoped3A_187, %add3A, %run_scoped3A_188, %dma_wait3A_682, %dma_wait3A_683] : memref<2x32x5x25x80xi32, #tpu.memory_space<hbm>> -> memref<1x1x1x25x80xi32, #tpu.memory_space<hbm>>
      %dma_wait3A_685 = tpu.memref_squeeze %dma_wait3A_684 : memref<1x1x1x25x80xi32, #tpu.memory_space<hbm>> -> memref<25x80xi32, #tpu.memory_space<hbm>>
      tpu.wait_dma2 semaphore(%run_scoped3A_669 : memref<!tpu.dma_semaphore, #tpu.memory_space<semaphore_mem>>) src(%dma_wait3A_685 : memref<25x80xi32, #tpu.memory_space<hbm>>) dst(%arg8 : memref<25x80xi32, #tpu.memory_space<vmem>>)
      tpu.yield
    }) : () -> ()
    %scan3A_189 = arith.constant 0 : i32
    %scan3A_190 = arith.constant 0 : i32
    %scan3A_191 = arith.constant 7 : i32
    %scan3A_192 = arith.addi %scan3A_190, %scan3A_191 : i32
    %scan3A_193 = arith.constant 1 : i32
    %scan3A_194 = scf.for %scan3A_669 = %scan3A_190 to %scan3A_192 step %scan3A_193 iter_args(%scan3A_670 = %scan3A_189) -> (i32)  : i32 {
      %mul3A_671 = arith.constant 3 : i32
      %mul3A_672 = arith.muli %scan3A_669, %mul3A_671 : i32
      %add3A_673 = arith.constant 0 : i32
      %add3A_674 = arith.addi %mul3A_672, %add3A_673 : i32
      %dma_wait3A_675 = arith.constant 1 : i32
      %dma_wait3A_676 = arith.constant 80 : i32
      %dma_wait3A_677 = arith.constant 0 : i32
      %dma_wait3A_678 = tpu.memref_slice %arg9[%dma_wait3A_676, %dma_wait3A_677] : memref<240x128xf32, #tpu.memory_space<vmem>> -> memref<80x128xf32, #tpu.memory_space<vmem>>
      %dma_wait3A_679 = arith.constant 0 : i32
      %dma_wait3A_680 = tpu.memref_slice %arg7[%add3A_674, %dma_wait3A_679] : memref<25x80xi32, #tpu.memory_space<vmem>> -> memref<1x80xi32, #tpu.memory_space<vmem>>
      %dma_wait3A_681 = tpu.memref_squeeze %dma_wait3A_680 : memref<1x80xi32, #tpu.memory_space<vmem>> -> memref<80xi32, #tpu.memory_space<vmem>>
      %dma_wait3A_682 = arith.constant 0 : i32
      %dma_wait3A_683 = arith.constant 0 : i32
      %dma_wait3A_684 = tpu.memref_slice %arg2[%dma_wait3A_682, %dma_wait3A_683] : memref<10000x128xf32, #tpu.memory_space<hbm>> -> memref<10000x128xf32, #tpu.memory_space<hbm>>
      %dma_wait3A_685 = tpu.memref_slice %arg11[%dma_wait3A_675] : memref<3x!tpu.dma_semaphore, #tpu.memory_space<semaphore_mem>> -> memref<1x!tpu.dma_semaphore, #tpu.memory_space<semaphore_mem>>
      %dma_wait3A_686 = tpu.memref_squeeze %dma_wait3A_685 : memref<1x!tpu.dma_semaphore, #tpu.memory_space<semaphore_mem>> -> memref<!tpu.dma_semaphore, #tpu.memory_space<semaphore_mem>>
      tpu.wait_indirect_dma semaphore(%dma_wait3A_686 : memref<!tpu.dma_semaphore, #tpu.memory_space<semaphore_mem>>) src(%dma_wait3A_684 : memref<10000x128xf32, #tpu.memory_space<hbm>>) dst(%dma_wait3A_678 : memref<80x128xf32, #tpu.memory_space<vmem>>)
      "tpu.region"() ({
        %run_scoped3A_762 = tpu.sem_alloc : memref<!tpu.dma_semaphore, #tpu.memory_space<semaphore_mem>>
        %dma_start3A_763 = arith.constant 80 : i32
        %dma_start3A_764 = arith.constant 0 : i32
        %dma_start3A_765 = tpu.memref_slice %arg9[%dma_start3A_763, %dma_start3A_764] : memref<240x128xf32, #tpu.memory_space<vmem>> -> memref<80x128xf32, #tpu.memory_space<vmem>>
        %dma_start3A_766 = arith.constant 0 : i32
        %dma_start3A_767 = tpu.memref_slice %arg8[%add3A_674, %dma_start3A_766] : memref<25x80xi32, #tpu.memory_space<vmem>> -> memref<1x80xi32, #tpu.memory_space<vmem>>
        %dma_start3A_768 = tpu.memref_squeeze %dma_start3A_767 : memref<1x80xi32, #tpu.memory_space<vmem>> -> memref<80xi32, #tpu.memory_space<vmem>>
        %dma_start3A_769 = arith.constant 0 : i32
        %dma_start3A_770 = arith.constant 0 : i32
        %dma_start3A_771 = tpu.memref_slice %arg10[%dma_start3A_769, %dma_start3A_770] : memref<10000x128xf32, #tpu.memory_space<vmem_shared>> -> memref<10000x128xf32, #tpu.memory_space<vmem_shared>>
        tpu.enqueue_indirect_dma source(%dma_start3A_765 : memref<80x128xf32, #tpu.memory_space<vmem>>) target(%dma_start3A_771 : memref<10000x128xf32, #tpu.memory_space<vmem_shared>>) offsets(%dma_start3A_768 : memref<80xi32, #tpu.memory_space<vmem>>) semaphore(%run_scoped3A_762 : memref<!tpu.dma_semaphore, #tpu.memory_space<semaphore_mem>>) {add = true}
        %dma_wait3A_772 = arith.constant 80 : i32
        %dma_wait3A_773 = arith.constant 0 : i32
        %dma_wait3A_774 = tpu.memref_slice %arg9[%dma_wait3A_772, %dma_wait3A_773] : memref<240x128xf32, #tpu.memory_space<vmem>> -> memref<80x128xf32, #tpu.memory_space<vmem>>
        %dma_wait3A_775 = arith.constant 0 : i32
        %dma_wait3A_776 = tpu.memref_slice %arg8[%add3A_674, %dma_wait3A_775] : memref<25x80xi32, #tpu.memory_space<vmem>> -> memref<1x80xi32, #tpu.memory_space<vmem>>
        %dma_wait3A_777 = tpu.memref_squeeze %dma_wait3A_776 : memref<1x80xi32, #tpu.memory_space<vmem>> -> memref<80xi32, #tpu.memory_space<vmem>>
        %dma_wait3A_778 = arith.constant 0 : i32
        %dma_wait3A_779 = arith.constant 0 : i32
        %dma_wait3A_780 = tpu.memref_slice %arg10[%dma_wait3A_778, %dma_wait3A_779] : memref<10000x128xf32, #tpu.memory_space<vmem_shared>> -> memref<10000x128xf32, #tpu.memory_space<vmem_shared>>
        tpu.wait_indirect_dma semaphore(%run_scoped3A_762 : memref<!tpu.dma_semaphore, #tpu.memory_space<semaphore_mem>>) src(%dma_wait3A_774 : memref<80x128xf32, #tpu.memory_space<vmem>>) dst(%dma_wait3A_780 : memref<10000x128xf32, #tpu.memory_space<vmem_shared>>)
        tpu.yield
      }) : () -> ()
      %add3A_687 = arith.constant 3 : i32
      %add3A_688 = arith.addi %add3A_674, %add3A_687 : i32
      %dma_start3A_689 = arith.constant 1 : i32
      %dma_start3A_690 = arith.constant 80 : i32
      %dma_start3A_691 = arith.constant 0 : i32
      %dma_start3A_692 = tpu.memref_slice %arg9[%dma_start3A_690, %dma_start3A_691] : memref<240x128xf32, #tpu.memory_space<vmem>> -> memref<80x128xf32, #tpu.memory_space<vmem>>
      %dma_start3A_693 = arith.constant 0 : i32
      %dma_start3A_694 = tpu.memref_slice %arg7[%add3A_688, %dma_start3A_693] : memref<25x80xi32, #tpu.memory_space<vmem>> -> memref<1x80xi32, #tpu.memory_space<vmem>>
      %dma_start3A_695 = tpu.memref_squeeze %dma_start3A_694 : memref<1x80xi32, #tpu.memory_space<vmem>> -> memref<80xi32, #tpu.memory_space<vmem>>
      %dma_start3A_696 = arith.constant 0 : i32
      %dma_start3A_697 = arith.constant 0 : i32
      %dma_start3A_698 = tpu.memref_slice %arg2[%dma_start3A_696, %dma_start3A_697] : memref<10000x128xf32, #tpu.memory_space<hbm>> -> memref<10000x128xf32, #tpu.memory_space<hbm>>
      %dma_start3A_699 = tpu.memref_slice %arg11[%dma_start3A_689] : memref<3x!tpu.dma_semaphore, #tpu.memory_space<semaphore_mem>> -> memref<1x!tpu.dma_semaphore, #tpu.memory_space<semaphore_mem>>
      %dma_start3A_700 = tpu.memref_squeeze %dma_start3A_699 : memref<1x!tpu.dma_semaphore, #tpu.memory_space<semaphore_mem>> -> memref<!tpu.dma_semaphore, #tpu.memory_space<semaphore_mem>>
      tpu.enqueue_indirect_dma source(%dma_start3A_698 : memref<10000x128xf32, #tpu.memory_space<hbm>>) target(%dma_start3A_692 : memref<80x128xf32, #tpu.memory_space<vmem>>) offsets(%dma_start3A_695 : memref<80xi32, #tpu.memory_space<vmem>>) semaphore(%dma_start3A_700 : memref<!tpu.dma_semaphore, #tpu.memory_space<semaphore_mem>>)
      %mul3A_701 = arith.constant 3 : i32
      %mul3A_702 = arith.muli %scan3A_669, %mul3A_701 : i32
      %add3A_703 = arith.constant 1 : i32
      %add3A_704 = arith.addi %mul3A_702, %add3A_703 : i32
      %dma_wait3A_705 = arith.constant 2 : i32
      %dma_wait3A_706 = arith.constant 160 : i32
      %dma_wait3A_707 = arith.constant 0 : i32
      %dma_wait3A_708 = tpu.memref_slice %arg9[%dma_wait3A_706, %dma_wait3A_707] : memref<240x128xf32, #tpu.memory_space<vmem>> -> memref<80x128xf32, #tpu.memory_space<vmem>>
      %dma_wait3A_709 = arith.constant 0 : i32
      %dma_wait3A_710 = tpu.memref_slice %arg7[%add3A_704, %dma_wait3A_709] : memref<25x80xi32, #tpu.memory_space<vmem>> -> memref<1x80xi32, #tpu.memory_space<vmem>>
      %dma_wait3A_711 = tpu.memref_squeeze %dma_wait3A_710 : memref<1x80xi32, #tpu.memory_space<vmem>> -> memref<80xi32, #tpu.memory_space<vmem>>
      %dma_wait3A_712 = arith.constant 0 : i32
      %dma_wait3A_713 = arith.constant 0 : i32
      %dma_wait3A_714 = tpu.memref_slice %arg2[%dma_wait3A_712, %dma_wait3A_713] : memref<10000x128xf32, #tpu.memory_space<hbm>> -> memref<10000x128xf32, #tpu.memory_space<hbm>>
      %dma_wait3A_715 = tpu.memref_slice %arg11[%dma_wait3A_705] : memref<3x!tpu.dma_semaphore, #tpu.memory_space<semaphore_mem>> -> memref<1x!tpu.dma_semaphore, #tpu.memory_space<semaphore_mem>>
      %dma_wait3A_716 = tpu.memref_squeeze %dma_wait3A_715 : memref<1x!tpu.dma_semaphore, #tpu.memory_space<semaphore_mem>> -> memref<!tpu.dma_semaphore, #tpu.memory_space<semaphore_mem>>
      tpu.wait_indirect_dma semaphore(%dma_wait3A_716 : memref<!tpu.dma_semaphore, #tpu.memory_space<semaphore_mem>>) src(%dma_wait3A_714 : memref<10000x128xf32, #tpu.memory_space<hbm>>) dst(%dma_wait3A_708 : memref<80x128xf32, #tpu.memory_space<vmem>>)
      "tpu.region"() ({
        %run_scoped3A_762 = tpu.sem_alloc : memref<!tpu.dma_semaphore, #tpu.memory_space<semaphore_mem>>
        %dma_start3A_763 = arith.constant 160 : i32
        %dma_start3A_764 = arith.constant 0 : i32
        %dma_start3A_765 = tpu.memref_slice %arg9[%dma_start3A_763, %dma_start3A_764] : memref<240x128xf32, #tpu.memory_space<vmem>> -> memref<80x128xf32, #tpu.memory_space<vmem>>
        %dma_start3A_766 = arith.constant 0 : i32
        %dma_start3A_767 = tpu.memref_slice %arg8[%add3A_704, %dma_start3A_766] : memref<25x80xi32, #tpu.memory_space<vmem>> -> memref<1x80xi32, #tpu.memory_space<vmem>>
        %dma_start3A_768 = tpu.memref_squeeze %dma_start3A_767 : memref<1x80xi32, #tpu.memory_space<vmem>> -> memref<80xi32, #tpu.memory_space<vmem>>
        %dma_start3A_769 = arith.constant 0 : i32
        %dma_start3A_770 = arith.constant 0 : i32
        %dma_start3A_771 = tpu.memref_slice %arg10[%dma_start3A_769, %dma_start3A_770] : memref<10000x128xf32, #tpu.memory_space<vmem_shared>> -> memref<10000x128xf32, #tpu.memory_space<vmem_shared>>
        tpu.enqueue_indirect_dma source(%dma_start3A_765 : memref<80x128xf32, #tpu.memory_space<vmem>>) target(%dma_start3A_771 : memref<10000x128xf32, #tpu.memory_space<vmem_shared>>) offsets(%dma_start3A_768 : memref<80xi32, #tpu.memory_space<vmem>>) semaphore(%run_scoped3A_762 : memref<!tpu.dma_semaphore, #tpu.memory_space<semaphore_mem>>) {add = true}
        %dma_wait3A_772 = arith.constant 160 : i32
        %dma_wait3A_773 = arith.constant 0 : i32
        %dma_wait3A_774 = tpu.memref_slice %arg9[%dma_wait3A_772, %dma_wait3A_773] : memref<240x128xf32, #tpu.memory_space<vmem>> -> memref<80x128xf32, #tpu.memory_space<vmem>>
        %dma_wait3A_775 = arith.constant 0 : i32
        %dma_wait3A_776 = tpu.memref_slice %arg8[%add3A_704, %dma_wait3A_775] : memref<25x80xi32, #tpu.memory_space<vmem>> -> memref<1x80xi32, #tpu.memory_space<vmem>>
        %dma_wait3A_777 = tpu.memref_squeeze %dma_wait3A_776 : memref<1x80xi32, #tpu.memory_space<vmem>> -> memref<80xi32, #tpu.memory_space<vmem>>
        %dma_wait3A_778 = arith.constant 0 : i32
        %dma_wait3A_779 = arith.constant 0 : i32
        %dma_wait3A_780 = tpu.memref_slice %arg10[%dma_wait3A_778, %dma_wait3A_779] : memref<10000x128xf32, #tpu.memory_space<vmem_shared>> -> memref<10000x128xf32, #tpu.memory_space<vmem_shared>>
        tpu.wait_indirect_dma semaphore(%run_scoped3A_762 : memref<!tpu.dma_semaphore, #tpu.memory_space<semaphore_mem>>) src(%dma_wait3A_774 : memref<80x128xf32, #tpu.memory_space<vmem>>) dst(%dma_wait3A_780 : memref<10000x128xf32, #tpu.memory_space<vmem_shared>>)
        tpu.yield
      }) : () -> ()
      %add3A_717 = arith.constant 3 : i32
      %add3A_718 = arith.addi %add3A_704, %add3A_717 : i32
      %dma_start3A_719 = arith.constant 2 : i32
      %dma_start3A_720 = arith.constant 160 : i32
      %dma_start3A_721 = arith.constant 0 : i32
      %dma_start3A_722 = tpu.memref_slice %arg9[%dma_start3A_720, %dma_start3A_721] : memref<240x128xf32, #tpu.memory_space<vmem>> -> memref<80x128xf32, #tpu.memory_space<vmem>>
      %dma_start3A_723 = arith.constant 0 : i32
      %dma_start3A_724 = tpu.memref_slice %arg7[%add3A_718, %dma_start3A_723] : memref<25x80xi32, #tpu.memory_space<vmem>> -> memref<1x80xi32, #tpu.memory_space<vmem>>
      %dma_start3A_725 = tpu.memref_squeeze %dma_start3A_724 : memref<1x80xi32, #tpu.memory_space<vmem>> -> memref<80xi32, #tpu.memory_space<vmem>>
      %dma_start3A_726 = arith.constant 0 : i32
      %dma_start3A_727 = arith.constant 0 : i32
      %dma_start3A_728 = tpu.memref_slice %arg2[%dma_start3A_726, %dma_start3A_727] : memref<10000x128xf32, #tpu.memory_space<hbm>> -> memref<10000x128xf32, #tpu.memory_space<hbm>>
      %dma_start3A_729 = tpu.memref_slice %arg11[%dma_start3A_719] : memref<3x!tpu.dma_semaphore, #tpu.memory_space<semaphore_mem>> -> memref<1x!tpu.dma_semaphore, #tpu.memory_space<semaphore_mem>>
      %dma_start3A_730 = tpu.memref_squeeze %dma_start3A_729 : memref<1x!tpu.dma_semaphore, #tpu.memory_space<semaphore_mem>> -> memref<!tpu.dma_semaphore, #tpu.memory_space<semaphore_mem>>
      tpu.enqueue_indirect_dma source(%dma_start3A_728 : memref<10000x128xf32, #tpu.memory_space<hbm>>) target(%dma_start3A_722 : memref<80x128xf32, #tpu.memory_space<vmem>>) offsets(%dma_start3A_725 : memref<80xi32, #tpu.memory_space<vmem>>) semaphore(%dma_start3A_730 : memref<!tpu.dma_semaphore, #tpu.memory_space<semaphore_mem>>)
      %mul3A_731 = arith.constant 3 : i32
      %mul3A_732 = arith.muli %scan3A_669, %mul3A_731 : i32
      %add3A_733 = arith.constant 2 : i32
      %add3A_734 = arith.addi %mul3A_732, %add3A_733 : i32
      %dma_wait3A_735 = arith.constant 0 : i32
      %dma_wait3A_736 = arith.constant 0 : i32
      %dma_wait3A_737 = arith.constant 0 : i32
      %dma_wait3A_738 = tpu.memref_slice %arg9[%dma_wait3A_736, %dma_wait3A_737] : memref<240x128xf32, #tpu.memory_space<vmem>> -> memref<80x128xf32, #tpu.memory_space<vmem>>
      %dma_wait3A_739 = arith.constant 0 : i32
      %dma_wait3A_740 = tpu.memref_slice %arg7[%add3A_734, %dma_wait3A_739] : memref<25x80xi32, #tpu.memory_space<vmem>> -> memref<1x80xi32, #tpu.memory_space<vmem>>
      %dma_wait3A_741 = tpu.memref_squeeze %dma_wait3A_740 : memref<1x80xi32, #tpu.memory_space<vmem>> -> memref<80xi32, #tpu.memory_space<vmem>>
      %dma_wait3A_742 = arith.constant 0 : i32
      %dma_wait3A_743 = arith.constant 0 : i32
      %dma_wait3A_744 = tpu.memref_slice %arg2[%dma_wait3A_742, %dma_wait3A_743] : memref<10000x128xf32, #tpu.memory_space<hbm>> -> memref<10000x128xf32, #tpu.memory_space<hbm>>
      %dma_wait3A_745 = tpu.memref_slice %arg11[%dma_wait3A_735] : memref<3x!tpu.dma_semaphore, #tpu.memory_space<semaphore_mem>> -> memref<1x!tpu.dma_semaphore, #tpu.memory_space<semaphore_mem>>
      %dma_wait3A_746 = tpu.memref_squeeze %dma_wait3A_745 : memref<1x!tpu.dma_semaphore, #tpu.memory_space<semaphore_mem>> -> memref<!tpu.dma_semaphore, #tpu.memory_space<semaphore_mem>>
      tpu.wait_indirect_dma semaphore(%dma_wait3A_746 : memref<!tpu.dma_semaphore, #tpu.memory_space<semaphore_mem>>) src(%dma_wait3A_744 : memref<10000x128xf32, #tpu.memory_space<hbm>>) dst(%dma_wait3A_738 : memref<80x128xf32, #tpu.memory_space<vmem>>)
      "tpu.region"() ({
        %run_scoped3A_762 = tpu.sem_alloc : memref<!tpu.dma_semaphore, #tpu.memory_space<semaphore_mem>>
        %dma_start3A_763 = arith.constant 0 : i32
        %dma_start3A_764 = arith.constant 0 : i32
        %dma_start3A_765 = tpu.memref_slice %arg9[%dma_start3A_763, %dma_start3A_764] : memref<240x128xf32, #tpu.memory_space<vmem>> -> memref<80x128xf32, #tpu.memory_space<vmem>>
        %dma_start3A_766 = arith.constant 0 : i32
        %dma_start3A_767 = tpu.memref_slice %arg8[%add3A_734, %dma_start3A_766] : memref<25x80xi32, #tpu.memory_space<vmem>> -> memref<1x80xi32, #tpu.memory_space<vmem>>
        %dma_start3A_768 = tpu.memref_squeeze %dma_start3A_767 : memref<1x80xi32, #tpu.memory_space<vmem>> -> memref<80xi32, #tpu.memory_space<vmem>>
        %dma_start3A_769 = arith.constant 0 : i32
        %dma_start3A_770 = arith.constant 0 : i32
        %dma_start3A_771 = tpu.memref_slice %arg10[%dma_start3A_769, %dma_start3A_770] : memref<10000x128xf32, #tpu.memory_space<vmem_shared>> -> memref<10000x128xf32, #tpu.memory_space<vmem_shared>>
        tpu.enqueue_indirect_dma source(%dma_start3A_765 : memref<80x128xf32, #tpu.memory_space<vmem>>) target(%dma_start3A_771 : memref<10000x128xf32, #tpu.memory_space<vmem_shared>>) offsets(%dma_start3A_768 : memref<80xi32, #tpu.memory_space<vmem>>) semaphore(%run_scoped3A_762 : memref<!tpu.dma_semaphore, #tpu.memory_space<semaphore_mem>>) {add = true}
        %dma_wait3A_772 = arith.constant 0 : i32
        %dma_wait3A_773 = arith.constant 0 : i32
        %dma_wait3A_774 = tpu.memref_slice %arg9[%dma_wait3A_772, %dma_wait3A_773] : memref<240x128xf32, #tpu.memory_space<vmem>> -> memref<80x128xf32, #tpu.memory_space<vmem>>
        %dma_wait3A_775 = arith.constant 0 : i32
        %dma_wait3A_776 = tpu.memref_slice %arg8[%add3A_734, %dma_wait3A_775] : memref<25x80xi32, #tpu.memory_space<vmem>> -> memref<1x80xi32, #tpu.memory_space<vmem>>
        %dma_wait3A_777 = tpu.memref_squeeze %dma_wait3A_776 : memref<1x80xi32, #tpu.memory_space<vmem>> -> memref<80xi32, #tpu.memory_space<vmem>>
        %dma_wait3A_778 = arith.constant 0 : i32
        %dma_wait3A_779 = arith.constant 0 : i32
        %dma_wait3A_780 = tpu.memref_slice %arg10[%dma_wait3A_778, %dma_wait3A_779] : memref<10000x128xf32, #tpu.memory_space<vmem_shared>> -> memref<10000x128xf32, #tpu.memory_space<vmem_shared>>
        tpu.wait_indirect_dma semaphore(%run_scoped3A_762 : memref<!tpu.dma_semaphore, #tpu.memory_space<semaphore_mem>>) src(%dma_wait3A_774 : memref<80x128xf32, #tpu.memory_space<vmem>>) dst(%dma_wait3A_780 : memref<10000x128xf32, #tpu.memory_space<vmem_shared>>)
        tpu.yield
      }) : () -> ()
      %add3A_747 = arith.constant 3 : i32
      %add3A_748 = arith.addi %add3A_734, %add3A_747 : i32
      %dma_start3A_749 = arith.constant 0 : i32
      %dma_start3A_750 = arith.constant 0 : i32
      %dma_start3A_751 = arith.constant 0 : i32
      %dma_start3A_752 = tpu.memref_slice %arg9[%dma_start3A_750, %dma_start3A_751] : memref<240x128xf32, #tpu.memory_space<vmem>> -> memref<80x128xf32, #tpu.memory_space<vmem>>
      %dma_start3A_753 = arith.constant 0 : i32
      %dma_start3A_754 = tpu.memref_slice %arg7[%add3A_748, %dma_start3A_753] : memref<25x80xi32, #tpu.memory_space<vmem>> -> memref<1x80xi32, #tpu.memory_space<vmem>>
      %dma_start3A_755 = tpu.memref_squeeze %dma_start3A_754 : memref<1x80xi32, #tpu.memory_space<vmem>> -> memref<80xi32, #tpu.memory_space<vmem>>
      %dma_start3A_756 = arith.constant 0 : i32
      %dma_start3A_757 = arith.constant 0 : i32
      %dma_start3A_758 = tpu.memref_slice %arg2[%dma_start3A_756, %dma_start3A_757] : memref<10000x128xf32, #tpu.memory_space<hbm>> -> memref<10000x128xf32, #tpu.memory_space<hbm>>
      %dma_start3A_759 = tpu.memref_slice %arg11[%dma_start3A_749] : memref<3x!tpu.dma_semaphore, #tpu.memory_space<semaphore_mem>> -> memref<1x!tpu.dma_semaphore, #tpu.memory_space<semaphore_mem>>
      %dma_start3A_760 = tpu.memref_squeeze %dma_start3A_759 : memref<1x!tpu.dma_semaphore, #tpu.memory_space<semaphore_mem>> -> memref<!tpu.dma_semaphore, #tpu.memory_space<semaphore_mem>>
      tpu.enqueue_indirect_dma source(%dma_start3A_758 : memref<10000x128xf32, #tpu.memory_space<hbm>>) target(%dma_start3A_752 : memref<80x128xf32, #tpu.memory_space<vmem>>) offsets(%dma_start3A_755 : memref<80xi32, #tpu.memory_space<vmem>>) semaphore(%dma_start3A_760 : memref<!tpu.dma_semaphore, #tpu.memory_space<semaphore_mem>>)
      %scan3A_761 = arith.constant 0 : i32
      scf.yield %scan3A_761 : i32
    }
    %scan3A_195 = arith.constant 7 : i32
    %dma_wait3A_196 = arith.constant 0 : i32
    %dma_wait3A_197 = arith.constant 2 : i32
    %dma_wait3A_198 = arith.constant 0 : i32
    %dma_wait3A_199 = arith.constant 0 : i32
    %dma_wait3A_200 = tpu.memref_slice %arg3[%dma_wait3A_196, %add3A, %dma_wait3A_197, %dma_wait3A_198, %dma_wait3A_199] : memref<2x32x5x25x80xi32, #tpu.memory_space<hbm>> -> memref<1x1x1x25x80xi32, #tpu.memory_space<hbm>>
    %dma_wait3A_201 = tpu.memref_squeeze %dma_wait3A_200 : memref<1x1x1x25x80xi32, #tpu.memory_space<hbm>> -> memref<25x80xi32, #tpu.memory_space<hbm>>
    %dma_wait3A_202 = arith.constant 0 : i32
    %dma_wait3A_203 = arith.constant 0 : i32
    %dma_wait3A_204 = tpu.memref_slice %arg3[%dma_wait3A_196, %add3A, %dma_wait3A_197, %dma_wait3A_202, %dma_wait3A_203] : memref<2x32x5x25x80xi32, #tpu.memory_space<hbm>> -> memref<1x1x1x25x80xi32, #tpu.memory_space<hbm>>
    %dma_wait3A_205 = tpu.memref_squeeze %dma_wait3A_204 : memref<1x1x1x25x80xi32, #tpu.memory_space<hbm>> -> memref<25x80xi32, #tpu.memory_space<hbm>>
    tpu.wait_dma2 semaphore(%arg12 : memref<!tpu.dma_semaphore, #tpu.memory_space<semaphore_mem>>) src(%dma_wait3A_205 : memref<25x80xi32, #tpu.memory_space<hbm>>) dst(%arg6 : memref<25x80xi32, #tpu.memory_space<vmem>>)
    %dma_wait3A_206 = arith.constant 21 : i32
    %dma_wait3A_207 = arith.constant 1 : i32
    %dma_wait3A_208 = arith.constant 80 : i32
    %dma_wait3A_209 = arith.constant 0 : i32
    %dma_wait3A_210 = tpu.memref_slice %arg9[%dma_wait3A_208, %dma_wait3A_209] : memref<240x128xf32, #tpu.memory_space<vmem>> -> memref<80x128xf32, #tpu.memory_space<vmem>>
    %dma_wait3A_211 = arith.constant 0 : i32
    %dma_wait3A_212 = tpu.memref_slice %arg7[%dma_wait3A_206, %dma_wait3A_211] : memref<25x80xi32, #tpu.memory_space<vmem>> -> memref<1x80xi32, #tpu.memory_space<vmem>>
    %dma_wait3A_213 = tpu.memref_squeeze %dma_wait3A_212 : memref<1x80xi32, #tpu.memory_space<vmem>> -> memref<80xi32, #tpu.memory_space<vmem>>
    %dma_wait3A_214 = arith.constant 0 : i32
    %dma_wait3A_215 = arith.constant 0 : i32
    %dma_wait3A_216 = tpu.memref_slice %arg2[%dma_wait3A_214, %dma_wait3A_215] : memref<10000x128xf32, #tpu.memory_space<hbm>> -> memref<10000x128xf32, #tpu.memory_space<hbm>>
    %dma_wait3A_217 = tpu.memref_slice %arg11[%dma_wait3A_207] : memref<3x!tpu.dma_semaphore, #tpu.memory_space<semaphore_mem>> -> memref<1x!tpu.dma_semaphore, #tpu.memory_space<semaphore_mem>>
    %dma_wait3A_218 = tpu.memref_squeeze %dma_wait3A_217 : memref<1x!tpu.dma_semaphore, #tpu.memory_space<semaphore_mem>> -> memref<!tpu.dma_semaphore, #tpu.memory_space<semaphore_mem>>
    tpu.wait_indirect_dma semaphore(%dma_wait3A_218 : memref<!tpu.dma_semaphore, #tpu.memory_space<semaphore_mem>>) src(%dma_wait3A_216 : memref<10000x128xf32, #tpu.memory_space<hbm>>) dst(%dma_wait3A_210 : memref<80x128xf32, #tpu.memory_space<vmem>>)
    %run_scoped3A_219 = arith.constant 21 : i32
    "tpu.region"() ({
      %run_scoped3A_669 = tpu.sem_alloc : memref<!tpu.dma_semaphore, #tpu.memory_space<semaphore_mem>>
      %dma_start3A_670 = arith.constant 80 : i32
      %dma_start3A_671 = arith.constant 0 : i32
      %dma_start3A_672 = tpu.memref_slice %arg9[%dma_start3A_670, %dma_start3A_671] : memref<240x128xf32, #tpu.memory_space<vmem>> -> memref<80x128xf32, #tpu.memory_space<vmem>>
      %dma_start3A_673 = arith.constant 0 : i32
      %dma_start3A_674 = tpu.memref_slice %arg8[%run_scoped3A_219, %dma_start3A_673] : memref<25x80xi32, #tpu.memory_space<vmem>> -> memref<1x80xi32, #tpu.memory_space<vmem>>
      %dma_start3A_675 = tpu.memref_squeeze %dma_start3A_674 : memref<1x80xi32, #tpu.memory_space<vmem>> -> memref<80xi32, #tpu.memory_space<vmem>>
      %dma_start3A_676 = arith.constant 0 : i32
      %dma_start3A_677 = arith.constant 0 : i32
      %dma_start3A_678 = tpu.memref_slice %arg10[%dma_start3A_676, %dma_start3A_677] : memref<10000x128xf32, #tpu.memory_space<vmem_shared>> -> memref<10000x128xf32, #tpu.memory_space<vmem_shared>>
      tpu.enqueue_indirect_dma source(%dma_start3A_672 : memref<80x128xf32, #tpu.memory_space<vmem>>) target(%dma_start3A_678 : memref<10000x128xf32, #tpu.memory_space<vmem_shared>>) offsets(%dma_start3A_675 : memref<80xi32, #tpu.memory_space<vmem>>) semaphore(%run_scoped3A_669 : memref<!tpu.dma_semaphore, #tpu.memory_space<semaphore_mem>>) {add = true}
      %dma_wait3A_679 = arith.constant 80 : i32
      %dma_wait3A_680 = arith.constant 0 : i32
      %dma_wait3A_681 = tpu.memref_slice %arg9[%dma_wait3A_679, %dma_wait3A_680] : memref<240x128xf32, #tpu.memory_space<vmem>> -> memref<80x128xf32, #tpu.memory_space<vmem>>
      %dma_wait3A_682 = arith.constant 0 : i32
      %dma_wait3A_683 = tpu.memref_slice %arg8[%run_scoped3A_219, %dma_wait3A_682] : memref<25x80xi32, #tpu.memory_space<vmem>> -> memref<1x80xi32, #tpu.memory_space<vmem>>
      %dma_wait3A_684 = tpu.memref_squeeze %dma_wait3A_683 : memref<1x80xi32, #tpu.memory_space<vmem>> -> memref<80xi32, #tpu.memory_space<vmem>>
      %dma_wait3A_685 = arith.constant 0 : i32
      %dma_wait3A_686 = arith.constant 0 : i32
      %dma_wait3A_687 = tpu.memref_slice %arg10[%dma_wait3A_685, %dma_wait3A_686] : memref<10000x128xf32, #tpu.memory_space<vmem_shared>> -> memref<10000x128xf32, #tpu.memory_space<vmem_shared>>
      tpu.wait_indirect_dma semaphore(%run_scoped3A_669 : memref<!tpu.dma_semaphore, #tpu.memory_space<semaphore_mem>>) src(%dma_wait3A_681 : memref<80x128xf32, #tpu.memory_space<vmem>>) dst(%dma_wait3A_687 : memref<10000x128xf32, #tpu.memory_space<vmem_shared>>)
      tpu.yield
    }) : () -> ()
    %dma_start3A_220 = arith.constant 24 : i32
    %dma_start3A_221 = arith.constant 1 : i32
    %dma_start3A_222 = arith.constant 80 : i32
    %dma_start3A_223 = arith.constant 0 : i32
    %dma_start3A_224 = tpu.memref_slice %arg9[%dma_start3A_222, %dma_start3A_223] : memref<240x128xf32, #tpu.memory_space<vmem>> -> memref<80x128xf32, #tpu.memory_space<vmem>>
    %dma_start3A_225 = arith.constant 0 : i32
    %dma_start3A_226 = tpu.memref_slice %arg7[%dma_start3A_220, %dma_start3A_225] : memref<25x80xi32, #tpu.memory_space<vmem>> -> memref<1x80xi32, #tpu.memory_space<vmem>>
    %dma_start3A_227 = tpu.memref_squeeze %dma_start3A_226 : memref<1x80xi32, #tpu.memory_space<vmem>> -> memref<80xi32, #tpu.memory_space<vmem>>
    %dma_start3A_228 = arith.constant 0 : i32
    %dma_start3A_229 = arith.constant 0 : i32
    %dma_start3A_230 = tpu.memref_slice %arg2[%dma_start3A_228, %dma_start3A_229] : memref<10000x128xf32, #tpu.memory_space<hbm>> -> memref<10000x128xf32, #tpu.memory_space<hbm>>
    %dma_start3A_231 = tpu.memref_slice %arg11[%dma_start3A_221] : memref<3x!tpu.dma_semaphore, #tpu.memory_space<semaphore_mem>> -> memref<1x!tpu.dma_semaphore, #tpu.memory_space<semaphore_mem>>
    %dma_start3A_232 = tpu.memref_squeeze %dma_start3A_231 : memref<1x!tpu.dma_semaphore, #tpu.memory_space<semaphore_mem>> -> memref<!tpu.dma_semaphore, #tpu.memory_space<semaphore_mem>>
    tpu.enqueue_indirect_dma source(%dma_start3A_230 : memref<10000x128xf32, #tpu.memory_space<hbm>>) target(%dma_start3A_224 : memref<80x128xf32, #tpu.memory_space<vmem>>) offsets(%dma_start3A_227 : memref<80xi32, #tpu.memory_space<vmem>>) semaphore(%dma_start3A_232 : memref<!tpu.dma_semaphore, #tpu.memory_space<semaphore_mem>>)
    %dma_wait3A_233 = arith.constant 22 : i32
    %dma_wait3A_234 = arith.constant 2 : i32
    %dma_wait3A_235 = arith.constant 160 : i32
    %dma_wait3A_236 = arith.constant 0 : i32
    %dma_wait3A_237 = tpu.memref_slice %arg9[%dma_wait3A_235, %dma_wait3A_236] : memref<240x128xf32, #tpu.memory_space<vmem>> -> memref<80x128xf32, #tpu.memory_space<vmem>>
    %dma_wait3A_238 = arith.constant 0 : i32
    %dma_wait3A_239 = tpu.memref_slice %arg7[%dma_wait3A_233, %dma_wait3A_238] : memref<25x80xi32, #tpu.memory_space<vmem>> -> memref<1x80xi32, #tpu.memory_space<vmem>>
    %dma_wait3A_240 = tpu.memref_squeeze %dma_wait3A_239 : memref<1x80xi32, #tpu.memory_space<vmem>> -> memref<80xi32, #tpu.memory_space<vmem>>
    %dma_wait3A_241 = arith.constant 0 : i32
    %dma_wait3A_242 = arith.constant 0 : i32
    %dma_wait3A_243 = tpu.memref_slice %arg2[%dma_wait3A_241, %dma_wait3A_242] : memref<10000x128xf32, #tpu.memory_space<hbm>> -> memref<10000x128xf32, #tpu.memory_space<hbm>>
    %dma_wait3A_244 = tpu.memref_slice %arg11[%dma_wait3A_234] : memref<3x!tpu.dma_semaphore, #tpu.memory_space<semaphore_mem>> -> memref<1x!tpu.dma_semaphore, #tpu.memory_space<semaphore_mem>>
    %dma_wait3A_245 = tpu.memref_squeeze %dma_wait3A_244 : memref<1x!tpu.dma_semaphore, #tpu.memory_space<semaphore_mem>> -> memref<!tpu.dma_semaphore, #tpu.memory_space<semaphore_mem>>
    tpu.wait_indirect_dma semaphore(%dma_wait3A_245 : memref<!tpu.dma_semaphore, #tpu.memory_space<semaphore_mem>>) src(%dma_wait3A_243 : memref<10000x128xf32, #tpu.memory_space<hbm>>) dst(%dma_wait3A_237 : memref<80x128xf32, #tpu.memory_space<vmem>>)
    %run_scoped3A_246 = arith.constant 22 : i32
    "tpu.region"() ({
      %run_scoped3A_669 = tpu.sem_alloc : memref<!tpu.dma_semaphore, #tpu.memory_space<semaphore_mem>>
      %dma_start3A_670 = arith.constant 160 : i32
      %dma_start3A_671 = arith.constant 0 : i32
      %dma_start3A_672 = tpu.memref_slice %arg9[%dma_start3A_670, %dma_start3A_671] : memref<240x128xf32, #tpu.memory_space<vmem>> -> memref<80x128xf32, #tpu.memory_space<vmem>>
      %dma_start3A_673 = arith.constant 0 : i32
      %dma_start3A_674 = tpu.memref_slice %arg8[%run_scoped3A_246, %dma_start3A_673] : memref<25x80xi32, #tpu.memory_space<vmem>> -> memref<1x80xi32, #tpu.memory_space<vmem>>
      %dma_start3A_675 = tpu.memref_squeeze %dma_start3A_674 : memref<1x80xi32, #tpu.memory_space<vmem>> -> memref<80xi32, #tpu.memory_space<vmem>>
      %dma_start3A_676 = arith.constant 0 : i32
      %dma_start3A_677 = arith.constant 0 : i32
      %dma_start3A_678 = tpu.memref_slice %arg10[%dma_start3A_676, %dma_start3A_677] : memref<10000x128xf32, #tpu.memory_space<vmem_shared>> -> memref<10000x128xf32, #tpu.memory_space<vmem_shared>>
      tpu.enqueue_indirect_dma source(%dma_start3A_672 : memref<80x128xf32, #tpu.memory_space<vmem>>) target(%dma_start3A_678 : memref<10000x128xf32, #tpu.memory_space<vmem_shared>>) offsets(%dma_start3A_675 : memref<80xi32, #tpu.memory_space<vmem>>) semaphore(%run_scoped3A_669 : memref<!tpu.dma_semaphore, #tpu.memory_space<semaphore_mem>>) {add = true}
      %dma_wait3A_679 = arith.constant 160 : i32
      %dma_wait3A_680 = arith.constant 0 : i32
      %dma_wait3A_681 = tpu.memref_slice %arg9[%dma_wait3A_679, %dma_wait3A_680] : memref<240x128xf32, #tpu.memory_space<vmem>> -> memref<80x128xf32, #tpu.memory_space<vmem>>
      %dma_wait3A_682 = arith.constant 0 : i32
      %dma_wait3A_683 = tpu.memref_slice %arg8[%run_scoped3A_246, %dma_wait3A_682] : memref<25x80xi32, #tpu.memory_space<vmem>> -> memref<1x80xi32, #tpu.memory_space<vmem>>
      %dma_wait3A_684 = tpu.memref_squeeze %dma_wait3A_683 : memref<1x80xi32, #tpu.memory_space<vmem>> -> memref<80xi32, #tpu.memory_space<vmem>>
      %dma_wait3A_685 = arith.constant 0 : i32
      %dma_wait3A_686 = arith.constant 0 : i32
      %dma_wait3A_687 = tpu.memref_slice %arg10[%dma_wait3A_685, %dma_wait3A_686] : memref<10000x128xf32, #tpu.memory_space<vmem_shared>> -> memref<10000x128xf32, #tpu.memory_space<vmem_shared>>
      tpu.wait_indirect_dma semaphore(%run_scoped3A_669 : memref<!tpu.dma_semaphore, #tpu.memory_space<semaphore_mem>>) src(%dma_wait3A_681 : memref<80x128xf32, #tpu.memory_space<vmem>>) dst(%dma_wait3A_687 : memref<10000x128xf32, #tpu.memory_space<vmem_shared>>)
      tpu.yield
    }) : () -> ()
    %dma_start3A_247 = arith.constant 0 : i32
    %dma_start3A_248 = arith.constant 2 : i32
    %dma_start3A_249 = arith.constant 160 : i32
    %dma_start3A_250 = arith.constant 0 : i32
    %dma_start3A_251 = tpu.memref_slice %arg9[%dma_start3A_249, %dma_start3A_250] : memref<240x128xf32, #tpu.memory_space<vmem>> -> memref<80x128xf32, #tpu.memory_space<vmem>>
    %dma_start3A_252 = arith.constant 0 : i32
    %dma_start3A_253 = tpu.memref_slice %arg6[%dma_start3A_247, %dma_start3A_252] : memref<25x80xi32, #tpu.memory_space<vmem>> -> memref<1x80xi32, #tpu.memory_space<vmem>>
    %dma_start3A_254 = tpu.memref_squeeze %dma_start3A_253 : memref<1x80xi32, #tpu.memory_space<vmem>> -> memref<80xi32, #tpu.memory_space<vmem>>
    %dma_start3A_255 = arith.constant 0 : i32
    %dma_start3A_256 = arith.constant 0 : i32
    %dma_start3A_257 = tpu.memref_slice %arg2[%dma_start3A_255, %dma_start3A_256] : memref<10000x128xf32, #tpu.memory_space<hbm>> -> memref<10000x128xf32, #tpu.memory_space<hbm>>
    %dma_start3A_258 = tpu.memref_slice %arg11[%dma_start3A_248] : memref<3x!tpu.dma_semaphore, #tpu.memory_space<semaphore_mem>> -> memref<1x!tpu.dma_semaphore, #tpu.memory_space<semaphore_mem>>
    %dma_start3A_259 = tpu.memref_squeeze %dma_start3A_258 : memref<1x!tpu.dma_semaphore, #tpu.memory_space<semaphore_mem>> -> memref<!tpu.dma_semaphore, #tpu.memory_space<semaphore_mem>>
    tpu.enqueue_indirect_dma source(%dma_start3A_257 : memref<10000x128xf32, #tpu.memory_space<hbm>>) target(%dma_start3A_251 : memref<80x128xf32, #tpu.memory_space<vmem>>) offsets(%dma_start3A_254 : memref<80xi32, #tpu.memory_space<vmem>>) semaphore(%dma_start3A_259 : memref<!tpu.dma_semaphore, #tpu.memory_space<semaphore_mem>>)
    %dma_wait3A_260 = arith.constant 23 : i32
    %dma_wait3A_261 = arith.constant 0 : i32
    %dma_wait3A_262 = arith.constant 0 : i32
    %dma_wait3A_263 = arith.constant 0 : i32
    %dma_wait3A_264 = tpu.memref_slice %arg9[%dma_wait3A_262, %dma_wait3A_263] : memref<240x128xf32, #tpu.memory_space<vmem>> -> memref<80x128xf32, #tpu.memory_space<vmem>>
    %dma_wait3A_265 = arith.constant 0 : i32
    %dma_wait3A_266 = tpu.memref_slice %arg7[%dma_wait3A_260, %dma_wait3A_265] : memref<25x80xi32, #tpu.memory_space<vmem>> -> memref<1x80xi32, #tpu.memory_space<vmem>>
    %dma_wait3A_267 = tpu.memref_squeeze %dma_wait3A_266 : memref<1x80xi32, #tpu.memory_space<vmem>> -> memref<80xi32, #tpu.memory_space<vmem>>
    %dma_wait3A_268 = arith.constant 0 : i32
    %dma_wait3A_269 = arith.constant 0 : i32
    %dma_wait3A_270 = tpu.memref_slice %arg2[%dma_wait3A_268, %dma_wait3A_269] : memref<10000x128xf32, #tpu.memory_space<hbm>> -> memref<10000x128xf32, #tpu.memory_space<hbm>>
    %dma_wait3A_271 = tpu.memref_slice %arg11[%dma_wait3A_261] : memref<3x!tpu.dma_semaphore, #tpu.memory_space<semaphore_mem>> -> memref<1x!tpu.dma_semaphore, #tpu.memory_space<semaphore_mem>>
    %dma_wait3A_272 = tpu.memref_squeeze %dma_wait3A_271 : memref<1x!tpu.dma_semaphore, #tpu.memory_space<semaphore_mem>> -> memref<!tpu.dma_semaphore, #tpu.memory_space<semaphore_mem>>
    tpu.wait_indirect_dma semaphore(%dma_wait3A_272 : memref<!tpu.dma_semaphore, #tpu.memory_space<semaphore_mem>>) src(%dma_wait3A_270 : memref<10000x128xf32, #tpu.memory_space<hbm>>) dst(%dma_wait3A_264 : memref<80x128xf32, #tpu.memory_space<vmem>>)
    %run_scoped3A_273 = arith.constant 23 : i32
    "tpu.region"() ({
      %run_scoped3A_669 = tpu.sem_alloc : memref<!tpu.dma_semaphore, #tpu.memory_space<semaphore_mem>>
      %dma_start3A_670 = arith.constant 0 : i32
      %dma_start3A_671 = arith.constant 0 : i32
      %dma_start3A_672 = tpu.memref_slice %arg9[%dma_start3A_670, %dma_start3A_671] : memref<240x128xf32, #tpu.memory_space<vmem>> -> memref<80x128xf32, #tpu.memory_space<vmem>>
      %dma_start3A_673 = arith.constant 0 : i32
      %dma_start3A_674 = tpu.memref_slice %arg8[%run_scoped3A_273, %dma_start3A_673] : memref<25x80xi32, #tpu.memory_space<vmem>> -> memref<1x80xi32, #tpu.memory_space<vmem>>
      %dma_start3A_675 = tpu.memref_squeeze %dma_start3A_674 : memref<1x80xi32, #tpu.memory_space<vmem>> -> memref<80xi32, #tpu.memory_space<vmem>>
      %dma_start3A_676 = arith.constant 0 : i32
      %dma_start3A_677 = arith.constant 0 : i32
      %dma_start3A_678 = tpu.memref_slice %arg10[%dma_start3A_676, %dma_start3A_677] : memref<10000x128xf32, #tpu.memory_space<vmem_shared>> -> memref<10000x128xf32, #tpu.memory_space<vmem_shared>>
      tpu.enqueue_indirect_dma source(%dma_start3A_672 : memref<80x128xf32, #tpu.memory_space<vmem>>) target(%dma_start3A_678 : memref<10000x128xf32, #tpu.memory_space<vmem_shared>>) offsets(%dma_start3A_675 : memref<80xi32, #tpu.memory_space<vmem>>) semaphore(%run_scoped3A_669 : memref<!tpu.dma_semaphore, #tpu.memory_space<semaphore_mem>>) {add = true}
      %dma_wait3A_679 = arith.constant 0 : i32
      %dma_wait3A_680 = arith.constant 0 : i32
      %dma_wait3A_681 = tpu.memref_slice %arg9[%dma_wait3A_679, %dma_wait3A_680] : memref<240x128xf32, #tpu.memory_space<vmem>> -> memref<80x128xf32, #tpu.memory_space<vmem>>
      %dma_wait3A_682 = arith.constant 0 : i32
      %dma_wait3A_683 = tpu.memref_slice %arg8[%run_scoped3A_273, %dma_wait3A_682] : memref<25x80xi32, #tpu.memory_space<vmem>> -> memref<1x80xi32, #tpu.memory_space<vmem>>
      %dma_wait3A_684 = tpu.memref_squeeze %dma_wait3A_683 : memref<1x80xi32, #tpu.memory_space<vmem>> -> memref<80xi32, #tpu.memory_space<vmem>>
      %dma_wait3A_685 = arith.constant 0 : i32
      %dma_wait3A_686 = arith.constant 0 : i32
      %dma_wait3A_687 = tpu.memref_slice %arg10[%dma_wait3A_685, %dma_wait3A_686] : memref<10000x128xf32, #tpu.memory_space<vmem_shared>> -> memref<10000x128xf32, #tpu.memory_space<vmem_shared>>
      tpu.wait_indirect_dma semaphore(%run_scoped3A_669 : memref<!tpu.dma_semaphore, #tpu.memory_space<semaphore_mem>>) src(%dma_wait3A_681 : memref<80x128xf32, #tpu.memory_space<vmem>>) dst(%dma_wait3A_687 : memref<10000x128xf32, #tpu.memory_space<vmem_shared>>)
      tpu.yield
    }) : () -> ()
    %dma_start3A_274 = arith.constant 1 : i32
    %dma_start3A_275 = arith.constant 0 : i32
    %dma_start3A_276 = arith.constant 0 : i32
    %dma_start3A_277 = arith.constant 0 : i32
    %dma_start3A_278 = tpu.memref_slice %arg9[%dma_start3A_276, %dma_start3A_277] : memref<240x128xf32, #tpu.memory_space<vmem>> -> memref<80x128xf32, #tpu.memory_space<vmem>>
    %dma_start3A_279 = arith.constant 0 : i32
    %dma_start3A_280 = tpu.memref_slice %arg6[%dma_start3A_274, %dma_start3A_279] : memref<25x80xi32, #tpu.memory_space<vmem>> -> memref<1x80xi32, #tpu.memory_space<vmem>>
    %dma_start3A_281 = tpu.memref_squeeze %dma_start3A_280 : memref<1x80xi32, #tpu.memory_space<vmem>> -> memref<80xi32, #tpu.memory_space<vmem>>
    %dma_start3A_282 = arith.constant 0 : i32
    %dma_start3A_283 = arith.constant 0 : i32
    %dma_start3A_284 = tpu.memref_slice %arg2[%dma_start3A_282, %dma_start3A_283] : memref<10000x128xf32, #tpu.memory_space<hbm>> -> memref<10000x128xf32, #tpu.memory_space<hbm>>
    %dma_start3A_285 = tpu.memref_slice %arg11[%dma_start3A_275] : memref<3x!tpu.dma_semaphore, #tpu.memory_space<semaphore_mem>> -> memref<1x!tpu.dma_semaphore, #tpu.memory_space<semaphore_mem>>
    %dma_start3A_286 = tpu.memref_squeeze %dma_start3A_285 : memref<1x!tpu.dma_semaphore, #tpu.memory_space<semaphore_mem>> -> memref<!tpu.dma_semaphore, #tpu.memory_space<semaphore_mem>>
    tpu.enqueue_indirect_dma source(%dma_start3A_284 : memref<10000x128xf32, #tpu.memory_space<hbm>>) target(%dma_start3A_278 : memref<80x128xf32, #tpu.memory_space<vmem>>) offsets(%dma_start3A_281 : memref<80xi32, #tpu.memory_space<vmem>>) semaphore(%dma_start3A_286 : memref<!tpu.dma_semaphore, #tpu.memory_space<semaphore_mem>>)
    %dma_wait3A_287 = arith.constant 24 : i32
    %dma_wait3A_288 = arith.constant 1 : i32
    %dma_wait3A_289 = arith.constant 80 : i32
    %dma_wait3A_290 = arith.constant 0 : i32
    %dma_wait3A_291 = tpu.memref_slice %arg9[%dma_wait3A_289, %dma_wait3A_290] : memref<240x128xf32, #tpu.memory_space<vmem>> -> memref<80x128xf32, #tpu.memory_space<vmem>>
    %dma_wait3A_292 = arith.constant 0 : i32
    %dma_wait3A_293 = tpu.memref_slice %arg7[%dma_wait3A_287, %dma_wait3A_292] : memref<25x80xi32, #tpu.memory_space<vmem>> -> memref<1x80xi32, #tpu.memory_space<vmem>>
    %dma_wait3A_294 = tpu.memref_squeeze %dma_wait3A_293 : memref<1x80xi32, #tpu.memory_space<vmem>> -> memref<80xi32, #tpu.memory_space<vmem>>
    %dma_wait3A_295 = arith.constant 0 : i32
    %dma_wait3A_296 = arith.constant 0 : i32
    %dma_wait3A_297 = tpu.memref_slice %arg2[%dma_wait3A_295, %dma_wait3A_296] : memref<10000x128xf32, #tpu.memory_space<hbm>> -> memref<10000x128xf32, #tpu.memory_space<hbm>>
    %dma_wait3A_298 = tpu.memref_slice %arg11[%dma_wait3A_288] : memref<3x!tpu.dma_semaphore, #tpu.memory_space<semaphore_mem>> -> memref<1x!tpu.dma_semaphore, #tpu.memory_space<semaphore_mem>>
    %dma_wait3A_299 = tpu.memref_squeeze %dma_wait3A_298 : memref<1x!tpu.dma_semaphore, #tpu.memory_space<semaphore_mem>> -> memref<!tpu.dma_semaphore, #tpu.memory_space<semaphore_mem>>
    tpu.wait_indirect_dma semaphore(%dma_wait3A_299 : memref<!tpu.dma_semaphore, #tpu.memory_space<semaphore_mem>>) src(%dma_wait3A_297 : memref<10000x128xf32, #tpu.memory_space<hbm>>) dst(%dma_wait3A_291 : memref<80x128xf32, #tpu.memory_space<vmem>>)
    %run_scoped3A_300 = arith.constant 24 : i32
    "tpu.region"() ({
      %run_scoped3A_669 = tpu.sem_alloc : memref<!tpu.dma_semaphore, #tpu.memory_space<semaphore_mem>>
      %dma_start3A_670 = arith.constant 80 : i32
      %dma_start3A_671 = arith.constant 0 : i32
      %dma_start3A_672 = tpu.memref_slice %arg9[%dma_start3A_670, %dma_start3A_671] : memref<240x128xf32, #tpu.memory_space<vmem>> -> memref<80x128xf32, #tpu.memory_space<vmem>>
      %dma_start3A_673 = arith.constant 0 : i32
      %dma_start3A_674 = tpu.memref_slice %arg8[%run_scoped3A_300, %dma_start3A_673] : memref<25x80xi32, #tpu.memory_space<vmem>> -> memref<1x80xi32, #tpu.memory_space<vmem>>
      %dma_start3A_675 = tpu.memref_squeeze %dma_start3A_674 : memref<1x80xi32, #tpu.memory_space<vmem>> -> memref<80xi32, #tpu.memory_space<vmem>>
      %dma_start3A_676 = arith.constant 0 : i32
      %dma_start3A_677 = arith.constant 0 : i32
      %dma_start3A_678 = tpu.memref_slice %arg10[%dma_start3A_676, %dma_start3A_677] : memref<10000x128xf32, #tpu.memory_space<vmem_shared>> -> memref<10000x128xf32, #tpu.memory_space<vmem_shared>>
      tpu.enqueue_indirect_dma source(%dma_start3A_672 : memref<80x128xf32, #tpu.memory_space<vmem>>) target(%dma_start3A_678 : memref<10000x128xf32, #tpu.memory_space<vmem_shared>>) offsets(%dma_start3A_675 : memref<80xi32, #tpu.memory_space<vmem>>) semaphore(%run_scoped3A_669 : memref<!tpu.dma_semaphore, #tpu.memory_space<semaphore_mem>>) {add = true}
      %dma_wait3A_679 = arith.constant 80 : i32
      %dma_wait3A_680 = arith.constant 0 : i32
      %dma_wait3A_681 = tpu.memref_slice %arg9[%dma_wait3A_679, %dma_wait3A_680] : memref<240x128xf32, #tpu.memory_space<vmem>> -> memref<80x128xf32, #tpu.memory_space<vmem>>
      %dma_wait3A_682 = arith.constant 0 : i32
      %dma_wait3A_683 = tpu.memref_slice %arg8[%run_scoped3A_300, %dma_wait3A_682] : memref<25x80xi32, #tpu.memory_space<vmem>> -> memref<1x80xi32, #tpu.memory_space<vmem>>
      %dma_wait3A_684 = tpu.memref_squeeze %dma_wait3A_683 : memref<1x80xi32, #tpu.memory_space<vmem>> -> memref<80xi32, #tpu.memory_space<vmem>>
      %dma_wait3A_685 = arith.constant 0 : i32
      %dma_wait3A_686 = arith.constant 0 : i32
      %dma_wait3A_687 = tpu.memref_slice %arg10[%dma_wait3A_685, %dma_wait3A_686] : memref<10000x128xf32, #tpu.memory_space<vmem_shared>> -> memref<10000x128xf32, #tpu.memory_space<vmem_shared>>
      tpu.wait_indirect_dma semaphore(%run_scoped3A_669 : memref<!tpu.dma_semaphore, #tpu.memory_space<semaphore_mem>>) src(%dma_wait3A_681 : memref<80x128xf32, #tpu.memory_space<vmem>>) dst(%dma_wait3A_687 : memref<10000x128xf32, #tpu.memory_space<vmem_shared>>)
      tpu.yield
    }) : () -> ()
    %dma_start3A_301 = arith.constant 2 : i32
    %dma_start3A_302 = arith.constant 1 : i32
    %dma_start3A_303 = arith.constant 80 : i32
    %dma_start3A_304 = arith.constant 0 : i32
    %dma_start3A_305 = tpu.memref_slice %arg9[%dma_start3A_303, %dma_start3A_304] : memref<240x128xf32, #tpu.memory_space<vmem>> -> memref<80x128xf32, #tpu.memory_space<vmem>>
    %dma_start3A_306 = arith.constant 0 : i32
    %dma_start3A_307 = tpu.memref_slice %arg6[%dma_start3A_301, %dma_start3A_306] : memref<25x80xi32, #tpu.memory_space<vmem>> -> memref<1x80xi32, #tpu.memory_space<vmem>>
    %dma_start3A_308 = tpu.memref_squeeze %dma_start3A_307 : memref<1x80xi32, #tpu.memory_space<vmem>> -> memref<80xi32, #tpu.memory_space<vmem>>
    %dma_start3A_309 = arith.constant 0 : i32
    %dma_start3A_310 = arith.constant 0 : i32
    %dma_start3A_311 = tpu.memref_slice %arg2[%dma_start3A_309, %dma_start3A_310] : memref<10000x128xf32, #tpu.memory_space<hbm>> -> memref<10000x128xf32, #tpu.memory_space<hbm>>
    %dma_start3A_312 = tpu.memref_slice %arg11[%dma_start3A_302] : memref<3x!tpu.dma_semaphore, #tpu.memory_space<semaphore_mem>> -> memref<1x!tpu.dma_semaphore, #tpu.memory_space<semaphore_mem>>
    %dma_start3A_313 = tpu.memref_squeeze %dma_start3A_312 : memref<1x!tpu.dma_semaphore, #tpu.memory_space<semaphore_mem>> -> memref<!tpu.dma_semaphore, #tpu.memory_space<semaphore_mem>>
    tpu.enqueue_indirect_dma source(%dma_start3A_311 : memref<10000x128xf32, #tpu.memory_space<hbm>>) target(%dma_start3A_305 : memref<80x128xf32, #tpu.memory_space<vmem>>) offsets(%dma_start3A_308 : memref<80xi32, #tpu.memory_space<vmem>>) semaphore(%dma_start3A_313 : memref<!tpu.dma_semaphore, #tpu.memory_space<semaphore_mem>>)
    %dma_start3A_314 = arith.constant 0 : i32
    %dma_start3A_315 = arith.constant 3 : i32
    %dma_start3A_316 = arith.constant 0 : i32
    %dma_start3A_317 = arith.constant 0 : i32
    %dma_start3A_318 = tpu.memref_slice %arg3[%dma_start3A_314, %add3A, %dma_start3A_315, %dma_start3A_316, %dma_start3A_317] : memref<2x32x5x25x80xi32, #tpu.memory_space<hbm>> -> memref<1x1x1x25x80xi32, #tpu.memory_space<hbm>>
    %dma_start3A_319 = tpu.memref_squeeze %dma_start3A_318 : memref<1x1x1x25x80xi32, #tpu.memory_space<hbm>> -> memref<25x80xi32, #tpu.memory_space<hbm>>
    %dma_start3A_320 = arith.constant 0 : i32
    %dma_start3A_321 = arith.constant 0 : i32
    %dma_start3A_322 = tpu.memref_slice %arg3[%dma_start3A_314, %add3A, %dma_start3A_315, %dma_start3A_320, %dma_start3A_321] : memref<2x32x5x25x80xi32, #tpu.memory_space<hbm>> -> memref<1x1x1x25x80xi32, #tpu.memory_space<hbm>>
    %dma_start3A_323 = tpu.memref_squeeze %dma_start3A_322 : memref<1x1x1x25x80xi32, #tpu.memory_space<hbm>> -> memref<25x80xi32, #tpu.memory_space<hbm>>
    tpu.enqueue_dma source(%dma_start3A_323 : memref<25x80xi32, #tpu.memory_space<hbm>>) target(%arg7 : memref<25x80xi32, #tpu.memory_space<vmem>>) target_semaphore(%arg12 : memref<!tpu.dma_semaphore, #tpu.memory_space<semaphore_mem>>)
    %run_scoped3A_324 = arith.constant 1 : i32
    %run_scoped3A_325 = arith.constant 2 : i32
    "tpu.region"() ({
      %run_scoped3A_669 = tpu.sem_alloc : memref<!tpu.dma_semaphore, #tpu.memory_space<semaphore_mem>>
      %dma_start3A_670 = arith.constant 0 : i32
      %dma_start3A_671 = arith.constant 0 : i32
      %dma_start3A_672 = tpu.memref_slice %arg3[%run_scoped3A_324, %add3A, %run_scoped3A_325, %dma_start3A_670, %dma_start3A_671] : memref<2x32x5x25x80xi32, #tpu.memory_space<hbm>> -> memref<1x1x1x25x80xi32, #tpu.memory_space<hbm>>
      %dma_start3A_673 = tpu.memref_squeeze %dma_start3A_672 : memref<1x1x1x25x80xi32, #tpu.memory_space<hbm>> -> memref<25x80xi32, #tpu.memory_space<hbm>>
      %dma_start3A_674 = arith.constant 0 : i32
      %dma_start3A_675 = arith.constant 0 : i32
      %dma_start3A_676 = tpu.memref_slice %arg3[%run_scoped3A_324, %add3A, %run_scoped3A_325, %dma_start3A_674, %dma_start3A_675] : memref<2x32x5x25x80xi32, #tpu.memory_space<hbm>> -> memref<1x1x1x25x80xi32, #tpu.memory_space<hbm>>
      %dma_start3A_677 = tpu.memref_squeeze %dma_start3A_676 : memref<1x1x1x25x80xi32, #tpu.memory_space<hbm>> -> memref<25x80xi32, #tpu.memory_space<hbm>>
      tpu.enqueue_dma source(%dma_start3A_677 : memref<25x80xi32, #tpu.memory_space<hbm>>) target(%arg8 : memref<25x80xi32, #tpu.memory_space<vmem>>) target_semaphore(%run_scoped3A_669 : memref<!tpu.dma_semaphore, #tpu.memory_space<semaphore_mem>>)
      %dma_wait3A_678 = arith.constant 0 : i32
      %dma_wait3A_679 = arith.constant 0 : i32
      %dma_wait3A_680 = tpu.memref_slice %arg3[%run_scoped3A_324, %add3A, %run_scoped3A_325, %dma_wait3A_678, %dma_wait3A_679] : memref<2x32x5x25x80xi32, #tpu.memory_space<hbm>> -> memref<1x1x1x25x80xi32, #tpu.memory_space<hbm>>
      %dma_wait3A_681 = tpu.memref_squeeze %dma_wait3A_680 : memref<1x1x1x25x80xi32, #tpu.memory_space<hbm>> -> memref<25x80xi32, #tpu.memory_space<hbm>>
      %dma_wait3A_682 = arith.constant 0 : i32
      %dma_wait3A_683 = arith.constant 0 : i32
      %dma_wait3A_684 = tpu.memref_slice %arg3[%run_scoped3A_324, %add3A, %run_scoped3A_325, %dma_wait3A_682, %dma_wait3A_683] : memref<2x32x5x25x80xi32, #tpu.memory_space<hbm>> -> memref<1x1x1x25x80xi32, #tpu.memory_space<hbm>>
      %dma_wait3A_685 = tpu.memref_squeeze %dma_wait3A_684 : memref<1x1x1x25x80xi32, #tpu.memory_space<hbm>> -> memref<25x80xi32, #tpu.memory_space<hbm>>
      tpu.wait_dma2 semaphore(%run_scoped3A_669 : memref<!tpu.dma_semaphore, #tpu.memory_space<semaphore_mem>>) src(%dma_wait3A_685 : memref<25x80xi32, #tpu.memory_space<hbm>>) dst(%arg8 : memref<25x80xi32, #tpu.memory_space<vmem>>)
      tpu.yield
    }) : () -> ()
    %scan3A_326 = arith.constant 0 : i32
    %scan3A_327 = arith.constant 0 : i32
    %scan3A_328 = arith.constant 7 : i32
    %scan3A_329 = arith.addi %scan3A_327, %scan3A_328 : i32
    %scan3A_330 = arith.constant 1 : i32
    %scan3A_331 = scf.for %scan3A_669 = %scan3A_327 to %scan3A_329 step %scan3A_330 iter_args(%scan3A_670 = %scan3A_326) -> (i32)  : i32 {
      %mul3A_671 = arith.constant 3 : i32
      %mul3A_672 = arith.muli %scan3A_669, %mul3A_671 : i32
      %add3A_673 = arith.constant 0 : i32
      %add3A_674 = arith.addi %mul3A_672, %add3A_673 : i32
      %dma_wait3A_675 = arith.constant 2 : i32
      %dma_wait3A_676 = arith.constant 160 : i32
      %dma_wait3A_677 = arith.constant 0 : i32
      %dma_wait3A_678 = tpu.memref_slice %arg9[%dma_wait3A_676, %dma_wait3A_677] : memref<240x128xf32, #tpu.memory_space<vmem>> -> memref<80x128xf32, #tpu.memory_space<vmem>>
      %dma_wait3A_679 = arith.constant 0 : i32
      %dma_wait3A_680 = tpu.memref_slice %arg6[%add3A_674, %dma_wait3A_679] : memref<25x80xi32, #tpu.memory_space<vmem>> -> memref<1x80xi32, #tpu.memory_space<vmem>>
      %dma_wait3A_681 = tpu.memref_squeeze %dma_wait3A_680 : memref<1x80xi32, #tpu.memory_space<vmem>> -> memref<80xi32, #tpu.memory_space<vmem>>
      %dma_wait3A_682 = arith.constant 0 : i32
      %dma_wait3A_683 = arith.constant 0 : i32
      %dma_wait3A_684 = tpu.memref_slice %arg2[%dma_wait3A_682, %dma_wait3A_683] : memref<10000x128xf32, #tpu.memory_space<hbm>> -> memref<10000x128xf32, #tpu.memory_space<hbm>>
      %dma_wait3A_685 = tpu.memref_slice %arg11[%dma_wait3A_675] : memref<3x!tpu.dma_semaphore, #tpu.memory_space<semaphore_mem>> -> memref<1x!tpu.dma_semaphore, #tpu.memory_space<semaphore_mem>>
      %dma_wait3A_686 = tpu.memref_squeeze %dma_wait3A_685 : memref<1x!tpu.dma_semaphore, #tpu.memory_space<semaphore_mem>> -> memref<!tpu.dma_semaphore, #tpu.memory_space<semaphore_mem>>
      tpu.wait_indirect_dma semaphore(%dma_wait3A_686 : memref<!tpu.dma_semaphore, #tpu.memory_space<semaphore_mem>>) src(%dma_wait3A_684 : memref<10000x128xf32, #tpu.memory_space<hbm>>) dst(%dma_wait3A_678 : memref<80x128xf32, #tpu.memory_space<vmem>>)
      "tpu.region"() ({
        %run_scoped3A_762 = tpu.sem_alloc : memref<!tpu.dma_semaphore, #tpu.memory_space<semaphore_mem>>
        %dma_start3A_763 = arith.constant 160 : i32
        %dma_start3A_764 = arith.constant 0 : i32
        %dma_start3A_765 = tpu.memref_slice %arg9[%dma_start3A_763, %dma_start3A_764] : memref<240x128xf32, #tpu.memory_space<vmem>> -> memref<80x128xf32, #tpu.memory_space<vmem>>
        %dma_start3A_766 = arith.constant 0 : i32
        %dma_start3A_767 = tpu.memref_slice %arg8[%add3A_674, %dma_start3A_766] : memref<25x80xi32, #tpu.memory_space<vmem>> -> memref<1x80xi32, #tpu.memory_space<vmem>>
        %dma_start3A_768 = tpu.memref_squeeze %dma_start3A_767 : memref<1x80xi32, #tpu.memory_space<vmem>> -> memref<80xi32, #tpu.memory_space<vmem>>
        %dma_start3A_769 = arith.constant 0 : i32
        %dma_start3A_770 = arith.constant 0 : i32
        %dma_start3A_771 = tpu.memref_slice %arg10[%dma_start3A_769, %dma_start3A_770] : memref<10000x128xf32, #tpu.memory_space<vmem_shared>> -> memref<10000x128xf32, #tpu.memory_space<vmem_shared>>
        tpu.enqueue_indirect_dma source(%dma_start3A_765 : memref<80x128xf32, #tpu.memory_space<vmem>>) target(%dma_start3A_771 : memref<10000x128xf32, #tpu.memory_space<vmem_shared>>) offsets(%dma_start3A_768 : memref<80xi32, #tpu.memory_space<vmem>>) semaphore(%run_scoped3A_762 : memref<!tpu.dma_semaphore, #tpu.memory_space<semaphore_mem>>) {add = true}
        %dma_wait3A_772 = arith.constant 160 : i32
        %dma_wait3A_773 = arith.constant 0 : i32
        %dma_wait3A_774 = tpu.memref_slice %arg9[%dma_wait3A_772, %dma_wait3A_773] : memref<240x128xf32, #tpu.memory_space<vmem>> -> memref<80x128xf32, #tpu.memory_space<vmem>>
        %dma_wait3A_775 = arith.constant 0 : i32
        %dma_wait3A_776 = tpu.memref_slice %arg8[%add3A_674, %dma_wait3A_775] : memref<25x80xi32, #tpu.memory_space<vmem>> -> memref<1x80xi32, #tpu.memory_space<vmem>>
        %dma_wait3A_777 = tpu.memref_squeeze %dma_wait3A_776 : memref<1x80xi32, #tpu.memory_space<vmem>> -> memref<80xi32, #tpu.memory_space<vmem>>
        %dma_wait3A_778 = arith.constant 0 : i32
        %dma_wait3A_779 = arith.constant 0 : i32
        %dma_wait3A_780 = tpu.memref_slice %arg10[%dma_wait3A_778, %dma_wait3A_779] : memref<10000x128xf32, #tpu.memory_space<vmem_shared>> -> memref<10000x128xf32, #tpu.memory_space<vmem_shared>>
        tpu.wait_indirect_dma semaphore(%run_scoped3A_762 : memref<!tpu.dma_semaphore, #tpu.memory_space<semaphore_mem>>) src(%dma_wait3A_774 : memref<80x128xf32, #tpu.memory_space<vmem>>) dst(%dma_wait3A_780 : memref<10000x128xf32, #tpu.memory_space<vmem_shared>>)
        tpu.yield
      }) : () -> ()
      %add3A_687 = arith.constant 3 : i32
      %add3A_688 = arith.addi %add3A_674, %add3A_687 : i32
      %dma_start3A_689 = arith.constant 2 : i32
      %dma_start3A_690 = arith.constant 160 : i32
      %dma_start3A_691 = arith.constant 0 : i32
      %dma_start3A_692 = tpu.memref_slice %arg9[%dma_start3A_690, %dma_start3A_691] : memref<240x128xf32, #tpu.memory_space<vmem>> -> memref<80x128xf32, #tpu.memory_space<vmem>>
      %dma_start3A_693 = arith.constant 0 : i32
      %dma_start3A_694 = tpu.memref_slice %arg6[%add3A_688, %dma_start3A_693] : memref<25x80xi32, #tpu.memory_space<vmem>> -> memref<1x80xi32, #tpu.memory_space<vmem>>
      %dma_start3A_695 = tpu.memref_squeeze %dma_start3A_694 : memref<1x80xi32, #tpu.memory_space<vmem>> -> memref<80xi32, #tpu.memory_space<vmem>>
      %dma_start3A_696 = arith.constant 0 : i32
      %dma_start3A_697 = arith.constant 0 : i32
      %dma_start3A_698 = tpu.memref_slice %arg2[%dma_start3A_696, %dma_start3A_697] : memref<10000x128xf32, #tpu.memory_space<hbm>> -> memref<10000x128xf32, #tpu.memory_space<hbm>>
      %dma_start3A_699 = tpu.memref_slice %arg11[%dma_start3A_689] : memref<3x!tpu.dma_semaphore, #tpu.memory_space<semaphore_mem>> -> memref<1x!tpu.dma_semaphore, #tpu.memory_space<semaphore_mem>>
      %dma_start3A_700 = tpu.memref_squeeze %dma_start3A_699 : memref<1x!tpu.dma_semaphore, #tpu.memory_space<semaphore_mem>> -> memref<!tpu.dma_semaphore, #tpu.memory_space<semaphore_mem>>
      tpu.enqueue_indirect_dma source(%dma_start3A_698 : memref<10000x128xf32, #tpu.memory_space<hbm>>) target(%dma_start3A_692 : memref<80x128xf32, #tpu.memory_space<vmem>>) offsets(%dma_start3A_695 : memref<80xi32, #tpu.memory_space<vmem>>) semaphore(%dma_start3A_700 : memref<!tpu.dma_semaphore, #tpu.memory_space<semaphore_mem>>)
      %mul3A_701 = arith.constant 3 : i32
      %mul3A_702 = arith.muli %scan3A_669, %mul3A_701 : i32
      %add3A_703 = arith.constant 1 : i32
      %add3A_704 = arith.addi %mul3A_702, %add3A_703 : i32
      %dma_wait3A_705 = arith.constant 0 : i32
      %dma_wait3A_706 = arith.constant 0 : i32
      %dma_wait3A_707 = arith.constant 0 : i32
      %dma_wait3A_708 = tpu.memref_slice %arg9[%dma_wait3A_706, %dma_wait3A_707] : memref<240x128xf32, #tpu.memory_space<vmem>> -> memref<80x128xf32, #tpu.memory_space<vmem>>
      %dma_wait3A_709 = arith.constant 0 : i32
      %dma_wait3A_710 = tpu.memref_slice %arg6[%add3A_704, %dma_wait3A_709] : memref<25x80xi32, #tpu.memory_space<vmem>> -> memref<1x80xi32, #tpu.memory_space<vmem>>
      %dma_wait3A_711 = tpu.memref_squeeze %dma_wait3A_710 : memref<1x80xi32, #tpu.memory_space<vmem>> -> memref<80xi32, #tpu.memory_space<vmem>>
      %dma_wait3A_712 = arith.constant 0 : i32
      %dma_wait3A_713 = arith.constant 0 : i32
      %dma_wait3A_714 = tpu.memref_slice %arg2[%dma_wait3A_712, %dma_wait3A_713] : memref<10000x128xf32, #tpu.memory_space<hbm>> -> memref<10000x128xf32, #tpu.memory_space<hbm>>
      %dma_wait3A_715 = tpu.memref_slice %arg11[%dma_wait3A_705] : memref<3x!tpu.dma_semaphore, #tpu.memory_space<semaphore_mem>> -> memref<1x!tpu.dma_semaphore, #tpu.memory_space<semaphore_mem>>
      %dma_wait3A_716 = tpu.memref_squeeze %dma_wait3A_715 : memref<1x!tpu.dma_semaphore, #tpu.memory_space<semaphore_mem>> -> memref<!tpu.dma_semaphore, #tpu.memory_space<semaphore_mem>>
      tpu.wait_indirect_dma semaphore(%dma_wait3A_716 : memref<!tpu.dma_semaphore, #tpu.memory_space<semaphore_mem>>) src(%dma_wait3A_714 : memref<10000x128xf32, #tpu.memory_space<hbm>>) dst(%dma_wait3A_708 : memref<80x128xf32, #tpu.memory_space<vmem>>)
      "tpu.region"() ({
        %run_scoped3A_762 = tpu.sem_alloc : memref<!tpu.dma_semaphore, #tpu.memory_space<semaphore_mem>>
        %dma_start3A_763 = arith.constant 0 : i32
        %dma_start3A_764 = arith.constant 0 : i32
        %dma_start3A_765 = tpu.memref_slice %arg9[%dma_start3A_763, %dma_start3A_764] : memref<240x128xf32, #tpu.memory_space<vmem>> -> memref<80x128xf32, #tpu.memory_space<vmem>>
        %dma_start3A_766 = arith.constant 0 : i32
        %dma_start3A_767 = tpu.memref_slice %arg8[%add3A_704, %dma_start3A_766] : memref<25x80xi32, #tpu.memory_space<vmem>> -> memref<1x80xi32, #tpu.memory_space<vmem>>
        %dma_start3A_768 = tpu.memref_squeeze %dma_start3A_767 : memref<1x80xi32, #tpu.memory_space<vmem>> -> memref<80xi32, #tpu.memory_space<vmem>>
        %dma_start3A_769 = arith.constant 0 : i32
        %dma_start3A_770 = arith.constant 0 : i32
        %dma_start3A_771 = tpu.memref_slice %arg10[%dma_start3A_769, %dma_start3A_770] : memref<10000x128xf32, #tpu.memory_space<vmem_shared>> -> memref<10000x128xf32, #tpu.memory_space<vmem_shared>>
        tpu.enqueue_indirect_dma source(%dma_start3A_765 : memref<80x128xf32, #tpu.memory_space<vmem>>) target(%dma_start3A_771 : memref<10000x128xf32, #tpu.memory_space<vmem_shared>>) offsets(%dma_start3A_768 : memref<80xi32, #tpu.memory_space<vmem>>) semaphore(%run_scoped3A_762 : memref<!tpu.dma_semaphore, #tpu.memory_space<semaphore_mem>>) {add = true}
        %dma_wait3A_772 = arith.constant 0 : i32
        %dma_wait3A_773 = arith.constant 0 : i32
        %dma_wait3A_774 = tpu.memref_slice %arg9[%dma_wait3A_772, %dma_wait3A_773] : memref<240x128xf32, #tpu.memory_space<vmem>> -> memref<80x128xf32, #tpu.memory_space<vmem>>
        %dma_wait3A_775 = arith.constant 0 : i32
        %dma_wait3A_776 = tpu.memref_slice %arg8[%add3A_704, %dma_wait3A_775] : memref<25x80xi32, #tpu.memory_space<vmem>> -> memref<1x80xi32, #tpu.memory_space<vmem>>
        %dma_wait3A_777 = tpu.memref_squeeze %dma_wait3A_776 : memref<1x80xi32, #tpu.memory_space<vmem>> -> memref<80xi32, #tpu.memory_space<vmem>>
        %dma_wait3A_778 = arith.constant 0 : i32
        %dma_wait3A_779 = arith.constant 0 : i32
        %dma_wait3A_780 = tpu.memref_slice %arg10[%dma_wait3A_778, %dma_wait3A_779] : memref<10000x128xf32, #tpu.memory_space<vmem_shared>> -> memref<10000x128xf32, #tpu.memory_space<vmem_shared>>
        tpu.wait_indirect_dma semaphore(%run_scoped3A_762 : memref<!tpu.dma_semaphore, #tpu.memory_space<semaphore_mem>>) src(%dma_wait3A_774 : memref<80x128xf32, #tpu.memory_space<vmem>>) dst(%dma_wait3A_780 : memref<10000x128xf32, #tpu.memory_space<vmem_shared>>)
        tpu.yield
      }) : () -> ()
      %add3A_717 = arith.constant 3 : i32
      %add3A_718 = arith.addi %add3A_704, %add3A_717 : i32
      %dma_start3A_719 = arith.constant 0 : i32
      %dma_start3A_720 = arith.constant 0 : i32
      %dma_start3A_721 = arith.constant 0 : i32
      %dma_start3A_722 = tpu.memref_slice %arg9[%dma_start3A_720, %dma_start3A_721] : memref<240x128xf32, #tpu.memory_space<vmem>> -> memref<80x128xf32, #tpu.memory_space<vmem>>
      %dma_start3A_723 = arith.constant 0 : i32
      %dma_start3A_724 = tpu.memref_slice %arg6[%add3A_718, %dma_start3A_723] : memref<25x80xi32, #tpu.memory_space<vmem>> -> memref<1x80xi32, #tpu.memory_space<vmem>>
      %dma_start3A_725 = tpu.memref_squeeze %dma_start3A_724 : memref<1x80xi32, #tpu.memory_space<vmem>> -> memref<80xi32, #tpu.memory_space<vmem>>
      %dma_start3A_726 = arith.constant 0 : i32
      %dma_start3A_727 = arith.constant 0 : i32
      %dma_start3A_728 = tpu.memref_slice %arg2[%dma_start3A_726, %dma_start3A_727] : memref<10000x128xf32, #tpu.memory_space<hbm>> -> memref<10000x128xf32, #tpu.memory_space<hbm>>
      %dma_start3A_729 = tpu.memref_slice %arg11[%dma_start3A_719] : memref<3x!tpu.dma_semaphore, #tpu.memory_space<semaphore_mem>> -> memref<1x!tpu.dma_semaphore, #tpu.memory_space<semaphore_mem>>
      %dma_start3A_730 = tpu.memref_squeeze %dma_start3A_729 : memref<1x!tpu.dma_semaphore, #tpu.memory_space<semaphore_mem>> -> memref<!tpu.dma_semaphore, #tpu.memory_space<semaphore_mem>>
      tpu.enqueue_indirect_dma source(%dma_start3A_728 : memref<10000x128xf32, #tpu.memory_space<hbm>>) target(%dma_start3A_722 : memref<80x128xf32, #tpu.memory_space<vmem>>) offsets(%dma_start3A_725 : memref<80xi32, #tpu.memory_space<vmem>>) semaphore(%dma_start3A_730 : memref<!tpu.dma_semaphore, #tpu.memory_space<semaphore_mem>>)
      %mul3A_731 = arith.constant 3 : i32
      %mul3A_732 = arith.muli %scan3A_669, %mul3A_731 : i32
      %add3A_733 = arith.constant 2 : i32
      %add3A_734 = arith.addi %mul3A_732, %add3A_733 : i32
      %dma_wait3A_735 = arith.constant 1 : i32
      %dma_wait3A_736 = arith.constant 80 : i32
      %dma_wait3A_737 = arith.constant 0 : i32
      %dma_wait3A_738 = tpu.memref_slice %arg9[%dma_wait3A_736, %dma_wait3A_737] : memref<240x128xf32, #tpu.memory_space<vmem>> -> memref<80x128xf32, #tpu.memory_space<vmem>>
      %dma_wait3A_739 = arith.constant 0 : i32
      %dma_wait3A_740 = tpu.memref_slice %arg6[%add3A_734, %dma_wait3A_739] : memref<25x80xi32, #tpu.memory_space<vmem>> -> memref<1x80xi32, #tpu.memory_space<vmem>>
      %dma_wait3A_741 = tpu.memref_squeeze %dma_wait3A_740 : memref<1x80xi32, #tpu.memory_space<vmem>> -> memref<80xi32, #tpu.memory_space<vmem>>
      %dma_wait3A_742 = arith.constant 0 : i32
      %dma_wait3A_743 = arith.constant 0 : i32
      %dma_wait3A_744 = tpu.memref_slice %arg2[%dma_wait3A_742, %dma_wait3A_743] : memref<10000x128xf32, #tpu.memory_space<hbm>> -> memref<10000x128xf32, #tpu.memory_space<hbm>>
      %dma_wait3A_745 = tpu.memref_slice %arg11[%dma_wait3A_735] : memref<3x!tpu.dma_semaphore, #tpu.memory_space<semaphore_mem>> -> memref<1x!tpu.dma_semaphore, #tpu.memory_space<semaphore_mem>>
      %dma_wait3A_746 = tpu.memref_squeeze %dma_wait3A_745 : memref<1x!tpu.dma_semaphore, #tpu.memory_space<semaphore_mem>> -> memref<!tpu.dma_semaphore, #tpu.memory_space<semaphore_mem>>
      tpu.wait_indirect_dma semaphore(%dma_wait3A_746 : memref<!tpu.dma_semaphore, #tpu.memory_space<semaphore_mem>>) src(%dma_wait3A_744 : memref<10000x128xf32, #tpu.memory_space<hbm>>) dst(%dma_wait3A_738 : memref<80x128xf32, #tpu.memory_space<vmem>>)
      "tpu.region"() ({
        %run_scoped3A_762 = tpu.sem_alloc : memref<!tpu.dma_semaphore, #tpu.memory_space<semaphore_mem>>
        %dma_start3A_763 = arith.constant 80 : i32
        %dma_start3A_764 = arith.constant 0 : i32
        %dma_start3A_765 = tpu.memref_slice %arg9[%dma_start3A_763, %dma_start3A_764] : memref<240x128xf32, #tpu.memory_space<vmem>> -> memref<80x128xf32, #tpu.memory_space<vmem>>
        %dma_start3A_766 = arith.constant 0 : i32
        %dma_start3A_767 = tpu.memref_slice %arg8[%add3A_734, %dma_start3A_766] : memref<25x80xi32, #tpu.memory_space<vmem>> -> memref<1x80xi32, #tpu.memory_space<vmem>>
        %dma_start3A_768 = tpu.memref_squeeze %dma_start3A_767 : memref<1x80xi32, #tpu.memory_space<vmem>> -> memref<80xi32, #tpu.memory_space<vmem>>
        %dma_start3A_769 = arith.constant 0 : i32
        %dma_start3A_770 = arith.constant 0 : i32
        %dma_start3A_771 = tpu.memref_slice %arg10[%dma_start3A_769, %dma_start3A_770] : memref<10000x128xf32, #tpu.memory_space<vmem_shared>> -> memref<10000x128xf32, #tpu.memory_space<vmem_shared>>
        tpu.enqueue_indirect_dma source(%dma_start3A_765 : memref<80x128xf32, #tpu.memory_space<vmem>>) target(%dma_start3A_771 : memref<10000x128xf32, #tpu.memory_space<vmem_shared>>) offsets(%dma_start3A_768 : memref<80xi32, #tpu.memory_space<vmem>>) semaphore(%run_scoped3A_762 : memref<!tpu.dma_semaphore, #tpu.memory_space<semaphore_mem>>) {add = true}
        %dma_wait3A_772 = arith.constant 80 : i32
        %dma_wait3A_773 = arith.constant 0 : i32
        %dma_wait3A_774 = tpu.memref_slice %arg9[%dma_wait3A_772, %dma_wait3A_773] : memref<240x128xf32, #tpu.memory_space<vmem>> -> memref<80x128xf32, #tpu.memory_space<vmem>>
        %dma_wait3A_775 = arith.constant 0 : i32
        %dma_wait3A_776 = tpu.memref_slice %arg8[%add3A_734, %dma_wait3A_775] : memref<25x80xi32, #tpu.memory_space<vmem>> -> memref<1x80xi32, #tpu.memory_space<vmem>>
        %dma_wait3A_777 = tpu.memref_squeeze %dma_wait3A_776 : memref<1x80xi32, #tpu.memory_space<vmem>> -> memref<80xi32, #tpu.memory_space<vmem>>
        %dma_wait3A_778 = arith.constant 0 : i32
        %dma_wait3A_779 = arith.constant 0 : i32
        %dma_wait3A_780 = tpu.memref_slice %arg10[%dma_wait3A_778, %dma_wait3A_779] : memref<10000x128xf32, #tpu.memory_space<vmem_shared>> -> memref<10000x128xf32, #tpu.memory_space<vmem_shared>>
        tpu.wait_indirect_dma semaphore(%run_scoped3A_762 : memref<!tpu.dma_semaphore, #tpu.memory_space<semaphore_mem>>) src(%dma_wait3A_774 : memref<80x128xf32, #tpu.memory_space<vmem>>) dst(%dma_wait3A_780 : memref<10000x128xf32, #tpu.memory_space<vmem_shared>>)
        tpu.yield
      }) : () -> ()
      %add3A_747 = arith.constant 3 : i32
      %add3A_748 = arith.addi %add3A_734, %add3A_747 : i32
      %dma_start3A_749 = arith.constant 1 : i32
      %dma_start3A_750 = arith.constant 80 : i32
      %dma_start3A_751 = arith.constant 0 : i32
      %dma_start3A_752 = tpu.memref_slice %arg9[%dma_start3A_750, %dma_start3A_751] : memref<240x128xf32, #tpu.memory_space<vmem>> -> memref<80x128xf32, #tpu.memory_space<vmem>>
      %dma_start3A_753 = arith.constant 0 : i32
      %dma_start3A_754 = tpu.memref_slice %arg6[%add3A_748, %dma_start3A_753] : memref<25x80xi32, #tpu.memory_space<vmem>> -> memref<1x80xi32, #tpu.memory_space<vmem>>
      %dma_start3A_755 = tpu.memref_squeeze %dma_start3A_754 : memref<1x80xi32, #tpu.memory_space<vmem>> -> memref<80xi32, #tpu.memory_space<vmem>>
      %dma_start3A_756 = arith.constant 0 : i32
      %dma_start3A_757 = arith.constant 0 : i32
      %dma_start3A_758 = tpu.memref_slice %arg2[%dma_start3A_756, %dma_start3A_757] : memref<10000x128xf32, #tpu.memory_space<hbm>> -> memref<10000x128xf32, #tpu.memory_space<hbm>>
      %dma_start3A_759 = tpu.memref_slice %arg11[%dma_start3A_749] : memref<3x!tpu.dma_semaphore, #tpu.memory_space<semaphore_mem>> -> memref<1x!tpu.dma_semaphore, #tpu.memory_space<semaphore_mem>>
      %dma_start3A_760 = tpu.memref_squeeze %dma_start3A_759 : memref<1x!tpu.dma_semaphore, #tpu.memory_space<semaphore_mem>> -> memref<!tpu.dma_semaphore, #tpu.memory_space<semaphore_mem>>
      tpu.enqueue_indirect_dma source(%dma_start3A_758 : memref<10000x128xf32, #tpu.memory_space<hbm>>) target(%dma_start3A_752 : memref<80x128xf32, #tpu.memory_space<vmem>>) offsets(%dma_start3A_755 : memref<80xi32, #tpu.memory_space<vmem>>) semaphore(%dma_start3A_760 : memref<!tpu.dma_semaphore, #tpu.memory_space<semaphore_mem>>)
      %scan3A_761 = arith.constant 0 : i32
      scf.yield %scan3A_761 : i32
    }
    %scan3A_332 = arith.constant 7 : i32
    %dma_wait3A_333 = arith.constant 0 : i32
    %dma_wait3A_334 = arith.constant 3 : i32
    %dma_wait3A_335 = arith.constant 0 : i32
    %dma_wait3A_336 = arith.constant 0 : i32
    %dma_wait3A_337 = tpu.memref_slice %arg3[%dma_wait3A_333, %add3A, %dma_wait3A_334, %dma_wait3A_335, %dma_wait3A_336] : memref<2x32x5x25x80xi32, #tpu.memory_space<hbm>> -> memref<1x1x1x25x80xi32, #tpu.memory_space<hbm>>
    %dma_wait3A_338 = tpu.memref_squeeze %dma_wait3A_337 : memref<1x1x1x25x80xi32, #tpu.memory_space<hbm>> -> memref<25x80xi32, #tpu.memory_space<hbm>>
    %dma_wait3A_339 = arith.constant 0 : i32
    %dma_wait3A_340 = arith.constant 0 : i32
    %dma_wait3A_341 = tpu.memref_slice %arg3[%dma_wait3A_333, %add3A, %dma_wait3A_334, %dma_wait3A_339, %dma_wait3A_340] : memref<2x32x5x25x80xi32, #tpu.memory_space<hbm>> -> memref<1x1x1x25x80xi32, #tpu.memory_space<hbm>>
    %dma_wait3A_342 = tpu.memref_squeeze %dma_wait3A_341 : memref<1x1x1x25x80xi32, #tpu.memory_space<hbm>> -> memref<25x80xi32, #tpu.memory_space<hbm>>
    tpu.wait_dma2 semaphore(%arg12 : memref<!tpu.dma_semaphore, #tpu.memory_space<semaphore_mem>>) src(%dma_wait3A_342 : memref<25x80xi32, #tpu.memory_space<hbm>>) dst(%arg7 : memref<25x80xi32, #tpu.memory_space<vmem>>)
    %dma_wait3A_343 = arith.constant 21 : i32
    %dma_wait3A_344 = arith.constant 2 : i32
    %dma_wait3A_345 = arith.constant 160 : i32
    %dma_wait3A_346 = arith.constant 0 : i32
    %dma_wait3A_347 = tpu.memref_slice %arg9[%dma_wait3A_345, %dma_wait3A_346] : memref<240x128xf32, #tpu.memory_space<vmem>> -> memref<80x128xf32, #tpu.memory_space<vmem>>
    %dma_wait3A_348 = arith.constant 0 : i32
    %dma_wait3A_349 = tpu.memref_slice %arg6[%dma_wait3A_343, %dma_wait3A_348] : memref<25x80xi32, #tpu.memory_space<vmem>> -> memref<1x80xi32, #tpu.memory_space<vmem>>
    %dma_wait3A_350 = tpu.memref_squeeze %dma_wait3A_349 : memref<1x80xi32, #tpu.memory_space<vmem>> -> memref<80xi32, #tpu.memory_space<vmem>>
    %dma_wait3A_351 = arith.constant 0 : i32
    %dma_wait3A_352 = arith.constant 0 : i32
    %dma_wait3A_353 = tpu.memref_slice %arg2[%dma_wait3A_351, %dma_wait3A_352] : memref<10000x128xf32, #tpu.memory_space<hbm>> -> memref<10000x128xf32, #tpu.memory_space<hbm>>
    %dma_wait3A_354 = tpu.memref_slice %arg11[%dma_wait3A_344] : memref<3x!tpu.dma_semaphore, #tpu.memory_space<semaphore_mem>> -> memref<1x!tpu.dma_semaphore, #tpu.memory_space<semaphore_mem>>
    %dma_wait3A_355 = tpu.memref_squeeze %dma_wait3A_354 : memref<1x!tpu.dma_semaphore, #tpu.memory_space<semaphore_mem>> -> memref<!tpu.dma_semaphore, #tpu.memory_space<semaphore_mem>>
    tpu.wait_indirect_dma semaphore(%dma_wait3A_355 : memref<!tpu.dma_semaphore, #tpu.memory_space<semaphore_mem>>) src(%dma_wait3A_353 : memref<10000x128xf32, #tpu.memory_space<hbm>>) dst(%dma_wait3A_347 : memref<80x128xf32, #tpu.memory_space<vmem>>)
    %run_scoped3A_356 = arith.constant 21 : i32
    "tpu.region"() ({
      %run_scoped3A_669 = tpu.sem_alloc : memref<!tpu.dma_semaphore, #tpu.memory_space<semaphore_mem>>
      %dma_start3A_670 = arith.constant 160 : i32
      %dma_start3A_671 = arith.constant 0 : i32
      %dma_start3A_672 = tpu.memref_slice %arg9[%dma_start3A_670, %dma_start3A_671] : memref<240x128xf32, #tpu.memory_space<vmem>> -> memref<80x128xf32, #tpu.memory_space<vmem>>
      %dma_start3A_673 = arith.constant 0 : i32
      %dma_start3A_674 = tpu.memref_slice %arg8[%run_scoped3A_356, %dma_start3A_673] : memref<25x80xi32, #tpu.memory_space<vmem>> -> memref<1x80xi32, #tpu.memory_space<vmem>>
      %dma_start3A_675 = tpu.memref_squeeze %dma_start3A_674 : memref<1x80xi32, #tpu.memory_space<vmem>> -> memref<80xi32, #tpu.memory_space<vmem>>
      %dma_start3A_676 = arith.constant 0 : i32
      %dma_start3A_677 = arith.constant 0 : i32
      %dma_start3A_678 = tpu.memref_slice %arg10[%dma_start3A_676, %dma_start3A_677] : memref<10000x128xf32, #tpu.memory_space<vmem_shared>> -> memref<10000x128xf32, #tpu.memory_space<vmem_shared>>
      tpu.enqueue_indirect_dma source(%dma_start3A_672 : memref<80x128xf32, #tpu.memory_space<vmem>>) target(%dma_start3A_678 : memref<10000x128xf32, #tpu.memory_space<vmem_shared>>) offsets(%dma_start3A_675 : memref<80xi32, #tpu.memory_space<vmem>>) semaphore(%run_scoped3A_669 : memref<!tpu.dma_semaphore, #tpu.memory_space<semaphore_mem>>) {add = true}
      %dma_wait3A_679 = arith.constant 160 : i32
      %dma_wait3A_680 = arith.constant 0 : i32
      %dma_wait3A_681 = tpu.memref_slice %arg9[%dma_wait3A_679, %dma_wait3A_680] : memref<240x128xf32, #tpu.memory_space<vmem>> -> memref<80x128xf32, #tpu.memory_space<vmem>>
      %dma_wait3A_682 = arith.constant 0 : i32
      %dma_wait3A_683 = tpu.memref_slice %arg8[%run_scoped3A_356, %dma_wait3A_682] : memref<25x80xi32, #tpu.memory_space<vmem>> -> memref<1x80xi32, #tpu.memory_space<vmem>>
      %dma_wait3A_684 = tpu.memref_squeeze %dma_wait3A_683 : memref<1x80xi32, #tpu.memory_space<vmem>> -> memref<80xi32, #tpu.memory_space<vmem>>
      %dma_wait3A_685 = arith.constant 0 : i32
      %dma_wait3A_686 = arith.constant 0 : i32
      %dma_wait3A_687 = tpu.memref_slice %arg10[%dma_wait3A_685, %dma_wait3A_686] : memref<10000x128xf32, #tpu.memory_space<vmem_shared>> -> memref<10000x128xf32, #tpu.memory_space<vmem_shared>>
      tpu.wait_indirect_dma semaphore(%run_scoped3A_669 : memref<!tpu.dma_semaphore, #tpu.memory_space<semaphore_mem>>) src(%dma_wait3A_681 : memref<80x128xf32, #tpu.memory_space<vmem>>) dst(%dma_wait3A_687 : memref<10000x128xf32, #tpu.memory_space<vmem_shared>>)
      tpu.yield
    }) : () -> ()
    %dma_start3A_357 = arith.constant 24 : i32
    %dma_start3A_358 = arith.constant 2 : i32
    %dma_start3A_359 = arith.constant 160 : i32
    %dma_start3A_360 = arith.constant 0 : i32
    %dma_start3A_361 = tpu.memref_slice %arg9[%dma_start3A_359, %dma_start3A_360] : memref<240x128xf32, #tpu.memory_space<vmem>> -> memref<80x128xf32, #tpu.memory_space<vmem>>
    %dma_start3A_362 = arith.constant 0 : i32
    %dma_start3A_363 = tpu.memref_slice %arg6[%dma_start3A_357, %dma_start3A_362] : memref<25x80xi32, #tpu.memory_space<vmem>> -> memref<1x80xi32, #tpu.memory_space<vmem>>
    %dma_start3A_364 = tpu.memref_squeeze %dma_start3A_363 : memref<1x80xi32, #tpu.memory_space<vmem>> -> memref<80xi32, #tpu.memory_space<vmem>>
    %dma_start3A_365 = arith.constant 0 : i32
    %dma_start3A_366 = arith.constant 0 : i32
    %dma_start3A_367 = tpu.memref_slice %arg2[%dma_start3A_365, %dma_start3A_366] : memref<10000x128xf32, #tpu.memory_space<hbm>> -> memref<10000x128xf32, #tpu.memory_space<hbm>>
    %dma_start3A_368 = tpu.memref_slice %arg11[%dma_start3A_358] : memref<3x!tpu.dma_semaphore, #tpu.memory_space<semaphore_mem>> -> memref<1x!tpu.dma_semaphore, #tpu.memory_space<semaphore_mem>>
    %dma_start3A_369 = tpu.memref_squeeze %dma_start3A_368 : memref<1x!tpu.dma_semaphore, #tpu.memory_space<semaphore_mem>> -> memref<!tpu.dma_semaphore, #tpu.memory_space<semaphore_mem>>
    tpu.enqueue_indirect_dma source(%dma_start3A_367 : memref<10000x128xf32, #tpu.memory_space<hbm>>) target(%dma_start3A_361 : memref<80x128xf32, #tpu.memory_space<vmem>>) offsets(%dma_start3A_364 : memref<80xi32, #tpu.memory_space<vmem>>) semaphore(%dma_start3A_369 : memref<!tpu.dma_semaphore, #tpu.memory_space<semaphore_mem>>)
    %dma_wait3A_370 = arith.constant 22 : i32
    %dma_wait3A_371 = arith.constant 0 : i32
    %dma_wait3A_372 = arith.constant 0 : i32
    %dma_wait3A_373 = arith.constant 0 : i32
    %dma_wait3A_374 = tpu.memref_slice %arg9[%dma_wait3A_372, %dma_wait3A_373] : memref<240x128xf32, #tpu.memory_space<vmem>> -> memref<80x128xf32, #tpu.memory_space<vmem>>
    %dma_wait3A_375 = arith.constant 0 : i32
    %dma_wait3A_376 = tpu.memref_slice %arg6[%dma_wait3A_370, %dma_wait3A_375] : memref<25x80xi32, #tpu.memory_space<vmem>> -> memref<1x80xi32, #tpu.memory_space<vmem>>
    %dma_wait3A_377 = tpu.memref_squeeze %dma_wait3A_376 : memref<1x80xi32, #tpu.memory_space<vmem>> -> memref<80xi32, #tpu.memory_space<vmem>>
    %dma_wait3A_378 = arith.constant 0 : i32
    %dma_wait3A_379 = arith.constant 0 : i32
    %dma_wait3A_380 = tpu.memref_slice %arg2[%dma_wait3A_378, %dma_wait3A_379] : memref<10000x128xf32, #tpu.memory_space<hbm>> -> memref<10000x128xf32, #tpu.memory_space<hbm>>
    %dma_wait3A_381 = tpu.memref_slice %arg11[%dma_wait3A_371] : memref<3x!tpu.dma_semaphore, #tpu.memory_space<semaphore_mem>> -> memref<1x!tpu.dma_semaphore, #tpu.memory_space<semaphore_mem>>
    %dma_wait3A_382 = tpu.memref_squeeze %dma_wait3A_381 : memref<1x!tpu.dma_semaphore, #tpu.memory_space<semaphore_mem>> -> memref<!tpu.dma_semaphore, #tpu.memory_space<semaphore_mem>>
    tpu.wait_indirect_dma semaphore(%dma_wait3A_382 : memref<!tpu.dma_semaphore, #tpu.memory_space<semaphore_mem>>) src(%dma_wait3A_380 : memref<10000x128xf32, #tpu.memory_space<hbm>>) dst(%dma_wait3A_374 : memref<80x128xf32, #tpu.memory_space<vmem>>)
    %run_scoped3A_383 = arith.constant 22 : i32
    "tpu.region"() ({
      %run_scoped3A_669 = tpu.sem_alloc : memref<!tpu.dma_semaphore, #tpu.memory_space<semaphore_mem>>
      %dma_start3A_670 = arith.constant 0 : i32
      %dma_start3A_671 = arith.constant 0 : i32
      %dma_start3A_672 = tpu.memref_slice %arg9[%dma_start3A_670, %dma_start3A_671] : memref<240x128xf32, #tpu.memory_space<vmem>> -> memref<80x128xf32, #tpu.memory_space<vmem>>
      %dma_start3A_673 = arith.constant 0 : i32
      %dma_start3A_674 = tpu.memref_slice %arg8[%run_scoped3A_383, %dma_start3A_673] : memref<25x80xi32, #tpu.memory_space<vmem>> -> memref<1x80xi32, #tpu.memory_space<vmem>>
      %dma_start3A_675 = tpu.memref_squeeze %dma_start3A_674 : memref<1x80xi32, #tpu.memory_space<vmem>> -> memref<80xi32, #tpu.memory_space<vmem>>
      %dma_start3A_676 = arith.constant 0 : i32
      %dma_start3A_677 = arith.constant 0 : i32
      %dma_start3A_678 = tpu.memref_slice %arg10[%dma_start3A_676, %dma_start3A_677] : memref<10000x128xf32, #tpu.memory_space<vmem_shared>> -> memref<10000x128xf32, #tpu.memory_space<vmem_shared>>
      tpu.enqueue_indirect_dma source(%dma_start3A_672 : memref<80x128xf32, #tpu.memory_space<vmem>>) target(%dma_start3A_678 : memref<10000x128xf32, #tpu.memory_space<vmem_shared>>) offsets(%dma_start3A_675 : memref<80xi32, #tpu.memory_space<vmem>>) semaphore(%run_scoped3A_669 : memref<!tpu.dma_semaphore, #tpu.memory_space<semaphore_mem>>) {add = true}
      %dma_wait3A_679 = arith.constant 0 : i32
      %dma_wait3A_680 = arith.constant 0 : i32
      %dma_wait3A_681 = tpu.memref_slice %arg9[%dma_wait3A_679, %dma_wait3A_680] : memref<240x128xf32, #tpu.memory_space<vmem>> -> memref<80x128xf32, #tpu.memory_space<vmem>>
      %dma_wait3A_682 = arith.constant 0 : i32
      %dma_wait3A_683 = tpu.memref_slice %arg8[%run_scoped3A_383, %dma_wait3A_682] : memref<25x80xi32, #tpu.memory_space<vmem>> -> memref<1x80xi32, #tpu.memory_space<vmem>>
      %dma_wait3A_684 = tpu.memref_squeeze %dma_wait3A_683 : memref<1x80xi32, #tpu.memory_space<vmem>> -> memref<80xi32, #tpu.memory_space<vmem>>
      %dma_wait3A_685 = arith.constant 0 : i32
      %dma_wait3A_686 = arith.constant 0 : i32
      %dma_wait3A_687 = tpu.memref_slice %arg10[%dma_wait3A_685, %dma_wait3A_686] : memref<10000x128xf32, #tpu.memory_space<vmem_shared>> -> memref<10000x128xf32, #tpu.memory_space<vmem_shared>>
      tpu.wait_indirect_dma semaphore(%run_scoped3A_669 : memref<!tpu.dma_semaphore, #tpu.memory_space<semaphore_mem>>) src(%dma_wait3A_681 : memref<80x128xf32, #tpu.memory_space<vmem>>) dst(%dma_wait3A_687 : memref<10000x128xf32, #tpu.memory_space<vmem_shared>>)
      tpu.yield
    }) : () -> ()
    %dma_start3A_384 = arith.constant 0 : i32
    %dma_start3A_385 = arith.constant 0 : i32
    %dma_start3A_386 = arith.constant 0 : i32
    %dma_start3A_387 = arith.constant 0 : i32
    %dma_start3A_388 = tpu.memref_slice %arg9[%dma_start3A_386, %dma_start3A_387] : memref<240x128xf32, #tpu.memory_space<vmem>> -> memref<80x128xf32, #tpu.memory_space<vmem>>
    %dma_start3A_389 = arith.constant 0 : i32
    %dma_start3A_390 = tpu.memref_slice %arg7[%dma_start3A_384, %dma_start3A_389] : memref<25x80xi32, #tpu.memory_space<vmem>> -> memref<1x80xi32, #tpu.memory_space<vmem>>
    %dma_start3A_391 = tpu.memref_squeeze %dma_start3A_390 : memref<1x80xi32, #tpu.memory_space<vmem>> -> memref<80xi32, #tpu.memory_space<vmem>>
    %dma_start3A_392 = arith.constant 0 : i32
    %dma_start3A_393 = arith.constant 0 : i32
    %dma_start3A_394 = tpu.memref_slice %arg2[%dma_start3A_392, %dma_start3A_393] : memref<10000x128xf32, #tpu.memory_space<hbm>> -> memref<10000x128xf32, #tpu.memory_space<hbm>>
    %dma_start3A_395 = tpu.memref_slice %arg11[%dma_start3A_385] : memref<3x!tpu.dma_semaphore, #tpu.memory_space<semaphore_mem>> -> memref<1x!tpu.dma_semaphore, #tpu.memory_space<semaphore_mem>>
    %dma_start3A_396 = tpu.memref_squeeze %dma_start3A_395 : memref<1x!tpu.dma_semaphore, #tpu.memory_space<semaphore_mem>> -> memref<!tpu.dma_semaphore, #tpu.memory_space<semaphore_mem>>
    tpu.enqueue_indirect_dma source(%dma_start3A_394 : memref<10000x128xf32, #tpu.memory_space<hbm>>) target(%dma_start3A_388 : memref<80x128xf32, #tpu.memory_space<vmem>>) offsets(%dma_start3A_391 : memref<80xi32, #tpu.memory_space<vmem>>) semaphore(%dma_start3A_396 : memref<!tpu.dma_semaphore, #tpu.memory_space<semaphore_mem>>)
    %dma_wait3A_397 = arith.constant 23 : i32
    %dma_wait3A_398 = arith.constant 1 : i32
    %dma_wait3A_399 = arith.constant 80 : i32
    %dma_wait3A_400 = arith.constant 0 : i32
    %dma_wait3A_401 = tpu.memref_slice %arg9[%dma_wait3A_399, %dma_wait3A_400] : memref<240x128xf32, #tpu.memory_space<vmem>> -> memref<80x128xf32, #tpu.memory_space<vmem>>
    %dma_wait3A_402 = arith.constant 0 : i32
    %dma_wait3A_403 = tpu.memref_slice %arg6[%dma_wait3A_397, %dma_wait3A_402] : memref<25x80xi32, #tpu.memory_space<vmem>> -> memref<1x80xi32, #tpu.memory_space<vmem>>
    %dma_wait3A_404 = tpu.memref_squeeze %dma_wait3A_403 : memref<1x80xi32, #tpu.memory_space<vmem>> -> memref<80xi32, #tpu.memory_space<vmem>>
    %dma_wait3A_405 = arith.constant 0 : i32
    %dma_wait3A_406 = arith.constant 0 : i32
    %dma_wait3A_407 = tpu.memref_slice %arg2[%dma_wait3A_405, %dma_wait3A_406] : memref<10000x128xf32, #tpu.memory_space<hbm>> -> memref<10000x128xf32, #tpu.memory_space<hbm>>
    %dma_wait3A_408 = tpu.memref_slice %arg11[%dma_wait3A_398] : memref<3x!tpu.dma_semaphore, #tpu.memory_space<semaphore_mem>> -> memref<1x!tpu.dma_semaphore, #tpu.memory_space<semaphore_mem>>
    %dma_wait3A_409 = tpu.memref_squeeze %dma_wait3A_408 : memref<1x!tpu.dma_semaphore, #tpu.memory_space<semaphore_mem>> -> memref<!tpu.dma_semaphore, #tpu.memory_space<semaphore_mem>>
    tpu.wait_indirect_dma semaphore(%dma_wait3A_409 : memref<!tpu.dma_semaphore, #tpu.memory_space<semaphore_mem>>) src(%dma_wait3A_407 : memref<10000x128xf32, #tpu.memory_space<hbm>>) dst(%dma_wait3A_401 : memref<80x128xf32, #tpu.memory_space<vmem>>)
    %run_scoped3A_410 = arith.constant 23 : i32
    "tpu.region"() ({
      %run_scoped3A_669 = tpu.sem_alloc : memref<!tpu.dma_semaphore, #tpu.memory_space<semaphore_mem>>
      %dma_start3A_670 = arith.constant 80 : i32
      %dma_start3A_671 = arith.constant 0 : i32
      %dma_start3A_672 = tpu.memref_slice %arg9[%dma_start3A_670, %dma_start3A_671] : memref<240x128xf32, #tpu.memory_space<vmem>> -> memref<80x128xf32, #tpu.memory_space<vmem>>
      %dma_start3A_673 = arith.constant 0 : i32
      %dma_start3A_674 = tpu.memref_slice %arg8[%run_scoped3A_410, %dma_start3A_673] : memref<25x80xi32, #tpu.memory_space<vmem>> -> memref<1x80xi32, #tpu.memory_space<vmem>>
      %dma_start3A_675 = tpu.memref_squeeze %dma_start3A_674 : memref<1x80xi32, #tpu.memory_space<vmem>> -> memref<80xi32, #tpu.memory_space<vmem>>
      %dma_start3A_676 = arith.constant 0 : i32
      %dma_start3A_677 = arith.constant 0 : i32
      %dma_start3A_678 = tpu.memref_slice %arg10[%dma_start3A_676, %dma_start3A_677] : memref<10000x128xf32, #tpu.memory_space<vmem_shared>> -> memref<10000x128xf32, #tpu.memory_space<vmem_shared>>
      tpu.enqueue_indirect_dma source(%dma_start3A_672 : memref<80x128xf32, #tpu.memory_space<vmem>>) target(%dma_start3A_678 : memref<10000x128xf32, #tpu.memory_space<vmem_shared>>) offsets(%dma_start3A_675 : memref<80xi32, #tpu.memory_space<vmem>>) semaphore(%run_scoped3A_669 : memref<!tpu.dma_semaphore, #tpu.memory_space<semaphore_mem>>) {add = true}
      %dma_wait3A_679 = arith.constant 80 : i32
      %dma_wait3A_680 = arith.constant 0 : i32
      %dma_wait3A_681 = tpu.memref_slice %arg9[%dma_wait3A_679, %dma_wait3A_680] : memref<240x128xf32, #tpu.memory_space<vmem>> -> memref<80x128xf32, #tpu.memory_space<vmem>>
      %dma_wait3A_682 = arith.constant 0 : i32
      %dma_wait3A_683 = tpu.memref_slice %arg8[%run_scoped3A_410, %dma_wait3A_682] : memref<25x80xi32, #tpu.memory_space<vmem>> -> memref<1x80xi32, #tpu.memory_space<vmem>>
      %dma_wait3A_684 = tpu.memref_squeeze %dma_wait3A_683 : memref<1x80xi32, #tpu.memory_space<vmem>> -> memref<80xi32, #tpu.memory_space<vmem>>
      %dma_wait3A_685 = arith.constant 0 : i32
      %dma_wait3A_686 = arith.constant 0 : i32
      %dma_wait3A_687 = tpu.memref_slice %arg10[%dma_wait3A_685, %dma_wait3A_686] : memref<10000x128xf32, #tpu.memory_space<vmem_shared>> -> memref<10000x128xf32, #tpu.memory_space<vmem_shared>>
      tpu.wait_indirect_dma semaphore(%run_scoped3A_669 : memref<!tpu.dma_semaphore, #tpu.memory_space<semaphore_mem>>) src(%dma_wait3A_681 : memref<80x128xf32, #tpu.memory_space<vmem>>) dst(%dma_wait3A_687 : memref<10000x128xf32, #tpu.memory_space<vmem_shared>>)
      tpu.yield
    }) : () -> ()
    %dma_start3A_411 = arith.constant 1 : i32
    %dma_start3A_412 = arith.constant 1 : i32
    %dma_start3A_413 = arith.constant 80 : i32
    %dma_start3A_414 = arith.constant 0 : i32
    %dma_start3A_415 = tpu.memref_slice %arg9[%dma_start3A_413, %dma_start3A_414] : memref<240x128xf32, #tpu.memory_space<vmem>> -> memref<80x128xf32, #tpu.memory_space<vmem>>
    %dma_start3A_416 = arith.constant 0 : i32
    %dma_start3A_417 = tpu.memref_slice %arg7[%dma_start3A_411, %dma_start3A_416] : memref<25x80xi32, #tpu.memory_space<vmem>> -> memref<1x80xi32, #tpu.memory_space<vmem>>
    %dma_start3A_418 = tpu.memref_squeeze %dma_start3A_417 : memref<1x80xi32, #tpu.memory_space<vmem>> -> memref<80xi32, #tpu.memory_space<vmem>>
    %dma_start3A_419 = arith.constant 0 : i32
    %dma_start3A_420 = arith.constant 0 : i32
    %dma_start3A_421 = tpu.memref_slice %arg2[%dma_start3A_419, %dma_start3A_420] : memref<10000x128xf32, #tpu.memory_space<hbm>> -> memref<10000x128xf32, #tpu.memory_space<hbm>>
    %dma_start3A_422 = tpu.memref_slice %arg11[%dma_start3A_412] : memref<3x!tpu.dma_semaphore, #tpu.memory_space<semaphore_mem>> -> memref<1x!tpu.dma_semaphore, #tpu.memory_space<semaphore_mem>>
    %dma_start3A_423 = tpu.memref_squeeze %dma_start3A_422 : memref<1x!tpu.dma_semaphore, #tpu.memory_space<semaphore_mem>> -> memref<!tpu.dma_semaphore, #tpu.memory_space<semaphore_mem>>
    tpu.enqueue_indirect_dma source(%dma_start3A_421 : memref<10000x128xf32, #tpu.memory_space<hbm>>) target(%dma_start3A_415 : memref<80x128xf32, #tpu.memory_space<vmem>>) offsets(%dma_start3A_418 : memref<80xi32, #tpu.memory_space<vmem>>) semaphore(%dma_start3A_423 : memref<!tpu.dma_semaphore, #tpu.memory_space<semaphore_mem>>)
    %dma_wait3A_424 = arith.constant 24 : i32
    %dma_wait3A_425 = arith.constant 2 : i32
    %dma_wait3A_426 = arith.constant 160 : i32
    %dma_wait3A_427 = arith.constant 0 : i32
    %dma_wait3A_428 = tpu.memref_slice %arg9[%dma_wait3A_426, %dma_wait3A_427] : memref<240x128xf32, #tpu.memory_space<vmem>> -> memref<80x128xf32, #tpu.memory_space<vmem>>
    %dma_wait3A_429 = arith.constant 0 : i32
    %dma_wait3A_430 = tpu.memref_slice %arg6[%dma_wait3A_424, %dma_wait3A_429] : memref<25x80xi32, #tpu.memory_space<vmem>> -> memref<1x80xi32, #tpu.memory_space<vmem>>
    %dma_wait3A_431 = tpu.memref_squeeze %dma_wait3A_430 : memref<1x80xi32, #tpu.memory_space<vmem>> -> memref<80xi32, #tpu.memory_space<vmem>>
    %dma_wait3A_432 = arith.constant 0 : i32
    %dma_wait3A_433 = arith.constant 0 : i32
    %dma_wait3A_434 = tpu.memref_slice %arg2[%dma_wait3A_432, %dma_wait3A_433] : memref<10000x128xf32, #tpu.memory_space<hbm>> -> memref<10000x128xf32, #tpu.memory_space<hbm>>
    %dma_wait3A_435 = tpu.memref_slice %arg11[%dma_wait3A_425] : memref<3x!tpu.dma_semaphore, #tpu.memory_space<semaphore_mem>> -> memref<1x!tpu.dma_semaphore, #tpu.memory_space<semaphore_mem>>
    %dma_wait3A_436 = tpu.memref_squeeze %dma_wait3A_435 : memref<1x!tpu.dma_semaphore, #tpu.memory_space<semaphore_mem>> -> memref<!tpu.dma_semaphore, #tpu.memory_space<semaphore_mem>>
    tpu.wait_indirect_dma semaphore(%dma_wait3A_436 : memref<!tpu.dma_semaphore, #tpu.memory_space<semaphore_mem>>) src(%dma_wait3A_434 : memref<10000x128xf32, #tpu.memory_space<hbm>>) dst(%dma_wait3A_428 : memref<80x128xf32, #tpu.memory_space<vmem>>)
    %run_scoped3A_437 = arith.constant 24 : i32
    "tpu.region"() ({
      %run_scoped3A_669 = tpu.sem_alloc : memref<!tpu.dma_semaphore, #tpu.memory_space<semaphore_mem>>
      %dma_start3A_670 = arith.constant 160 : i32
      %dma_start3A_671 = arith.constant 0 : i32
      %dma_start3A_672 = tpu.memref_slice %arg9[%dma_start3A_670, %dma_start3A_671] : memref<240x128xf32, #tpu.memory_space<vmem>> -> memref<80x128xf32, #tpu.memory_space<vmem>>
      %dma_start3A_673 = arith.constant 0 : i32
      %dma_start3A_674 = tpu.memref_slice %arg8[%run_scoped3A_437, %dma_start3A_673] : memref<25x80xi32, #tpu.memory_space<vmem>> -> memref<1x80xi32, #tpu.memory_space<vmem>>
      %dma_start3A_675 = tpu.memref_squeeze %dma_start3A_674 : memref<1x80xi32, #tpu.memory_space<vmem>> -> memref<80xi32, #tpu.memory_space<vmem>>
      %dma_start3A_676 = arith.constant 0 : i32
      %dma_start3A_677 = arith.constant 0 : i32
      %dma_start3A_678 = tpu.memref_slice %arg10[%dma_start3A_676, %dma_start3A_677] : memref<10000x128xf32, #tpu.memory_space<vmem_shared>> -> memref<10000x128xf32, #tpu.memory_space<vmem_shared>>
      tpu.enqueue_indirect_dma source(%dma_start3A_672 : memref<80x128xf32, #tpu.memory_space<vmem>>) target(%dma_start3A_678 : memref<10000x128xf32, #tpu.memory_space<vmem_shared>>) offsets(%dma_start3A_675 : memref<80xi32, #tpu.memory_space<vmem>>) semaphore(%run_scoped3A_669 : memref<!tpu.dma_semaphore, #tpu.memory_space<semaphore_mem>>) {add = true}
      %dma_wait3A_679 = arith.constant 160 : i32
      %dma_wait3A_680 = arith.constant 0 : i32
      %dma_wait3A_681 = tpu.memref_slice %arg9[%dma_wait3A_679, %dma_wait3A_680] : memref<240x128xf32, #tpu.memory_space<vmem>> -> memref<80x128xf32, #tpu.memory_space<vmem>>
      %dma_wait3A_682 = arith.constant 0 : i32
      %dma_wait3A_683 = tpu.memref_slice %arg8[%run_scoped3A_437, %dma_wait3A_682] : memref<25x80xi32, #tpu.memory_space<vmem>> -> memref<1x80xi32, #tpu.memory_space<vmem>>
      %dma_wait3A_684 = tpu.memref_squeeze %dma_wait3A_683 : memref<1x80xi32, #tpu.memory_space<vmem>> -> memref<80xi32, #tpu.memory_space<vmem>>
      %dma_wait3A_685 = arith.constant 0 : i32
      %dma_wait3A_686 = arith.constant 0 : i32
      %dma_wait3A_687 = tpu.memref_slice %arg10[%dma_wait3A_685, %dma_wait3A_686] : memref<10000x128xf32, #tpu.memory_space<vmem_shared>> -> memref<10000x128xf32, #tpu.memory_space<vmem_shared>>
      tpu.wait_indirect_dma semaphore(%run_scoped3A_669 : memref<!tpu.dma_semaphore, #tpu.memory_space<semaphore_mem>>) src(%dma_wait3A_681 : memref<80x128xf32, #tpu.memory_space<vmem>>) dst(%dma_wait3A_687 : memref<10000x128xf32, #tpu.memory_space<vmem_shared>>)
      tpu.yield
    }) : () -> ()
    %dma_start3A_438 = arith.constant 2 : i32
    %dma_start3A_439 = arith.constant 2 : i32
    %dma_start3A_440 = arith.constant 160 : i32
    %dma_start3A_441 = arith.constant 0 : i32
    %dma_start3A_442 = tpu.memref_slice %arg9[%dma_start3A_440, %dma_start3A_441] : memref<240x128xf32, #tpu.memory_space<vmem>> -> memref<80x128xf32, #tpu.memory_space<vmem>>
    %dma_start3A_443 = arith.constant 0 : i32
    %dma_start3A_444 = tpu.memref_slice %arg7[%dma_start3A_438, %dma_start3A_443] : memref<25x80xi32, #tpu.memory_space<vmem>> -> memref<1x80xi32, #tpu.memory_space<vmem>>
    %dma_start3A_445 = tpu.memref_squeeze %dma_start3A_444 : memref<1x80xi32, #tpu.memory_space<vmem>> -> memref<80xi32, #tpu.memory_space<vmem>>
    %dma_start3A_446 = arith.constant 0 : i32
    %dma_start3A_447 = arith.constant 0 : i32
    %dma_start3A_448 = tpu.memref_slice %arg2[%dma_start3A_446, %dma_start3A_447] : memref<10000x128xf32, #tpu.memory_space<hbm>> -> memref<10000x128xf32, #tpu.memory_space<hbm>>
    %dma_start3A_449 = tpu.memref_slice %arg11[%dma_start3A_439] : memref<3x!tpu.dma_semaphore, #tpu.memory_space<semaphore_mem>> -> memref<1x!tpu.dma_semaphore, #tpu.memory_space<semaphore_mem>>
    %dma_start3A_450 = tpu.memref_squeeze %dma_start3A_449 : memref<1x!tpu.dma_semaphore, #tpu.memory_space<semaphore_mem>> -> memref<!tpu.dma_semaphore, #tpu.memory_space<semaphore_mem>>
    tpu.enqueue_indirect_dma source(%dma_start3A_448 : memref<10000x128xf32, #tpu.memory_space<hbm>>) target(%dma_start3A_442 : memref<80x128xf32, #tpu.memory_space<vmem>>) offsets(%dma_start3A_445 : memref<80xi32, #tpu.memory_space<vmem>>) semaphore(%dma_start3A_450 : memref<!tpu.dma_semaphore, #tpu.memory_space<semaphore_mem>>)
    %dma_start3A_451 = arith.constant 0 : i32
    %dma_start3A_452 = arith.constant 4 : i32
    %dma_start3A_453 = arith.constant 0 : i32
    %dma_start3A_454 = arith.constant 0 : i32
    %dma_start3A_455 = tpu.memref_slice %arg3[%dma_start3A_451, %add3A, %dma_start3A_452, %dma_start3A_453, %dma_start3A_454] : memref<2x32x5x25x80xi32, #tpu.memory_space<hbm>> -> memref<1x1x1x25x80xi32, #tpu.memory_space<hbm>>
    %dma_start3A_456 = tpu.memref_squeeze %dma_start3A_455 : memref<1x1x1x25x80xi32, #tpu.memory_space<hbm>> -> memref<25x80xi32, #tpu.memory_space<hbm>>
    %dma_start3A_457 = arith.constant 0 : i32
    %dma_start3A_458 = arith.constant 0 : i32
    %dma_start3A_459 = tpu.memref_slice %arg3[%dma_start3A_451, %add3A, %dma_start3A_452, %dma_start3A_457, %dma_start3A_458] : memref<2x32x5x25x80xi32, #tpu.memory_space<hbm>> -> memref<1x1x1x25x80xi32, #tpu.memory_space<hbm>>
    %dma_start3A_460 = tpu.memref_squeeze %dma_start3A_459 : memref<1x1x1x25x80xi32, #tpu.memory_space<hbm>> -> memref<25x80xi32, #tpu.memory_space<hbm>>
    tpu.enqueue_dma source(%dma_start3A_460 : memref<25x80xi32, #tpu.memory_space<hbm>>) target(%arg6 : memref<25x80xi32, #tpu.memory_space<vmem>>) target_semaphore(%arg12 : memref<!tpu.dma_semaphore, #tpu.memory_space<semaphore_mem>>)
    %run_scoped3A_461 = arith.constant 1 : i32
    %run_scoped3A_462 = arith.constant 3 : i32
    "tpu.region"() ({
      %run_scoped3A_669 = tpu.sem_alloc : memref<!tpu.dma_semaphore, #tpu.memory_space<semaphore_mem>>
      %dma_start3A_670 = arith.constant 0 : i32
      %dma_start3A_671 = arith.constant 0 : i32
      %dma_start3A_672 = tpu.memref_slice %arg3[%run_scoped3A_461, %add3A, %run_scoped3A_462, %dma_start3A_670, %dma_start3A_671] : memref<2x32x5x25x80xi32, #tpu.memory_space<hbm>> -> memref<1x1x1x25x80xi32, #tpu.memory_space<hbm>>
      %dma_start3A_673 = tpu.memref_squeeze %dma_start3A_672 : memref<1x1x1x25x80xi32, #tpu.memory_space<hbm>> -> memref<25x80xi32, #tpu.memory_space<hbm>>
      %dma_start3A_674 = arith.constant 0 : i32
      %dma_start3A_675 = arith.constant 0 : i32
      %dma_start3A_676 = tpu.memref_slice %arg3[%run_scoped3A_461, %add3A, %run_scoped3A_462, %dma_start3A_674, %dma_start3A_675] : memref<2x32x5x25x80xi32, #tpu.memory_space<hbm>> -> memref<1x1x1x25x80xi32, #tpu.memory_space<hbm>>
      %dma_start3A_677 = tpu.memref_squeeze %dma_start3A_676 : memref<1x1x1x25x80xi32, #tpu.memory_space<hbm>> -> memref<25x80xi32, #tpu.memory_space<hbm>>
      tpu.enqueue_dma source(%dma_start3A_677 : memref<25x80xi32, #tpu.memory_space<hbm>>) target(%arg8 : memref<25x80xi32, #tpu.memory_space<vmem>>) target_semaphore(%run_scoped3A_669 : memref<!tpu.dma_semaphore, #tpu.memory_space<semaphore_mem>>)
      %dma_wait3A_678 = arith.constant 0 : i32
      %dma_wait3A_679 = arith.constant 0 : i32
      %dma_wait3A_680 = tpu.memref_slice %arg3[%run_scoped3A_461, %add3A, %run_scoped3A_462, %dma_wait3A_678, %dma_wait3A_679] : memref<2x32x5x25x80xi32, #tpu.memory_space<hbm>> -> memref<1x1x1x25x80xi32, #tpu.memory_space<hbm>>
      %dma_wait3A_681 = tpu.memref_squeeze %dma_wait3A_680 : memref<1x1x1x25x80xi32, #tpu.memory_space<hbm>> -> memref<25x80xi32, #tpu.memory_space<hbm>>
      %dma_wait3A_682 = arith.constant 0 : i32
      %dma_wait3A_683 = arith.constant 0 : i32
      %dma_wait3A_684 = tpu.memref_slice %arg3[%run_scoped3A_461, %add3A, %run_scoped3A_462, %dma_wait3A_682, %dma_wait3A_683] : memref<2x32x5x25x80xi32, #tpu.memory_space<hbm>> -> memref<1x1x1x25x80xi32, #tpu.memory_space<hbm>>
      %dma_wait3A_685 = tpu.memref_squeeze %dma_wait3A_684 : memref<1x1x1x25x80xi32, #tpu.memory_space<hbm>> -> memref<25x80xi32, #tpu.memory_space<hbm>>
      tpu.wait_dma2 semaphore(%run_scoped3A_669 : memref<!tpu.dma_semaphore, #tpu.memory_space<semaphore_mem>>) src(%dma_wait3A_685 : memref<25x80xi32, #tpu.memory_space<hbm>>) dst(%arg8 : memref<25x80xi32, #tpu.memory_space<vmem>>)
      tpu.yield
    }) : () -> ()
    %scan3A_463 = arith.constant 0 : i32
    %scan3A_464 = arith.constant 0 : i32
    %scan3A_465 = arith.constant 7 : i32
    %scan3A_466 = arith.addi %scan3A_464, %scan3A_465 : i32
    %scan3A_467 = arith.constant 1 : i32
    %scan3A_468 = scf.for %scan3A_669 = %scan3A_464 to %scan3A_466 step %scan3A_467 iter_args(%scan3A_670 = %scan3A_463) -> (i32)  : i32 {
      %mul3A_671 = arith.constant 3 : i32
      %mul3A_672 = arith.muli %scan3A_669, %mul3A_671 : i32
      %add3A_673 = arith.constant 0 : i32
      %add3A_674 = arith.addi %mul3A_672, %add3A_673 : i32
      %dma_wait3A_675 = arith.constant 0 : i32
      %dma_wait3A_676 = arith.constant 0 : i32
      %dma_wait3A_677 = arith.constant 0 : i32
      %dma_wait3A_678 = tpu.memref_slice %arg9[%dma_wait3A_676, %dma_wait3A_677] : memref<240x128xf32, #tpu.memory_space<vmem>> -> memref<80x128xf32, #tpu.memory_space<vmem>>
      %dma_wait3A_679 = arith.constant 0 : i32
      %dma_wait3A_680 = tpu.memref_slice %arg7[%add3A_674, %dma_wait3A_679] : memref<25x80xi32, #tpu.memory_space<vmem>> -> memref<1x80xi32, #tpu.memory_space<vmem>>
      %dma_wait3A_681 = tpu.memref_squeeze %dma_wait3A_680 : memref<1x80xi32, #tpu.memory_space<vmem>> -> memref<80xi32, #tpu.memory_space<vmem>>
      %dma_wait3A_682 = arith.constant 0 : i32
      %dma_wait3A_683 = arith.constant 0 : i32
      %dma_wait3A_684 = tpu.memref_slice %arg2[%dma_wait3A_682, %dma_wait3A_683] : memref<10000x128xf32, #tpu.memory_space<hbm>> -> memref<10000x128xf32, #tpu.memory_space<hbm>>
      %dma_wait3A_685 = tpu.memref_slice %arg11[%dma_wait3A_675] : memref<3x!tpu.dma_semaphore, #tpu.memory_space<semaphore_mem>> -> memref<1x!tpu.dma_semaphore, #tpu.memory_space<semaphore_mem>>
      %dma_wait3A_686 = tpu.memref_squeeze %dma_wait3A_685 : memref<1x!tpu.dma_semaphore, #tpu.memory_space<semaphore_mem>> -> memref<!tpu.dma_semaphore, #tpu.memory_space<semaphore_mem>>
      tpu.wait_indirect_dma semaphore(%dma_wait3A_686 : memref<!tpu.dma_semaphore, #tpu.memory_space<semaphore_mem>>) src(%dma_wait3A_684 : memref<10000x128xf32, #tpu.memory_space<hbm>>) dst(%dma_wait3A_678 : memref<80x128xf32, #tpu.memory_space<vmem>>)
      "tpu.region"() ({
        %run_scoped3A_762 = tpu.sem_alloc : memref<!tpu.dma_semaphore, #tpu.memory_space<semaphore_mem>>
        %dma_start3A_763 = arith.constant 0 : i32
        %dma_start3A_764 = arith.constant 0 : i32
        %dma_start3A_765 = tpu.memref_slice %arg9[%dma_start3A_763, %dma_start3A_764] : memref<240x128xf32, #tpu.memory_space<vmem>> -> memref<80x128xf32, #tpu.memory_space<vmem>>
        %dma_start3A_766 = arith.constant 0 : i32
        %dma_start3A_767 = tpu.memref_slice %arg8[%add3A_674, %dma_start3A_766] : memref<25x80xi32, #tpu.memory_space<vmem>> -> memref<1x80xi32, #tpu.memory_space<vmem>>
        %dma_start3A_768 = tpu.memref_squeeze %dma_start3A_767 : memref<1x80xi32, #tpu.memory_space<vmem>> -> memref<80xi32, #tpu.memory_space<vmem>>
        %dma_start3A_769 = arith.constant 0 : i32
        %dma_start3A_770 = arith.constant 0 : i32
        %dma_start3A_771 = tpu.memref_slice %arg10[%dma_start3A_769, %dma_start3A_770] : memref<10000x128xf32, #tpu.memory_space<vmem_shared>> -> memref<10000x128xf32, #tpu.memory_space<vmem_shared>>
        tpu.enqueue_indirect_dma source(%dma_start3A_765 : memref<80x128xf32, #tpu.memory_space<vmem>>) target(%dma_start3A_771 : memref<10000x128xf32, #tpu.memory_space<vmem_shared>>) offsets(%dma_start3A_768 : memref<80xi32, #tpu.memory_space<vmem>>) semaphore(%run_scoped3A_762 : memref<!tpu.dma_semaphore, #tpu.memory_space<semaphore_mem>>) {add = true}
        %dma_wait3A_772 = arith.constant 0 : i32
        %dma_wait3A_773 = arith.constant 0 : i32
        %dma_wait3A_774 = tpu.memref_slice %arg9[%dma_wait3A_772, %dma_wait3A_773] : memref<240x128xf32, #tpu.memory_space<vmem>> -> memref<80x128xf32, #tpu.memory_space<vmem>>
        %dma_wait3A_775 = arith.constant 0 : i32
        %dma_wait3A_776 = tpu.memref_slice %arg8[%add3A_674, %dma_wait3A_775] : memref<25x80xi32, #tpu.memory_space<vmem>> -> memref<1x80xi32, #tpu.memory_space<vmem>>
        %dma_wait3A_777 = tpu.memref_squeeze %dma_wait3A_776 : memref<1x80xi32, #tpu.memory_space<vmem>> -> memref<80xi32, #tpu.memory_space<vmem>>
        %dma_wait3A_778 = arith.constant 0 : i32
        %dma_wait3A_779 = arith.constant 0 : i32
        %dma_wait3A_780 = tpu.memref_slice %arg10[%dma_wait3A_778, %dma_wait3A_779] : memref<10000x128xf32, #tpu.memory_space<vmem_shared>> -> memref<10000x128xf32, #tpu.memory_space<vmem_shared>>
        tpu.wait_indirect_dma semaphore(%run_scoped3A_762 : memref<!tpu.dma_semaphore, #tpu.memory_space<semaphore_mem>>) src(%dma_wait3A_774 : memref<80x128xf32, #tpu.memory_space<vmem>>) dst(%dma_wait3A_780 : memref<10000x128xf32, #tpu.memory_space<vmem_shared>>)
        tpu.yield
      }) : () -> ()
      %add3A_687 = arith.constant 3 : i32
      %add3A_688 = arith.addi %add3A_674, %add3A_687 : i32
      %dma_start3A_689 = arith.constant 0 : i32
      %dma_start3A_690 = arith.constant 0 : i32
      %dma_start3A_691 = arith.constant 0 : i32
      %dma_start3A_692 = tpu.memref_slice %arg9[%dma_start3A_690, %dma_start3A_691] : memref<240x128xf32, #tpu.memory_space<vmem>> -> memref<80x128xf32, #tpu.memory_space<vmem>>
      %dma_start3A_693 = arith.constant 0 : i32
      %dma_start3A_694 = tpu.memref_slice %arg7[%add3A_688, %dma_start3A_693] : memref<25x80xi32, #tpu.memory_space<vmem>> -> memref<1x80xi32, #tpu.memory_space<vmem>>
      %dma_start3A_695 = tpu.memref_squeeze %dma_start3A_694 : memref<1x80xi32, #tpu.memory_space<vmem>> -> memref<80xi32, #tpu.memory_space<vmem>>
      %dma_start3A_696 = arith.constant 0 : i32
      %dma_start3A_697 = arith.constant 0 : i32
      %dma_start3A_698 = tpu.memref_slice %arg2[%dma_start3A_696, %dma_start3A_697] : memref<10000x128xf32, #tpu.memory_space<hbm>> -> memref<10000x128xf32, #tpu.memory_space<hbm>>
      %dma_start3A_699 = tpu.memref_slice %arg11[%dma_start3A_689] : memref<3x!tpu.dma_semaphore, #tpu.memory_space<semaphore_mem>> -> memref<1x!tpu.dma_semaphore, #tpu.memory_space<semaphore_mem>>
      %dma_start3A_700 = tpu.memref_squeeze %dma_start3A_699 : memref<1x!tpu.dma_semaphore, #tpu.memory_space<semaphore_mem>> -> memref<!tpu.dma_semaphore, #tpu.memory_space<semaphore_mem>>
      tpu.enqueue_indirect_dma source(%dma_start3A_698 : memref<10000x128xf32, #tpu.memory_space<hbm>>) target(%dma_start3A_692 : memref<80x128xf32, #tpu.memory_space<vmem>>) offsets(%dma_start3A_695 : memref<80xi32, #tpu.memory_space<vmem>>) semaphore(%dma_start3A_700 : memref<!tpu.dma_semaphore, #tpu.memory_space<semaphore_mem>>)
      %mul3A_701 = arith.constant 3 : i32
      %mul3A_702 = arith.muli %scan3A_669, %mul3A_701 : i32
      %add3A_703 = arith.constant 1 : i32
      %add3A_704 = arith.addi %mul3A_702, %add3A_703 : i32
      %dma_wait3A_705 = arith.constant 1 : i32
      %dma_wait3A_706 = arith.constant 80 : i32
      %dma_wait3A_707 = arith.constant 0 : i32
      %dma_wait3A_708 = tpu.memref_slice %arg9[%dma_wait3A_706, %dma_wait3A_707] : memref<240x128xf32, #tpu.memory_space<vmem>> -> memref<80x128xf32, #tpu.memory_space<vmem>>
      %dma_wait3A_709 = arith.constant 0 : i32
      %dma_wait3A_710 = tpu.memref_slice %arg7[%add3A_704, %dma_wait3A_709] : memref<25x80xi32, #tpu.memory_space<vmem>> -> memref<1x80xi32, #tpu.memory_space<vmem>>
      %dma_wait3A_711 = tpu.memref_squeeze %dma_wait3A_710 : memref<1x80xi32, #tpu.memory_space<vmem>> -> memref<80xi32, #tpu.memory_space<vmem>>
      %dma_wait3A_712 = arith.constant 0 : i32
      %dma_wait3A_713 = arith.constant 0 : i32
      %dma_wait3A_714 = tpu.memref_slice %arg2[%dma_wait3A_712, %dma_wait3A_713] : memref<10000x128xf32, #tpu.memory_space<hbm>> -> memref<10000x128xf32, #tpu.memory_space<hbm>>
      %dma_wait3A_715 = tpu.memref_slice %arg11[%dma_wait3A_705] : memref<3x!tpu.dma_semaphore, #tpu.memory_space<semaphore_mem>> -> memref<1x!tpu.dma_semaphore, #tpu.memory_space<semaphore_mem>>
      %dma_wait3A_716 = tpu.memref_squeeze %dma_wait3A_715 : memref<1x!tpu.dma_semaphore, #tpu.memory_space<semaphore_mem>> -> memref<!tpu.dma_semaphore, #tpu.memory_space<semaphore_mem>>
      tpu.wait_indirect_dma semaphore(%dma_wait3A_716 : memref<!tpu.dma_semaphore, #tpu.memory_space<semaphore_mem>>) src(%dma_wait3A_714 : memref<10000x128xf32, #tpu.memory_space<hbm>>) dst(%dma_wait3A_708 : memref<80x128xf32, #tpu.memory_space<vmem>>)
      "tpu.region"() ({
        %run_scoped3A_762 = tpu.sem_alloc : memref<!tpu.dma_semaphore, #tpu.memory_space<semaphore_mem>>
        %dma_start3A_763 = arith.constant 80 : i32
        %dma_start3A_764 = arith.constant 0 : i32
        %dma_start3A_765 = tpu.memref_slice %arg9[%dma_start3A_763, %dma_start3A_764] : memref<240x128xf32, #tpu.memory_space<vmem>> -> memref<80x128xf32, #tpu.memory_space<vmem>>
        %dma_start3A_766 = arith.constant 0 : i32
        %dma_start3A_767 = tpu.memref_slice %arg8[%add3A_704, %dma_start3A_766] : memref<25x80xi32, #tpu.memory_space<vmem>> -> memref<1x80xi32, #tpu.memory_space<vmem>>
        %dma_start3A_768 = tpu.memref_squeeze %dma_start3A_767 : memref<1x80xi32, #tpu.memory_space<vmem>> -> memref<80xi32, #tpu.memory_space<vmem>>
        %dma_start3A_769 = arith.constant 0 : i32
        %dma_start3A_770 = arith.constant 0 : i32
        %dma_start3A_771 = tpu.memref_slice %arg10[%dma_start3A_769, %dma_start3A_770] : memref<10000x128xf32, #tpu.memory_space<vmem_shared>> -> memref<10000x128xf32, #tpu.memory_space<vmem_shared>>
        tpu.enqueue_indirect_dma source(%dma_start3A_765 : memref<80x128xf32, #tpu.memory_space<vmem>>) target(%dma_start3A_771 : memref<10000x128xf32, #tpu.memory_space<vmem_shared>>) offsets(%dma_start3A_768 : memref<80xi32, #tpu.memory_space<vmem>>) semaphore(%run_scoped3A_762 : memref<!tpu.dma_semaphore, #tpu.memory_space<semaphore_mem>>) {add = true}
        %dma_wait3A_772 = arith.constant 80 : i32
        %dma_wait3A_773 = arith.constant 0 : i32
        %dma_wait3A_774 = tpu.memref_slice %arg9[%dma_wait3A_772, %dma_wait3A_773] : memref<240x128xf32, #tpu.memory_space<vmem>> -> memref<80x128xf32, #tpu.memory_space<vmem>>
        %dma_wait3A_775 = arith.constant 0 : i32
        %dma_wait3A_776 = tpu.memref_slice %arg8[%add3A_704, %dma_wait3A_775] : memref<25x80xi32, #tpu.memory_space<vmem>> -> memref<1x80xi32, #tpu.memory_space<vmem>>
        %dma_wait3A_777 = tpu.memref_squeeze %dma_wait3A_776 : memref<1x80xi32, #tpu.memory_space<vmem>> -> memref<80xi32, #tpu.memory_space<vmem>>
        %dma_wait3A_778 = arith.constant 0 : i32
        %dma_wait3A_779 = arith.constant 0 : i32
        %dma_wait3A_780 = tpu.memref_slice %arg10[%dma_wait3A_778, %dma_wait3A_779] : memref<10000x128xf32, #tpu.memory_space<vmem_shared>> -> memref<10000x128xf32, #tpu.memory_space<vmem_shared>>
        tpu.wait_indirect_dma semaphore(%run_scoped3A_762 : memref<!tpu.dma_semaphore, #tpu.memory_space<semaphore_mem>>) src(%dma_wait3A_774 : memref<80x128xf32, #tpu.memory_space<vmem>>) dst(%dma_wait3A_780 : memref<10000x128xf32, #tpu.memory_space<vmem_shared>>)
        tpu.yield
      }) : () -> ()
      %add3A_717 = arith.constant 3 : i32
      %add3A_718 = arith.addi %add3A_704, %add3A_717 : i32
      %dma_start3A_719 = arith.constant 1 : i32
      %dma_start3A_720 = arith.constant 80 : i32
      %dma_start3A_721 = arith.constant 0 : i32
      %dma_start3A_722 = tpu.memref_slice %arg9[%dma_start3A_720, %dma_start3A_721] : memref<240x128xf32, #tpu.memory_space<vmem>> -> memref<80x128xf32, #tpu.memory_space<vmem>>
      %dma_start3A_723 = arith.constant 0 : i32
      %dma_start3A_724 = tpu.memref_slice %arg7[%add3A_718, %dma_start3A_723] : memref<25x80xi32, #tpu.memory_space<vmem>> -> memref<1x80xi32, #tpu.memory_space<vmem>>
      %dma_start3A_725 = tpu.memref_squeeze %dma_start3A_724 : memref<1x80xi32, #tpu.memory_space<vmem>> -> memref<80xi32, #tpu.memory_space<vmem>>
      %dma_start3A_726 = arith.constant 0 : i32
      %dma_start3A_727 = arith.constant 0 : i32
      %dma_start3A_728 = tpu.memref_slice %arg2[%dma_start3A_726, %dma_start3A_727] : memref<10000x128xf32, #tpu.memory_space<hbm>> -> memref<10000x128xf32, #tpu.memory_space<hbm>>
      %dma_start3A_729 = tpu.memref_slice %arg11[%dma_start3A_719] : memref<3x!tpu.dma_semaphore, #tpu.memory_space<semaphore_mem>> -> memref<1x!tpu.dma_semaphore, #tpu.memory_space<semaphore_mem>>
      %dma_start3A_730 = tpu.memref_squeeze %dma_start3A_729 : memref<1x!tpu.dma_semaphore, #tpu.memory_space<semaphore_mem>> -> memref<!tpu.dma_semaphore, #tpu.memory_space<semaphore_mem>>
      tpu.enqueue_indirect_dma source(%dma_start3A_728 : memref<10000x128xf32, #tpu.memory_space<hbm>>) target(%dma_start3A_722 : memref<80x128xf32, #tpu.memory_space<vmem>>) offsets(%dma_start3A_725 : memref<80xi32, #tpu.memory_space<vmem>>) semaphore(%dma_start3A_730 : memref<!tpu.dma_semaphore, #tpu.memory_space<semaphore_mem>>)
      %mul3A_731 = arith.constant 3 : i32
      %mul3A_732 = arith.muli %scan3A_669, %mul3A_731 : i32
      %add3A_733 = arith.constant 2 : i32
      %add3A_734 = arith.addi %mul3A_732, %add3A_733 : i32
      %dma_wait3A_735 = arith.constant 2 : i32
      %dma_wait3A_736 = arith.constant 160 : i32
      %dma_wait3A_737 = arith.constant 0 : i32
      %dma_wait3A_738 = tpu.memref_slice %arg9[%dma_wait3A_736, %dma_wait3A_737] : memref<240x128xf32, #tpu.memory_space<vmem>> -> memref<80x128xf32, #tpu.memory_space<vmem>>
      %dma_wait3A_739 = arith.constant 0 : i32
      %dma_wait3A_740 = tpu.memref_slice %arg7[%add3A_734, %dma_wait3A_739] : memref<25x80xi32, #tpu.memory_space<vmem>> -> memref<1x80xi32, #tpu.memory_space<vmem>>
      %dma_wait3A_741 = tpu.memref_squeeze %dma_wait3A_740 : memref<1x80xi32, #tpu.memory_space<vmem>> -> memref<80xi32, #tpu.memory_space<vmem>>
      %dma_wait3A_742 = arith.constant 0 : i32
      %dma_wait3A_743 = arith.constant 0 : i32
      %dma_wait3A_744 = tpu.memref_slice %arg2[%dma_wait3A_742, %dma_wait3A_743] : memref<10000x128xf32, #tpu.memory_space<hbm>> -> memref<10000x128xf32, #tpu.memory_space<hbm>>
      %dma_wait3A_745 = tpu.memref_slice %arg11[%dma_wait3A_735] : memref<3x!tpu.dma_semaphore, #tpu.memory_space<semaphore_mem>> -> memref<1x!tpu.dma_semaphore, #tpu.memory_space<semaphore_mem>>
      %dma_wait3A_746 = tpu.memref_squeeze %dma_wait3A_745 : memref<1x!tpu.dma_semaphore, #tpu.memory_space<semaphore_mem>> -> memref<!tpu.dma_semaphore, #tpu.memory_space<semaphore_mem>>
      tpu.wait_indirect_dma semaphore(%dma_wait3A_746 : memref<!tpu.dma_semaphore, #tpu.memory_space<semaphore_mem>>) src(%dma_wait3A_744 : memref<10000x128xf32, #tpu.memory_space<hbm>>) dst(%dma_wait3A_738 : memref<80x128xf32, #tpu.memory_space<vmem>>)
      "tpu.region"() ({
        %run_scoped3A_762 = tpu.sem_alloc : memref<!tpu.dma_semaphore, #tpu.memory_space<semaphore_mem>>
        %dma_start3A_763 = arith.constant 160 : i32
        %dma_start3A_764 = arith.constant 0 : i32
        %dma_start3A_765 = tpu.memref_slice %arg9[%dma_start3A_763, %dma_start3A_764] : memref<240x128xf32, #tpu.memory_space<vmem>> -> memref<80x128xf32, #tpu.memory_space<vmem>>
        %dma_start3A_766 = arith.constant 0 : i32
        %dma_start3A_767 = tpu.memref_slice %arg8[%add3A_734, %dma_start3A_766] : memref<25x80xi32, #tpu.memory_space<vmem>> -> memref<1x80xi32, #tpu.memory_space<vmem>>
        %dma_start3A_768 = tpu.memref_squeeze %dma_start3A_767 : memref<1x80xi32, #tpu.memory_space<vmem>> -> memref<80xi32, #tpu.memory_space<vmem>>
        %dma_start3A_769 = arith.constant 0 : i32
        %dma_start3A_770 = arith.constant 0 : i32
        %dma_start3A_771 = tpu.memref_slice %arg10[%dma_start3A_769, %dma_start3A_770] : memref<10000x128xf32, #tpu.memory_space<vmem_shared>> -> memref<10000x128xf32, #tpu.memory_space<vmem_shared>>
        tpu.enqueue_indirect_dma source(%dma_start3A_765 : memref<80x128xf32, #tpu.memory_space<vmem>>) target(%dma_start3A_771 : memref<10000x128xf32, #tpu.memory_space<vmem_shared>>) offsets(%dma_start3A_768 : memref<80xi32, #tpu.memory_space<vmem>>) semaphore(%run_scoped3A_762 : memref<!tpu.dma_semaphore, #tpu.memory_space<semaphore_mem>>) {add = true}
        %dma_wait3A_772 = arith.constant 160 : i32
        %dma_wait3A_773 = arith.constant 0 : i32
        %dma_wait3A_774 = tpu.memref_slice %arg9[%dma_wait3A_772, %dma_wait3A_773] : memref<240x128xf32, #tpu.memory_space<vmem>> -> memref<80x128xf32, #tpu.memory_space<vmem>>
        %dma_wait3A_775 = arith.constant 0 : i32
        %dma_wait3A_776 = tpu.memref_slice %arg8[%add3A_734, %dma_wait3A_775] : memref<25x80xi32, #tpu.memory_space<vmem>> -> memref<1x80xi32, #tpu.memory_space<vmem>>
        %dma_wait3A_777 = tpu.memref_squeeze %dma_wait3A_776 : memref<1x80xi32, #tpu.memory_space<vmem>> -> memref<80xi32, #tpu.memory_space<vmem>>
        %dma_wait3A_778 = arith.constant 0 : i32
        %dma_wait3A_779 = arith.constant 0 : i32
        %dma_wait3A_780 = tpu.memref_slice %arg10[%dma_wait3A_778, %dma_wait3A_779] : memref<10000x128xf32, #tpu.memory_space<vmem_shared>> -> memref<10000x128xf32, #tpu.memory_space<vmem_shared>>
        tpu.wait_indirect_dma semaphore(%run_scoped3A_762 : memref<!tpu.dma_semaphore, #tpu.memory_space<semaphore_mem>>) src(%dma_wait3A_774 : memref<80x128xf32, #tpu.memory_space<vmem>>) dst(%dma_wait3A_780 : memref<10000x128xf32, #tpu.memory_space<vmem_shared>>)
        tpu.yield
      }) : () -> ()
      %add3A_747 = arith.constant 3 : i32
      %add3A_748 = arith.addi %add3A_734, %add3A_747 : i32
      %dma_start3A_749 = arith.constant 2 : i32
      %dma_start3A_750 = arith.constant 160 : i32
      %dma_start3A_751 = arith.constant 0 : i32
      %dma_start3A_752 = tpu.memref_slice %arg9[%dma_start3A_750, %dma_start3A_751] : memref<240x128xf32, #tpu.memory_space<vmem>> -> memref<80x128xf32, #tpu.memory_space<vmem>>
      %dma_start3A_753 = arith.constant 0 : i32
      %dma_start3A_754 = tpu.memref_slice %arg7[%add3A_748, %dma_start3A_753] : memref<25x80xi32, #tpu.memory_space<vmem>> -> memref<1x80xi32, #tpu.memory_space<vmem>>
      %dma_start3A_755 = tpu.memref_squeeze %dma_start3A_754 : memref<1x80xi32, #tpu.memory_space<vmem>> -> memref<80xi32, #tpu.memory_space<vmem>>
      %dma_start3A_756 = arith.constant 0 : i32
      %dma_start3A_757 = arith.constant 0 : i32
      %dma_start3A_758 = tpu.memref_slice %arg2[%dma_start3A_756, %dma_start3A_757] : memref<10000x128xf32, #tpu.memory_space<hbm>> -> memref<10000x128xf32, #tpu.memory_space<hbm>>
      %dma_start3A_759 = tpu.memref_slice %arg11[%dma_start3A_749] : memref<3x!tpu.dma_semaphore, #tpu.memory_space<semaphore_mem>> -> memref<1x!tpu.dma_semaphore, #tpu.memory_space<semaphore_mem>>
      %dma_start3A_760 = tpu.memref_squeeze %dma_start3A_759 : memref<1x!tpu.dma_semaphore, #tpu.memory_space<semaphore_mem>> -> memref<!tpu.dma_semaphore, #tpu.memory_space<semaphore_mem>>
      tpu.enqueue_indirect_dma source(%dma_start3A_758 : memref<10000x128xf32, #tpu.memory_space<hbm>>) target(%dma_start3A_752 : memref<80x128xf32, #tpu.memory_space<vmem>>) offsets(%dma_start3A_755 : memref<80xi32, #tpu.memory_space<vmem>>) semaphore(%dma_start3A_760 : memref<!tpu.dma_semaphore, #tpu.memory_space<semaphore_mem>>)
      %scan3A_761 = arith.constant 0 : i32
      scf.yield %scan3A_761 : i32
    }
    %scan3A_469 = arith.constant 7 : i32
    %dma_wait3A_470 = arith.constant 0 : i32
    %dma_wait3A_471 = arith.constant 4 : i32
    %dma_wait3A_472 = arith.constant 0 : i32
    %dma_wait3A_473 = arith.constant 0 : i32
    %dma_wait3A_474 = tpu.memref_slice %arg3[%dma_wait3A_470, %add3A, %dma_wait3A_471, %dma_wait3A_472, %dma_wait3A_473] : memref<2x32x5x25x80xi32, #tpu.memory_space<hbm>> -> memref<1x1x1x25x80xi32, #tpu.memory_space<hbm>>
    %dma_wait3A_475 = tpu.memref_squeeze %dma_wait3A_474 : memref<1x1x1x25x80xi32, #tpu.memory_space<hbm>> -> memref<25x80xi32, #tpu.memory_space<hbm>>
    %dma_wait3A_476 = arith.constant 0 : i32
    %dma_wait3A_477 = arith.constant 0 : i32
    %dma_wait3A_478 = tpu.memref_slice %arg3[%dma_wait3A_470, %add3A, %dma_wait3A_471, %dma_wait3A_476, %dma_wait3A_477] : memref<2x32x5x25x80xi32, #tpu.memory_space<hbm>> -> memref<1x1x1x25x80xi32, #tpu.memory_space<hbm>>
    %dma_wait3A_479 = tpu.memref_squeeze %dma_wait3A_478 : memref<1x1x1x25x80xi32, #tpu.memory_space<hbm>> -> memref<25x80xi32, #tpu.memory_space<hbm>>
    tpu.wait_dma2 semaphore(%arg12 : memref<!tpu.dma_semaphore, #tpu.memory_space<semaphore_mem>>) src(%dma_wait3A_479 : memref<25x80xi32, #tpu.memory_space<hbm>>) dst(%arg6 : memref<25x80xi32, #tpu.memory_space<vmem>>)
    %dma_wait3A_480 = arith.constant 21 : i32
    %dma_wait3A_481 = arith.constant 0 : i32
    %dma_wait3A_482 = arith.constant 0 : i32
    %dma_wait3A_483 = arith.constant 0 : i32
    %dma_wait3A_484 = tpu.memref_slice %arg9[%dma_wait3A_482, %dma_wait3A_483] : memref<240x128xf32, #tpu.memory_space<vmem>> -> memref<80x128xf32, #tpu.memory_space<vmem>>
    %dma_wait3A_485 = arith.constant 0 : i32
    %dma_wait3A_486 = tpu.memref_slice %arg7[%dma_wait3A_480, %dma_wait3A_485] : memref<25x80xi32, #tpu.memory_space<vmem>> -> memref<1x80xi32, #tpu.memory_space<vmem>>
    %dma_wait3A_487 = tpu.memref_squeeze %dma_wait3A_486 : memref<1x80xi32, #tpu.memory_space<vmem>> -> memref<80xi32, #tpu.memory_space<vmem>>
    %dma_wait3A_488 = arith.constant 0 : i32
    %dma_wait3A_489 = arith.constant 0 : i32
    %dma_wait3A_490 = tpu.memref_slice %arg2[%dma_wait3A_488, %dma_wait3A_489] : memref<10000x128xf32, #tpu.memory_space<hbm>> -> memref<10000x128xf32, #tpu.memory_space<hbm>>
    %dma_wait3A_491 = tpu.memref_slice %arg11[%dma_wait3A_481] : memref<3x!tpu.dma_semaphore, #tpu.memory_space<semaphore_mem>> -> memref<1x!tpu.dma_semaphore, #tpu.memory_space<semaphore_mem>>
    %dma_wait3A_492 = tpu.memref_squeeze %dma_wait3A_491 : memref<1x!tpu.dma_semaphore, #tpu.memory_space<semaphore_mem>> -> memref<!tpu.dma_semaphore, #tpu.memory_space<semaphore_mem>>
    tpu.wait_indirect_dma semaphore(%dma_wait3A_492 : memref<!tpu.dma_semaphore, #tpu.memory_space<semaphore_mem>>) src(%dma_wait3A_490 : memref<10000x128xf32, #tpu.memory_space<hbm>>) dst(%dma_wait3A_484 : memref<80x128xf32, #tpu.memory_space<vmem>>)
    %run_scoped3A_493 = arith.constant 21 : i32
    "tpu.region"() ({
      %run_scoped3A_669 = tpu.sem_alloc : memref<!tpu.dma_semaphore, #tpu.memory_space<semaphore_mem>>
      %dma_start3A_670 = arith.constant 0 : i32
      %dma_start3A_671 = arith.constant 0 : i32
      %dma_start3A_672 = tpu.memref_slice %arg9[%dma_start3A_670, %dma_start3A_671] : memref<240x128xf32, #tpu.memory_space<vmem>> -> memref<80x128xf32, #tpu.memory_space<vmem>>
      %dma_start3A_673 = arith.constant 0 : i32
      %dma_start3A_674 = tpu.memref_slice %arg8[%run_scoped3A_493, %dma_start3A_673] : memref<25x80xi32, #tpu.memory_space<vmem>> -> memref<1x80xi32, #tpu.memory_space<vmem>>
      %dma_start3A_675 = tpu.memref_squeeze %dma_start3A_674 : memref<1x80xi32, #tpu.memory_space<vmem>> -> memref<80xi32, #tpu.memory_space<vmem>>
      %dma_start3A_676 = arith.constant 0 : i32
      %dma_start3A_677 = arith.constant 0 : i32
      %dma_start3A_678 = tpu.memref_slice %arg10[%dma_start3A_676, %dma_start3A_677] : memref<10000x128xf32, #tpu.memory_space<vmem_shared>> -> memref<10000x128xf32, #tpu.memory_space<vmem_shared>>
      tpu.enqueue_indirect_dma source(%dma_start3A_672 : memref<80x128xf32, #tpu.memory_space<vmem>>) target(%dma_start3A_678 : memref<10000x128xf32, #tpu.memory_space<vmem_shared>>) offsets(%dma_start3A_675 : memref<80xi32, #tpu.memory_space<vmem>>) semaphore(%run_scoped3A_669 : memref<!tpu.dma_semaphore, #tpu.memory_space<semaphore_mem>>) {add = true}
      %dma_wait3A_679 = arith.constant 0 : i32
      %dma_wait3A_680 = arith.constant 0 : i32
      %dma_wait3A_681 = tpu.memref_slice %arg9[%dma_wait3A_679, %dma_wait3A_680] : memref<240x128xf32, #tpu.memory_space<vmem>> -> memref<80x128xf32, #tpu.memory_space<vmem>>
      %dma_wait3A_682 = arith.constant 0 : i32
      %dma_wait3A_683 = tpu.memref_slice %arg8[%run_scoped3A_493, %dma_wait3A_682] : memref<25x80xi32, #tpu.memory_space<vmem>> -> memref<1x80xi32, #tpu.memory_space<vmem>>
      %dma_wait3A_684 = tpu.memref_squeeze %dma_wait3A_683 : memref<1x80xi32, #tpu.memory_space<vmem>> -> memref<80xi32, #tpu.memory_space<vmem>>
      %dma_wait3A_685 = arith.constant 0 : i32
      %dma_wait3A_686 = arith.constant 0 : i32
      %dma_wait3A_687 = tpu.memref_slice %arg10[%dma_wait3A_685, %dma_wait3A_686] : memref<10000x128xf32, #tpu.memory_space<vmem_shared>> -> memref<10000x128xf32, #tpu.memory_space<vmem_shared>>
      tpu.wait_indirect_dma semaphore(%run_scoped3A_669 : memref<!tpu.dma_semaphore, #tpu.memory_space<semaphore_mem>>) src(%dma_wait3A_681 : memref<80x128xf32, #tpu.memory_space<vmem>>) dst(%dma_wait3A_687 : memref<10000x128xf32, #tpu.memory_space<vmem_shared>>)
      tpu.yield
    }) : () -> ()
    %dma_start3A_494 = arith.constant 24 : i32
    %dma_start3A_495 = arith.constant 0 : i32
    %dma_start3A_496 = arith.constant 0 : i32
    %dma_start3A_497 = arith.constant 0 : i32
    %dma_start3A_498 = tpu.memref_slice %arg9[%dma_start3A_496, %dma_start3A_497] : memref<240x128xf32, #tpu.memory_space<vmem>> -> memref<80x128xf32, #tpu.memory_space<vmem>>
    %dma_start3A_499 = arith.constant 0 : i32
    %dma_start3A_500 = tpu.memref_slice %arg7[%dma_start3A_494, %dma_start3A_499] : memref<25x80xi32, #tpu.memory_space<vmem>> -> memref<1x80xi32, #tpu.memory_space<vmem>>
    %dma_start3A_501 = tpu.memref_squeeze %dma_start3A_500 : memref<1x80xi32, #tpu.memory_space<vmem>> -> memref<80xi32, #tpu.memory_space<vmem>>
    %dma_start3A_502 = arith.constant 0 : i32
    %dma_start3A_503 = arith.constant 0 : i32
    %dma_start3A_504 = tpu.memref_slice %arg2[%dma_start3A_502, %dma_start3A_503] : memref<10000x128xf32, #tpu.memory_space<hbm>> -> memref<10000x128xf32, #tpu.memory_space<hbm>>
    %dma_start3A_505 = tpu.memref_slice %arg11[%dma_start3A_495] : memref<3x!tpu.dma_semaphore, #tpu.memory_space<semaphore_mem>> -> memref<1x!tpu.dma_semaphore, #tpu.memory_space<semaphore_mem>>
    %dma_start3A_506 = tpu.memref_squeeze %dma_start3A_505 : memref<1x!tpu.dma_semaphore, #tpu.memory_space<semaphore_mem>> -> memref<!tpu.dma_semaphore, #tpu.memory_space<semaphore_mem>>
    tpu.enqueue_indirect_dma source(%dma_start3A_504 : memref<10000x128xf32, #tpu.memory_space<hbm>>) target(%dma_start3A_498 : memref<80x128xf32, #tpu.memory_space<vmem>>) offsets(%dma_start3A_501 : memref<80xi32, #tpu.memory_space<vmem>>) semaphore(%dma_start3A_506 : memref<!tpu.dma_semaphore, #tpu.memory_space<semaphore_mem>>)
    %dma_wait3A_507 = arith.constant 22 : i32
    %dma_wait3A_508 = arith.constant 1 : i32
    %dma_wait3A_509 = arith.constant 80 : i32
    %dma_wait3A_510 = arith.constant 0 : i32
    %dma_wait3A_511 = tpu.memref_slice %arg9[%dma_wait3A_509, %dma_wait3A_510] : memref<240x128xf32, #tpu.memory_space<vmem>> -> memref<80x128xf32, #tpu.memory_space<vmem>>
    %dma_wait3A_512 = arith.constant 0 : i32
    %dma_wait3A_513 = tpu.memref_slice %arg7[%dma_wait3A_507, %dma_wait3A_512] : memref<25x80xi32, #tpu.memory_space<vmem>> -> memref<1x80xi32, #tpu.memory_space<vmem>>
    %dma_wait3A_514 = tpu.memref_squeeze %dma_wait3A_513 : memref<1x80xi32, #tpu.memory_space<vmem>> -> memref<80xi32, #tpu.memory_space<vmem>>
    %dma_wait3A_515 = arith.constant 0 : i32
    %dma_wait3A_516 = arith.constant 0 : i32
    %dma_wait3A_517 = tpu.memref_slice %arg2[%dma_wait3A_515, %dma_wait3A_516] : memref<10000x128xf32, #tpu.memory_space<hbm>> -> memref<10000x128xf32, #tpu.memory_space<hbm>>
    %dma_wait3A_518 = tpu.memref_slice %arg11[%dma_wait3A_508] : memref<3x!tpu.dma_semaphore, #tpu.memory_space<semaphore_mem>> -> memref<1x!tpu.dma_semaphore, #tpu.memory_space<semaphore_mem>>
    %dma_wait3A_519 = tpu.memref_squeeze %dma_wait3A_518 : memref<1x!tpu.dma_semaphore, #tpu.memory_space<semaphore_mem>> -> memref<!tpu.dma_semaphore, #tpu.memory_space<semaphore_mem>>
    tpu.wait_indirect_dma semaphore(%dma_wait3A_519 : memref<!tpu.dma_semaphore, #tpu.memory_space<semaphore_mem>>) src(%dma_wait3A_517 : memref<10000x128xf32, #tpu.memory_space<hbm>>) dst(%dma_wait3A_511 : memref<80x128xf32, #tpu.memory_space<vmem>>)
    %run_scoped3A_520 = arith.constant 22 : i32
    "tpu.region"() ({
      %run_scoped3A_669 = tpu.sem_alloc : memref<!tpu.dma_semaphore, #tpu.memory_space<semaphore_mem>>
      %dma_start3A_670 = arith.constant 80 : i32
      %dma_start3A_671 = arith.constant 0 : i32
      %dma_start3A_672 = tpu.memref_slice %arg9[%dma_start3A_670, %dma_start3A_671] : memref<240x128xf32, #tpu.memory_space<vmem>> -> memref<80x128xf32, #tpu.memory_space<vmem>>
      %dma_start3A_673 = arith.constant 0 : i32
      %dma_start3A_674 = tpu.memref_slice %arg8[%run_scoped3A_520, %dma_start3A_673] : memref<25x80xi32, #tpu.memory_space<vmem>> -> memref<1x80xi32, #tpu.memory_space<vmem>>
      %dma_start3A_675 = tpu.memref_squeeze %dma_start3A_674 : memref<1x80xi32, #tpu.memory_space<vmem>> -> memref<80xi32, #tpu.memory_space<vmem>>
      %dma_start3A_676 = arith.constant 0 : i32
      %dma_start3A_677 = arith.constant 0 : i32
      %dma_start3A_678 = tpu.memref_slice %arg10[%dma_start3A_676, %dma_start3A_677] : memref<10000x128xf32, #tpu.memory_space<vmem_shared>> -> memref<10000x128xf32, #tpu.memory_space<vmem_shared>>
      tpu.enqueue_indirect_dma source(%dma_start3A_672 : memref<80x128xf32, #tpu.memory_space<vmem>>) target(%dma_start3A_678 : memref<10000x128xf32, #tpu.memory_space<vmem_shared>>) offsets(%dma_start3A_675 : memref<80xi32, #tpu.memory_space<vmem>>) semaphore(%run_scoped3A_669 : memref<!tpu.dma_semaphore, #tpu.memory_space<semaphore_mem>>) {add = true}
      %dma_wait3A_679 = arith.constant 80 : i32
      %dma_wait3A_680 = arith.constant 0 : i32
      %dma_wait3A_681 = tpu.memref_slice %arg9[%dma_wait3A_679, %dma_wait3A_680] : memref<240x128xf32, #tpu.memory_space<vmem>> -> memref<80x128xf32, #tpu.memory_space<vmem>>
      %dma_wait3A_682 = arith.constant 0 : i32
      %dma_wait3A_683 = tpu.memref_slice %arg8[%run_scoped3A_520, %dma_wait3A_682] : memref<25x80xi32, #tpu.memory_space<vmem>> -> memref<1x80xi32, #tpu.memory_space<vmem>>
      %dma_wait3A_684 = tpu.memref_squeeze %dma_wait3A_683 : memref<1x80xi32, #tpu.memory_space<vmem>> -> memref<80xi32, #tpu.memory_space<vmem>>
      %dma_wait3A_685 = arith.constant 0 : i32
      %dma_wait3A_686 = arith.constant 0 : i32
      %dma_wait3A_687 = tpu.memref_slice %arg10[%dma_wait3A_685, %dma_wait3A_686] : memref<10000x128xf32, #tpu.memory_space<vmem_shared>> -> memref<10000x128xf32, #tpu.memory_space<vmem_shared>>
      tpu.wait_indirect_dma semaphore(%run_scoped3A_669 : memref<!tpu.dma_semaphore, #tpu.memory_space<semaphore_mem>>) src(%dma_wait3A_681 : memref<80x128xf32, #tpu.memory_space<vmem>>) dst(%dma_wait3A_687 : memref<10000x128xf32, #tpu.memory_space<vmem_shared>>)
      tpu.yield
    }) : () -> ()
    %dma_start3A_521 = arith.constant 0 : i32
    %dma_start3A_522 = arith.constant 1 : i32
    %dma_start3A_523 = arith.constant 80 : i32
    %dma_start3A_524 = arith.constant 0 : i32
    %dma_start3A_525 = tpu.memref_slice %arg9[%dma_start3A_523, %dma_start3A_524] : memref<240x128xf32, #tpu.memory_space<vmem>> -> memref<80x128xf32, #tpu.memory_space<vmem>>
    %dma_start3A_526 = arith.constant 0 : i32
    %dma_start3A_527 = tpu.memref_slice %arg6[%dma_start3A_521, %dma_start3A_526] : memref<25x80xi32, #tpu.memory_space<vmem>> -> memref<1x80xi32, #tpu.memory_space<vmem>>
    %dma_start3A_528 = tpu.memref_squeeze %dma_start3A_527 : memref<1x80xi32, #tpu.memory_space<vmem>> -> memref<80xi32, #tpu.memory_space<vmem>>
    %dma_start3A_529 = arith.constant 0 : i32
    %dma_start3A_530 = arith.constant 0 : i32
    %dma_start3A_531 = tpu.memref_slice %arg2[%dma_start3A_529, %dma_start3A_530] : memref<10000x128xf32, #tpu.memory_space<hbm>> -> memref<10000x128xf32, #tpu.memory_space<hbm>>
    %dma_start3A_532 = tpu.memref_slice %arg11[%dma_start3A_522] : memref<3x!tpu.dma_semaphore, #tpu.memory_space<semaphore_mem>> -> memref<1x!tpu.dma_semaphore, #tpu.memory_space<semaphore_mem>>
    %dma_start3A_533 = tpu.memref_squeeze %dma_start3A_532 : memref<1x!tpu.dma_semaphore, #tpu.memory_space<semaphore_mem>> -> memref<!tpu.dma_semaphore, #tpu.memory_space<semaphore_mem>>
    tpu.enqueue_indirect_dma source(%dma_start3A_531 : memref<10000x128xf32, #tpu.memory_space<hbm>>) target(%dma_start3A_525 : memref<80x128xf32, #tpu.memory_space<vmem>>) offsets(%dma_start3A_528 : memref<80xi32, #tpu.memory_space<vmem>>) semaphore(%dma_start3A_533 : memref<!tpu.dma_semaphore, #tpu.memory_space<semaphore_mem>>)
    %dma_wait3A_534 = arith.constant 23 : i32
    %dma_wait3A_535 = arith.constant 2 : i32
    %dma_wait3A_536 = arith.constant 160 : i32
    %dma_wait3A_537 = arith.constant 0 : i32
    %dma_wait3A_538 = tpu.memref_slice %arg9[%dma_wait3A_536, %dma_wait3A_537] : memref<240x128xf32, #tpu.memory_space<vmem>> -> memref<80x128xf32, #tpu.memory_space<vmem>>
    %dma_wait3A_539 = arith.constant 0 : i32
    %dma_wait3A_540 = tpu.memref_slice %arg7[%dma_wait3A_534, %dma_wait3A_539] : memref<25x80xi32, #tpu.memory_space<vmem>> -> memref<1x80xi32, #tpu.memory_space<vmem>>
    %dma_wait3A_541 = tpu.memref_squeeze %dma_wait3A_540 : memref<1x80xi32, #tpu.memory_space<vmem>> -> memref<80xi32, #tpu.memory_space<vmem>>
    %dma_wait3A_542 = arith.constant 0 : i32
    %dma_wait3A_543 = arith.constant 0 : i32
    %dma_wait3A_544 = tpu.memref_slice %arg2[%dma_wait3A_542, %dma_wait3A_543] : memref<10000x128xf32, #tpu.memory_space<hbm>> -> memref<10000x128xf32, #tpu.memory_space<hbm>>
    %dma_wait3A_545 = tpu.memref_slice %arg11[%dma_wait3A_535] : memref<3x!tpu.dma_semaphore, #tpu.memory_space<semaphore_mem>> -> memref<1x!tpu.dma_semaphore, #tpu.memory_space<semaphore_mem>>
    %dma_wait3A_546 = tpu.memref_squeeze %dma_wait3A_545 : memref<1x!tpu.dma_semaphore, #tpu.memory_space<semaphore_mem>> -> memref<!tpu.dma_semaphore, #tpu.memory_space<semaphore_mem>>
    tpu.wait_indirect_dma semaphore(%dma_wait3A_546 : memref<!tpu.dma_semaphore, #tpu.memory_space<semaphore_mem>>) src(%dma_wait3A_544 : memref<10000x128xf32, #tpu.memory_space<hbm>>) dst(%dma_wait3A_538 : memref<80x128xf32, #tpu.memory_space<vmem>>)
    %run_scoped3A_547 = arith.constant 23 : i32
    "tpu.region"() ({
      %run_scoped3A_669 = tpu.sem_alloc : memref<!tpu.dma_semaphore, #tpu.memory_space<semaphore_mem>>
      %dma_start3A_670 = arith.constant 160 : i32
      %dma_start3A_671 = arith.constant 0 : i32
      %dma_start3A_672 = tpu.memref_slice %arg9[%dma_start3A_670, %dma_start3A_671] : memref<240x128xf32, #tpu.memory_space<vmem>> -> memref<80x128xf32, #tpu.memory_space<vmem>>
      %dma_start3A_673 = arith.constant 0 : i32
      %dma_start3A_674 = tpu.memref_slice %arg8[%run_scoped3A_547, %dma_start3A_673] : memref<25x80xi32, #tpu.memory_space<vmem>> -> memref<1x80xi32, #tpu.memory_space<vmem>>
      %dma_start3A_675 = tpu.memref_squeeze %dma_start3A_674 : memref<1x80xi32, #tpu.memory_space<vmem>> -> memref<80xi32, #tpu.memory_space<vmem>>
      %dma_start3A_676 = arith.constant 0 : i32
      %dma_start3A_677 = arith.constant 0 : i32
      %dma_start3A_678 = tpu.memref_slice %arg10[%dma_start3A_676, %dma_start3A_677] : memref<10000x128xf32, #tpu.memory_space<vmem_shared>> -> memref<10000x128xf32, #tpu.memory_space<vmem_shared>>
      tpu.enqueue_indirect_dma source(%dma_start3A_672 : memref<80x128xf32, #tpu.memory_space<vmem>>) target(%dma_start3A_678 : memref<10000x128xf32, #tpu.memory_space<vmem_shared>>) offsets(%dma_start3A_675 : memref<80xi32, #tpu.memory_space<vmem>>) semaphore(%run_scoped3A_669 : memref<!tpu.dma_semaphore, #tpu.memory_space<semaphore_mem>>) {add = true}
      %dma_wait3A_679 = arith.constant 160 : i32
      %dma_wait3A_680 = arith.constant 0 : i32
      %dma_wait3A_681 = tpu.memref_slice %arg9[%dma_wait3A_679, %dma_wait3A_680] : memref<240x128xf32, #tpu.memory_space<vmem>> -> memref<80x128xf32, #tpu.memory_space<vmem>>
      %dma_wait3A_682 = arith.constant 0 : i32
      %dma_wait3A_683 = tpu.memref_slice %arg8[%run_scoped3A_547, %dma_wait3A_682] : memref<25x80xi32, #tpu.memory_space<vmem>> -> memref<1x80xi32, #tpu.memory_space<vmem>>
      %dma_wait3A_684 = tpu.memref_squeeze %dma_wait3A_683 : memref<1x80xi32, #tpu.memory_space<vmem>> -> memref<80xi32, #tpu.memory_space<vmem>>
      %dma_wait3A_685 = arith.constant 0 : i32
      %dma_wait3A_686 = arith.constant 0 : i32
      %dma_wait3A_687 = tpu.memref_slice %arg10[%dma_wait3A_685, %dma_wait3A_686] : memref<10000x128xf32, #tpu.memory_space<vmem_shared>> -> memref<10000x128xf32, #tpu.memory_space<vmem_shared>>
      tpu.wait_indirect_dma semaphore(%run_scoped3A_669 : memref<!tpu.dma_semaphore, #tpu.memory_space<semaphore_mem>>) src(%dma_wait3A_681 : memref<80x128xf32, #tpu.memory_space<vmem>>) dst(%dma_wait3A_687 : memref<10000x128xf32, #tpu.memory_space<vmem_shared>>)
      tpu.yield
    }) : () -> ()
    %dma_start3A_548 = arith.constant 1 : i32
    %dma_start3A_549 = arith.constant 2 : i32
    %dma_start3A_550 = arith.constant 160 : i32
    %dma_start3A_551 = arith.constant 0 : i32
    %dma_start3A_552 = tpu.memref_slice %arg9[%dma_start3A_550, %dma_start3A_551] : memref<240x128xf32, #tpu.memory_space<vmem>> -> memref<80x128xf32, #tpu.memory_space<vmem>>
    %dma_start3A_553 = arith.constant 0 : i32
    %dma_start3A_554 = tpu.memref_slice %arg6[%dma_start3A_548, %dma_start3A_553] : memref<25x80xi32, #tpu.memory_space<vmem>> -> memref<1x80xi32, #tpu.memory_space<vmem>>
    %dma_start3A_555 = tpu.memref_squeeze %dma_start3A_554 : memref<1x80xi32, #tpu.memory_space<vmem>> -> memref<80xi32, #tpu.memory_space<vmem>>
    %dma_start3A_556 = arith.constant 0 : i32
    %dma_start3A_557 = arith.constant 0 : i32
    %dma_start3A_558 = tpu.memref_slice %arg2[%dma_start3A_556, %dma_start3A_557] : memref<10000x128xf32, #tpu.memory_space<hbm>> -> memref<10000x128xf32, #tpu.memory_space<hbm>>
    %dma_start3A_559 = tpu.memref_slice %arg11[%dma_start3A_549] : memref<3x!tpu.dma_semaphore, #tpu.memory_space<semaphore_mem>> -> memref<1x!tpu.dma_semaphore, #tpu.memory_space<semaphore_mem>>
    %dma_start3A_560 = tpu.memref_squeeze %dma_start3A_559 : memref<1x!tpu.dma_semaphore, #tpu.memory_space<semaphore_mem>> -> memref<!tpu.dma_semaphore, #tpu.memory_space<semaphore_mem>>
    tpu.enqueue_indirect_dma source(%dma_start3A_558 : memref<10000x128xf32, #tpu.memory_space<hbm>>) target(%dma_start3A_552 : memref<80x128xf32, #tpu.memory_space<vmem>>) offsets(%dma_start3A_555 : memref<80xi32, #tpu.memory_space<vmem>>) semaphore(%dma_start3A_560 : memref<!tpu.dma_semaphore, #tpu.memory_space<semaphore_mem>>)
    %dma_wait3A_561 = arith.constant 24 : i32
    %dma_wait3A_562 = arith.constant 0 : i32
    %dma_wait3A_563 = arith.constant 0 : i32
    %dma_wait3A_564 = arith.constant 0 : i32
    %dma_wait3A_565 = tpu.memref_slice %arg9[%dma_wait3A_563, %dma_wait3A_564] : memref<240x128xf32, #tpu.memory_space<vmem>> -> memref<80x128xf32, #tpu.memory_space<vmem>>
    %dma_wait3A_566 = arith.constant 0 : i32
    %dma_wait3A_567 = tpu.memref_slice %arg7[%dma_wait3A_561, %dma_wait3A_566] : memref<25x80xi32, #tpu.memory_space<vmem>> -> memref<1x80xi32, #tpu.memory_space<vmem>>
    %dma_wait3A_568 = tpu.memref_squeeze %dma_wait3A_567 : memref<1x80xi32, #tpu.memory_space<vmem>> -> memref<80xi32, #tpu.memory_space<vmem>>
    %dma_wait3A_569 = arith.constant 0 : i32
    %dma_wait3A_570 = arith.constant 0 : i32
    %dma_wait3A_571 = tpu.memref_slice %arg2[%dma_wait3A_569, %dma_wait3A_570] : memref<10000x128xf32, #tpu.memory_space<hbm>> -> memref<10000x128xf32, #tpu.memory_space<hbm>>
    %dma_wait3A_572 = tpu.memref_slice %arg11[%dma_wait3A_562] : memref<3x!tpu.dma_semaphore, #tpu.memory_space<semaphore_mem>> -> memref<1x!tpu.dma_semaphore, #tpu.memory_space<semaphore_mem>>
    %dma_wait3A_573 = tpu.memref_squeeze %dma_wait3A_572 : memref<1x!tpu.dma_semaphore, #tpu.memory_space<semaphore_mem>> -> memref<!tpu.dma_semaphore, #tpu.memory_space<semaphore_mem>>
    tpu.wait_indirect_dma semaphore(%dma_wait3A_573 : memref<!tpu.dma_semaphore, #tpu.memory_space<semaphore_mem>>) src(%dma_wait3A_571 : memref<10000x128xf32, #tpu.memory_space<hbm>>) dst(%dma_wait3A_565 : memref<80x128xf32, #tpu.memory_space<vmem>>)
    %run_scoped3A_574 = arith.constant 24 : i32
    "tpu.region"() ({
      %run_scoped3A_669 = tpu.sem_alloc : memref<!tpu.dma_semaphore, #tpu.memory_space<semaphore_mem>>
      %dma_start3A_670 = arith.constant 0 : i32
      %dma_start3A_671 = arith.constant 0 : i32
      %dma_start3A_672 = tpu.memref_slice %arg9[%dma_start3A_670, %dma_start3A_671] : memref<240x128xf32, #tpu.memory_space<vmem>> -> memref<80x128xf32, #tpu.memory_space<vmem>>
      %dma_start3A_673 = arith.constant 0 : i32
      %dma_start3A_674 = tpu.memref_slice %arg8[%run_scoped3A_574, %dma_start3A_673] : memref<25x80xi32, #tpu.memory_space<vmem>> -> memref<1x80xi32, #tpu.memory_space<vmem>>
      %dma_start3A_675 = tpu.memref_squeeze %dma_start3A_674 : memref<1x80xi32, #tpu.memory_space<vmem>> -> memref<80xi32, #tpu.memory_space<vmem>>
      %dma_start3A_676 = arith.constant 0 : i32
      %dma_start3A_677 = arith.constant 0 : i32
      %dma_start3A_678 = tpu.memref_slice %arg10[%dma_start3A_676, %dma_start3A_677] : memref<10000x128xf32, #tpu.memory_space<vmem_shared>> -> memref<10000x128xf32, #tpu.memory_space<vmem_shared>>
      tpu.enqueue_indirect_dma source(%dma_start3A_672 : memref<80x128xf32, #tpu.memory_space<vmem>>) target(%dma_start3A_678 : memref<10000x128xf32, #tpu.memory_space<vmem_shared>>) offsets(%dma_start3A_675 : memref<80xi32, #tpu.memory_space<vmem>>) semaphore(%run_scoped3A_669 : memref<!tpu.dma_semaphore, #tpu.memory_space<semaphore_mem>>) {add = true}
      %dma_wait3A_679 = arith.constant 0 : i32
      %dma_wait3A_680 = arith.constant 0 : i32
      %dma_wait3A_681 = tpu.memref_slice %arg9[%dma_wait3A_679, %dma_wait3A_680] : memref<240x128xf32, #tpu.memory_space<vmem>> -> memref<80x128xf32, #tpu.memory_space<vmem>>
      %dma_wait3A_682 = arith.constant 0 : i32
      %dma_wait3A_683 = tpu.memref_slice %arg8[%run_scoped3A_574, %dma_wait3A_682] : memref<25x80xi32, #tpu.memory_space<vmem>> -> memref<1x80xi32, #tpu.memory_space<vmem>>
      %dma_wait3A_684 = tpu.memref_squeeze %dma_wait3A_683 : memref<1x80xi32, #tpu.memory_space<vmem>> -> memref<80xi32, #tpu.memory_space<vmem>>
      %dma_wait3A_685 = arith.constant 0 : i32
      %dma_wait3A_686 = arith.constant 0 : i32
      %dma_wait3A_687 = tpu.memref_slice %arg10[%dma_wait3A_685, %dma_wait3A_686] : memref<10000x128xf32, #tpu.memory_space<vmem_shared>> -> memref<10000x128xf32, #tpu.memory_space<vmem_shared>>
      tpu.wait_indirect_dma semaphore(%run_scoped3A_669 : memref<!tpu.dma_semaphore, #tpu.memory_space<semaphore_mem>>) src(%dma_wait3A_681 : memref<80x128xf32, #tpu.memory_space<vmem>>) dst(%dma_wait3A_687 : memref<10000x128xf32, #tpu.memory_space<vmem_shared>>)
      tpu.yield
    }) : () -> ()
    %dma_start3A_575 = arith.constant 2 : i32
    %dma_start3A_576 = arith.constant 0 : i32
    %dma_start3A_577 = arith.constant 0 : i32
    %dma_start3A_578 = arith.constant 0 : i32
    %dma_start3A_579 = tpu.memref_slice %arg9[%dma_start3A_577, %dma_start3A_578] : memref<240x128xf32, #tpu.memory_space<vmem>> -> memref<80x128xf32, #tpu.memory_space<vmem>>
    %dma_start3A_580 = arith.constant 0 : i32
    %dma_start3A_581 = tpu.memref_slice %arg6[%dma_start3A_575, %dma_start3A_580] : memref<25x80xi32, #tpu.memory_space<vmem>> -> memref<1x80xi32, #tpu.memory_space<vmem>>
    %dma_start3A_582 = tpu.memref_squeeze %dma_start3A_581 : memref<1x80xi32, #tpu.memory_space<vmem>> -> memref<80xi32, #tpu.memory_space<vmem>>
    %dma_start3A_583 = arith.constant 0 : i32
    %dma_start3A_584 = arith.constant 0 : i32
    %dma_start3A_585 = tpu.memref_slice %arg2[%dma_start3A_583, %dma_start3A_584] : memref<10000x128xf32, #tpu.memory_space<hbm>> -> memref<10000x128xf32, #tpu.memory_space<hbm>>
    %dma_start3A_586 = tpu.memref_slice %arg11[%dma_start3A_576] : memref<3x!tpu.dma_semaphore, #tpu.memory_space<semaphore_mem>> -> memref<1x!tpu.dma_semaphore, #tpu.memory_space<semaphore_mem>>
    %dma_start3A_587 = tpu.memref_squeeze %dma_start3A_586 : memref<1x!tpu.dma_semaphore, #tpu.memory_space<semaphore_mem>> -> memref<!tpu.dma_semaphore, #tpu.memory_space<semaphore_mem>>
    tpu.enqueue_indirect_dma source(%dma_start3A_585 : memref<10000x128xf32, #tpu.memory_space<hbm>>) target(%dma_start3A_579 : memref<80x128xf32, #tpu.memory_space<vmem>>) offsets(%dma_start3A_582 : memref<80xi32, #tpu.memory_space<vmem>>) semaphore(%dma_start3A_587 : memref<!tpu.dma_semaphore, #tpu.memory_space<semaphore_mem>>)
    %run_scoped3A_588 = arith.constant 1 : i32
    %run_scoped3A_589 = arith.constant 4 : i32
    "tpu.region"() ({
      %run_scoped3A_669 = tpu.sem_alloc : memref<!tpu.dma_semaphore, #tpu.memory_space<semaphore_mem>>
      %dma_start3A_670 = arith.constant 0 : i32
      %dma_start3A_671 = arith.constant 0 : i32
      %dma_start3A_672 = tpu.memref_slice %arg3[%run_scoped3A_588, %add3A, %run_scoped3A_589, %dma_start3A_670, %dma_start3A_671] : memref<2x32x5x25x80xi32, #tpu.memory_space<hbm>> -> memref<1x1x1x25x80xi32, #tpu.memory_space<hbm>>
      %dma_start3A_673 = tpu.memref_squeeze %dma_start3A_672 : memref<1x1x1x25x80xi32, #tpu.memory_space<hbm>> -> memref<25x80xi32, #tpu.memory_space<hbm>>
      %dma_start3A_674 = arith.constant 0 : i32
      %dma_start3A_675 = arith.constant 0 : i32
      %dma_start3A_676 = tpu.memref_slice %arg3[%run_scoped3A_588, %add3A, %run_scoped3A_589, %dma_start3A_674, %dma_start3A_675] : memref<2x32x5x25x80xi32, #tpu.memory_space<hbm>> -> memref<1x1x1x25x80xi32, #tpu.memory_space<hbm>>
      %dma_start3A_677 = tpu.memref_squeeze %dma_start3A_676 : memref<1x1x1x25x80xi32, #tpu.memory_space<hbm>> -> memref<25x80xi32, #tpu.memory_space<hbm>>
      tpu.enqueue_dma source(%dma_start3A_677 : memref<25x80xi32, #tpu.memory_space<hbm>>) target(%arg8 : memref<25x80xi32, #tpu.memory_space<vmem>>) target_semaphore(%run_scoped3A_669 : memref<!tpu.dma_semaphore, #tpu.memory_space<semaphore_mem>>)
      %dma_wait3A_678 = arith.constant 0 : i32
      %dma_wait3A_679 = arith.constant 0 : i32
      %dma_wait3A_680 = tpu.memref_slice %arg3[%run_scoped3A_588, %add3A, %run_scoped3A_589, %dma_wait3A_678, %dma_wait3A_679] : memref<2x32x5x25x80xi32, #tpu.memory_space<hbm>> -> memref<1x1x1x25x80xi32, #tpu.memory_space<hbm>>
      %dma_wait3A_681 = tpu.memref_squeeze %dma_wait3A_680 : memref<1x1x1x25x80xi32, #tpu.memory_space<hbm>> -> memref<25x80xi32, #tpu.memory_space<hbm>>
      %dma_wait3A_682 = arith.constant 0 : i32
      %dma_wait3A_683 = arith.constant 0 : i32
      %dma_wait3A_684 = tpu.memref_slice %arg3[%run_scoped3A_588, %add3A, %run_scoped3A_589, %dma_wait3A_682, %dma_wait3A_683] : memref<2x32x5x25x80xi32, #tpu.memory_space<hbm>> -> memref<1x1x1x25x80xi32, #tpu.memory_space<hbm>>
      %dma_wait3A_685 = tpu.memref_squeeze %dma_wait3A_684 : memref<1x1x1x25x80xi32, #tpu.memory_space<hbm>> -> memref<25x80xi32, #tpu.memory_space<hbm>>
      tpu.wait_dma2 semaphore(%run_scoped3A_669 : memref<!tpu.dma_semaphore, #tpu.memory_space<semaphore_mem>>) src(%dma_wait3A_685 : memref<25x80xi32, #tpu.memory_space<hbm>>) dst(%arg8 : memref<25x80xi32, #tpu.memory_space<vmem>>)
      tpu.yield
    }) : () -> ()
    %scan3A_590 = arith.constant 0 : i32
    %scan3A_591 = arith.constant 0 : i32
    %scan3A_592 = arith.constant 7 : i32
    %scan3A_593 = arith.addi %scan3A_591, %scan3A_592 : i32
    %scan3A_594 = arith.constant 1 : i32
    %scan3A_595 = scf.for %scan3A_669 = %scan3A_591 to %scan3A_593 step %scan3A_594 iter_args(%scan3A_670 = %scan3A_590) -> (i32)  : i32 {
      %mul3A_671 = arith.constant 3 : i32
      %mul3A_672 = arith.muli %scan3A_669, %mul3A_671 : i32
      %add3A_673 = arith.constant 0 : i32
      %add3A_674 = arith.addi %mul3A_672, %add3A_673 : i32
      %dma_wait3A_675 = arith.constant 1 : i32
      %dma_wait3A_676 = arith.constant 80 : i32
      %dma_wait3A_677 = arith.constant 0 : i32
      %dma_wait3A_678 = tpu.memref_slice %arg9[%dma_wait3A_676, %dma_wait3A_677] : memref<240x128xf32, #tpu.memory_space<vmem>> -> memref<80x128xf32, #tpu.memory_space<vmem>>
      %dma_wait3A_679 = arith.constant 0 : i32
      %dma_wait3A_680 = tpu.memref_slice %arg6[%add3A_674, %dma_wait3A_679] : memref<25x80xi32, #tpu.memory_space<vmem>> -> memref<1x80xi32, #tpu.memory_space<vmem>>
      %dma_wait3A_681 = tpu.memref_squeeze %dma_wait3A_680 : memref<1x80xi32, #tpu.memory_space<vmem>> -> memref<80xi32, #tpu.memory_space<vmem>>
      %dma_wait3A_682 = arith.constant 0 : i32
      %dma_wait3A_683 = arith.constant 0 : i32
      %dma_wait3A_684 = tpu.memref_slice %arg2[%dma_wait3A_682, %dma_wait3A_683] : memref<10000x128xf32, #tpu.memory_space<hbm>> -> memref<10000x128xf32, #tpu.memory_space<hbm>>
      %dma_wait3A_685 = tpu.memref_slice %arg11[%dma_wait3A_675] : memref<3x!tpu.dma_semaphore, #tpu.memory_space<semaphore_mem>> -> memref<1x!tpu.dma_semaphore, #tpu.memory_space<semaphore_mem>>
      %dma_wait3A_686 = tpu.memref_squeeze %dma_wait3A_685 : memref<1x!tpu.dma_semaphore, #tpu.memory_space<semaphore_mem>> -> memref<!tpu.dma_semaphore, #tpu.memory_space<semaphore_mem>>
      tpu.wait_indirect_dma semaphore(%dma_wait3A_686 : memref<!tpu.dma_semaphore, #tpu.memory_space<semaphore_mem>>) src(%dma_wait3A_684 : memref<10000x128xf32, #tpu.memory_space<hbm>>) dst(%dma_wait3A_678 : memref<80x128xf32, #tpu.memory_space<vmem>>)
      "tpu.region"() ({
        %run_scoped3A_762 = tpu.sem_alloc : memref<!tpu.dma_semaphore, #tpu.memory_space<semaphore_mem>>
        %dma_start3A_763 = arith.constant 80 : i32
        %dma_start3A_764 = arith.constant 0 : i32
        %dma_start3A_765 = tpu.memref_slice %arg9[%dma_start3A_763, %dma_start3A_764] : memref<240x128xf32, #tpu.memory_space<vmem>> -> memref<80x128xf32, #tpu.memory_space<vmem>>
        %dma_start3A_766 = arith.constant 0 : i32
        %dma_start3A_767 = tpu.memref_slice %arg8[%add3A_674, %dma_start3A_766] : memref<25x80xi32, #tpu.memory_space<vmem>> -> memref<1x80xi32, #tpu.memory_space<vmem>>
        %dma_start3A_768 = tpu.memref_squeeze %dma_start3A_767 : memref<1x80xi32, #tpu.memory_space<vmem>> -> memref<80xi32, #tpu.memory_space<vmem>>
        %dma_start3A_769 = arith.constant 0 : i32
        %dma_start3A_770 = arith.constant 0 : i32
        %dma_start3A_771 = tpu.memref_slice %arg10[%dma_start3A_769, %dma_start3A_770] : memref<10000x128xf32, #tpu.memory_space<vmem_shared>> -> memref<10000x128xf32, #tpu.memory_space<vmem_shared>>
        tpu.enqueue_indirect_dma source(%dma_start3A_765 : memref<80x128xf32, #tpu.memory_space<vmem>>) target(%dma_start3A_771 : memref<10000x128xf32, #tpu.memory_space<vmem_shared>>) offsets(%dma_start3A_768 : memref<80xi32, #tpu.memory_space<vmem>>) semaphore(%run_scoped3A_762 : memref<!tpu.dma_semaphore, #tpu.memory_space<semaphore_mem>>) {add = true}
        %dma_wait3A_772 = arith.constant 80 : i32
        %dma_wait3A_773 = arith.constant 0 : i32
        %dma_wait3A_774 = tpu.memref_slice %arg9[%dma_wait3A_772, %dma_wait3A_773] : memref<240x128xf32, #tpu.memory_space<vmem>> -> memref<80x128xf32, #tpu.memory_space<vmem>>
        %dma_wait3A_775 = arith.constant 0 : i32
        %dma_wait3A_776 = tpu.memref_slice %arg8[%add3A_674, %dma_wait3A_775] : memref<25x80xi32, #tpu.memory_space<vmem>> -> memref<1x80xi32, #tpu.memory_space<vmem>>
        %dma_wait3A_777 = tpu.memref_squeeze %dma_wait3A_776 : memref<1x80xi32, #tpu.memory_space<vmem>> -> memref<80xi32, #tpu.memory_space<vmem>>
        %dma_wait3A_778 = arith.constant 0 : i32
        %dma_wait3A_779 = arith.constant 0 : i32
        %dma_wait3A_780 = tpu.memref_slice %arg10[%dma_wait3A_778, %dma_wait3A_779] : memref<10000x128xf32, #tpu.memory_space<vmem_shared>> -> memref<10000x128xf32, #tpu.memory_space<vmem_shared>>
        tpu.wait_indirect_dma semaphore(%run_scoped3A_762 : memref<!tpu.dma_semaphore, #tpu.memory_space<semaphore_mem>>) src(%dma_wait3A_774 : memref<80x128xf32, #tpu.memory_space<vmem>>) dst(%dma_wait3A_780 : memref<10000x128xf32, #tpu.memory_space<vmem_shared>>)
        tpu.yield
      }) : () -> ()
      %add3A_687 = arith.constant 3 : i32
      %add3A_688 = arith.addi %add3A_674, %add3A_687 : i32
      %dma_start3A_689 = arith.constant 1 : i32
      %dma_start3A_690 = arith.constant 80 : i32
      %dma_start3A_691 = arith.constant 0 : i32
      %dma_start3A_692 = tpu.memref_slice %arg9[%dma_start3A_690, %dma_start3A_691] : memref<240x128xf32, #tpu.memory_space<vmem>> -> memref<80x128xf32, #tpu.memory_space<vmem>>
      %dma_start3A_693 = arith.constant 0 : i32
      %dma_start3A_694 = tpu.memref_slice %arg6[%add3A_688, %dma_start3A_693] : memref<25x80xi32, #tpu.memory_space<vmem>> -> memref<1x80xi32, #tpu.memory_space<vmem>>
      %dma_start3A_695 = tpu.memref_squeeze %dma_start3A_694 : memref<1x80xi32, #tpu.memory_space<vmem>> -> memref<80xi32, #tpu.memory_space<vmem>>
      %dma_start3A_696 = arith.constant 0 : i32
      %dma_start3A_697 = arith.constant 0 : i32
      %dma_start3A_698 = tpu.memref_slice %arg2[%dma_start3A_696, %dma_start3A_697] : memref<10000x128xf32, #tpu.memory_space<hbm>> -> memref<10000x128xf32, #tpu.memory_space<hbm>>
      %dma_start3A_699 = tpu.memref_slice %arg11[%dma_start3A_689] : memref<3x!tpu.dma_semaphore, #tpu.memory_space<semaphore_mem>> -> memref<1x!tpu.dma_semaphore, #tpu.memory_space<semaphore_mem>>
      %dma_start3A_700 = tpu.memref_squeeze %dma_start3A_699 : memref<1x!tpu.dma_semaphore, #tpu.memory_space<semaphore_mem>> -> memref<!tpu.dma_semaphore, #tpu.memory_space<semaphore_mem>>
      tpu.enqueue_indirect_dma source(%dma_start3A_698 : memref<10000x128xf32, #tpu.memory_space<hbm>>) target(%dma_start3A_692 : memref<80x128xf32, #tpu.memory_space<vmem>>) offsets(%dma_start3A_695 : memref<80xi32, #tpu.memory_space<vmem>>) semaphore(%dma_start3A_700 : memref<!tpu.dma_semaphore, #tpu.memory_space<semaphore_mem>>)
      %mul3A_701 = arith.constant 3 : i32
      %mul3A_702 = arith.muli %scan3A_669, %mul3A_701 : i32
      %add3A_703 = arith.constant 1 : i32
      %add3A_704 = arith.addi %mul3A_702, %add3A_703 : i32
      %dma_wait3A_705 = arith.constant 2 : i32
      %dma_wait3A_706 = arith.constant 160 : i32
      %dma_wait3A_707 = arith.constant 0 : i32
      %dma_wait3A_708 = tpu.memref_slice %arg9[%dma_wait3A_706, %dma_wait3A_707] : memref<240x128xf32, #tpu.memory_space<vmem>> -> memref<80x128xf32, #tpu.memory_space<vmem>>
      %dma_wait3A_709 = arith.constant 0 : i32
      %dma_wait3A_710 = tpu.memref_slice %arg6[%add3A_704, %dma_wait3A_709] : memref<25x80xi32, #tpu.memory_space<vmem>> -> memref<1x80xi32, #tpu.memory_space<vmem>>
      %dma_wait3A_711 = tpu.memref_squeeze %dma_wait3A_710 : memref<1x80xi32, #tpu.memory_space<vmem>> -> memref<80xi32, #tpu.memory_space<vmem>>
      %dma_wait3A_712 = arith.constant 0 : i32
      %dma_wait3A_713 = arith.constant 0 : i32
      %dma_wait3A_714 = tpu.memref_slice %arg2[%dma_wait3A_712, %dma_wait3A_713] : memref<10000x128xf32, #tpu.memory_space<hbm>> -> memref<10000x128xf32, #tpu.memory_space<hbm>>
      %dma_wait3A_715 = tpu.memref_slice %arg11[%dma_wait3A_705] : memref<3x!tpu.dma_semaphore, #tpu.memory_space<semaphore_mem>> -> memref<1x!tpu.dma_semaphore, #tpu.memory_space<semaphore_mem>>
      %dma_wait3A_716 = tpu.memref_squeeze %dma_wait3A_715 : memref<1x!tpu.dma_semaphore, #tpu.memory_space<semaphore_mem>> -> memref<!tpu.dma_semaphore, #tpu.memory_space<semaphore_mem>>
      tpu.wait_indirect_dma semaphore(%dma_wait3A_716 : memref<!tpu.dma_semaphore, #tpu.memory_space<semaphore_mem>>) src(%dma_wait3A_714 : memref<10000x128xf32, #tpu.memory_space<hbm>>) dst(%dma_wait3A_708 : memref<80x128xf32, #tpu.memory_space<vmem>>)
      "tpu.region"() ({
        %run_scoped3A_762 = tpu.sem_alloc : memref<!tpu.dma_semaphore, #tpu.memory_space<semaphore_mem>>
        %dma_start3A_763 = arith.constant 160 : i32
        %dma_start3A_764 = arith.constant 0 : i32
        %dma_start3A_765 = tpu.memref_slice %arg9[%dma_start3A_763, %dma_start3A_764] : memref<240x128xf32, #tpu.memory_space<vmem>> -> memref<80x128xf32, #tpu.memory_space<vmem>>
        %dma_start3A_766 = arith.constant 0 : i32
        %dma_start3A_767 = tpu.memref_slice %arg8[%add3A_704, %dma_start3A_766] : memref<25x80xi32, #tpu.memory_space<vmem>> -> memref<1x80xi32, #tpu.memory_space<vmem>>
        %dma_start3A_768 = tpu.memref_squeeze %dma_start3A_767 : memref<1x80xi32, #tpu.memory_space<vmem>> -> memref<80xi32, #tpu.memory_space<vmem>>
        %dma_start3A_769 = arith.constant 0 : i32
        %dma_start3A_770 = arith.constant 0 : i32
        %dma_start3A_771 = tpu.memref_slice %arg10[%dma_start3A_769, %dma_start3A_770] : memref<10000x128xf32, #tpu.memory_space<vmem_shared>> -> memref<10000x128xf32, #tpu.memory_space<vmem_shared>>
        tpu.enqueue_indirect_dma source(%dma_start3A_765 : memref<80x128xf32, #tpu.memory_space<vmem>>) target(%dma_start3A_771 : memref<10000x128xf32, #tpu.memory_space<vmem_shared>>) offsets(%dma_start3A_768 : memref<80xi32, #tpu.memory_space<vmem>>) semaphore(%run_scoped3A_762 : memref<!tpu.dma_semaphore, #tpu.memory_space<semaphore_mem>>) {add = true}
        %dma_wait3A_772 = arith.constant 160 : i32
        %dma_wait3A_773 = arith.constant 0 : i32
        %dma_wait3A_774 = tpu.memref_slice %arg9[%dma_wait3A_772, %dma_wait3A_773] : memref<240x128xf32, #tpu.memory_space<vmem>> -> memref<80x128xf32, #tpu.memory_space<vmem>>
        %dma_wait3A_775 = arith.constant 0 : i32
        %dma_wait3A_776 = tpu.memref_slice %arg8[%add3A_704, %dma_wait3A_775] : memref<25x80xi32, #tpu.memory_space<vmem>> -> memref<1x80xi32, #tpu.memory_space<vmem>>
        %dma_wait3A_777 = tpu.memref_squeeze %dma_wait3A_776 : memref<1x80xi32, #tpu.memory_space<vmem>> -> memref<80xi32, #tpu.memory_space<vmem>>
        %dma_wait3A_778 = arith.constant 0 : i32
        %dma_wait3A_779 = arith.constant 0 : i32
        %dma_wait3A_780 = tpu.memref_slice %arg10[%dma_wait3A_778, %dma_wait3A_779] : memref<10000x128xf32, #tpu.memory_space<vmem_shared>> -> memref<10000x128xf32, #tpu.memory_space<vmem_shared>>
        tpu.wait_indirect_dma semaphore(%run_scoped3A_762 : memref<!tpu.dma_semaphore, #tpu.memory_space<semaphore_mem>>) src(%dma_wait3A_774 : memref<80x128xf32, #tpu.memory_space<vmem>>) dst(%dma_wait3A_780 : memref<10000x128xf32, #tpu.memory_space<vmem_shared>>)
        tpu.yield
      }) : () -> ()
      %add3A_717 = arith.constant 3 : i32
      %add3A_718 = arith.addi %add3A_704, %add3A_717 : i32
      %dma_start3A_719 = arith.constant 2 : i32
      %dma_start3A_720 = arith.constant 160 : i32
      %dma_start3A_721 = arith.constant 0 : i32
      %dma_start3A_722 = tpu.memref_slice %arg9[%dma_start3A_720, %dma_start3A_721] : memref<240x128xf32, #tpu.memory_space<vmem>> -> memref<80x128xf32, #tpu.memory_space<vmem>>
      %dma_start3A_723 = arith.constant 0 : i32
      %dma_start3A_724 = tpu.memref_slice %arg6[%add3A_718, %dma_start3A_723] : memref<25x80xi32, #tpu.memory_space<vmem>> -> memref<1x80xi32, #tpu.memory_space<vmem>>
      %dma_start3A_725 = tpu.memref_squeeze %dma_start3A_724 : memref<1x80xi32, #tpu.memory_space<vmem>> -> memref<80xi32, #tpu.memory_space<vmem>>
      %dma_start3A_726 = arith.constant 0 : i32
      %dma_start3A_727 = arith.constant 0 : i32
      %dma_start3A_728 = tpu.memref_slice %arg2[%dma_start3A_726, %dma_start3A_727] : memref<10000x128xf32, #tpu.memory_space<hbm>> -> memref<10000x128xf32, #tpu.memory_space<hbm>>
      %dma_start3A_729 = tpu.memref_slice %arg11[%dma_start3A_719] : memref<3x!tpu.dma_semaphore, #tpu.memory_space<semaphore_mem>> -> memref<1x!tpu.dma_semaphore, #tpu.memory_space<semaphore_mem>>
      %dma_start3A_730 = tpu.memref_squeeze %dma_start3A_729 : memref<1x!tpu.dma_semaphore, #tpu.memory_space<semaphore_mem>> -> memref<!tpu.dma_semaphore, #tpu.memory_space<semaphore_mem>>
      tpu.enqueue_indirect_dma source(%dma_start3A_728 : memref<10000x128xf32, #tpu.memory_space<hbm>>) target(%dma_start3A_722 : memref<80x128xf32, #tpu.memory_space<vmem>>) offsets(%dma_start3A_725 : memref<80xi32, #tpu.memory_space<vmem>>) semaphore(%dma_start3A_730 : memref<!tpu.dma_semaphore, #tpu.memory_space<semaphore_mem>>)
      %mul3A_731 = arith.constant 3 : i32
      %mul3A_732 = arith.muli %scan3A_669, %mul3A_731 : i32
      %add3A_733 = arith.constant 2 : i32
      %add3A_734 = arith.addi %mul3A_732, %add3A_733 : i32
      %dma_wait3A_735 = arith.constant 0 : i32
      %dma_wait3A_736 = arith.constant 0 : i32
      %dma_wait3A_737 = arith.constant 0 : i32
      %dma_wait3A_738 = tpu.memref_slice %arg9[%dma_wait3A_736, %dma_wait3A_737] : memref<240x128xf32, #tpu.memory_space<vmem>> -> memref<80x128xf32, #tpu.memory_space<vmem>>
      %dma_wait3A_739 = arith.constant 0 : i32
      %dma_wait3A_740 = tpu.memref_slice %arg6[%add3A_734, %dma_wait3A_739] : memref<25x80xi32, #tpu.memory_space<vmem>> -> memref<1x80xi32, #tpu.memory_space<vmem>>
      %dma_wait3A_741 = tpu.memref_squeeze %dma_wait3A_740 : memref<1x80xi32, #tpu.memory_space<vmem>> -> memref<80xi32, #tpu.memory_space<vmem>>
      %dma_wait3A_742 = arith.constant 0 : i32
      %dma_wait3A_743 = arith.constant 0 : i32
      %dma_wait3A_744 = tpu.memref_slice %arg2[%dma_wait3A_742, %dma_wait3A_743] : memref<10000x128xf32, #tpu.memory_space<hbm>> -> memref<10000x128xf32, #tpu.memory_space<hbm>>
      %dma_wait3A_745 = tpu.memref_slice %arg11[%dma_wait3A_735] : memref<3x!tpu.dma_semaphore, #tpu.memory_space<semaphore_mem>> -> memref<1x!tpu.dma_semaphore, #tpu.memory_space<semaphore_mem>>
      %dma_wait3A_746 = tpu.memref_squeeze %dma_wait3A_745 : memref<1x!tpu.dma_semaphore, #tpu.memory_space<semaphore_mem>> -> memref<!tpu.dma_semaphore, #tpu.memory_space<semaphore_mem>>
      tpu.wait_indirect_dma semaphore(%dma_wait3A_746 : memref<!tpu.dma_semaphore, #tpu.memory_space<semaphore_mem>>) src(%dma_wait3A_744 : memref<10000x128xf32, #tpu.memory_space<hbm>>) dst(%dma_wait3A_738 : memref<80x128xf32, #tpu.memory_space<vmem>>)
      "tpu.region"() ({
        %run_scoped3A_762 = tpu.sem_alloc : memref<!tpu.dma_semaphore, #tpu.memory_space<semaphore_mem>>
        %dma_start3A_763 = arith.constant 0 : i32
        %dma_start3A_764 = arith.constant 0 : i32
        %dma_start3A_765 = tpu.memref_slice %arg9[%dma_start3A_763, %dma_start3A_764] : memref<240x128xf32, #tpu.memory_space<vmem>> -> memref<80x128xf32, #tpu.memory_space<vmem>>
        %dma_start3A_766 = arith.constant 0 : i32
        %dma_start3A_767 = tpu.memref_slice %arg8[%add3A_734, %dma_start3A_766] : memref<25x80xi32, #tpu.memory_space<vmem>> -> memref<1x80xi32, #tpu.memory_space<vmem>>
        %dma_start3A_768 = tpu.memref_squeeze %dma_start3A_767 : memref<1x80xi32, #tpu.memory_space<vmem>> -> memref<80xi32, #tpu.memory_space<vmem>>
        %dma_start3A_769 = arith.constant 0 : i32
        %dma_start3A_770 = arith.constant 0 : i32
        %dma_start3A_771 = tpu.memref_slice %arg10[%dma_start3A_769, %dma_start3A_770] : memref<10000x128xf32, #tpu.memory_space<vmem_shared>> -> memref<10000x128xf32, #tpu.memory_space<vmem_shared>>
        tpu.enqueue_indirect_dma source(%dma_start3A_765 : memref<80x128xf32, #tpu.memory_space<vmem>>) target(%dma_start3A_771 : memref<10000x128xf32, #tpu.memory_space<vmem_shared>>) offsets(%dma_start3A_768 : memref<80xi32, #tpu.memory_space<vmem>>) semaphore(%run_scoped3A_762 : memref<!tpu.dma_semaphore, #tpu.memory_space<semaphore_mem>>) {add = true}
        %dma_wait3A_772 = arith.constant 0 : i32
        %dma_wait3A_773 = arith.constant 0 : i32
        %dma_wait3A_774 = tpu.memref_slice %arg9[%dma_wait3A_772, %dma_wait3A_773] : memref<240x128xf32, #tpu.memory_space<vmem>> -> memref<80x128xf32, #tpu.memory_space<vmem>>
        %dma_wait3A_775 = arith.constant 0 : i32
        %dma_wait3A_776 = tpu.memref_slice %arg8[%add3A_734, %dma_wait3A_775] : memref<25x80xi32, #tpu.memory_space<vmem>> -> memref<1x80xi32, #tpu.memory_space<vmem>>
        %dma_wait3A_777 = tpu.memref_squeeze %dma_wait3A_776 : memref<1x80xi32, #tpu.memory_space<vmem>> -> memref<80xi32, #tpu.memory_space<vmem>>
        %dma_wait3A_778 = arith.constant 0 : i32
        %dma_wait3A_779 = arith.constant 0 : i32
        %dma_wait3A_780 = tpu.memref_slice %arg10[%dma_wait3A_778, %dma_wait3A_779] : memref<10000x128xf32, #tpu.memory_space<vmem_shared>> -> memref<10000x128xf32, #tpu.memory_space<vmem_shared>>
        tpu.wait_indirect_dma semaphore(%run_scoped3A_762 : memref<!tpu.dma_semaphore, #tpu.memory_space<semaphore_mem>>) src(%dma_wait3A_774 : memref<80x128xf32, #tpu.memory_space<vmem>>) dst(%dma_wait3A_780 : memref<10000x128xf32, #tpu.memory_space<vmem_shared>>)
        tpu.yield
      }) : () -> ()
      %add3A_747 = arith.constant 3 : i32
      %add3A_748 = arith.addi %add3A_734, %add3A_747 : i32
      %dma_start3A_749 = arith.constant 0 : i32
      %dma_start3A_750 = arith.constant 0 : i32
      %dma_start3A_751 = arith.constant 0 : i32
      %dma_start3A_752 = tpu.memref_slice %arg9[%dma_start3A_750, %dma_start3A_751] : memref<240x128xf32, #tpu.memory_space<vmem>> -> memref<80x128xf32, #tpu.memory_space<vmem>>
      %dma_start3A_753 = arith.constant 0 : i32
      %dma_start3A_754 = tpu.memref_slice %arg6[%add3A_748, %dma_start3A_753] : memref<25x80xi32, #tpu.memory_space<vmem>> -> memref<1x80xi32, #tpu.memory_space<vmem>>
      %dma_start3A_755 = tpu.memref_squeeze %dma_start3A_754 : memref<1x80xi32, #tpu.memory_space<vmem>> -> memref<80xi32, #tpu.memory_space<vmem>>
      %dma_start3A_756 = arith.constant 0 : i32
      %dma_start3A_757 = arith.constant 0 : i32
      %dma_start3A_758 = tpu.memref_slice %arg2[%dma_start3A_756, %dma_start3A_757] : memref<10000x128xf32, #tpu.memory_space<hbm>> -> memref<10000x128xf32, #tpu.memory_space<hbm>>
      %dma_start3A_759 = tpu.memref_slice %arg11[%dma_start3A_749] : memref<3x!tpu.dma_semaphore, #tpu.memory_space<semaphore_mem>> -> memref<1x!tpu.dma_semaphore, #tpu.memory_space<semaphore_mem>>
      %dma_start3A_760 = tpu.memref_squeeze %dma_start3A_759 : memref<1x!tpu.dma_semaphore, #tpu.memory_space<semaphore_mem>> -> memref<!tpu.dma_semaphore, #tpu.memory_space<semaphore_mem>>
      tpu.enqueue_indirect_dma source(%dma_start3A_758 : memref<10000x128xf32, #tpu.memory_space<hbm>>) target(%dma_start3A_752 : memref<80x128xf32, #tpu.memory_space<vmem>>) offsets(%dma_start3A_755 : memref<80xi32, #tpu.memory_space<vmem>>) semaphore(%dma_start3A_760 : memref<!tpu.dma_semaphore, #tpu.memory_space<semaphore_mem>>)
      %scan3A_761 = arith.constant 0 : i32
      scf.yield %scan3A_761 : i32
    }
    %scan3A_596 = arith.constant 7 : i32
    %dma_wait3A_597 = arith.constant 21 : i32
    %dma_wait3A_598 = arith.constant 1 : i32
    %dma_wait3A_599 = arith.constant 80 : i32
    %dma_wait3A_600 = arith.constant 0 : i32
    %dma_wait3A_601 = tpu.memref_slice %arg9[%dma_wait3A_599, %dma_wait3A_600] : memref<240x128xf32, #tpu.memory_space<vmem>> -> memref<80x128xf32, #tpu.memory_space<vmem>>
    %dma_wait3A_602 = arith.constant 0 : i32
    %dma_wait3A_603 = tpu.memref_slice %arg6[%dma_wait3A_597, %dma_wait3A_602] : memref<25x80xi32, #tpu.memory_space<vmem>> -> memref<1x80xi32, #tpu.memory_space<vmem>>
    %dma_wait3A_604 = tpu.memref_squeeze %dma_wait3A_603 : memref<1x80xi32, #tpu.memory_space<vmem>> -> memref<80xi32, #tpu.memory_space<vmem>>
    %dma_wait3A_605 = arith.constant 0 : i32
    %dma_wait3A_606 = arith.constant 0 : i32
    %dma_wait3A_607 = tpu.memref_slice %arg2[%dma_wait3A_605, %dma_wait3A_606] : memref<10000x128xf32, #tpu.memory_space<hbm>> -> memref<10000x128xf32, #tpu.memory_space<hbm>>
    %dma_wait3A_608 = tpu.memref_slice %arg11[%dma_wait3A_598] : memref<3x!tpu.dma_semaphore, #tpu.memory_space<semaphore_mem>> -> memref<1x!tpu.dma_semaphore, #tpu.memory_space<semaphore_mem>>
    %dma_wait3A_609 = tpu.memref_squeeze %dma_wait3A_608 : memref<1x!tpu.dma_semaphore, #tpu.memory_space<semaphore_mem>> -> memref<!tpu.dma_semaphore, #tpu.memory_space<semaphore_mem>>
    tpu.wait_indirect_dma semaphore(%dma_wait3A_609 : memref<!tpu.dma_semaphore, #tpu.memory_space<semaphore_mem>>) src(%dma_wait3A_607 : memref<10000x128xf32, #tpu.memory_space<hbm>>) dst(%dma_wait3A_601 : memref<80x128xf32, #tpu.memory_space<vmem>>)
    %run_scoped3A_610 = arith.constant 21 : i32
    "tpu.region"() ({
      %run_scoped3A_669 = tpu.sem_alloc : memref<!tpu.dma_semaphore, #tpu.memory_space<semaphore_mem>>
      %dma_start3A_670 = arith.constant 80 : i32
      %dma_start3A_671 = arith.constant 0 : i32
      %dma_start3A_672 = tpu.memref_slice %arg9[%dma_start3A_670, %dma_start3A_671] : memref<240x128xf32, #tpu.memory_space<vmem>> -> memref<80x128xf32, #tpu.memory_space<vmem>>
      %dma_start3A_673 = arith.constant 0 : i32
      %dma_start3A_674 = tpu.memref_slice %arg8[%run_scoped3A_610, %dma_start3A_673] : memref<25x80xi32, #tpu.memory_space<vmem>> -> memref<1x80xi32, #tpu.memory_space<vmem>>
      %dma_start3A_675 = tpu.memref_squeeze %dma_start3A_674 : memref<1x80xi32, #tpu.memory_space<vmem>> -> memref<80xi32, #tpu.memory_space<vmem>>
      %dma_start3A_676 = arith.constant 0 : i32
      %dma_start3A_677 = arith.constant 0 : i32
      %dma_start3A_678 = tpu.memref_slice %arg10[%dma_start3A_676, %dma_start3A_677] : memref<10000x128xf32, #tpu.memory_space<vmem_shared>> -> memref<10000x128xf32, #tpu.memory_space<vmem_shared>>
      tpu.enqueue_indirect_dma source(%dma_start3A_672 : memref<80x128xf32, #tpu.memory_space<vmem>>) target(%dma_start3A_678 : memref<10000x128xf32, #tpu.memory_space<vmem_shared>>) offsets(%dma_start3A_675 : memref<80xi32, #tpu.memory_space<vmem>>) semaphore(%run_scoped3A_669 : memref<!tpu.dma_semaphore, #tpu.memory_space<semaphore_mem>>) {add = true}
      %dma_wait3A_679 = arith.constant 80 : i32
      %dma_wait3A_680 = arith.constant 0 : i32
      %dma_wait3A_681 = tpu.memref_slice %arg9[%dma_wait3A_679, %dma_wait3A_680] : memref<240x128xf32, #tpu.memory_space<vmem>> -> memref<80x128xf32, #tpu.memory_space<vmem>>
      %dma_wait3A_682 = arith.constant 0 : i32
      %dma_wait3A_683 = tpu.memref_slice %arg8[%run_scoped3A_610, %dma_wait3A_682] : memref<25x80xi32, #tpu.memory_space<vmem>> -> memref<1x80xi32, #tpu.memory_space<vmem>>
      %dma_wait3A_684 = tpu.memref_squeeze %dma_wait3A_683 : memref<1x80xi32, #tpu.memory_space<vmem>> -> memref<80xi32, #tpu.memory_space<vmem>>
      %dma_wait3A_685 = arith.constant 0 : i32
      %dma_wait3A_686 = arith.constant 0 : i32
      %dma_wait3A_687 = tpu.memref_slice %arg10[%dma_wait3A_685, %dma_wait3A_686] : memref<10000x128xf32, #tpu.memory_space<vmem_shared>> -> memref<10000x128xf32, #tpu.memory_space<vmem_shared>>
      tpu.wait_indirect_dma semaphore(%run_scoped3A_669 : memref<!tpu.dma_semaphore, #tpu.memory_space<semaphore_mem>>) src(%dma_wait3A_681 : memref<80x128xf32, #tpu.memory_space<vmem>>) dst(%dma_wait3A_687 : memref<10000x128xf32, #tpu.memory_space<vmem_shared>>)
      tpu.yield
    }) : () -> ()
    %dma_start3A_611 = arith.constant 24 : i32
    %dma_start3A_612 = arith.constant 1 : i32
    %dma_start3A_613 = arith.constant 80 : i32
    %dma_start3A_614 = arith.constant 0 : i32
    %dma_start3A_615 = tpu.memref_slice %arg9[%dma_start3A_613, %dma_start3A_614] : memref<240x128xf32, #tpu.memory_space<vmem>> -> memref<80x128xf32, #tpu.memory_space<vmem>>
    %dma_start3A_616 = arith.constant 0 : i32
    %dma_start3A_617 = tpu.memref_slice %arg6[%dma_start3A_611, %dma_start3A_616] : memref<25x80xi32, #tpu.memory_space<vmem>> -> memref<1x80xi32, #tpu.memory_space<vmem>>
    %dma_start3A_618 = tpu.memref_squeeze %dma_start3A_617 : memref<1x80xi32, #tpu.memory_space<vmem>> -> memref<80xi32, #tpu.memory_space<vmem>>
    %dma_start3A_619 = arith.constant 0 : i32
    %dma_start3A_620 = arith.constant 0 : i32
    %dma_start3A_621 = tpu.memref_slice %arg2[%dma_start3A_619, %dma_start3A_620] : memref<10000x128xf32, #tpu.memory_space<hbm>> -> memref<10000x128xf32, #tpu.memory_space<hbm>>
    %dma_start3A_622 = tpu.memref_slice %arg11[%dma_start3A_612] : memref<3x!tpu.dma_semaphore, #tpu.memory_space<semaphore_mem>> -> memref<1x!tpu.dma_semaphore, #tpu.memory_space<semaphore_mem>>
    %dma_start3A_623 = tpu.memref_squeeze %dma_start3A_622 : memref<1x!tpu.dma_semaphore, #tpu.memory_space<semaphore_mem>> -> memref<!tpu.dma_semaphore, #tpu.memory_space<semaphore_mem>>
    tpu.enqueue_indirect_dma source(%dma_start3A_621 : memref<10000x128xf32, #tpu.memory_space<hbm>>) target(%dma_start3A_615 : memref<80x128xf32, #tpu.memory_space<vmem>>) offsets(%dma_start3A_618 : memref<80xi32, #tpu.memory_space<vmem>>) semaphore(%dma_start3A_623 : memref<!tpu.dma_semaphore, #tpu.memory_space<semaphore_mem>>)
    %dma_wait3A_624 = arith.constant 22 : i32
    %dma_wait3A_625 = arith.constant 2 : i32
    %dma_wait3A_626 = arith.constant 160 : i32
    %dma_wait3A_627 = arith.constant 0 : i32
    %dma_wait3A_628 = tpu.memref_slice %arg9[%dma_wait3A_626, %dma_wait3A_627] : memref<240x128xf32, #tpu.memory_space<vmem>> -> memref<80x128xf32, #tpu.memory_space<vmem>>
    %dma_wait3A_629 = arith.constant 0 : i32
    %dma_wait3A_630 = tpu.memref_slice %arg6[%dma_wait3A_624, %dma_wait3A_629] : memref<25x80xi32, #tpu.memory_space<vmem>> -> memref<1x80xi32, #tpu.memory_space<vmem>>
    %dma_wait3A_631 = tpu.memref_squeeze %dma_wait3A_630 : memref<1x80xi32, #tpu.memory_space<vmem>> -> memref<80xi32, #tpu.memory_space<vmem>>
    %dma_wait3A_632 = arith.constant 0 : i32
    %dma_wait3A_633 = arith.constant 0 : i32
    %dma_wait3A_634 = tpu.memref_slice %arg2[%dma_wait3A_632, %dma_wait3A_633] : memref<10000x128xf32, #tpu.memory_space<hbm>> -> memref<10000x128xf32, #tpu.memory_space<hbm>>
    %dma_wait3A_635 = tpu.memref_slice %arg11[%dma_wait3A_625] : memref<3x!tpu.dma_semaphore, #tpu.memory_space<semaphore_mem>> -> memref<1x!tpu.dma_semaphore, #tpu.memory_space<semaphore_mem>>
    %dma_wait3A_636 = tpu.memref_squeeze %dma_wait3A_635 : memref<1x!tpu.dma_semaphore, #tpu.memory_space<semaphore_mem>> -> memref<!tpu.dma_semaphore, #tpu.memory_space<semaphore_mem>>
    tpu.wait_indirect_dma semaphore(%dma_wait3A_636 : memref<!tpu.dma_semaphore, #tpu.memory_space<semaphore_mem>>) src(%dma_wait3A_634 : memref<10000x128xf32, #tpu.memory_space<hbm>>) dst(%dma_wait3A_628 : memref<80x128xf32, #tpu.memory_space<vmem>>)
    %run_scoped3A_637 = arith.constant 22 : i32
    "tpu.region"() ({
      %run_scoped3A_669 = tpu.sem_alloc : memref<!tpu.dma_semaphore, #tpu.memory_space<semaphore_mem>>
      %dma_start3A_670 = arith.constant 160 : i32
      %dma_start3A_671 = arith.constant 0 : i32
      %dma_start3A_672 = tpu.memref_slice %arg9[%dma_start3A_670, %dma_start3A_671] : memref<240x128xf32, #tpu.memory_space<vmem>> -> memref<80x128xf32, #tpu.memory_space<vmem>>
      %dma_start3A_673 = arith.constant 0 : i32
      %dma_start3A_674 = tpu.memref_slice %arg8[%run_scoped3A_637, %dma_start3A_673] : memref<25x80xi32, #tpu.memory_space<vmem>> -> memref<1x80xi32, #tpu.memory_space<vmem>>
      %dma_start3A_675 = tpu.memref_squeeze %dma_start3A_674 : memref<1x80xi32, #tpu.memory_space<vmem>> -> memref<80xi32, #tpu.memory_space<vmem>>
      %dma_start3A_676 = arith.constant 0 : i32
      %dma_start3A_677 = arith.constant 0 : i32
      %dma_start3A_678 = tpu.memref_slice %arg10[%dma_start3A_676, %dma_start3A_677] : memref<10000x128xf32, #tpu.memory_space<vmem_shared>> -> memref<10000x128xf32, #tpu.memory_space<vmem_shared>>
      tpu.enqueue_indirect_dma source(%dma_start3A_672 : memref<80x128xf32, #tpu.memory_space<vmem>>) target(%dma_start3A_678 : memref<10000x128xf32, #tpu.memory_space<vmem_shared>>) offsets(%dma_start3A_675 : memref<80xi32, #tpu.memory_space<vmem>>) semaphore(%run_scoped3A_669 : memref<!tpu.dma_semaphore, #tpu.memory_space<semaphore_mem>>) {add = true}
      %dma_wait3A_679 = arith.constant 160 : i32
      %dma_wait3A_680 = arith.constant 0 : i32
      %dma_wait3A_681 = tpu.memref_slice %arg9[%dma_wait3A_679, %dma_wait3A_680] : memref<240x128xf32, #tpu.memory_space<vmem>> -> memref<80x128xf32, #tpu.memory_space<vmem>>
      %dma_wait3A_682 = arith.constant 0 : i32
      %dma_wait3A_683 = tpu.memref_slice %arg8[%run_scoped3A_637, %dma_wait3A_682] : memref<25x80xi32, #tpu.memory_space<vmem>> -> memref<1x80xi32, #tpu.memory_space<vmem>>
      %dma_wait3A_684 = tpu.memref_squeeze %dma_wait3A_683 : memref<1x80xi32, #tpu.memory_space<vmem>> -> memref<80xi32, #tpu.memory_space<vmem>>
      %dma_wait3A_685 = arith.constant 0 : i32
      %dma_wait3A_686 = arith.constant 0 : i32
      %dma_wait3A_687 = tpu.memref_slice %arg10[%dma_wait3A_685, %dma_wait3A_686] : memref<10000x128xf32, #tpu.memory_space<vmem_shared>> -> memref<10000x128xf32, #tpu.memory_space<vmem_shared>>
      tpu.wait_indirect_dma semaphore(%run_scoped3A_669 : memref<!tpu.dma_semaphore, #tpu.memory_space<semaphore_mem>>) src(%dma_wait3A_681 : memref<80x128xf32, #tpu.memory_space<vmem>>) dst(%dma_wait3A_687 : memref<10000x128xf32, #tpu.memory_space<vmem_shared>>)
      tpu.yield
    }) : () -> ()
    %dma_wait3A_638 = arith.constant 23 : i32
    %dma_wait3A_639 = arith.constant 0 : i32
    %dma_wait3A_640 = arith.constant 0 : i32
    %dma_wait3A_641 = arith.constant 0 : i32
    %dma_wait3A_642 = tpu.memref_slice %arg9[%dma_wait3A_640, %dma_wait3A_641] : memref<240x128xf32, #tpu.memory_space<vmem>> -> memref<80x128xf32, #tpu.memory_space<vmem>>
    %dma_wait3A_643 = arith.constant 0 : i32
    %dma_wait3A_644 = tpu.memref_slice %arg6[%dma_wait3A_638, %dma_wait3A_643] : memref<25x80xi32, #tpu.memory_space<vmem>> -> memref<1x80xi32, #tpu.memory_space<vmem>>
    %dma_wait3A_645 = tpu.memref_squeeze %dma_wait3A_644 : memref<1x80xi32, #tpu.memory_space<vmem>> -> memref<80xi32, #tpu.memory_space<vmem>>
    %dma_wait3A_646 = arith.constant 0 : i32
    %dma_wait3A_647 = arith.constant 0 : i32
    %dma_wait3A_648 = tpu.memref_slice %arg2[%dma_wait3A_646, %dma_wait3A_647] : memref<10000x128xf32, #tpu.memory_space<hbm>> -> memref<10000x128xf32, #tpu.memory_space<hbm>>
    %dma_wait3A_649 = tpu.memref_slice %arg11[%dma_wait3A_639] : memref<3x!tpu.dma_semaphore, #tpu.memory_space<semaphore_mem>> -> memref<1x!tpu.dma_semaphore, #tpu.memory_space<semaphore_mem>>
    %dma_wait3A_650 = tpu.memref_squeeze %dma_wait3A_649 : memref<1x!tpu.dma_semaphore, #tpu.memory_space<semaphore_mem>> -> memref<!tpu.dma_semaphore, #tpu.memory_space<semaphore_mem>>
    tpu.wait_indirect_dma semaphore(%dma_wait3A_650 : memref<!tpu.dma_semaphore, #tpu.memory_space<semaphore_mem>>) src(%dma_wait3A_648 : memref<10000x128xf32, #tpu.memory_space<hbm>>) dst(%dma_wait3A_642 : memref<80x128xf32, #tpu.memory_space<vmem>>)
    %run_scoped3A_651 = arith.constant 23 : i32
    "tpu.region"() ({
      %run_scoped3A_669 = tpu.sem_alloc : memref<!tpu.dma_semaphore, #tpu.memory_space<semaphore_mem>>
      %dma_start3A_670 = arith.constant 0 : i32
      %dma_start3A_671 = arith.constant 0 : i32
      %dma_start3A_672 = tpu.memref_slice %arg9[%dma_start3A_670, %dma_start3A_671] : memref<240x128xf32, #tpu.memory_space<vmem>> -> memref<80x128xf32, #tpu.memory_space<vmem>>
      %dma_start3A_673 = arith.constant 0 : i32
      %dma_start3A_674 = tpu.memref_slice %arg8[%run_scoped3A_651, %dma_start3A_673] : memref<25x80xi32, #tpu.memory_space<vmem>> -> memref<1x80xi32, #tpu.memory_space<vmem>>
      %dma_start3A_675 = tpu.memref_squeeze %dma_start3A_674 : memref<1x80xi32, #tpu.memory_space<vmem>> -> memref<80xi32, #tpu.memory_space<vmem>>
      %dma_start3A_676 = arith.constant 0 : i32
      %dma_start3A_677 = arith.constant 0 : i32
      %dma_start3A_678 = tpu.memref_slice %arg10[%dma_start3A_676, %dma_start3A_677] : memref<10000x128xf32, #tpu.memory_space<vmem_shared>> -> memref<10000x128xf32, #tpu.memory_space<vmem_shared>>
      tpu.enqueue_indirect_dma source(%dma_start3A_672 : memref<80x128xf32, #tpu.memory_space<vmem>>) target(%dma_start3A_678 : memref<10000x128xf32, #tpu.memory_space<vmem_shared>>) offsets(%dma_start3A_675 : memref<80xi32, #tpu.memory_space<vmem>>) semaphore(%run_scoped3A_669 : memref<!tpu.dma_semaphore, #tpu.memory_space<semaphore_mem>>) {add = true}
      %dma_wait3A_679 = arith.constant 0 : i32
      %dma_wait3A_680 = arith.constant 0 : i32
      %dma_wait3A_681 = tpu.memref_slice %arg9[%dma_wait3A_679, %dma_wait3A_680] : memref<240x128xf32, #tpu.memory_space<vmem>> -> memref<80x128xf32, #tpu.memory_space<vmem>>
      %dma_wait3A_682 = arith.constant 0 : i32
      %dma_wait3A_683 = tpu.memref_slice %arg8[%run_scoped3A_651, %dma_wait3A_682] : memref<25x80xi32, #tpu.memory_space<vmem>> -> memref<1x80xi32, #tpu.memory_space<vmem>>
      %dma_wait3A_684 = tpu.memref_squeeze %dma_wait3A_683 : memref<1x80xi32, #tpu.memory_space<vmem>> -> memref<80xi32, #tpu.memory_space<vmem>>
      %dma_wait3A_685 = arith.constant 0 : i32
      %dma_wait3A_686 = arith.constant 0 : i32
      %dma_wait3A_687 = tpu.memref_slice %arg10[%dma_wait3A_685, %dma_wait3A_686] : memref<10000x128xf32, #tpu.memory_space<vmem_shared>> -> memref<10000x128xf32, #tpu.memory_space<vmem_shared>>
      tpu.wait_indirect_dma semaphore(%run_scoped3A_669 : memref<!tpu.dma_semaphore, #tpu.memory_space<semaphore_mem>>) src(%dma_wait3A_681 : memref<80x128xf32, #tpu.memory_space<vmem>>) dst(%dma_wait3A_687 : memref<10000x128xf32, #tpu.memory_space<vmem_shared>>)
      tpu.yield
    }) : () -> ()
    %dma_wait3A_652 = arith.constant 24 : i32
    %dma_wait3A_653 = arith.constant 1 : i32
    %dma_wait3A_654 = arith.constant 80 : i32
    %dma_wait3A_655 = arith.constant 0 : i32
    %dma_wait3A_656 = tpu.memref_slice %arg9[%dma_wait3A_654, %dma_wait3A_655] : memref<240x128xf32, #tpu.memory_space<vmem>> -> memref<80x128xf32, #tpu.memory_space<vmem>>
    %dma_wait3A_657 = arith.constant 0 : i32
    %dma_wait3A_658 = tpu.memref_slice %arg6[%dma_wait3A_652, %dma_wait3A_657] : memref<25x80xi32, #tpu.memory_space<vmem>> -> memref<1x80xi32, #tpu.memory_space<vmem>>
    %dma_wait3A_659 = tpu.memref_squeeze %dma_wait3A_658 : memref<1x80xi32, #tpu.memory_space<vmem>> -> memref<80xi32, #tpu.memory_space<vmem>>
    %dma_wait3A_660 = arith.constant 0 : i32
    %dma_wait3A_661 = arith.constant 0 : i32
    %dma_wait3A_662 = tpu.memref_slice %arg2[%dma_wait3A_660, %dma_wait3A_661] : memref<10000x128xf32, #tpu.memory_space<hbm>> -> memref<10000x128xf32, #tpu.memory_space<hbm>>
    %dma_wait3A_663 = tpu.memref_slice %arg11[%dma_wait3A_653] : memref<3x!tpu.dma_semaphore, #tpu.memory_space<semaphore_mem>> -> memref<1x!tpu.dma_semaphore, #tpu.memory_space<semaphore_mem>>
    %dma_wait3A_664 = tpu.memref_squeeze %dma_wait3A_663 : memref<1x!tpu.dma_semaphore, #tpu.memory_space<semaphore_mem>> -> memref<!tpu.dma_semaphore, #tpu.memory_space<semaphore_mem>>
    tpu.wait_indirect_dma semaphore(%dma_wait3A_664 : memref<!tpu.dma_semaphore, #tpu.memory_space<semaphore_mem>>) src(%dma_wait3A_662 : memref<10000x128xf32, #tpu.memory_space<hbm>>) dst(%dma_wait3A_656 : memref<80x128xf32, #tpu.memory_space<vmem>>)
    %run_scoped3A_665 = arith.constant 24 : i32
    "tpu.region"() ({
      %run_scoped3A_669 = tpu.sem_alloc : memref<!tpu.dma_semaphore, #tpu.memory_space<semaphore_mem>>
      %dma_start3A_670 = arith.constant 80 : i32
      %dma_start3A_671 = arith.constant 0 : i32
      %dma_start3A_672 = tpu.memref_slice %arg9[%dma_start3A_670, %dma_start3A_671] : memref<240x128xf32, #tpu.memory_space<vmem>> -> memref<80x128xf32, #tpu.memory_space<vmem>>
      %dma_start3A_673 = arith.constant 0 : i32
      %dma_start3A_674 = tpu.memref_slice %arg8[%run_scoped3A_665, %dma_start3A_673] : memref<25x80xi32, #tpu.memory_space<vmem>> -> memref<1x80xi32, #tpu.memory_space<vmem>>
      %dma_start3A_675 = tpu.memref_squeeze %dma_start3A_674 : memref<1x80xi32, #tpu.memory_space<vmem>> -> memref<80xi32, #tpu.memory_space<vmem>>
      %dma_start3A_676 = arith.constant 0 : i32
      %dma_start3A_677 = arith.constant 0 : i32
      %dma_start3A_678 = tpu.memref_slice %arg10[%dma_start3A_676, %dma_start3A_677] : memref<10000x128xf32, #tpu.memory_space<vmem_shared>> -> memref<10000x128xf32, #tpu.memory_space<vmem_shared>>
      tpu.enqueue_indirect_dma source(%dma_start3A_672 : memref<80x128xf32, #tpu.memory_space<vmem>>) target(%dma_start3A_678 : memref<10000x128xf32, #tpu.memory_space<vmem_shared>>) offsets(%dma_start3A_675 : memref<80xi32, #tpu.memory_space<vmem>>) semaphore(%run_scoped3A_669 : memref<!tpu.dma_semaphore, #tpu.memory_space<semaphore_mem>>) {add = true}
      %dma_wait3A_679 = arith.constant 80 : i32
      %dma_wait3A_680 = arith.constant 0 : i32
      %dma_wait3A_681 = tpu.memref_slice %arg9[%dma_wait3A_679, %dma_wait3A_680] : memref<240x128xf32, #tpu.memory_space<vmem>> -> memref<80x128xf32, #tpu.memory_space<vmem>>
      %dma_wait3A_682 = arith.constant 0 : i32
      %dma_wait3A_683 = tpu.memref_slice %arg8[%run_scoped3A_665, %dma_wait3A_682] : memref<25x80xi32, #tpu.memory_space<vmem>> -> memref<1x80xi32, #tpu.memory_space<vmem>>
      %dma_wait3A_684 = tpu.memref_squeeze %dma_wait3A_683 : memref<1x80xi32, #tpu.memory_space<vmem>> -> memref<80xi32, #tpu.memory_space<vmem>>
      %dma_wait3A_685 = arith.constant 0 : i32
      %dma_wait3A_686 = arith.constant 0 : i32
      %dma_wait3A_687 = tpu.memref_slice %arg10[%dma_wait3A_685, %dma_wait3A_686] : memref<10000x128xf32, #tpu.memory_space<vmem_shared>> -> memref<10000x128xf32, #tpu.memory_space<vmem_shared>>
      tpu.wait_indirect_dma semaphore(%run_scoped3A_669 : memref<!tpu.dma_semaphore, #tpu.memory_space<semaphore_mem>>) src(%dma_wait3A_681 : memref<80x128xf32, #tpu.memory_space<vmem>>) dst(%dma_wait3A_687 : memref<10000x128xf32, #tpu.memory_space<vmem_shared>>)
      tpu.yield
    }) : () -> ()
    %barrier3A_666 = arith.constant 0 : index
    tpu.barrier barrier_id(%barrier3A_666)
    %mul3A_667 = arith.constant 625 : i32
    %mul3A_668 = arith.muli %arg1, %mul3A_667 : i32
    "tpu.region"() ({
      %run_scoped3A_669 = tpu.sem_alloc : memref<!tpu.dma_semaphore, #tpu.memory_space<semaphore_mem>>
      %dma_start3A_670 = arith.constant 0 : i32
      %dma_start3A_671 = arith.constant 0 : i32
      %dma_start3A_672 = tpu.memref_slice %arg5[%arg0, %arg1, %dma_start3A_670, %dma_start3A_671] : memref<2x16x625x128xf32, #tpu.memory_space<hbm>> -> memref<1x1x625x128xf32, #tpu.memory_space<hbm>>
      %dma_start3A_673 = tpu.memref_squeeze %dma_start3A_672 : memref<1x1x625x128xf32, #tpu.memory_space<hbm>> -> memref<625x128xf32, #tpu.memory_space<hbm>>
      %dma_start3A_674 = arith.constant 0 : i32
      %dma_start3A_675 = tpu.memref_slice %arg10[%mul3A_668, %dma_start3A_674] : memref<10000x128xf32, #tpu.memory_space<vmem_shared>> -> memref<625x128xf32, #tpu.memory_space<vmem_shared>>
      tpu.enqueue_dma source(%dma_start3A_675 : memref<625x128xf32, #tpu.memory_space<vmem_shared>>) target(%dma_start3A_673 : memref<625x128xf32, #tpu.memory_space<hbm>>) target_semaphore(%run_scoped3A_669 : memref<!tpu.dma_semaphore, #tpu.memory_space<semaphore_mem>>)
      %dma_wait3A_676 = arith.constant 0 : i32
      %dma_wait3A_677 = arith.constant 0 : i32
      %dma_wait3A_678 = tpu.memref_slice %arg5[%arg0, %arg1, %dma_wait3A_676, %dma_wait3A_677] : memref<2x16x625x128xf32, #tpu.memory_space<hbm>> -> memref<1x1x625x128xf32, #tpu.memory_space<hbm>>
      %dma_wait3A_679 = tpu.memref_squeeze %dma_wait3A_678 : memref<1x1x625x128xf32, #tpu.memory_space<hbm>> -> memref<625x128xf32, #tpu.memory_space<hbm>>
      %dma_wait3A_680 = arith.constant 0 : i32
      %dma_wait3A_681 = tpu.memref_slice %arg10[%mul3A_668, %dma_wait3A_680] : memref<10000x128xf32, #tpu.memory_space<vmem_shared>> -> memref<625x128xf32, #tpu.memory_space<vmem_shared>>
      tpu.wait_dma2 semaphore(%run_scoped3A_669 : memref<!tpu.dma_semaphore, #tpu.memory_space<semaphore_mem>>) src(%dma_wait3A_681 : memref<625x128xf32, #tpu.memory_space<vmem_shared>>) dst(%dma_wait3A_679 : memref<625x128xf32, #tpu.memory_space<hbm>>)
      tpu.yield
    }) : () -> ()
    return
  }
}

#map = affine_map<(d0, d1) -> (0, 0, 0, 0)>
#map1 = affine_map<(d0, d1) -> (0, 0)>
#map2 = affine_map<(d0, d1) -> (0, 0, 0, 0, 0)>
module attributes {stable_mosaic.version = 14 : i64} {
  func.func @deg_kernel(%arg0: i32, %arg1: i32, %arg2: memref<2x32x125x80xi32, #tpu.memory_space<hbm>>, %arg3: memref<80x128xf32, #tpu.memory_space<hbm>>, %arg4: memref<640x128xf32, #tpu.memory_space<hbm>>, %arg5: memref<2x2x16x640x128xf32, #tpu.memory_space<hbm>>, %arg6: memref<125x80xi32, #tpu.memory_space<vmem>>, %arg7: memref<80x128xf32, #tpu.memory_space<vmem>>, %arg8: memref<10240x128xf32, #tpu.memory_space<vmem_shared>>, %arg9: memref<!tpu.dma_semaphore, #tpu.memory_space<semaphore_mem>>) attributes {dimension_semantics = [#tpu.dimension_semantics<core_parallel>, #tpu.dimension_semantics<subcore_parallel>], iteration_bounds = array<i64: 2, 16>, scalar_prefetch = 0 : i64, scratch_operands = 4 : i64, tpu.core_type = #tpu.core_type<sc_vector_subcore>, window_params = [{transform_indices = #map}, {transform_indices = #map1}, {transform_indices = #map1}, {transform_indices = #map2}]} {
    %mul3A = arith.constant 16 : i32
    %mul3A_0 = arith.muli %arg0, %mul3A : i32
    %add3A = arith.addi %mul3A_0, %arg1 : i32
    "tpu.region"() ({
      %run_scoped3A_28 = tpu.sem_alloc : memref<!tpu.dma_semaphore, #tpu.memory_space<semaphore_mem>>
      tpu.enqueue_dma source(%arg3 : memref<80x128xf32, #tpu.memory_space<hbm>>) target(%arg7 : memref<80x128xf32, #tpu.memory_space<vmem>>) target_semaphore(%run_scoped3A_28 : memref<!tpu.dma_semaphore, #tpu.memory_space<semaphore_mem>>)
      tpu.wait_dma2 semaphore(%run_scoped3A_28 : memref<!tpu.dma_semaphore, #tpu.memory_space<semaphore_mem>>) src(%arg3 : memref<80x128xf32, #tpu.memory_space<hbm>>) dst(%arg7 : memref<80x128xf32, #tpu.memory_space<vmem>>)
      tpu.yield
    }) : () -> ()
    %mul3A_1 = arith.constant 640 : i32
    %mul3A_2 = arith.muli %arg1, %mul3A_1 : i32
    "tpu.region"() ({
      %run_scoped3A_28 = tpu.sem_alloc : memref<!tpu.dma_semaphore, #tpu.memory_space<semaphore_mem>>
      %dma_start3A = arith.constant 0 : i32
      %dma_start3A_29 = tpu.memref_slice %arg8[%mul3A_2, %dma_start3A] : memref<10240x128xf32, #tpu.memory_space<vmem_shared>> -> memref<640x128xf32, #tpu.memory_space<vmem_shared>>
      tpu.enqueue_dma source(%arg4 : memref<640x128xf32, #tpu.memory_space<hbm>>) target(%dma_start3A_29 : memref<640x128xf32, #tpu.memory_space<vmem_shared>>) target_semaphore(%run_scoped3A_28 : memref<!tpu.dma_semaphore, #tpu.memory_space<semaphore_mem>>)
      %dma_wait3A = arith.constant 0 : i32
      %dma_wait3A_30 = tpu.memref_slice %arg8[%mul3A_2, %dma_wait3A] : memref<10240x128xf32, #tpu.memory_space<vmem_shared>> -> memref<640x128xf32, #tpu.memory_space<vmem_shared>>
      tpu.wait_dma2 semaphore(%run_scoped3A_28 : memref<!tpu.dma_semaphore, #tpu.memory_space<semaphore_mem>>) src(%arg4 : memref<640x128xf32, #tpu.memory_space<hbm>>) dst(%dma_wait3A_30 : memref<640x128xf32, #tpu.memory_space<vmem_shared>>)
      tpu.yield
    }) : () -> ()
    %run_scoped3A = arith.constant 0 : i32
    "tpu.region"() ({
      %run_scoped3A_28 = tpu.sem_alloc : memref<!tpu.dma_semaphore, #tpu.memory_space<semaphore_mem>>
      %dma_start3A = arith.constant 0 : i32
      %dma_start3A_29 = arith.constant 0 : i32
      %dma_start3A_30 = tpu.memref_slice %arg2[%run_scoped3A, %add3A, %dma_start3A, %dma_start3A_29] : memref<2x32x125x80xi32, #tpu.memory_space<hbm>> -> memref<1x1x125x80xi32, #tpu.memory_space<hbm>>
      %dma_start3A_31 = tpu.memref_squeeze %dma_start3A_30 : memref<1x1x125x80xi32, #tpu.memory_space<hbm>> -> memref<125x80xi32, #tpu.memory_space<hbm>>
      %dma_start3A_32 = arith.constant 0 : i32
      %dma_start3A_33 = arith.constant 0 : i32
      %dma_start3A_34 = tpu.memref_slice %arg2[%run_scoped3A, %add3A, %dma_start3A_32, %dma_start3A_33] : memref<2x32x125x80xi32, #tpu.memory_space<hbm>> -> memref<1x1x125x80xi32, #tpu.memory_space<hbm>>
      %dma_start3A_35 = tpu.memref_squeeze %dma_start3A_34 : memref<1x1x125x80xi32, #tpu.memory_space<hbm>> -> memref<125x80xi32, #tpu.memory_space<hbm>>
      tpu.enqueue_dma source(%dma_start3A_35 : memref<125x80xi32, #tpu.memory_space<hbm>>) target(%arg6 : memref<125x80xi32, #tpu.memory_space<vmem>>) target_semaphore(%run_scoped3A_28 : memref<!tpu.dma_semaphore, #tpu.memory_space<semaphore_mem>>)
      %dma_wait3A = arith.constant 0 : i32
      %dma_wait3A_36 = arith.constant 0 : i32
      %dma_wait3A_37 = tpu.memref_slice %arg2[%run_scoped3A, %add3A, %dma_wait3A, %dma_wait3A_36] : memref<2x32x125x80xi32, #tpu.memory_space<hbm>> -> memref<1x1x125x80xi32, #tpu.memory_space<hbm>>
      %dma_wait3A_38 = tpu.memref_squeeze %dma_wait3A_37 : memref<1x1x125x80xi32, #tpu.memory_space<hbm>> -> memref<125x80xi32, #tpu.memory_space<hbm>>
      %dma_wait3A_39 = arith.constant 0 : i32
      %dma_wait3A_40 = arith.constant 0 : i32
      %dma_wait3A_41 = tpu.memref_slice %arg2[%run_scoped3A, %add3A, %dma_wait3A_39, %dma_wait3A_40] : memref<2x32x125x80xi32, #tpu.memory_space<hbm>> -> memref<1x1x125x80xi32, #tpu.memory_space<hbm>>
      %dma_wait3A_42 = tpu.memref_squeeze %dma_wait3A_41 : memref<1x1x125x80xi32, #tpu.memory_space<hbm>> -> memref<125x80xi32, #tpu.memory_space<hbm>>
      tpu.wait_dma2 semaphore(%run_scoped3A_28 : memref<!tpu.dma_semaphore, #tpu.memory_space<semaphore_mem>>) src(%dma_wait3A_42 : memref<125x80xi32, #tpu.memory_space<hbm>>) dst(%arg6 : memref<125x80xi32, #tpu.memory_space<vmem>>)
      tpu.yield
    }) : () -> ()
    %barrier3A = arith.constant 0 : index
    tpu.barrier barrier_id(%barrier3A)
    %scan3A = arith.constant 0 : i32
    %scan3A_3 = arith.constant 0 : i32
    %scan3A_4 = arith.constant 25 : i32
    %scan3A_5 = arith.addi %scan3A_3, %scan3A_4 : i32
    %scan3A_6 = arith.constant 1 : i32
    %scan3A_7 = scf.for %scan3A_28 = %scan3A_3 to %scan3A_5 step %scan3A_6 iter_args(%scan3A_29 = %scan3A) -> (i32)  : i32 {
      %mul3A_30 = arith.constant 5 : i32
      %mul3A_31 = arith.muli %scan3A_28, %mul3A_30 : i32
      %add3A_32 = arith.constant 0 : i32
      %add3A_33 = arith.addi %mul3A_31, %add3A_32 : i32
      %dma_start3A = arith.constant 0 : i32
      %dma_start3A_34 = tpu.memref_slice %arg6[%add3A_33, %dma_start3A] : memref<125x80xi32, #tpu.memory_space<vmem>> -> memref<1x80xi32, #tpu.memory_space<vmem>>
      %dma_start3A_35 = tpu.memref_squeeze %dma_start3A_34 : memref<1x80xi32, #tpu.memory_space<vmem>> -> memref<80xi32, #tpu.memory_space<vmem>>
      %dma_start3A_36 = arith.constant 0 : i32
      %dma_start3A_37 = arith.constant 0 : i32
      %dma_start3A_38 = tpu.memref_slice %arg8[%dma_start3A_36, %dma_start3A_37] : memref<10240x128xf32, #tpu.memory_space<vmem_shared>> -> memref<10240x128xf32, #tpu.memory_space<vmem_shared>>
      tpu.enqueue_indirect_dma source(%arg7 : memref<80x128xf32, #tpu.memory_space<vmem>>) target(%dma_start3A_38 : memref<10240x128xf32, #tpu.memory_space<vmem_shared>>) offsets(%dma_start3A_35 : memref<80xi32, #tpu.memory_space<vmem>>) semaphore(%arg9 : memref<!tpu.dma_semaphore, #tpu.memory_space<semaphore_mem>>) {add = true}
      %mul3A_39 = arith.constant 5 : i32
      %mul3A_40 = arith.muli %scan3A_28, %mul3A_39 : i32
      %add3A_41 = arith.constant 1 : i32
      %add3A_42 = arith.addi %mul3A_40, %add3A_41 : i32
      %dma_start3A_43 = arith.constant 0 : i32
      %dma_start3A_44 = tpu.memref_slice %arg6[%add3A_42, %dma_start3A_43] : memref<125x80xi32, #tpu.memory_space<vmem>> -> memref<1x80xi32, #tpu.memory_space<vmem>>
      %dma_start3A_45 = tpu.memref_squeeze %dma_start3A_44 : memref<1x80xi32, #tpu.memory_space<vmem>> -> memref<80xi32, #tpu.memory_space<vmem>>
      %dma_start3A_46 = arith.constant 0 : i32
      %dma_start3A_47 = arith.constant 0 : i32
      %dma_start3A_48 = tpu.memref_slice %arg8[%dma_start3A_46, %dma_start3A_47] : memref<10240x128xf32, #tpu.memory_space<vmem_shared>> -> memref<10240x128xf32, #tpu.memory_space<vmem_shared>>
      tpu.enqueue_indirect_dma source(%arg7 : memref<80x128xf32, #tpu.memory_space<vmem>>) target(%dma_start3A_48 : memref<10240x128xf32, #tpu.memory_space<vmem_shared>>) offsets(%dma_start3A_45 : memref<80xi32, #tpu.memory_space<vmem>>) semaphore(%arg9 : memref<!tpu.dma_semaphore, #tpu.memory_space<semaphore_mem>>) {add = true}
      %mul3A_49 = arith.constant 5 : i32
      %mul3A_50 = arith.muli %scan3A_28, %mul3A_49 : i32
      %add3A_51 = arith.constant 2 : i32
      %add3A_52 = arith.addi %mul3A_50, %add3A_51 : i32
      %dma_start3A_53 = arith.constant 0 : i32
      %dma_start3A_54 = tpu.memref_slice %arg6[%add3A_52, %dma_start3A_53] : memref<125x80xi32, #tpu.memory_space<vmem>> -> memref<1x80xi32, #tpu.memory_space<vmem>>
      %dma_start3A_55 = tpu.memref_squeeze %dma_start3A_54 : memref<1x80xi32, #tpu.memory_space<vmem>> -> memref<80xi32, #tpu.memory_space<vmem>>
      %dma_start3A_56 = arith.constant 0 : i32
      %dma_start3A_57 = arith.constant 0 : i32
      %dma_start3A_58 = tpu.memref_slice %arg8[%dma_start3A_56, %dma_start3A_57] : memref<10240x128xf32, #tpu.memory_space<vmem_shared>> -> memref<10240x128xf32, #tpu.memory_space<vmem_shared>>
      tpu.enqueue_indirect_dma source(%arg7 : memref<80x128xf32, #tpu.memory_space<vmem>>) target(%dma_start3A_58 : memref<10240x128xf32, #tpu.memory_space<vmem_shared>>) offsets(%dma_start3A_55 : memref<80xi32, #tpu.memory_space<vmem>>) semaphore(%arg9 : memref<!tpu.dma_semaphore, #tpu.memory_space<semaphore_mem>>) {add = true}
      %mul3A_59 = arith.constant 5 : i32
      %mul3A_60 = arith.muli %scan3A_28, %mul3A_59 : i32
      %add3A_61 = arith.constant 3 : i32
      %add3A_62 = arith.addi %mul3A_60, %add3A_61 : i32
      %dma_start3A_63 = arith.constant 0 : i32
      %dma_start3A_64 = tpu.memref_slice %arg6[%add3A_62, %dma_start3A_63] : memref<125x80xi32, #tpu.memory_space<vmem>> -> memref<1x80xi32, #tpu.memory_space<vmem>>
      %dma_start3A_65 = tpu.memref_squeeze %dma_start3A_64 : memref<1x80xi32, #tpu.memory_space<vmem>> -> memref<80xi32, #tpu.memory_space<vmem>>
      %dma_start3A_66 = arith.constant 0 : i32
      %dma_start3A_67 = arith.constant 0 : i32
      %dma_start3A_68 = tpu.memref_slice %arg8[%dma_start3A_66, %dma_start3A_67] : memref<10240x128xf32, #tpu.memory_space<vmem_shared>> -> memref<10240x128xf32, #tpu.memory_space<vmem_shared>>
      tpu.enqueue_indirect_dma source(%arg7 : memref<80x128xf32, #tpu.memory_space<vmem>>) target(%dma_start3A_68 : memref<10240x128xf32, #tpu.memory_space<vmem_shared>>) offsets(%dma_start3A_65 : memref<80xi32, #tpu.memory_space<vmem>>) semaphore(%arg9 : memref<!tpu.dma_semaphore, #tpu.memory_space<semaphore_mem>>) {add = true}
      %mul3A_69 = arith.constant 5 : i32
      %mul3A_70 = arith.muli %scan3A_28, %mul3A_69 : i32
      %add3A_71 = arith.constant 4 : i32
      %add3A_72 = arith.addi %mul3A_70, %add3A_71 : i32
      %dma_start3A_73 = arith.constant 0 : i32
      %dma_start3A_74 = tpu.memref_slice %arg6[%add3A_72, %dma_start3A_73] : memref<125x80xi32, #tpu.memory_space<vmem>> -> memref<1x80xi32, #tpu.memory_space<vmem>>
      %dma_start3A_75 = tpu.memref_squeeze %dma_start3A_74 : memref<1x80xi32, #tpu.memory_space<vmem>> -> memref<80xi32, #tpu.memory_space<vmem>>
      %dma_start3A_76 = arith.constant 0 : i32
      %dma_start3A_77 = arith.constant 0 : i32
      %dma_start3A_78 = tpu.memref_slice %arg8[%dma_start3A_76, %dma_start3A_77] : memref<10240x128xf32, #tpu.memory_space<vmem_shared>> -> memref<10240x128xf32, #tpu.memory_space<vmem_shared>>
      tpu.enqueue_indirect_dma source(%arg7 : memref<80x128xf32, #tpu.memory_space<vmem>>) target(%dma_start3A_78 : memref<10240x128xf32, #tpu.memory_space<vmem_shared>>) offsets(%dma_start3A_75 : memref<80xi32, #tpu.memory_space<vmem>>) semaphore(%arg9 : memref<!tpu.dma_semaphore, #tpu.memory_space<semaphore_mem>>) {add = true}
      %mul3A_79 = arith.constant 5 : i32
      %mul3A_80 = arith.muli %scan3A_28, %mul3A_79 : i32
      %add3A_81 = arith.constant 0 : i32
      %add3A_82 = arith.addi %mul3A_80, %add3A_81 : i32
      %dma_wait3A = arith.constant 0 : i32
      %dma_wait3A_83 = tpu.memref_slice %arg6[%add3A_82, %dma_wait3A] : memref<125x80xi32, #tpu.memory_space<vmem>> -> memref<1x80xi32, #tpu.memory_space<vmem>>
      %dma_wait3A_84 = tpu.memref_squeeze %dma_wait3A_83 : memref<1x80xi32, #tpu.memory_space<vmem>> -> memref<80xi32, #tpu.memory_space<vmem>>
      %dma_wait3A_85 = arith.constant 0 : i32
      %dma_wait3A_86 = arith.constant 0 : i32
      %dma_wait3A_87 = tpu.memref_slice %arg8[%dma_wait3A_85, %dma_wait3A_86] : memref<10240x128xf32, #tpu.memory_space<vmem_shared>> -> memref<10240x128xf32, #tpu.memory_space<vmem_shared>>
      tpu.wait_indirect_dma semaphore(%arg9 : memref<!tpu.dma_semaphore, #tpu.memory_space<semaphore_mem>>) src(%arg7 : memref<80x128xf32, #tpu.memory_space<vmem>>) dst(%dma_wait3A_87 : memref<10240x128xf32, #tpu.memory_space<vmem_shared>>)
      %mul3A_88 = arith.constant 5 : i32
      %mul3A_89 = arith.muli %scan3A_28, %mul3A_88 : i32
      %add3A_90 = arith.constant 1 : i32
      %add3A_91 = arith.addi %mul3A_89, %add3A_90 : i32
      %dma_wait3A_92 = arith.constant 0 : i32
      %dma_wait3A_93 = tpu.memref_slice %arg6[%add3A_91, %dma_wait3A_92] : memref<125x80xi32, #tpu.memory_space<vmem>> -> memref<1x80xi32, #tpu.memory_space<vmem>>
      %dma_wait3A_94 = tpu.memref_squeeze %dma_wait3A_93 : memref<1x80xi32, #tpu.memory_space<vmem>> -> memref<80xi32, #tpu.memory_space<vmem>>
      %dma_wait3A_95 = arith.constant 0 : i32
      %dma_wait3A_96 = arith.constant 0 : i32
      %dma_wait3A_97 = tpu.memref_slice %arg8[%dma_wait3A_95, %dma_wait3A_96] : memref<10240x128xf32, #tpu.memory_space<vmem_shared>> -> memref<10240x128xf32, #tpu.memory_space<vmem_shared>>
      tpu.wait_indirect_dma semaphore(%arg9 : memref<!tpu.dma_semaphore, #tpu.memory_space<semaphore_mem>>) src(%arg7 : memref<80x128xf32, #tpu.memory_space<vmem>>) dst(%dma_wait3A_97 : memref<10240x128xf32, #tpu.memory_space<vmem_shared>>)
      %mul3A_98 = arith.constant 5 : i32
      %mul3A_99 = arith.muli %scan3A_28, %mul3A_98 : i32
      %add3A_100 = arith.constant 2 : i32
      %add3A_101 = arith.addi %mul3A_99, %add3A_100 : i32
      %dma_wait3A_102 = arith.constant 0 : i32
      %dma_wait3A_103 = tpu.memref_slice %arg6[%add3A_101, %dma_wait3A_102] : memref<125x80xi32, #tpu.memory_space<vmem>> -> memref<1x80xi32, #tpu.memory_space<vmem>>
      %dma_wait3A_104 = tpu.memref_squeeze %dma_wait3A_103 : memref<1x80xi32, #tpu.memory_space<vmem>> -> memref<80xi32, #tpu.memory_space<vmem>>
      %dma_wait3A_105 = arith.constant 0 : i32
      %dma_wait3A_106 = arith.constant 0 : i32
      %dma_wait3A_107 = tpu.memref_slice %arg8[%dma_wait3A_105, %dma_wait3A_106] : memref<10240x128xf32, #tpu.memory_space<vmem_shared>> -> memref<10240x128xf32, #tpu.memory_space<vmem_shared>>
      tpu.wait_indirect_dma semaphore(%arg9 : memref<!tpu.dma_semaphore, #tpu.memory_space<semaphore_mem>>) src(%arg7 : memref<80x128xf32, #tpu.memory_space<vmem>>) dst(%dma_wait3A_107 : memref<10240x128xf32, #tpu.memory_space<vmem_shared>>)
      %mul3A_108 = arith.constant 5 : i32
      %mul3A_109 = arith.muli %scan3A_28, %mul3A_108 : i32
      %add3A_110 = arith.constant 3 : i32
      %add3A_111 = arith.addi %mul3A_109, %add3A_110 : i32
      %dma_wait3A_112 = arith.constant 0 : i32
      %dma_wait3A_113 = tpu.memref_slice %arg6[%add3A_111, %dma_wait3A_112] : memref<125x80xi32, #tpu.memory_space<vmem>> -> memref<1x80xi32, #tpu.memory_space<vmem>>
      %dma_wait3A_114 = tpu.memref_squeeze %dma_wait3A_113 : memref<1x80xi32, #tpu.memory_space<vmem>> -> memref<80xi32, #tpu.memory_space<vmem>>
      %dma_wait3A_115 = arith.constant 0 : i32
      %dma_wait3A_116 = arith.constant 0 : i32
      %dma_wait3A_117 = tpu.memref_slice %arg8[%dma_wait3A_115, %dma_wait3A_116] : memref<10240x128xf32, #tpu.memory_space<vmem_shared>> -> memref<10240x128xf32, #tpu.memory_space<vmem_shared>>
      tpu.wait_indirect_dma semaphore(%arg9 : memref<!tpu.dma_semaphore, #tpu.memory_space<semaphore_mem>>) src(%arg7 : memref<80x128xf32, #tpu.memory_space<vmem>>) dst(%dma_wait3A_117 : memref<10240x128xf32, #tpu.memory_space<vmem_shared>>)
      %mul3A_118 = arith.constant 5 : i32
      %mul3A_119 = arith.muli %scan3A_28, %mul3A_118 : i32
      %add3A_120 = arith.constant 4 : i32
      %add3A_121 = arith.addi %mul3A_119, %add3A_120 : i32
      %dma_wait3A_122 = arith.constant 0 : i32
      %dma_wait3A_123 = tpu.memref_slice %arg6[%add3A_121, %dma_wait3A_122] : memref<125x80xi32, #tpu.memory_space<vmem>> -> memref<1x80xi32, #tpu.memory_space<vmem>>
      %dma_wait3A_124 = tpu.memref_squeeze %dma_wait3A_123 : memref<1x80xi32, #tpu.memory_space<vmem>> -> memref<80xi32, #tpu.memory_space<vmem>>
      %dma_wait3A_125 = arith.constant 0 : i32
      %dma_wait3A_126 = arith.constant 0 : i32
      %dma_wait3A_127 = tpu.memref_slice %arg8[%dma_wait3A_125, %dma_wait3A_126] : memref<10240x128xf32, #tpu.memory_space<vmem_shared>> -> memref<10240x128xf32, #tpu.memory_space<vmem_shared>>
      tpu.wait_indirect_dma semaphore(%arg9 : memref<!tpu.dma_semaphore, #tpu.memory_space<semaphore_mem>>) src(%arg7 : memref<80x128xf32, #tpu.memory_space<vmem>>) dst(%dma_wait3A_127 : memref<10240x128xf32, #tpu.memory_space<vmem_shared>>)
      %scan3A_128 = arith.constant 0 : i32
      scf.yield %scan3A_128 : i32
    }
    %scan3A_8 = arith.constant 25 : i32
    %barrier3A_9 = arith.constant 0 : index
    tpu.barrier barrier_id(%barrier3A_9)
    %mul3A_10 = arith.constant 640 : i32
    %mul3A_11 = arith.muli %arg1, %mul3A_10 : i32
    %run_scoped3A_12 = arith.constant 0 : i32
    "tpu.region"() ({
      %run_scoped3A_28 = tpu.sem_alloc : memref<!tpu.dma_semaphore, #tpu.memory_space<semaphore_mem>>
      %dma_start3A = arith.constant 0 : i32
      %dma_start3A_29 = arith.constant 0 : i32
      %dma_start3A_30 = tpu.memref_slice %arg5[%arg0, %run_scoped3A_12, %arg1, %dma_start3A, %dma_start3A_29] : memref<2x2x16x640x128xf32, #tpu.memory_space<hbm>> -> memref<1x1x1x640x128xf32, #tpu.memory_space<hbm>>
      %dma_start3A_31 = tpu.memref_squeeze %dma_start3A_30 : memref<1x1x1x640x128xf32, #tpu.memory_space<hbm>> -> memref<640x128xf32, #tpu.memory_space<hbm>>
      %dma_start3A_32 = arith.constant 0 : i32
      %dma_start3A_33 = tpu.memref_slice %arg8[%mul3A_11, %dma_start3A_32] : memref<10240x128xf32, #tpu.memory_space<vmem_shared>> -> memref<640x128xf32, #tpu.memory_space<vmem_shared>>
      tpu.enqueue_dma source(%dma_start3A_33 : memref<640x128xf32, #tpu.memory_space<vmem_shared>>) target(%dma_start3A_31 : memref<640x128xf32, #tpu.memory_space<hbm>>) target_semaphore(%run_scoped3A_28 : memref<!tpu.dma_semaphore, #tpu.memory_space<semaphore_mem>>)
      %dma_wait3A = arith.constant 0 : i32
      %dma_wait3A_34 = arith.constant 0 : i32
      %dma_wait3A_35 = tpu.memref_slice %arg5[%arg0, %run_scoped3A_12, %arg1, %dma_wait3A, %dma_wait3A_34] : memref<2x2x16x640x128xf32, #tpu.memory_space<hbm>> -> memref<1x1x1x640x128xf32, #tpu.memory_space<hbm>>
      %dma_wait3A_36 = tpu.memref_squeeze %dma_wait3A_35 : memref<1x1x1x640x128xf32, #tpu.memory_space<hbm>> -> memref<640x128xf32, #tpu.memory_space<hbm>>
      %dma_wait3A_37 = arith.constant 0 : i32
      %dma_wait3A_38 = tpu.memref_slice %arg8[%mul3A_11, %dma_wait3A_37] : memref<10240x128xf32, #tpu.memory_space<vmem_shared>> -> memref<640x128xf32, #tpu.memory_space<vmem_shared>>
      tpu.wait_dma2 semaphore(%run_scoped3A_28 : memref<!tpu.dma_semaphore, #tpu.memory_space<semaphore_mem>>) src(%dma_wait3A_38 : memref<640x128xf32, #tpu.memory_space<vmem_shared>>) dst(%dma_wait3A_36 : memref<640x128xf32, #tpu.memory_space<hbm>>)
      tpu.yield
    }) : () -> ()
    %mul3A_13 = arith.constant 640 : i32
    %mul3A_14 = arith.muli %arg1, %mul3A_13 : i32
    "tpu.region"() ({
      %run_scoped3A_28 = tpu.sem_alloc : memref<!tpu.dma_semaphore, #tpu.memory_space<semaphore_mem>>
      %dma_start3A = arith.constant 0 : i32
      %dma_start3A_29 = tpu.memref_slice %arg8[%mul3A_14, %dma_start3A] : memref<10240x128xf32, #tpu.memory_space<vmem_shared>> -> memref<640x128xf32, #tpu.memory_space<vmem_shared>>
      tpu.enqueue_dma source(%arg4 : memref<640x128xf32, #tpu.memory_space<hbm>>) target(%dma_start3A_29 : memref<640x128xf32, #tpu.memory_space<vmem_shared>>) target_semaphore(%run_scoped3A_28 : memref<!tpu.dma_semaphore, #tpu.memory_space<semaphore_mem>>)
      %dma_wait3A = arith.constant 0 : i32
      %dma_wait3A_30 = tpu.memref_slice %arg8[%mul3A_14, %dma_wait3A] : memref<10240x128xf32, #tpu.memory_space<vmem_shared>> -> memref<640x128xf32, #tpu.memory_space<vmem_shared>>
      tpu.wait_dma2 semaphore(%run_scoped3A_28 : memref<!tpu.dma_semaphore, #tpu.memory_space<semaphore_mem>>) src(%arg4 : memref<640x128xf32, #tpu.memory_space<hbm>>) dst(%dma_wait3A_30 : memref<640x128xf32, #tpu.memory_space<vmem_shared>>)
      tpu.yield
    }) : () -> ()
    %run_scoped3A_15 = arith.constant 1 : i32
    "tpu.region"() ({
      %run_scoped3A_28 = tpu.sem_alloc : memref<!tpu.dma_semaphore, #tpu.memory_space<semaphore_mem>>
      %dma_start3A = arith.constant 0 : i32
      %dma_start3A_29 = arith.constant 0 : i32
      %dma_start3A_30 = tpu.memref_slice %arg2[%run_scoped3A_15, %add3A, %dma_start3A, %dma_start3A_29] : memref<2x32x125x80xi32, #tpu.memory_space<hbm>> -> memref<1x1x125x80xi32, #tpu.memory_space<hbm>>
      %dma_start3A_31 = tpu.memref_squeeze %dma_start3A_30 : memref<1x1x125x80xi32, #tpu.memory_space<hbm>> -> memref<125x80xi32, #tpu.memory_space<hbm>>
      %dma_start3A_32 = arith.constant 0 : i32
      %dma_start3A_33 = arith.constant 0 : i32
      %dma_start3A_34 = tpu.memref_slice %arg2[%run_scoped3A_15, %add3A, %dma_start3A_32, %dma_start3A_33] : memref<2x32x125x80xi32, #tpu.memory_space<hbm>> -> memref<1x1x125x80xi32, #tpu.memory_space<hbm>>
      %dma_start3A_35 = tpu.memref_squeeze %dma_start3A_34 : memref<1x1x125x80xi32, #tpu.memory_space<hbm>> -> memref<125x80xi32, #tpu.memory_space<hbm>>
      tpu.enqueue_dma source(%dma_start3A_35 : memref<125x80xi32, #tpu.memory_space<hbm>>) target(%arg6 : memref<125x80xi32, #tpu.memory_space<vmem>>) target_semaphore(%run_scoped3A_28 : memref<!tpu.dma_semaphore, #tpu.memory_space<semaphore_mem>>)
      %dma_wait3A = arith.constant 0 : i32
      %dma_wait3A_36 = arith.constant 0 : i32
      %dma_wait3A_37 = tpu.memref_slice %arg2[%run_scoped3A_15, %add3A, %dma_wait3A, %dma_wait3A_36] : memref<2x32x125x80xi32, #tpu.memory_space<hbm>> -> memref<1x1x125x80xi32, #tpu.memory_space<hbm>>
      %dma_wait3A_38 = tpu.memref_squeeze %dma_wait3A_37 : memref<1x1x125x80xi32, #tpu.memory_space<hbm>> -> memref<125x80xi32, #tpu.memory_space<hbm>>
      %dma_wait3A_39 = arith.constant 0 : i32
      %dma_wait3A_40 = arith.constant 0 : i32
      %dma_wait3A_41 = tpu.memref_slice %arg2[%run_scoped3A_15, %add3A, %dma_wait3A_39, %dma_wait3A_40] : memref<2x32x125x80xi32, #tpu.memory_space<hbm>> -> memref<1x1x125x80xi32, #tpu.memory_space<hbm>>
      %dma_wait3A_42 = tpu.memref_squeeze %dma_wait3A_41 : memref<1x1x125x80xi32, #tpu.memory_space<hbm>> -> memref<125x80xi32, #tpu.memory_space<hbm>>
      tpu.wait_dma2 semaphore(%run_scoped3A_28 : memref<!tpu.dma_semaphore, #tpu.memory_space<semaphore_mem>>) src(%dma_wait3A_42 : memref<125x80xi32, #tpu.memory_space<hbm>>) dst(%arg6 : memref<125x80xi32, #tpu.memory_space<vmem>>)
      tpu.yield
    }) : () -> ()
    %barrier3A_16 = arith.constant 0 : index
    tpu.barrier barrier_id(%barrier3A_16)
    %scan3A_17 = arith.constant 0 : i32
    %scan3A_18 = arith.constant 0 : i32
    %scan3A_19 = arith.constant 25 : i32
    %scan3A_20 = arith.addi %scan3A_18, %scan3A_19 : i32
    %scan3A_21 = arith.constant 1 : i32
    %scan3A_22 = scf.for %scan3A_28 = %scan3A_18 to %scan3A_20 step %scan3A_21 iter_args(%scan3A_29 = %scan3A_17) -> (i32)  : i32 {
      %mul3A_30 = arith.constant 5 : i32
      %mul3A_31 = arith.muli %scan3A_28, %mul3A_30 : i32
      %add3A_32 = arith.constant 0 : i32
      %add3A_33 = arith.addi %mul3A_31, %add3A_32 : i32
      %dma_start3A = arith.constant 0 : i32
      %dma_start3A_34 = tpu.memref_slice %arg6[%add3A_33, %dma_start3A] : memref<125x80xi32, #tpu.memory_space<vmem>> -> memref<1x80xi32, #tpu.memory_space<vmem>>
      %dma_start3A_35 = tpu.memref_squeeze %dma_start3A_34 : memref<1x80xi32, #tpu.memory_space<vmem>> -> memref<80xi32, #tpu.memory_space<vmem>>
      %dma_start3A_36 = arith.constant 0 : i32
      %dma_start3A_37 = arith.constant 0 : i32
      %dma_start3A_38 = tpu.memref_slice %arg8[%dma_start3A_36, %dma_start3A_37] : memref<10240x128xf32, #tpu.memory_space<vmem_shared>> -> memref<10240x128xf32, #tpu.memory_space<vmem_shared>>
      tpu.enqueue_indirect_dma source(%arg7 : memref<80x128xf32, #tpu.memory_space<vmem>>) target(%dma_start3A_38 : memref<10240x128xf32, #tpu.memory_space<vmem_shared>>) offsets(%dma_start3A_35 : memref<80xi32, #tpu.memory_space<vmem>>) semaphore(%arg9 : memref<!tpu.dma_semaphore, #tpu.memory_space<semaphore_mem>>) {add = true}
      %mul3A_39 = arith.constant 5 : i32
      %mul3A_40 = arith.muli %scan3A_28, %mul3A_39 : i32
      %add3A_41 = arith.constant 1 : i32
      %add3A_42 = arith.addi %mul3A_40, %add3A_41 : i32
      %dma_start3A_43 = arith.constant 0 : i32
      %dma_start3A_44 = tpu.memref_slice %arg6[%add3A_42, %dma_start3A_43] : memref<125x80xi32, #tpu.memory_space<vmem>> -> memref<1x80xi32, #tpu.memory_space<vmem>>
      %dma_start3A_45 = tpu.memref_squeeze %dma_start3A_44 : memref<1x80xi32, #tpu.memory_space<vmem>> -> memref<80xi32, #tpu.memory_space<vmem>>
      %dma_start3A_46 = arith.constant 0 : i32
      %dma_start3A_47 = arith.constant 0 : i32
      %dma_start3A_48 = tpu.memref_slice %arg8[%dma_start3A_46, %dma_start3A_47] : memref<10240x128xf32, #tpu.memory_space<vmem_shared>> -> memref<10240x128xf32, #tpu.memory_space<vmem_shared>>
      tpu.enqueue_indirect_dma source(%arg7 : memref<80x128xf32, #tpu.memory_space<vmem>>) target(%dma_start3A_48 : memref<10240x128xf32, #tpu.memory_space<vmem_shared>>) offsets(%dma_start3A_45 : memref<80xi32, #tpu.memory_space<vmem>>) semaphore(%arg9 : memref<!tpu.dma_semaphore, #tpu.memory_space<semaphore_mem>>) {add = true}
      %mul3A_49 = arith.constant 5 : i32
      %mul3A_50 = arith.muli %scan3A_28, %mul3A_49 : i32
      %add3A_51 = arith.constant 2 : i32
      %add3A_52 = arith.addi %mul3A_50, %add3A_51 : i32
      %dma_start3A_53 = arith.constant 0 : i32
      %dma_start3A_54 = tpu.memref_slice %arg6[%add3A_52, %dma_start3A_53] : memref<125x80xi32, #tpu.memory_space<vmem>> -> memref<1x80xi32, #tpu.memory_space<vmem>>
      %dma_start3A_55 = tpu.memref_squeeze %dma_start3A_54 : memref<1x80xi32, #tpu.memory_space<vmem>> -> memref<80xi32, #tpu.memory_space<vmem>>
      %dma_start3A_56 = arith.constant 0 : i32
      %dma_start3A_57 = arith.constant 0 : i32
      %dma_start3A_58 = tpu.memref_slice %arg8[%dma_start3A_56, %dma_start3A_57] : memref<10240x128xf32, #tpu.memory_space<vmem_shared>> -> memref<10240x128xf32, #tpu.memory_space<vmem_shared>>
      tpu.enqueue_indirect_dma source(%arg7 : memref<80x128xf32, #tpu.memory_space<vmem>>) target(%dma_start3A_58 : memref<10240x128xf32, #tpu.memory_space<vmem_shared>>) offsets(%dma_start3A_55 : memref<80xi32, #tpu.memory_space<vmem>>) semaphore(%arg9 : memref<!tpu.dma_semaphore, #tpu.memory_space<semaphore_mem>>) {add = true}
      %mul3A_59 = arith.constant 5 : i32
      %mul3A_60 = arith.muli %scan3A_28, %mul3A_59 : i32
      %add3A_61 = arith.constant 3 : i32
      %add3A_62 = arith.addi %mul3A_60, %add3A_61 : i32
      %dma_start3A_63 = arith.constant 0 : i32
      %dma_start3A_64 = tpu.memref_slice %arg6[%add3A_62, %dma_start3A_63] : memref<125x80xi32, #tpu.memory_space<vmem>> -> memref<1x80xi32, #tpu.memory_space<vmem>>
      %dma_start3A_65 = tpu.memref_squeeze %dma_start3A_64 : memref<1x80xi32, #tpu.memory_space<vmem>> -> memref<80xi32, #tpu.memory_space<vmem>>
      %dma_start3A_66 = arith.constant 0 : i32
      %dma_start3A_67 = arith.constant 0 : i32
      %dma_start3A_68 = tpu.memref_slice %arg8[%dma_start3A_66, %dma_start3A_67] : memref<10240x128xf32, #tpu.memory_space<vmem_shared>> -> memref<10240x128xf32, #tpu.memory_space<vmem_shared>>
      tpu.enqueue_indirect_dma source(%arg7 : memref<80x128xf32, #tpu.memory_space<vmem>>) target(%dma_start3A_68 : memref<10240x128xf32, #tpu.memory_space<vmem_shared>>) offsets(%dma_start3A_65 : memref<80xi32, #tpu.memory_space<vmem>>) semaphore(%arg9 : memref<!tpu.dma_semaphore, #tpu.memory_space<semaphore_mem>>) {add = true}
      %mul3A_69 = arith.constant 5 : i32
      %mul3A_70 = arith.muli %scan3A_28, %mul3A_69 : i32
      %add3A_71 = arith.constant 4 : i32
      %add3A_72 = arith.addi %mul3A_70, %add3A_71 : i32
      %dma_start3A_73 = arith.constant 0 : i32
      %dma_start3A_74 = tpu.memref_slice %arg6[%add3A_72, %dma_start3A_73] : memref<125x80xi32, #tpu.memory_space<vmem>> -> memref<1x80xi32, #tpu.memory_space<vmem>>
      %dma_start3A_75 = tpu.memref_squeeze %dma_start3A_74 : memref<1x80xi32, #tpu.memory_space<vmem>> -> memref<80xi32, #tpu.memory_space<vmem>>
      %dma_start3A_76 = arith.constant 0 : i32
      %dma_start3A_77 = arith.constant 0 : i32
      %dma_start3A_78 = tpu.memref_slice %arg8[%dma_start3A_76, %dma_start3A_77] : memref<10240x128xf32, #tpu.memory_space<vmem_shared>> -> memref<10240x128xf32, #tpu.memory_space<vmem_shared>>
      tpu.enqueue_indirect_dma source(%arg7 : memref<80x128xf32, #tpu.memory_space<vmem>>) target(%dma_start3A_78 : memref<10240x128xf32, #tpu.memory_space<vmem_shared>>) offsets(%dma_start3A_75 : memref<80xi32, #tpu.memory_space<vmem>>) semaphore(%arg9 : memref<!tpu.dma_semaphore, #tpu.memory_space<semaphore_mem>>) {add = true}
      %mul3A_79 = arith.constant 5 : i32
      %mul3A_80 = arith.muli %scan3A_28, %mul3A_79 : i32
      %add3A_81 = arith.constant 0 : i32
      %add3A_82 = arith.addi %mul3A_80, %add3A_81 : i32
      %dma_wait3A = arith.constant 0 : i32
      %dma_wait3A_83 = tpu.memref_slice %arg6[%add3A_82, %dma_wait3A] : memref<125x80xi32, #tpu.memory_space<vmem>> -> memref<1x80xi32, #tpu.memory_space<vmem>>
      %dma_wait3A_84 = tpu.memref_squeeze %dma_wait3A_83 : memref<1x80xi32, #tpu.memory_space<vmem>> -> memref<80xi32, #tpu.memory_space<vmem>>
      %dma_wait3A_85 = arith.constant 0 : i32
      %dma_wait3A_86 = arith.constant 0 : i32
      %dma_wait3A_87 = tpu.memref_slice %arg8[%dma_wait3A_85, %dma_wait3A_86] : memref<10240x128xf32, #tpu.memory_space<vmem_shared>> -> memref<10240x128xf32, #tpu.memory_space<vmem_shared>>
      tpu.wait_indirect_dma semaphore(%arg9 : memref<!tpu.dma_semaphore, #tpu.memory_space<semaphore_mem>>) src(%arg7 : memref<80x128xf32, #tpu.memory_space<vmem>>) dst(%dma_wait3A_87 : memref<10240x128xf32, #tpu.memory_space<vmem_shared>>)
      %mul3A_88 = arith.constant 5 : i32
      %mul3A_89 = arith.muli %scan3A_28, %mul3A_88 : i32
      %add3A_90 = arith.constant 1 : i32
      %add3A_91 = arith.addi %mul3A_89, %add3A_90 : i32
      %dma_wait3A_92 = arith.constant 0 : i32
      %dma_wait3A_93 = tpu.memref_slice %arg6[%add3A_91, %dma_wait3A_92] : memref<125x80xi32, #tpu.memory_space<vmem>> -> memref<1x80xi32, #tpu.memory_space<vmem>>
      %dma_wait3A_94 = tpu.memref_squeeze %dma_wait3A_93 : memref<1x80xi32, #tpu.memory_space<vmem>> -> memref<80xi32, #tpu.memory_space<vmem>>
      %dma_wait3A_95 = arith.constant 0 : i32
      %dma_wait3A_96 = arith.constant 0 : i32
      %dma_wait3A_97 = tpu.memref_slice %arg8[%dma_wait3A_95, %dma_wait3A_96] : memref<10240x128xf32, #tpu.memory_space<vmem_shared>> -> memref<10240x128xf32, #tpu.memory_space<vmem_shared>>
      tpu.wait_indirect_dma semaphore(%arg9 : memref<!tpu.dma_semaphore, #tpu.memory_space<semaphore_mem>>) src(%arg7 : memref<80x128xf32, #tpu.memory_space<vmem>>) dst(%dma_wait3A_97 : memref<10240x128xf32, #tpu.memory_space<vmem_shared>>)
      %mul3A_98 = arith.constant 5 : i32
      %mul3A_99 = arith.muli %scan3A_28, %mul3A_98 : i32
      %add3A_100 = arith.constant 2 : i32
      %add3A_101 = arith.addi %mul3A_99, %add3A_100 : i32
      %dma_wait3A_102 = arith.constant 0 : i32
      %dma_wait3A_103 = tpu.memref_slice %arg6[%add3A_101, %dma_wait3A_102] : memref<125x80xi32, #tpu.memory_space<vmem>> -> memref<1x80xi32, #tpu.memory_space<vmem>>
      %dma_wait3A_104 = tpu.memref_squeeze %dma_wait3A_103 : memref<1x80xi32, #tpu.memory_space<vmem>> -> memref<80xi32, #tpu.memory_space<vmem>>
      %dma_wait3A_105 = arith.constant 0 : i32
      %dma_wait3A_106 = arith.constant 0 : i32
      %dma_wait3A_107 = tpu.memref_slice %arg8[%dma_wait3A_105, %dma_wait3A_106] : memref<10240x128xf32, #tpu.memory_space<vmem_shared>> -> memref<10240x128xf32, #tpu.memory_space<vmem_shared>>
      tpu.wait_indirect_dma semaphore(%arg9 : memref<!tpu.dma_semaphore, #tpu.memory_space<semaphore_mem>>) src(%arg7 : memref<80x128xf32, #tpu.memory_space<vmem>>) dst(%dma_wait3A_107 : memref<10240x128xf32, #tpu.memory_space<vmem_shared>>)
      %mul3A_108 = arith.constant 5 : i32
      %mul3A_109 = arith.muli %scan3A_28, %mul3A_108 : i32
      %add3A_110 = arith.constant 3 : i32
      %add3A_111 = arith.addi %mul3A_109, %add3A_110 : i32
      %dma_wait3A_112 = arith.constant 0 : i32
      %dma_wait3A_113 = tpu.memref_slice %arg6[%add3A_111, %dma_wait3A_112] : memref<125x80xi32, #tpu.memory_space<vmem>> -> memref<1x80xi32, #tpu.memory_space<vmem>>
      %dma_wait3A_114 = tpu.memref_squeeze %dma_wait3A_113 : memref<1x80xi32, #tpu.memory_space<vmem>> -> memref<80xi32, #tpu.memory_space<vmem>>
      %dma_wait3A_115 = arith.constant 0 : i32
      %dma_wait3A_116 = arith.constant 0 : i32
      %dma_wait3A_117 = tpu.memref_slice %arg8[%dma_wait3A_115, %dma_wait3A_116] : memref<10240x128xf32, #tpu.memory_space<vmem_shared>> -> memref<10240x128xf32, #tpu.memory_space<vmem_shared>>
      tpu.wait_indirect_dma semaphore(%arg9 : memref<!tpu.dma_semaphore, #tpu.memory_space<semaphore_mem>>) src(%arg7 : memref<80x128xf32, #tpu.memory_space<vmem>>) dst(%dma_wait3A_117 : memref<10240x128xf32, #tpu.memory_space<vmem_shared>>)
      %mul3A_118 = arith.constant 5 : i32
      %mul3A_119 = arith.muli %scan3A_28, %mul3A_118 : i32
      %add3A_120 = arith.constant 4 : i32
      %add3A_121 = arith.addi %mul3A_119, %add3A_120 : i32
      %dma_wait3A_122 = arith.constant 0 : i32
      %dma_wait3A_123 = tpu.memref_slice %arg6[%add3A_121, %dma_wait3A_122] : memref<125x80xi32, #tpu.memory_space<vmem>> -> memref<1x80xi32, #tpu.memory_space<vmem>>
      %dma_wait3A_124 = tpu.memref_squeeze %dma_wait3A_123 : memref<1x80xi32, #tpu.memory_space<vmem>> -> memref<80xi32, #tpu.memory_space<vmem>>
      %dma_wait3A_125 = arith.constant 0 : i32
      %dma_wait3A_126 = arith.constant 0 : i32
      %dma_wait3A_127 = tpu.memref_slice %arg8[%dma_wait3A_125, %dma_wait3A_126] : memref<10240x128xf32, #tpu.memory_space<vmem_shared>> -> memref<10240x128xf32, #tpu.memory_space<vmem_shared>>
      tpu.wait_indirect_dma semaphore(%arg9 : memref<!tpu.dma_semaphore, #tpu.memory_space<semaphore_mem>>) src(%arg7 : memref<80x128xf32, #tpu.memory_space<vmem>>) dst(%dma_wait3A_127 : memref<10240x128xf32, #tpu.memory_space<vmem_shared>>)
      %scan3A_128 = arith.constant 0 : i32
      scf.yield %scan3A_128 : i32
    }
    %scan3A_23 = arith.constant 25 : i32
    %barrier3A_24 = arith.constant 0 : index
    tpu.barrier barrier_id(%barrier3A_24)
    %mul3A_25 = arith.constant 640 : i32
    %mul3A_26 = arith.muli %arg1, %mul3A_25 : i32
    %run_scoped3A_27 = arith.constant 1 : i32
    "tpu.region"() ({
      %run_scoped3A_28 = tpu.sem_alloc : memref<!tpu.dma_semaphore, #tpu.memory_space<semaphore_mem>>
      %dma_start3A = arith.constant 0 : i32
      %dma_start3A_29 = arith.constant 0 : i32
      %dma_start3A_30 = tpu.memref_slice %arg5[%arg0, %run_scoped3A_27, %arg1, %dma_start3A, %dma_start3A_29] : memref<2x2x16x640x128xf32, #tpu.memory_space<hbm>> -> memref<1x1x1x640x128xf32, #tpu.memory_space<hbm>>
      %dma_start3A_31 = tpu.memref_squeeze %dma_start3A_30 : memref<1x1x1x640x128xf32, #tpu.memory_space<hbm>> -> memref<640x128xf32, #tpu.memory_space<hbm>>
      %dma_start3A_32 = arith.constant 0 : i32
      %dma_start3A_33 = tpu.memref_slice %arg8[%mul3A_26, %dma_start3A_32] : memref<10240x128xf32, #tpu.memory_space<vmem_shared>> -> memref<640x128xf32, #tpu.memory_space<vmem_shared>>
      tpu.enqueue_dma source(%dma_start3A_33 : memref<640x128xf32, #tpu.memory_space<vmem_shared>>) target(%dma_start3A_31 : memref<640x128xf32, #tpu.memory_space<hbm>>) target_semaphore(%run_scoped3A_28 : memref<!tpu.dma_semaphore, #tpu.memory_space<semaphore_mem>>)
      %dma_wait3A = arith.constant 0 : i32
      %dma_wait3A_34 = arith.constant 0 : i32
      %dma_wait3A_35 = tpu.memref_slice %arg5[%arg0, %run_scoped3A_27, %arg1, %dma_wait3A, %dma_wait3A_34] : memref<2x2x16x640x128xf32, #tpu.memory_space<hbm>> -> memref<1x1x1x640x128xf32, #tpu.memory_space<hbm>>
      %dma_wait3A_36 = tpu.memref_squeeze %dma_wait3A_35 : memref<1x1x1x640x128xf32, #tpu.memory_space<hbm>> -> memref<640x128xf32, #tpu.memory_space<hbm>>
      %dma_wait3A_37 = arith.constant 0 : i32
      %dma_wait3A_38 = tpu.memref_slice %arg8[%mul3A_26, %dma_wait3A_37] : memref<10240x128xf32, #tpu.memory_space<vmem_shared>> -> memref<640x128xf32, #tpu.memory_space<vmem_shared>>
      tpu.wait_dma2 semaphore(%run_scoped3A_28 : memref<!tpu.dma_semaphore, #tpu.memory_space<semaphore_mem>>) src(%dma_wait3A_38 : memref<640x128xf32, #tpu.memory_space<vmem_shared>>) dst(%dma_wait3A_36 : memref<640x128xf32, #tpu.memory_space<hbm>>)
      tpu.yield
    }) : () -> ()
    return
  }
}

module attributes {stable_mosaic.version = 14 : i64} {
  func.func @_tc_scale_transpose(%arg0: i32, %arg1: memref<1x128x1000xf32, #tpu.memory_space<vmem>>, %arg2: memref<1x2x2x1000xf32, #tpu.memory_space<vmem>>, %arg3: memref<1x1000x128xf32, #tpu.memory_space<vmem>>) attributes {dimension_semantics = [#tpu.dimension_semantics<arbitrary>], iteration_bounds = array<i64: 10>, scalar_prefetch = 0 : i64, scratch_operands = 0 : i64, tpu.core_type = #tpu.core_type<tc>, window_params = [{transform_indices = @transform_0, window_bounds = array<i64: 1, 128, 1000>}, {transform_indices = @transform_1, window_bounds = array<i64: 1, 2, 2, 1000>}, {transform_indices = @transform_2, window_bounds = array<i64: 1, 1000, 128>}]} {
    %get3A = arith.constant 0 : index
    %get3A_0 = arith.constant 0 : index
    %get3A_1 = arith.constant 0 : index
    %get3A_2 = vector.load %arg1[%get3A, %get3A_0, %get3A_1] : memref<1x128x1000xf32, #tpu.memory_space<vmem>>, vector<1x128x1000xf32>
    %get3A_3 = vector.shape_cast %get3A_2 : vector<1x128x1000xf32> to vector<128x1000xf32>
    %get3A_4 = arith.constant 0 : index
    %get3A_5 = arith.constant 0 : index
    %get3A_6 = arith.constant 0 : index
    %get3A_7 = arith.constant 0 : index
    %get3A_8 = vector.load %arg2[%get3A_4, %get3A_5, %get3A_6, %get3A_7] : memref<1x2x2x1000xf32, #tpu.memory_space<vmem>>, vector<1x1x1x1000xf32>
    %get3A_9 = vector.shape_cast %get3A_8 : vector<1x1x1x1000xf32> to vector<1000xf32>
    %get3A_10 = arith.constant 0 : index
    %get3A_11 = arith.constant 1 : index
    %get3A_12 = arith.constant 0 : index
    %get3A_13 = arith.constant 0 : index
    %get3A_14 = vector.load %arg2[%get3A_10, %get3A_11, %get3A_12, %get3A_13] : memref<1x2x2x1000xf32, #tpu.memory_space<vmem>>, vector<1x1x1x1000xf32>
    %get3A_15 = vector.shape_cast %get3A_14 : vector<1x1x1x1000xf32> to vector<1000xf32>
    %add3A = arith.addf %get3A_9, %get3A_15 : vector<1000xf32>
    %max3A = arith.constant 1.000000e+00 : f32
    %max3A_16 = vector.broadcast %max3A : f32 to vector<1000xf32>
    %max3A_17 = arith.maximumf %add3A, %max3A_16 : vector<1000xf32>
    %rsqrt3A = math.rsqrt %max3A_17 : vector<1000xf32>
    %broadcast_in_dim3A = vector.shape_cast %rsqrt3A : vector<1000xf32> to vector<1x1000xf32>
    %mul3A = vector.broadcast %broadcast_in_dim3A : vector<1x1000xf32> to vector<128x1000xf32>
    %mul3A_18 = arith.mulf %get3A_3, %mul3A : vector<128x1000xf32>
    %iota3A = tpu.iota {dimensions = array<i32: 0>} : vector<128x128xi32>
    %iota3A_19 = tpu.iota {dimensions = array<i32: 1>} : vector<128x128xi32>
    %eq3A = arith.cmpi eq, %iota3A, %iota3A_19 : vector<128x128xi32>
    %convert_element_type3A = arith.extui %eq3A : vector<128x128xi1> to vector<128x128xi32>
    %convert_element_type3A_20 = arith.sitofp %convert_element_type3A : vector<128x128xi32> to vector<128x128xf32>
    %dot_general3A = arith.constant dense<0.000000e+00> : vector<1000x128xf32>
    %dot_general3A_21 = tpu.matmul %mul3A_18, %convert_element_type3A_20, %dot_general3A {dimension_numbers = #tpu.dot_dimension_numbers<[0], [0], [1], [1], [0, 1, 1, 1], [], []>, transpose_lhs_hint = false} : vector<128x1000xf32>, vector<128x128xf32>, vector<1000x128xf32> -> vector<1000x128xf32>
    %swap3A = arith.constant 0 : index
    %swap3A_22 = arith.constant 0 : index
    %swap3A_23 = arith.constant 0 : index
    %swap3A_24 = vector.load %arg3[%swap3A, %swap3A_22, %swap3A_23] : memref<1x1000x128xf32, #tpu.memory_space<vmem>>, vector<1x1000x128xf32>
    %swap3A_25 = vector.shape_cast %swap3A_24 : vector<1x1000x128xf32> to vector<1000x128xf32>
    %swap3A_26 = vector.shape_cast %dot_general3A_21 : vector<1000x128xf32> to vector<1x1000x128xf32>
    tpu.vector_store %arg3[%swap3A, %swap3A_22, %swap3A_23], %swap3A_26 {strides = array<i32>} : memref<1x1000x128xf32, #tpu.memory_space<vmem>>, vector<1x1000x128xf32>,
    return
  }
  func.func @transform_0(%arg0: i32) -> (i32, i32, i32) {
    %c0_i32 = arith.constant 0 : i32
    %c0_i32_0 = arith.constant 0 : i32
    %c0_i32_1 = arith.constant 0 : i32
    return %arg0, %c0_i32, %c0_i32_0 : i32, i32, i32
  }
  func.func @transform_1(%arg0: i32) -> (i32, i32, i32, i32) {
    %c0_i32 = arith.constant 0 : i32
    %c0_i32_0 = arith.constant 0 : i32
    %c0_i32_1 = arith.constant 0 : i32
    %c0_i32_2 = arith.constant 0 : i32
    return %arg0, %c0_i32, %c0_i32_0, %c0_i32_1 : i32, i32, i32, i32
  }
  func.func @transform_2(%arg0: i32) -> (i32, i32, i32) {
    %c0_i32 = arith.constant 0 : i32
    %c0_i32_0 = arith.constant 0 : i32
    %c0_i32_1 = arith.constant 0 : i32
    return %arg0, %c0_i32, %c0_i32_0 : i32, i32, i32
  }
}

module attributes {stable_mosaic.version = 14 : i64} {
  func.func @_tc_output(%arg0: i32, %arg1: memref<2x1x1000x128xf32, #tpu.memory_space<vmem>>, %arg2: memref<1x2x2x1000xf32, #tpu.memory_space<vmem>>, %arg3: memref<128x128xf32, #tpu.memory_space<vmem>>, %arg4: memref<128x1xf32, #tpu.memory_space<vmem>>, %arg5: memref<1x128x1000xf32, #tpu.memory_space<vmem>>) attributes {dimension_semantics = [#tpu.dimension_semantics<arbitrary>], iteration_bounds = array<i64: 10>, scalar_prefetch = 0 : i64, scratch_operands = 0 : i64, tpu.core_type = #tpu.core_type<tc>, window_params = [{transform_indices = @transform_0, window_bounds = array<i64: 2, 1, 1000, 128>}, {transform_indices = @transform_1, window_bounds = array<i64: 1, 2, 2, 1000>}, {pipeline_mode = #tpu.pipeline_mode<synchronous>, transform_indices = @transform_2, window_bounds = array<i64: 128, 128>}, {pipeline_mode = #tpu.pipeline_mode<synchronous>, transform_indices = @transform_3, window_bounds = array<i64: 128, 1>}, {transform_indices = @transform_4, window_bounds = array<i64: 1, 128, 1000>}]} {
    %get3A = arith.constant 0 : index
    %get3A_0 = arith.constant 0 : index
    %get3A_1 = arith.constant 0 : index
    %get3A_2 = arith.constant 0 : index
    %get3A_3 = vector.load %arg1[%get3A, %get3A_0, %get3A_1, %get3A_2] : memref<2x1x1000x128xf32, #tpu.memory_space<vmem>>, vector<1x1x1000x128xf32>
    %get3A_4 = vector.shape_cast %get3A_3 : vector<1x1x1000x128xf32> to vector<1000x128xf32>
    %get3A_5 = arith.constant 1 : index
    %get3A_6 = arith.constant 0 : index
    %get3A_7 = arith.constant 0 : index
    %get3A_8 = arith.constant 0 : index
    %get3A_9 = vector.load %arg1[%get3A_5, %get3A_6, %get3A_7, %get3A_8] : memref<2x1x1000x128xf32, #tpu.memory_space<vmem>>, vector<1x1x1000x128xf32>
    %get3A_10 = vector.shape_cast %get3A_9 : vector<1x1x1000x128xf32> to vector<1000x128xf32>
    %add3A = arith.addf %get3A_4, %get3A_10 : vector<1000x128xf32>
    %get3A_11 = arith.constant 0 : index
    %get3A_12 = arith.constant 0 : index
    %get3A_13 = arith.constant 1 : index
    %get3A_14 = arith.constant 0 : index
    %get3A_15 = vector.load %arg2[%get3A_11, %get3A_12, %get3A_13, %get3A_14] : memref<1x2x2x1000xf32, #tpu.memory_space<vmem>>, vector<1x1x1x1000xf32>
    %get3A_16 = vector.shape_cast %get3A_15 : vector<1x1x1x1000xf32> to vector<1000xf32>
    %get3A_17 = arith.constant 0 : index
    %get3A_18 = arith.constant 1 : index
    %get3A_19 = arith.constant 1 : index
    %get3A_20 = arith.constant 0 : index
    %get3A_21 = vector.load %arg2[%get3A_17, %get3A_18, %get3A_19, %get3A_20] : memref<1x2x2x1000xf32, #tpu.memory_space<vmem>>, vector<1x1x1x1000xf32>
    %get3A_22 = vector.shape_cast %get3A_21 : vector<1x1x1x1000xf32> to vector<1000xf32>
    %add3A_23 = arith.addf %get3A_16, %get3A_22 : vector<1000xf32>
    %max3A = arith.constant 1.000000e+00 : f32
    %max3A_24 = vector.broadcast %max3A : f32 to vector<1000xf32>
    %max3A_25 = arith.maximumf %add3A_23, %max3A_24 : vector<1000xf32>
    %rsqrt3A = math.rsqrt %max3A_25 : vector<1000xf32>
    %get3A_26 = arith.constant 0 : index
    %get3A_27 = arith.constant 0 : index
    %get3A_28 = vector.load %arg3[%get3A_26, %get3A_27] : memref<128x128xf32, #tpu.memory_space<vmem>>, vector<128x128xf32>
    %dot_general3A = arith.constant dense<0.000000e+00> : vector<128x1000xf32>
    %dot_general3A_29 = tpu.matmul %get3A_28, %add3A, %dot_general3A {dimension_numbers = #tpu.dot_dimension_numbers<[0], [1], [1], [0], [0, 1, 1, 0], [], []>, transpose_lhs_hint = false} : vector<128x128xf32>, vector<1000x128xf32>, vector<128x1000xf32> -> vector<128x1000xf32>
    %broadcast_in_dim3A = vector.shape_cast %rsqrt3A : vector<1000xf32> to vector<1x1000xf32>
    %mul3A = vector.broadcast %broadcast_in_dim3A : vector<1x1000xf32> to vector<128x1000xf32>
    %mul3A_30 = arith.mulf %dot_general3A_29, %mul3A : vector<128x1000xf32>
    %get3A_31 = arith.constant 0 : index
    %get3A_32 = arith.constant 0 : index
    %get3A_33 = vector.load %arg4[%get3A_31, %get3A_32] : memref<128x1xf32, #tpu.memory_space<vmem>>, vector<128x1xf32>
    %add3A_34 = vector.broadcast %get3A_33 : vector<128x1xf32> to vector<128x1000xf32>
    %add3A_35 = arith.addf %mul3A_30, %add3A_34 : vector<128x1000xf32>
    %ge3A = arith.constant 0.000000e+00 : f32
    %ge3A_36 = vector.broadcast %ge3A : f32 to vector<128x1000xf32>
    %ge3A_37 = arith.cmpf oge, %add3A_35, %ge3A_36 : vector<128x1000xf32>
    %mul3A_38 = arith.constant 0.00999999977 : f32
    %mul3A_39 = vector.broadcast %mul3A_38 : f32 to vector<128x1000xf32>
    %mul3A_40 = arith.mulf %mul3A_39, %add3A_35 : vector<128x1000xf32>
    %select_n3A = arith.select %ge3A_37, %add3A_35, %mul3A_40 : vector<128x1000xi1>, vector<128x1000xf32>
    %swap3A = arith.constant 0 : index
    %swap3A_41 = arith.constant 0 : index
    %swap3A_42 = arith.constant 0 : index
    %swap3A_43 = vector.load %arg5[%swap3A, %swap3A_41, %swap3A_42] : memref<1x128x1000xf32, #tpu.memory_space<vmem>>, vector<1x128x1000xf32>
    %swap3A_44 = vector.shape_cast %swap3A_43 : vector<1x128x1000xf32> to vector<128x1000xf32>
    %swap3A_45 = vector.shape_cast %select_n3A : vector<128x1000xf32> to vector<1x128x1000xf32>
    tpu.vector_store %arg5[%swap3A, %swap3A_41, %swap3A_42], %swap3A_45 {strides = array<i32>} : memref<1x128x1000xf32, #tpu.memory_space<vmem>>, vector<1x128x1000xf32>,
    return
  }
  func.func @transform_0(%arg0: i32) -> (i32, i32, i32, i32) {
    %c0_i32 = arith.constant 0 : i32
    %c0_i32_0 = arith.constant 0 : i32
    %c0_i32_1 = arith.constant 0 : i32
    %c0_i32_2 = arith.constant 0 : i32
    return %c0_i32, %arg0, %c0_i32_0, %c0_i32_1 : i32, i32, i32, i32
  }
  func.func @transform_1(%arg0: i32) -> (i32, i32, i32, i32) {
    %c0_i32 = arith.constant 0 : i32
    %c0_i32_0 = arith.constant 0 : i32
    %c0_i32_1 = arith.constant 0 : i32
    %c0_i32_2 = arith.constant 0 : i32
    return %arg0, %c0_i32, %c0_i32_0, %c0_i32_1 : i32, i32, i32, i32
  }
  func.func @transform_2(%arg0: i32) -> (i32, i32) {
    %c0_i32 = arith.constant 0 : i32
    %c0_i32_0 = arith.constant 0 : i32
    %c0_i32_1 = arith.constant 0 : i32
    return %c0_i32, %c0_i32_0 : i32, i32
  }
  func.func @transform_3(%arg0: i32) -> (i32, i32) {
    %c0_i32 = arith.constant 0 : i32
    %c0_i32_0 = arith.constant 0 : i32
    %c0_i32_1 = arith.constant 0 : i32
    return %c0_i32, %c0_i32_0 : i32, i32
  }
  func.func @transform_4(%arg0: i32) -> (i32, i32, i32) {
    %c0_i32 = arith.constant 0 : i32
    %c0_i32_0 = arith.constant 0 : i32
    %c0_i32_1 = arith.constant 0 : i32
    return %arg0, %c0_i32, %c0_i32_0 : i32, i32, i32
  }
}

</mosaic_0001>

<sc_bundles>
// kernel: kernel.6.cloned.1.call-start
scs
__scs_entry_jumppad:
0x0: {  	(pc) =	sbr.rel $0x88, $3  }
0x1: {  	(tag) =	ssettag $0x0;
	lr =	simm.s32 $0x1  }
0x2: {  	[smem:$0x3F9D] =	sst lr;
	_ =	strace $0xD0000000  }
0x3: {  	_ = 	snop  }
0x4: {  	_ = 	snop  }
0x5: {  	_ = 	snop  }
0x6: {  	_ = 	snop  }
0x7: {  	_ = 	snop  }
__scs_overlays_trampoline_lowered:
0x8: {  	[smem:$0x3FAC] =	sst s0  }
0x9: {  	[smem:$0x3FAD] =	sst s1  }
0xa: {  	[smem:$0x3FAE] =	sst s2  }
0xb: {  	[smem:$0x3FAF] =	sst s3  }
0xc: {  	[smem:$0x3FB0] =	sst s4  }
0xd: {  	[smem:$0x3FB1] =	sst s5  }
0xe: {  	[smem:$0x3FB2] =	sst s6  }
0xf: {  	[smem:$0x3FB3] =	sst s7  }
0x10: {  	[smem:$0x3FB4] =	sst s8  }
0x11: {  	[smem:$0x3FB5] =	sst s9;
	s0 =	simm.s32 @!p0 $0x0  }
0x12: {  	s1 =	sld [smem:$0x3F9B];
	s0 =	simm.s32 @p0 $0x1  }
0x13: {  	[smem:$0x3FB6] =	sst s0;
	s0 =	simm.s32 @!p1 $0x0  }
0x14: {  	s2 =	sld [smem:$0x3F9A];
	s0 =	simm.s32 @p1 $0x1  }
0x15: {  	[smem:$0x3FB7] =	sst s0;
	s0 =	simm.s32 @!p2 $0x0  }
0x16: {  	s3 =	sld [smem:$0x3FDB];
	s0 =	simm.s32 @p2 $0x1  }
0x17: {  	s4 =	simm.s32 $0x1BF5;
	[smem:$0x3FB9] =	sst s0  }
0x18: {  	s0 =	sld [smem:$0x3F9C];
	_ =	swait.ge [sflag:s4], $0x0  }
0x19: {  	s7 =	sld [smem:$0x3F9D]  }
0x1a: {  	s8 =	sadd.s32 $0xFFFFE003, lr  }
0x1b: {  	s9 =	sadd.s32 $0xFFFFFEF7, lr;
	s5 =	simm.s32 $0xFFFFFFFF;
	p2 =	slt.u32 s8, $0xFFFFF086  }
0x1c: {  	p1 =	slt.u32 s9, $0xF7A;
	s5 =	simm.s32 @!p2 $0x0  }
0x1d: {  	s5 =	simm.s32 @p1 $0x1;
	p0 =	seq.s32 s7, s2  }
0x1e: {  	s7 =	smul.u32 @!p0 $0xF7A, s2;
	p2 =	seq.s32 @!p0 s5, $0x0  }
0x1f: {  	s9 =	smul.u32 $0xF7A, s1;
	s8 =	simm.s32 @!p0 $0x1BF5;
	p2 =	por !p2, p0  }
0x20: {  	[sflag:s8] =	ssyncset.s32 @!p0 $0xFFFFF086;
	s6 =	sadd.s32 @!p0 s3, s7;
	s7 =	simm.s32 @!p0 $0x108  }
0x21: {  	s3 =	sadd.s32 s3, s9;
	s6 =	sadd.s32 @!p0 $0x88, s6;
	s7 =	simm.s32 @p2 $0x1082  }
0x22: {  	[simem:s7], [sflag:s8] =	dma.local @!p0 [hbm:s6], $0xF7A  }
0x23: {  	s9 =	sor.u32 $0xD0000000, s2;
	s6 =	simm.s32 $0x108;
	_ =	swait.ge @!p0 [sflag:s8], $0x0  }
0x24: {  	s3 =	sadd.s32 $0x88, s3;
	s6 =	simm.s32 @!p1 $0x1082;
	[sflag:s4] =	ssyncset.s32 $0xFFFFF086  }
0x25: {  	[simem:s6], [sflag:s4] =	dma.local [hbm:s3], $0xF7A  }
0x26: {  	[smem:$0x3F9D] =	sst s1;
	(tag) =	ssettag s2;
	_ =	strace s9  }
0x27: {  	s1 =	sld [smem:$0x3FAD]  }
0x28: {  	s2 =	sld [smem:$0x3FAE]  }
0x29: {  	s4 =	sld [smem:$0x3FB0]  }
0x2a: {  	p0 =	seq.s32 s5, $0x0;
	s5 =	sld [smem:$0x3FB1]  }
0x2b: {  	s6 =	sld [smem:$0x3FB2]  }
0x2c: {  	s7 =	sld [smem:$0x3FB3]  }
0x2d: {  	s3 =	simm.s32 $0x108;
	s8 =	sld [smem:$0x3FB4]  }
0x2e: {  	s3 =	simm.s32 @!p0 $0x1082;
	s9 =	sld [smem:$0x3FB5]  }
0x2f: {  	lr =	sadd.s32 s0, s3;
	s0 =	sld [smem:$0x3FAC]  }
0x30: {  	s3 =	sld [smem:$0x3FAF]  }
0x31: {  	[smem:$0x3FB8] =	sst s10  }
0x32: {  	s10 =	sld [smem:$0x3FB6];
	_ =	sdelay $0x3  }
0x33: {  	p0 =	seq.s32 s10, $0x1;
	s10 =	sld [smem:$0x3FB8];
	_ =	sdelay $0x3  }
0x34: {  	[smem:$0x3FB8] =	sst s10  }
0x35: {  	s10 =	sld [smem:$0x3FB7];
	_ =	sdelay $0x3  }
0x36: {  	p1 =	seq.s32 s10, $0x1;
	s10 =	sld [smem:$0x3FB8];
	_ =	sdelay $0x3  }
0x37: {  	[smem:$0x3FB8] =	sst s10  }
0x38: {  	s10 =	sld [smem:$0x3FB9]  }
0x39: {  	_ = 	snop;
	(pc) =	sbr.ind lr, $3  }
0x3a: {  	_ = 	snop  }
0x3b: {  	_ = 	snop  }
0x3c: {  	p2 =	seq.s32 s10, $0x1;
	s10 =	sld [smem:$0x3FB8]  }
0x3d: {  	_ =	shalt  }
0x3e: {  	_ =	shalt  }
0x3f: {  	_ =	shalt  }
0x40: {  	_ =	shalt  }
0x41: {  	_ =	shalt  }
0x42: {  	_ =	shalt  }
0x43: {  	_ =	shalt  }
0x44: {  	_ =	shalt  }
0x45: {  	_ =	shalt  }
0x46: {  	_ =	shalt  }
0x47: {  	_ =	shalt  }
0x48: {  	_ =	shalt  }
0x49: {  	_ =	shalt  }
0x4a: {  	_ =	shalt  }
0x4b: {  	_ =	shalt  }
0x4c: {  	_ =	shalt  }
0x4d: {  	_ =	shalt  }
0x4e: {  	_ =	shalt  }
0x4f: {  	_ =	shalt  }
0x50: {  	_ =	shalt  }
0x51: {  	_ =	shalt  }
0x52: {  	_ =	shalt  }
0x53: {  	_ =	shalt  }
0x54: {  	_ =	shalt  }
0x55: {  	_ =	shalt  }
0x56: {  	_ =	shalt  }
0x57: {  	_ =	shalt  }
0x58: {  	_ =	shalt  }
0x59: {  	_ =	shalt  }
0x5a: {  	_ =	shalt  }
0x5b: {  	_ =	shalt  }
0x5c: {  	_ =	shalt  }
0x5d: {  	_ =	shalt  }
0x5e: {  	_ =	shalt  }
0x5f: {  	_ =	shalt  }
0x60: {  	_ =	shalt  }
0x61: {  	_ =	shalt  }
0x62: {  	_ =	shalt  }
0x63: {  	_ =	shalt  }
0x64: {  	_ =	shalt  }
0x65: {  	_ =	shalt  }
0x66: {  	_ =	shalt  }
0x67: {  	_ =	shalt  }
0x68: {  	_ =	shalt  }
0x69: {  	_ =	shalt  }
0x6a: {  	_ =	shalt  }
0x6b: {  	_ =	shalt  }
0x6c: {  	_ =	shalt  }
0x6d: {  	_ =	shalt  }
0x6e: {  	_ =	shalt  }
0x6f: {  	_ =	shalt  }
0x70: {  	_ =	shalt  }
0x71: {  	_ =	shalt  }
0x72: {  	_ =	shalt  }
0x73: {  	_ =	shalt  }
0x74: {  	_ =	shalt  }
0x75: {  	_ =	shalt  }
0x76: {  	_ =	shalt  }
0x77: {  	_ =	shalt  }
0x78: {  	_ =	shalt  }
0x79: {  	_ =	shalt  }
0x7a: {  	_ =	shalt  }
0x7b: {  	_ =	shalt  }
0x7c: {  	_ =	shalt  }
0x7d: {  	_ =	shalt  }
0x7e: {  	_ =	shalt  }
0x7f: {  	_ =	shalt  }
0x80: {  	_ =	shalt  }
0x81: {  	_ =	shalt  }
0x82: {  	_ =	shalt  }
0x83: {  	_ =	shalt  }
0x84: {  	_ =	shalt  }
0x85: {  	_ =	shalt  }
0x86: {  	_ =	shalt  }
0x87: {  	_ =	shalt  }
.Lfunc_end0:
.L_simem_size_0:
called_computation_lowered:
.L_overlay_start_0:
0x88: {  	s2 =	sld [smem:$0x3FD9]  }
0x89: {  	s3 =	sld [smem:$0x3FFE];
	_ =	sdelay $0x1  }
0x8a: {  	s1 =	srdreg.scid  }
0x8b: {  	s0 =	sand.u32 $0x1, s1  }
0x8c: {  	s17 =	sshll.u32 s0, $0xA;
	s2 =	sadd.s32 s3, s2  }
0x8d: {  	s2 =	sadd.s32 s2, s17  }
0x8e: {  	[smem:$0x3FC4] =	sst s2  }
0x8f: {  	_ = 	snop  }
0x90: {  	s2 =	sld [smem:$0x3FD0];
	(tm) =	ssettm $0x1  }
0x91: {  	s18 =	sld [smem:$0x3FFB];
	_ =	sdelay $0x3  }
0x92: {  	_ =	strace s18  }
0x93: {  	s3 =	sld [smem:$0x3FFC];
	_ =	sdelay $0x3  }
0x94: {  	_ =	strace s3  }
0x95: {  	s3 =	sld [smem:$0x3FFD];
	_ =	sdelay $0x3  }
0x96: {  	_ =	strace s3  }
0x97: {  	_ =	strace $0x8FFFFFFF  }
0x98: {  	s19 =	sld [smem:$0x3FDB];
	_ =	sdelay $0x1  }
0x99: {  	s4 =	simm.s32 $_scs_section_size  }
0x9a: {  	s5 =	simm.s32 $_size__tile_overlayer_lowered;
	s6 =	simm.s32 $_tile_overlayer_lowered  }
0x9b: {  	s22 =	simm.s32 $0x1BFF;
	s21 =	sshll.u32 s6, $0x1;
	s3 =	sadd.s32 s4, s19  }
0x9c: {  	s7 =	simm.s32 $0x0;
	s20 =	sshll.u32 s5, $0x1;
	s5 =	sadd.s32 s21, s3  }
0x9d: {  	[timem:s7], [sflag:s22] =	dma.local [hbm:s5], s20  }
0x9e: {  	_ =	swait.ge [sflag:s22], s20  }
0x9f: {  	s4 =	ssub.s32 $0x0, s20;
	[sflag:s22] =	ssyncset.done $0x0  }
0xa0: {  	[sflag:s22] =	ssyncadd.s32 s4;
	_ =	sdelay $0x1  }
0xa1: {  	s23 =	simm.s32 $0x1B8B  }
0xa2: {  	_ =	swait.ge [sflag:s23], $0x1  }
0xa3: {  	[sflag:s23] =	ssyncset.done $0x0  }
0xa4: {  	s25 =	simm.s32 $0x1B8E;
	s24 =	sld [smem:$0x3FFE];
	[sflag:s23] =	ssyncadd.s32 $0xFFFFFFFF  }
0xa5: {  	s26 =	simm.s32 $execute0_lowered;
	[smem:$0x3FD2] =	sst s25  }
0xa6: {  	s5 =	sshll.u32 s26, $0x1;
	_ =	strace $0x80000046;
	[dreg:$0x1] =	wrdreg $0xFFFFFFFF  }
0xa7: {  	s28 =	simm.s32 $_size_execute0_lowered;
	s3 =	sadd.s32 s3, s5;
	[dreg:$0x0] =	wrdreg $0x0  }
0xa8: {  	s5 =	sshll.u32 s28, $0x1;
	[dreg:$0x2] =	wrdreg s3  }
0xa9: {  	[dreg:$0x3] =	wrdreg s5  }
0xaa: {  	[dreg:$0x4] =	wrdreg $0xC0  }
0xab: {  	_ =	task [dreg:s7], $0x5FFFF  }
0xac: {  	[dreg:$0x1] =	wrdreg $0xFFFFFFFF  }
0xad: {  	[dreg:$0x0] =	wrdreg $0x60  }
0xae: {  	[dreg:$0x2] =	wrdreg s2  }
0xaf: {  	[dreg:$0x3] =	wrdreg s24  }
0xb0: {  	[dreg:$0x4] =	wrdreg $0x68000  }
0xb1: {  	[dreg:$0x5] =	wrdreg $0x9  }
0xb2: {  	_ =	task.clear_ibuf [dreg:s7], $0x6FFFF;
	_ =	strace $0x90000046  }
0xb3: {  	s29 =	simm.s32 $0x9;
	_ =	strace $0x80000048  }
0xb4: {  	_ =	swait.ge [sflag:s29], $0x1  }
0xb5: {  	[sflag:s29] =	ssyncadd.s32 $0xFFFFFFFF  }
0xb6: {  	_ =	strace $0x90000048  }
0xb7: {  	_ =	sfence  }
0xb8: {  	s30 =	sld [smem:$0x0];
	_ =	sdelay $0x2  }
0xb9: {  	s31 =	sshll.u32 s1, $0xD;
	s1 =	sshrl.u32 s1, $0x2  }
0xba: {  	s3 =	sand.u32 $0x4000, s31;
	s1 =	sadd.s32 s1, s30  }
0xbb: {  	s0 =	sor.u32 s3, s0;
	s1 =	sshll.u32 s1, $0x11  }
0xbc: {  	s0 =	sor.u32 s1, s0  }
0xbd: {  	s0 =	sadd.s32 $0x8F2B, s0  }
0xbe: {  	[sflag:s0] =	ssyncadd.remote.s32 $0x1  }
0xbf: {  	_ =	sfence.sel $0xFFFF  }
0xc0: {  	[dreg:$0x0] =	wrdreg $0xFFFFFFFF;
	(pc) =	sbr.abs _section_cstart, $3  }
0xc1: {  	[dreg:$0x1] =	wrdreg $0xFFFFFFFF  }
0xc2: {  	_ =	task.clear_ibuf [dreg:s7], $0x2FFFF;
	_ =	strace $0x9FFFFFFF  }
0xc3: {  	(tm) =	ssettm $0x7FFFFFFF  }
tec
execute0_lowered:
.L_overlay_start_1:
0x0: {  	(tag) =	ssettag $0x1  }
0x1: {  	s6 =	rddreg [dreg:$0x0]  }
0x2: {  	s7 =	rddreg [dreg:$0x1]  }
0x3: {  	s2 =	rddreg [dreg:$0x2]  }
0x4: {  	s0 =	srdreg.scid;
	s1 =	rddreg [dreg:$0x3];
	s3 =	simm.s32 $0x0  }
0x5: {  	s15 =	simm.s32 $0x50;
	s8 =	sand.u32 $0x1, s0;
	s0 =	stileid.u32  }
0x6: {  	s16 =	simm.s32 $0x1;
	[smem:$0x7FF] =	sst s3;
	s4 =	smul.u32 $0x280000, s8  }
0x7: {  	s17 =	simm.s32 $0x0;
	s5 =	smul.u32 $0x14000, s0;
	_ =	strace $0x80000047  }
0x8: {  	s31 =	smul.u32 $0x50000, s0;
	s10 =	ssub.s32 $0x2, s8;
	s8 =	sshll.u32 s8, $0xF  }
0x9: {  	s11 =	sshll.u32 s0, $0xB;
	s13 =	sshll.u32 s0, $0x6;
	s12 =	sshrl.u32 s10, $0x1  }
0xa: {  	s8 =	sor.u32 s11, s8;
	s11 =	simm.s32 $0x4000;
	s13 =	sor.u32 $0x1C02, s13  }
0xb: {  	s5 =	sadd.s32 s5, s4;
	s4 =	sadd.s32 $0x3C00, s7;
	s10 =	ssub.s32 s10, s12  }
0xc: {  	s6 =	sadd.s32 s6, s8;
	s12 =	simm.s32 $0x2;
	s9 =	sshrl.u32 s5, $0x3  }
0xd: {  	s5 =	sadd.s32 $0x1400, s7;
	s9 =	sadd.s32 s9, s7;
	s7 =	sshrl.u32 s31, $0x2  }
0xe: {  	s8 =	sadd.s32 $0x10000, s6;
	s10 =	smax.u32 s10, $0x1;
	s14 =	sadd.s32 s7, s2  }
0xf: {  	s7 =	sadd.s32 $0x4200, s9;
	s9 =	sadd.s32 $0x2C200, s9;
	s14 =	sshrl.u32 s14, $0x3  }
.LBB2_1:
0x10: {  	[tilespmem:s11], [sflag:$0x2] =	stream.linear.gather [hbm4b:s4+s3], $0x2800, $0x38;
	[tilespmem:$0x1A800] =	vst v63  }
0x11: {  	_ =	swait.ge [sflag:s12], $0x2800  }
0x12: {  	[sflag:s12] =	ssyncset.done $0x0  }
0x13: {  	[sflag:s12] =	ssyncadd.s32 $0xFFFFD800  }
0x14: {  	[spmem:s14], [sflag:s13] =	dma.local [hbm:s5], $0x2800  }
0x15: {  	_ =	swait.ge [sflag:s12], $0x2800  }
0x16: {  	[sflag:s12] =	ssyncset.done $0x0  }
0x17: {  	[sflag:s12] =	ssyncadd.s32 $0xFFFFD800  }
0x18: {  	[tilespmem:s3], [sflag:$0x2] =	stream.linear.gather [hbm4b:s6+s3], $0x3E80, $0x38;
	[tilespmem:$0x1A800] =	vst v63  }
0x19: {  	_ =	swait.ge [sflag:s12], $0x3E80  }
0x1a: {  	[sflag:s12] =	ssyncset.done $0x0  }
0x1b: {  	[sflag:s12] =	ssyncadd.s32 $0xFFFFC180  }
0x1c: {  	s18 =	simm.s32 $0x0;
	[bflag:$0x0] =	sbarrier.arrive $0xFFFF  }
0x1d: {  	[spmem:s2] =	stream.indirect.scatter.add.f32 [tilespmem:s11], [sflag:$0x1], $0x80, s18, s15, $0xb8;
	[tilespmem:$0x1A800] =	vst v63  }
0x1e: {  	s28 =	simm.s32 $0x80  }
0x1f: {  	[spmem:s2] =	stream.indirect.scatter.add.f32 [tilespmem:s11], [sflag:$0x1], $0x80, s28, s15, $0xb8;
	[tilespmem:$0x1A800] =	vst v63  }
0x20: {  	s29 =	simm.s32 $0x100  }
0x21: {  	[spmem:s2] =	stream.indirect.scatter.add.f32 [tilespmem:s11], [sflag:$0x1], $0x80, s29, s15, $0xb8;
	[tilespmem:$0x1A800] =	vst v63  }
0x22: {  	s30 =	simm.s32 $0x180  }
0x23: {  	[spmem:s2] =	stream.indirect.scatter.add.f32 [tilespmem:s11], [sflag:$0x1], $0x80, s30, s15, $0xb8;
	[tilespmem:$0x1A800] =	vst v63  }
0x24: {  	s31 =	simm.s32 $0x200  }
0x25: {  	[spmem:s2] =	stream.indirect.scatter.add.f32 [tilespmem:s11], [sflag:$0x1], $0x80, s31, s15, $0xb8;
	[tilespmem:$0x1A800] =	vst v63  }
0x26: {  	_ =	swait.ge [sflag:s16], $0x2800  }
0x27: {  	[sflag:s16] =	ssyncset.done $0x0  }
0x28: {  	[sflag:s16] =	ssyncadd.s32 $0xFFFFD800  }
0x29: {  	_ =	swait.ge [sflag:s16], $0x2800  }
0x2a: {  	[sflag:s16] =	ssyncset.done $0x0  }
0x2b: {  	[sflag:s16] =	ssyncadd.s32 $0xFFFFD800  }
0x2c: {  	_ =	swait.ge [sflag:s16], $0x2800  }
0x2d: {  	[sflag:s16] =	ssyncset.done $0x0  }
0x2e: {  	[sflag:s16] =	ssyncadd.s32 $0xFFFFD800  }
0x2f: {  	_ =	swait.ge [sflag:s16], $0x2800  }
0x30: {  	[sflag:s16] =	ssyncset.done $0x0  }
0x31: {  	[sflag:s16] =	ssyncadd.s32 $0xFFFFD800  }
0x32: {  	_ =	swait.ge [sflag:s16], $0x2800  }
0x33: {  	s19 =	simm.s32 $0x1400;
	s18 =	simm.s32 $0xA00;
	[sflag:s16] =	ssyncset.done $0x0  }
.LBB2_2:
0x34: {  	s20 =	sshra.s32 s18, $0x2  }
0x35: {  	[sflag:s16] =	ssyncadd.s32 $0xFFFFD800;
	s18 =	smov.u32 s19;
	s21 =	sadd.s32 $0xA00, s19  }
0x36: {  	[spmem:s2] =	stream.indirect.scatter.add.f32 [tilespmem:s11], [sflag:$0x1], $0x80, s20, s15, $0xb8;
	[tilespmem:$0x1A800] =	vst v63  }
0x37: {  	p0 =	sne.s32 s19, $0xF000;
	s19 =	sadd.s32 $0x80, s20  }
0x38: {  	[spmem:s2] =	stream.indirect.scatter.add.f32 [tilespmem:s11], [sflag:$0x1], $0x80, s19, s15, $0xb8;
	[tilespmem:$0x1A800] =	vst v63  }
0x39: {  	s19 =	sadd.s32 $0x100, s20  }
0x3a: {  	[spmem:s2] =	stream.indirect.scatter.add.f32 [tilespmem:s11], [sflag:$0x1], $0x80, s19, s15, $0xb8;
	[tilespmem:$0x1A800] =	vst v63  }
0x3b: {  	s19 =	sadd.s32 $0x180, s20  }
0x3c: {  	[spmem:s2] =	stream.indirect.scatter.add.f32 [tilespmem:s11], [sflag:$0x1], $0x80, s19, s15, $0xb8;
	[tilespmem:$0x1A800] =	vst v63  }
0x3d: {  	s19 =	sadd.s32 $0x200, s20  }
0x3e: {  	[spmem:s2] =	stream.indirect.scatter.add.f32 [tilespmem:s11], [sflag:$0x1], $0x80, s19, s15, $0xb8;
	[tilespmem:$0x1A800] =	vst v63  }
0x3f: {  	_ =	swait.ge [sflag:s16], $0x2800  }
0x40: {  	[sflag:s16] =	ssyncset.done $0x0  }
0x41: {  	[sflag:s16] =	ssyncadd.s32 $0xFFFFD800  }
0x42: {  	_ =	swait.ge [sflag:s16], $0x2800  }
0x43: {  	[sflag:s16] =	ssyncset.done $0x0  }
0x44: {  	[sflag:s16] =	ssyncadd.s32 $0xFFFFD800  }
0x45: {  	_ =	swait.ge [sflag:s16], $0x2800  }
0x46: {  	[sflag:s16] =	ssyncset.done $0x0  }
0x47: {  	[sflag:s16] =	ssyncadd.s32 $0xFFFFD800  }
.Ltmp0:
0x48: {  	_ =	swait.ge [sflag:s16], $0x2800;
	(pc) =	sbr.rel @p0 .LBB2_2-.Ltmp0, $4  }
0x49: {  	[sflag:s16] =	ssyncset.done $0x0  }
0x4a: {  	[sflag:s16] =	ssyncadd.s32 $0xFFFFD800  }
0x4b: {  	_ =	swait.ge [sflag:s16], $0x2800  }
0x4c: {  	s19 =	smov.u32 s21;
	[sflag:s16] =	ssyncset.done $0x0  }
0x4d: {  	s18 =	sshra.s32 s18, $0x2;
	[sflag:s16] =	ssyncadd.s32 $0xFFFFD800  }
0x4e: {  	[spmem:s2] =	stream.indirect.scatter.add.f32 [tilespmem:s11], [sflag:$0x1], $0x80, s18, s15, $0xb8;
	[tilespmem:$0x1A800] =	vst v63  }
0x4f: {  	s19 =	sadd.s32 $0x80, s18  }
0x50: {  	[spmem:s2] =	stream.indirect.scatter.add.f32 [tilespmem:s11], [sflag:$0x1], $0x80, s19, s15, $0xb8;
	[tilespmem:$0x1A800] =	vst v63  }
0x51: {  	s23 =	sadd.s32 $0x100, s18  }
0x52: {  	[spmem:s2] =	stream.indirect.scatter.add.f32 [tilespmem:s11], [sflag:$0x1], $0x80, s23, s15, $0xb8;
	[tilespmem:$0x1A800] =	vst v63  }
0x53: {  	s24 =	sadd.s32 $0x180, s18  }
0x54: {  	[spmem:s2] =	stream.indirect.scatter.add.f32 [tilespmem:s11], [sflag:$0x1], $0x80, s24, s15, $0xb8;
	[tilespmem:$0x1A800] =	vst v63  }
0x55: {  	s18 =	sadd.s32 $0x200, s18  }
0x56: {  	[spmem:s2] =	stream.indirect.scatter.add.f32 [tilespmem:s11], [sflag:$0x1], $0x80, s18, s15, $0xb8;
	[tilespmem:$0x1A800] =	vst v63  }
0x57: {  	_ =	swait.ge [sflag:s16], $0x2800  }
0x58: {  	[sflag:s16] =	ssyncset.done $0x0  }
0x59: {  	[sflag:s16] =	ssyncadd.s32 $0xFFFFD800  }
0x5a: {  	_ =	swait.ge [sflag:s16], $0x2800  }
0x5b: {  	[sflag:s16] =	ssyncset.done $0x0  }
0x5c: {  	[sflag:s16] =	ssyncadd.s32 $0xFFFFD800  }
0x5d: {  	_ =	swait.ge [sflag:s16], $0x2800  }
0x5e: {  	[sflag:s16] =	ssyncset.done $0x0  }
0x5f: {  	[sflag:s16] =	ssyncadd.s32 $0xFFFFD800  }
0x60: {  	_ =	swait.ge [sflag:s16], $0x2800  }
0x61: {  	[sflag:s16] =	ssyncset.done $0x0  }
0x62: {  	[sflag:s16] =	ssyncadd.s32 $0xFFFFD800  }
0x63: {  	_ =	swait.ge [sflag:s16], $0x2800  }
0x64: {  	[sflag:s16] =	ssyncset.done $0x0  }
0x65: {  	[sflag:s16] =	ssyncadd.s32 $0xFFFFD800  }
0x66: {  	[bflag:$0x0] =	sbarrier.arrive $0xFFFF  }
0x67: {  	[hbm:s7], [sflag:s13] =	dma.local [spmem:s14], $0x2800  }
0x68: {  	_ =	swait.ge [sflag:s12], $0x2800  }
0x69: {  	[sflag:s12] =	ssyncset.done $0x0  }
0x6a: {  	[sflag:s12] =	ssyncadd.s32 $0xFFFFD800  }
0x6b: {  	[spmem:s14], [sflag:s13] =	dma.local [hbm:s5], $0x2800  }
0x6c: {  	_ =	swait.ge [sflag:s12], $0x2800  }
0x6d: {  	[sflag:s12] =	ssyncset.done $0x0  }
0x6e: {  	s25 =	simm.s32 $0x0;
	[sflag:s12] =	ssyncadd.s32 $0xFFFFD800  }
0x6f: {  	[tilespmem:s25], [sflag:$0x2] =	stream.linear.gather [hbm4b:s8+s25], $0x3E80, $0x38;
	[tilespmem:$0x1A800] =	vst v63  }
0x70: {  	_ =	swait.ge [sflag:s12], $0x3E80  }
0x71: {  	[sflag:s12] =	ssyncset.done $0x0  }
0x72: {  	[sflag:s12] =	ssyncadd.s32 $0xFFFFC180  }
0x73: {  	s26 =	simm.s32 $0x0;
	[bflag:$0x0] =	sbarrier.arrive $0xFFFF  }
0x74: {  	[spmem:s2] =	stream.indirect.scatter.add.f32 [tilespmem:s11], [sflag:$0x1], $0x80, s26, s15, $0xb8;
	[tilespmem:$0x1A800] =	vst v63  }
0x75: {  	s28 =	simm.s32 $0x80  }
0x76: {  	[spmem:s2] =	stream.indirect.scatter.add.f32 [tilespmem:s11], [sflag:$0x1], $0x80, s28, s15, $0xb8;
	[tilespmem:$0x1A800] =	vst v63  }
0x77: {  	s29 =	simm.s32 $0x100  }
0x78: {  	[spmem:s2] =	stream.indirect.scatter.add.f32 [tilespmem:s11], [sflag:$0x1], $0x80, s29, s15, $0xb8;
	[tilespmem:$0x1A800] =	vst v63  }
0x79: {  	s30 =	simm.s32 $0x180  }
0x7a: {  	[spmem:s2] =	stream.indirect.scatter.add.f32 [tilespmem:s11], [sflag:$0x1], $0x80, s30, s15, $0xb8;
	[tilespmem:$0x1A800] =	vst v63  }
0x7b: {  	s31 =	simm.s32 $0x200  }
0x7c: {  	[spmem:s2] =	stream.indirect.scatter.add.f32 [tilespmem:s11], [sflag:$0x1], $0x80, s31, s15, $0xb8;
	[tilespmem:$0x1A800] =	vst v63  }
0x7d: {  	_ =	swait.ge [sflag:s16], $0x2800  }
0x7e: {  	[sflag:s16] =	ssyncset.done $0x0  }
0x7f: {  	[sflag:s16] =	ssyncadd.s32 $0xFFFFD800  }
0x80: {  	_ =	swait.ge [sflag:s16], $0x2800  }
0x81: {  	[sflag:s16] =	ssyncset.done $0x0  }
0x82: {  	[sflag:s16] =	ssyncadd.s32 $0xFFFFD800  }
0x83: {  	_ =	swait.ge [sflag:s16], $0x2800  }
0x84: {  	[sflag:s16] =	ssyncset.done $0x0  }
0x85: {  	[sflag:s16] =	ssyncadd.s32 $0xFFFFD800  }
0x86: {  	_ =	swait.ge [sflag:s16], $0x2800  }
0x87: {  	[sflag:s16] =	ssyncset.done $0x0  }
0x88: {  	[sflag:s16] =	ssyncadd.s32 $0xFFFFD800  }
0x89: {  	_ =	swait.ge [sflag:s16], $0x2800  }
0x8a: {  	s19 =	simm.s32 $0x1400;
	s18 =	simm.s32 $0xA00;
	[sflag:s16] =	ssyncset.done $0x0  }
.LBB2_4:
0x8b: {  	s20 =	sshra.s32 s18, $0x2  }
0x8c: {  	[sflag:s16] =	ssyncadd.s32 $0xFFFFD800;
	s18 =	smov.u32 s19;
	s21 =	sadd.s32 $0xA00, s19  }
0x8d: {  	[spmem:s2] =	stream.indirect.scatter.add.f32 [tilespmem:s11], [sflag:$0x1], $0x80, s20, s15, $0xb8;
	[tilespmem:$0x1A800] =	vst v63  }
0x8e: {  	p0 =	sne.s32 s19, $0xF000;
	s19 =	sadd.s32 $0x80, s20  }
0x8f: {  	[spmem:s2] =	stream.indirect.scatter.add.f32 [tilespmem:s11], [sflag:$0x1], $0x80, s19, s15, $0xb8;
	[tilespmem:$0x1A800] =	vst v63  }
0x90: {  	s19 =	sadd.s32 $0x100, s20  }
0x91: {  	[spmem:s2] =	stream.indirect.scatter.add.f32 [tilespmem:s11], [sflag:$0x1], $0x80, s19, s15, $0xb8;
	[tilespmem:$0x1A800] =	vst v63  }
0x92: {  	s19 =	sadd.s32 $0x180, s20  }
0x93: {  	[spmem:s2] =	stream.indirect.scatter.add.f32 [tilespmem:s11], [sflag:$0x1], $0x80, s19, s15, $0xb8;
	[tilespmem:$0x1A800] =	vst v63  }
0x94: {  	s19 =	sadd.s32 $0x200, s20  }
0x95: {  	[spmem:s2] =	stream.indirect.scatter.add.f32 [tilespmem:s11], [sflag:$0x1], $0x80, s19, s15, $0xb8;
	[tilespmem:$0x1A800] =	vst v63  }
0x96: {  	_ =	swait.ge [sflag:s16], $0x2800  }
0x97: {  	[sflag:s16] =	ssyncset.done $0x0  }
0x98: {  	[sflag:s16] =	ssyncadd.s32 $0xFFFFD800  }
0x99: {  	_ =	swait.ge [sflag:s16], $0x2800  }
0x9a: {  	[sflag:s16] =	ssyncset.done $0x0  }
0x9b: {  	[sflag:s16] =	ssyncadd.s32 $0xFFFFD800  }
0x9c: {  	_ =	swait.ge [sflag:s16], $0x2800  }
0x9d: {  	[sflag:s16] =	ssyncset.done $0x0  }
0x9e: {  	[sflag:s16] =	ssyncadd.s32 $0xFFFFD800  }
.Ltmp1:
0x9f: {  	_ =	swait.ge [sflag:s16], $0x2800;
	(pc) =	sbr.rel @p0 .LBB2_4-.Ltmp1, $4  }
0xa0: {  	[sflag:s16] =	ssyncset.done $0x0  }
0xa1: {  	[sflag:s16] =	ssyncadd.s32 $0xFFFFD800  }
0xa2: {  	_ =	swait.ge [sflag:s16], $0x2800  }
0xa3: {  	s19 =	smov.u32 s21;
	[sflag:s16] =	ssyncset.done $0x0  }
0xa4: {  	s18 =	sshra.s32 s18, $0x2;
	[sflag:s16] =	ssyncadd.s32 $0xFFFFD800  }
0xa5: {  	[spmem:s2] =	stream.indirect.scatter.add.f32 [tilespmem:s11], [sflag:$0x1], $0x80, s18, s15, $0xb8;
	[tilespmem:$0x1A800] =	vst v63  }
0xa6: {  	s19 =	sadd.s32 $0x80, s18  }
0xa7: {  	[spmem:s2] =	stream.indirect.scatter.add.f32 [tilespmem:s11], [sflag:$0x1], $0x80, s19, s15, $0xb8;
	[tilespmem:$0x1A800] =	vst v63  }
0xa8: {  	s30 =	sadd.s32 $0x100, s18  }
0xa9: {  	[spmem:s2] =	stream.indirect.scatter.add.f32 [tilespmem:s11], [sflag:$0x1], $0x80, s30, s15, $0xb8;
	[tilespmem:$0x1A800] =	vst v63  }
0xaa: {  	s31 =	sadd.s32 $0x180, s18  }
0xab: {  	[spmem:s2] =	stream.indirect.scatter.add.f32 [tilespmem:s11], [sflag:$0x1], $0x80, s31, s15, $0xb8;
	[tilespmem:$0x1A800] =	vst v63  }
0xac: {  	s18 =	sadd.s32 $0x200, s18  }
0xad: {  	[spmem:s2] =	stream.indirect.scatter.add.f32 [tilespmem:s11], [sflag:$0x1], $0x80, s18, s15, $0xb8;
	[tilespmem:$0x1A800] =	vst v63  }
0xae: {  	_ =	swait.ge [sflag:s16], $0x2800  }
0xaf: {  	[sflag:s16] =	ssyncset.done $0x0  }
0xb0: {  	[sflag:s16] =	ssyncadd.s32 $0xFFFFD800  }
0xb1: {  	_ =	swait.ge [sflag:s16], $0x2800  }
0xb2: {  	[sflag:s16] =	ssyncset.done $0x0  }
0xb3: {  	[sflag:s16] =	ssyncadd.s32 $0xFFFFD800  }
0xb4: {  	_ =	swait.ge [sflag:s16], $0x2800  }
0xb5: {  	[sflag:s16] =	ssyncset.done $0x0  }
0xb6: {  	[sflag:s16] =	ssyncadd.s32 $0xFFFFD800  }
0xb7: {  	_ =	swait.ge [sflag:s16], $0x2800  }
0xb8: {  	[sflag:s16] =	ssyncset.done $0x0  }
0xb9: {  	[sflag:s16] =	ssyncadd.s32 $0xFFFFD800  }
0xba: {  	_ =	swait.ge [sflag:s16], $0x2800  }
0xbb: {  	s17 =	sadd.s32 $0x1, s17;
	[sflag:s16] =	ssyncset.done $0x0  }
0xbc: {  	p0 =	sne.s32 s17, s10;
	[sflag:s16] =	ssyncadd.s32 $0xFFFFD800  }
.Ltmp2:
0xbd: {  	[bflag:$0x0] =	sbarrier.arrive $0xFFFF;
	(pc) =	sbr.rel @p0 .LBB2_1-.Ltmp2, $4  }
0xbe: {  	[hbm:s9], [sflag:s13] =	dma.local [spmem:s14], $0x2800  }
0xbf: {  	_ =	swait.ge [sflag:s12], $0x2800  }
0xc0: {  	[sflag:s12] =	ssyncset.done $0x0  }
0xc1: {  	[sflag:s12] =	ssyncadd.s32 $0xFFFFD800  }
0xc2: {  	_ =	sfence.sel $0x180000  }
0xc3: {  	[bflag:$0x0] =	sbarrier.arrive $0xFFFF  }
0xc4: {  	p0 =	sne.s32 s0, $0x0;
	_ =	strace $0x90000047  }
0xc5: {  	s0 =	sadd.s32 @!p0 $0x100000, s1;
	[bflag:$0x2] =	sbarrier.arrive $0xFFFF  }
0xc6: {  	[sflag:s0] =	ssyncadd.tile.s32 @!p0 $0x1;
	_ =	shalt  }
.Lfunc_end2:
_tile_overlayer_lowered:
.L_overlay_start_2:
0xc7: {  	(tag) =	ssettag $0x2  }
0xc8: {  	s0 =	rddreg [dreg:$0x0];
	s2 =	stileid.u32  }
0xc9: {  	s1 =	rddreg [dreg:$0x1];
	p0 =	sne.s32 s2, $0x0  }
0xca: {  	s3 =	rddreg [dreg:$0x2];
	[bflag:$0x3] =	sbarrier.arrive $0xFFFF;
	s2 =	simm.s32 @!p0 $0x1C02  }
0xcb: {  	[timem:s3], [sflag:s2] =	dma.local @!p0 [hbm:s0], s1  }
0xcc: {  	s0 =	simm.s32 @!p0 $0x2  }
0xcd: {  	_ =	swait.ge @!p0 [sflag:s0], s1  }
0xce: {  	s1 =	ssub.s32 @!p0 $0x0, s1;
	[sflag:s0] =	ssyncset.done @!p0 $0x0  }
0xcf: {  	[sflag:s0] =	ssyncadd.s32 @!p0 s1  }
0xd0: {  	[bflag:$0x3] =	sbarrier.arrive $0xFFFF  }
0xd1: {  	_ =	shalt  }

// kernel: kernel.9.cloned.1.call-start
scs
__scs_entry_jumppad:
0x0: {  	(pc) =	sbr.rel $0x88, $3  }
0x1: {  	(tag) =	ssettag $0x0;
	lr =	simm.s32 $0x1  }
0x2: {  	[smem:$0x3F9D] =	sst lr;
	_ =	strace $0xD0000000  }
0x3: {  	_ = 	snop  }
0x4: {  	_ = 	snop  }
0x5: {  	_ = 	snop  }
0x6: {  	_ = 	snop  }
0x7: {  	_ = 	snop  }
__scs_overlays_trampoline_lowered:
0x8: {  	[smem:$0x3FAC] =	sst s0  }
0x9: {  	[smem:$0x3FAD] =	sst s1  }
0xa: {  	[smem:$0x3FAE] =	sst s2  }
0xb: {  	[smem:$0x3FAF] =	sst s3  }
0xc: {  	[smem:$0x3FB0] =	sst s4  }
0xd: {  	[smem:$0x3FB1] =	sst s5  }
0xe: {  	[smem:$0x3FB2] =	sst s6  }
0xf: {  	[smem:$0x3FB3] =	sst s7  }
0x10: {  	[smem:$0x3FB4] =	sst s8  }
0x11: {  	[smem:$0x3FB5] =	sst s9;
	s0 =	simm.s32 @!p0 $0x0  }
0x12: {  	s1 =	sld [smem:$0x3F9B];
	s0 =	simm.s32 @p0 $0x1  }
0x13: {  	[smem:$0x3FB6] =	sst s0;
	s0 =	simm.s32 @!p1 $0x0  }
0x14: {  	s2 =	sld [smem:$0x3F9A];
	s0 =	simm.s32 @p1 $0x1  }
0x15: {  	[smem:$0x3FB7] =	sst s0;
	s0 =	simm.s32 @!p2 $0x0  }
0x16: {  	s3 =	sld [smem:$0x3FDB];
	s0 =	simm.s32 @p2 $0x1  }
0x17: {  	s4 =	simm.s32 $0x1BF5;
	[smem:$0x3FB9] =	sst s0  }
0x18: {  	s0 =	sld [smem:$0x3F9C];
	_ =	swait.ge [sflag:s4], $0x0  }
0x19: {  	s7 =	sld [smem:$0x3F9D]  }
0x1a: {  	s8 =	sadd.s32 $0xFFFFE003, lr  }
0x1b: {  	s9 =	sadd.s32 $0xFFFFFEF7, lr;
	s5 =	simm.s32 $0xFFFFFFFF;
	p2 =	slt.u32 s8, $0xFFFFF086  }
0x1c: {  	p1 =	slt.u32 s9, $0xF7A;
	s5 =	simm.s32 @!p2 $0x0  }
0x1d: {  	s5 =	simm.s32 @p1 $0x1;
	p0 =	seq.s32 s7, s2  }
0x1e: {  	s7 =	smul.u32 @!p0 $0xF7A, s2;
	p2 =	seq.s32 @!p0 s5, $0x0  }
0x1f: {  	s9 =	smul.u32 $0xF7A, s1;
	s8 =	simm.s32 @!p0 $0x1BF5;
	p2 =	por !p2, p0  }
0x20: {  	[sflag:s8] =	ssyncset.s32 @!p0 $0xFFFFF086;
	s6 =	sadd.s32 @!p0 s3, s7;
	s7 =	simm.s32 @!p0 $0x108  }
0x21: {  	s3 =	sadd.s32 s3, s9;
	s6 =	sadd.s32 @!p0 $0x88, s6;
	s7 =	simm.s32 @p2 $0x1082  }
0x22: {  	[simem:s7], [sflag:s8] =	dma.local @!p0 [hbm:s6], $0xF7A  }
0x23: {  	s9 =	sor.u32 $0xD0000000, s2;
	s6 =	simm.s32 $0x108;
	_ =	swait.ge @!p0 [sflag:s8], $0x0  }
0x24: {  	s3 =	sadd.s32 $0x88, s3;
	s6 =	simm.s32 @!p1 $0x1082;
	[sflag:s4] =	ssyncset.s32 $0xFFFFF086  }
0x25: {  	[simem:s6], [sflag:s4] =	dma.local [hbm:s3], $0xF7A  }
0x26: {  	[smem:$0x3F9D] =	sst s1;
	(tag) =	ssettag s2;
	_ =	strace s9  }
0x27: {  	s1 =	sld [smem:$0x3FAD]  }
0x28: {  	s2 =	sld [smem:$0x3FAE]  }
0x29: {  	s4 =	sld [smem:$0x3FB0]  }
0x2a: {  	p0 =	seq.s32 s5, $0x0;
	s5 =	sld [smem:$0x3FB1]  }
0x2b: {  	s6 =	sld [smem:$0x3FB2]  }
0x2c: {  	s7 =	sld [smem:$0x3FB3]  }
0x2d: {  	s3 =	simm.s32 $0x108;
	s8 =	sld [smem:$0x3FB4]  }
0x2e: {  	s3 =	simm.s32 @!p0 $0x1082;
	s9 =	sld [smem:$0x3FB5]  }
0x2f: {  	lr =	sadd.s32 s0, s3;
	s0 =	sld [smem:$0x3FAC]  }
0x30: {  	s3 =	sld [smem:$0x3FAF]  }
0x31: {  	[smem:$0x3FB8] =	sst s10  }
0x32: {  	s10 =	sld [smem:$0x3FB6];
	_ =	sdelay $0x3  }
0x33: {  	p0 =	seq.s32 s10, $0x1;
	s10 =	sld [smem:$0x3FB8];
	_ =	sdelay $0x3  }
0x34: {  	[smem:$0x3FB8] =	sst s10  }
0x35: {  	s10 =	sld [smem:$0x3FB7];
	_ =	sdelay $0x3  }
0x36: {  	p1 =	seq.s32 s10, $0x1;
	s10 =	sld [smem:$0x3FB8];
	_ =	sdelay $0x3  }
0x37: {  	[smem:$0x3FB8] =	sst s10  }
0x38: {  	s10 =	sld [smem:$0x3FB9]  }
0x39: {  	_ = 	snop;
	(pc) =	sbr.ind lr, $3  }
0x3a: {  	_ = 	snop  }
0x3b: {  	_ = 	snop  }
0x3c: {  	p2 =	seq.s32 s10, $0x1;
	s10 =	sld [smem:$0x3FB8]  }
0x3d: {  	_ =	shalt  }
0x3e: {  	_ =	shalt  }
0x3f: {  	_ =	shalt  }
0x40: {  	_ =	shalt  }
0x41: {  	_ =	shalt  }
0x42: {  	_ =	shalt  }
0x43: {  	_ =	shalt  }
0x44: {  	_ =	shalt  }
0x45: {  	_ =	shalt  }
0x46: {  	_ =	shalt  }
0x47: {  	_ =	shalt  }
0x48: {  	_ =	shalt  }
0x49: {  	_ =	shalt  }
0x4a: {  	_ =	shalt  }
0x4b: {  	_ =	shalt  }
0x4c: {  	_ =	shalt  }
0x4d: {  	_ =	shalt  }
0x4e: {  	_ =	shalt  }
0x4f: {  	_ =	shalt  }
0x50: {  	_ =	shalt  }
0x51: {  	_ =	shalt  }
0x52: {  	_ =	shalt  }
0x53: {  	_ =	shalt  }
0x54: {  	_ =	shalt  }
0x55: {  	_ =	shalt  }
0x56: {  	_ =	shalt  }
0x57: {  	_ =	shalt  }
0x58: {  	_ =	shalt  }
0x59: {  	_ =	shalt  }
0x5a: {  	_ =	shalt  }
0x5b: {  	_ =	shalt  }
0x5c: {  	_ =	shalt  }
0x5d: {  	_ =	shalt  }
0x5e: {  	_ =	shalt  }
0x5f: {  	_ =	shalt  }
0x60: {  	_ =	shalt  }
0x61: {  	_ =	shalt  }
0x62: {  	_ =	shalt  }
0x63: {  	_ =	shalt  }
0x64: {  	_ =	shalt  }
0x65: {  	_ =	shalt  }
0x66: {  	_ =	shalt  }
0x67: {  	_ =	shalt  }
0x68: {  	_ =	shalt  }
0x69: {  	_ =	shalt  }
0x6a: {  	_ =	shalt  }
0x6b: {  	_ =	shalt  }
0x6c: {  	_ =	shalt  }
0x6d: {  	_ =	shalt  }
0x6e: {  	_ =	shalt  }
0x6f: {  	_ =	shalt  }
0x70: {  	_ =	shalt  }
0x71: {  	_ =	shalt  }
0x72: {  	_ =	shalt  }
0x73: {  	_ =	shalt  }
0x74: {  	_ =	shalt  }
0x75: {  	_ =	shalt  }
0x76: {  	_ =	shalt  }
0x77: {  	_ =	shalt  }
0x78: {  	_ =	shalt  }
0x79: {  	_ =	shalt  }
0x7a: {  	_ =	shalt  }
0x7b: {  	_ =	shalt  }
0x7c: {  	_ =	shalt  }
0x7d: {  	_ =	shalt  }
0x7e: {  	_ =	shalt  }
0x7f: {  	_ =	shalt  }
0x80: {  	_ =	shalt  }
0x81: {  	_ =	shalt  }
0x82: {  	_ =	shalt  }
0x83: {  	_ =	shalt  }
0x84: {  	_ =	shalt  }
0x85: {  	_ =	shalt  }
0x86: {  	_ =	shalt  }
0x87: {  	_ =	shalt  }
.Lfunc_end0:
.L_simem_size_0:
called_computation.1_lowered:
.L_overlay_start_0:
0x88: {  	s2 =	sld [smem:$0x3FD9]  }
0x89: {  	s3 =	sld [smem:$0x3FFE];
	_ =	sdelay $0x1  }
0x8a: {  	s1 =	srdreg.scid  }
0x8b: {  	s0 =	sand.u32 $0x1, s1  }
0x8c: {  	s17 =	sshll.u32 s0, $0xA;
	s2 =	sadd.s32 s3, s2  }
0x8d: {  	s2 =	sadd.s32 s2, s17  }
0x8e: {  	[smem:$0x3FC4] =	sst s2  }
0x8f: {  	_ = 	snop  }
0x90: {  	s2 =	sld [smem:$0x3FD0];
	(tm) =	ssettm $0x1  }
0x91: {  	s18 =	sld [smem:$0x3FFB];
	_ =	sdelay $0x3  }
0x92: {  	_ =	strace s18  }
0x93: {  	s3 =	sld [smem:$0x3FFC];
	_ =	sdelay $0x3  }
0x94: {  	_ =	strace s3  }
0x95: {  	s3 =	sld [smem:$0x3FFD];
	_ =	sdelay $0x3  }
0x96: {  	_ =	strace s3  }
0x97: {  	_ =	strace $0x8FFFFFFF  }
0x98: {  	s19 =	sld [smem:$0x3FDB];
	_ =	sdelay $0x1  }
0x99: {  	s4 =	simm.s32 $_scs_section_size  }
0x9a: {  	s5 =	simm.s32 $_size__tile_overlayer_lowered;
	s6 =	simm.s32 $_tile_overlayer_lowered  }
0x9b: {  	s22 =	simm.s32 $0x1BFF;
	s21 =	sshll.u32 s6, $0x1;
	s3 =	sadd.s32 s4, s19  }
0x9c: {  	s7 =	simm.s32 $0x0;
	s20 =	sshll.u32 s5, $0x1;
	s5 =	sadd.s32 s21, s3  }
0x9d: {  	[timem:s7], [sflag:s22] =	dma.local [hbm:s5], s20  }
0x9e: {  	_ =	swait.ge [sflag:s22], s20  }
0x9f: {  	s4 =	ssub.s32 $0x0, s20;
	[sflag:s22] =	ssyncset.done $0x0  }
0xa0: {  	[sflag:s22] =	ssyncadd.s32 s4;
	_ =	sdelay $0x1  }
0xa1: {  	s23 =	simm.s32 $0x1B8B  }
0xa2: {  	_ =	swait.ge [sflag:s23], $0x1  }
0xa3: {  	[sflag:s23] =	ssyncset.done $0x0  }
0xa4: {  	s25 =	simm.s32 $0x1B8E;
	s24 =	sld [smem:$0x3FFE];
	[sflag:s23] =	ssyncadd.s32 $0xFFFFFFFF  }
0xa5: {  	s26 =	simm.s32 $execute0_lowered;
	[smem:$0x3FD2] =	sst s25  }
0xa6: {  	s5 =	sshll.u32 s26, $0x1;
	_ =	strace $0x80000049;
	[dreg:$0x1] =	wrdreg $0xFFFFFFFF  }
0xa7: {  	s28 =	simm.s32 $_size_execute0_lowered;
	s3 =	sadd.s32 s3, s5;
	[dreg:$0x0] =	wrdreg $0x0  }
0xa8: {  	s5 =	sshll.u32 s28, $0x1;
	[dreg:$0x2] =	wrdreg s3  }
0xa9: {  	[dreg:$0x3] =	wrdreg s5  }
0xaa: {  	[dreg:$0x4] =	wrdreg $0xC0  }
0xab: {  	_ =	task [dreg:s7], $0x5FFFF  }
0xac: {  	[dreg:$0x1] =	wrdreg $0xFFFFFFFF  }
0xad: {  	[dreg:$0x0] =	wrdreg $0x60  }
0xae: {  	[dreg:$0x2] =	wrdreg s2  }
0xaf: {  	[dreg:$0x3] =	wrdreg s24  }
0xb0: {  	[dreg:$0x4] =	wrdreg $0xA8000  }
0xb1: {  	[dreg:$0x5] =	wrdreg $0x9  }
0xb2: {  	_ =	task.clear_ibuf [dreg:s7], $0x6FFFF;
	_ =	strace $0x90000049  }
0xb3: {  	s29 =	simm.s32 $0x9;
	_ =	strace $0x8000004B  }
0xb4: {  	_ =	swait.ge [sflag:s29], $0x1  }
0xb5: {  	[sflag:s29] =	ssyncadd.s32 $0xFFFFFFFF  }
0xb6: {  	_ =	strace $0x9000004B  }
0xb7: {  	_ =	sfence  }
0xb8: {  	s30 =	sld [smem:$0x0];
	_ =	sdelay $0x2  }
0xb9: {  	s31 =	sshll.u32 s1, $0xD;
	s1 =	sshrl.u32 s1, $0x2  }
0xba: {  	s3 =	sand.u32 $0x4000, s31;
	s1 =	sadd.s32 s1, s30  }
0xbb: {  	s0 =	sor.u32 s3, s0;
	s1 =	sshll.u32 s1, $0x11  }
0xbc: {  	s0 =	sor.u32 s1, s0  }
0xbd: {  	s0 =	sadd.s32 $0x8F2B, s0  }
0xbe: {  	[sflag:s0] =	ssyncadd.remote.s32 $0x1  }
0xbf: {  	_ =	sfence.sel $0xFFFF  }
0xc0: {  	[dreg:$0x0] =	wrdreg $0xFFFFFFFF;
	(pc) =	sbr.abs _section_cstart, $3  }
0xc1: {  	[dreg:$0x1] =	wrdreg $0xFFFFFFFF  }
0xc2: {  	_ =	task.clear_ibuf [dreg:s7], $0x2FFFF;
	_ =	strace $0x9FFFFFFF  }
0xc3: {  	(tm) =	ssettm $0x7FFFFFFF  }
tec
execute0_lowered:
.L_overlay_start_1:
0x0: {  	(tag) =	ssettag $0x1  }
0x1: {  	s0 =	srdreg.scid;
	s1 =	rddreg [dreg:$0x0]  }
0x2: {  	s2 =	rddreg [dreg:$0x1];
	s9 =	stileid.u32;
	s0 =	sand.u32 $0x1, s0  }
0x3: {  	s3 =	rddreg [dreg:$0x2];
	s15 =	simm.s32 $0x0;
	s4 =	sshll.u32 s0, $0x4  }
0x4: {  	[smem:$0x7FF] =	sst s15;
	s23 =	smul.u32 $0x4E200, s9;
	s5 =	sor.u32 s9, s4  }
0x5: {  	s7 =	sadd.s32 $0x1400, s2;
	s29 =	sshll.u32 s9, $0x6;
	s5 =	smul.u32 $0x5000, s5  }
0x6: {  	_ =	strace $0x8000004A;
	[dreg:$0x4] =	wrdreg s7;
	s26 =	sshrl.u32 s23, $0x2  }
0x7: {  	s30 =	sor.u32 $0x1C05, s29;
	s7 =	sadd.s32 s26, s3;
	s5 =	sshrl.u32 s5, $0x3  }
0x8: {  	[dreg:$0x10] =	wrdreg s30;
	s31 =	sshrl.u32 s7, $0x3;
	s5 =	sadd.s32 s5, s2  }
0x9: {  	[dreg:$0x11] =	wrdreg s31;
	s16 =	sadd.s32 $0xA4200, s5  }
0xa: {  	s11 =	simm.s32 $0x50;
	s17 =	sadd.s32 $0xB8200, s5;
	[dreg:$0x5] =	wrdreg s16  }
0xb: {  	s12 =	simm.s32 $0x3000;
	s18 =	sadd.s32 $0xA4400, s5;
	[dreg:$0x6] =	wrdreg s17  }
0xc: {  	s14 =	simm.s32 $0x5800;
	s19 =	sadd.s32 $0xA4600, s5;
	[dreg:$0x7] =	wrdreg s18  }
0xd: {  	s8 =	smul.u32 $0x13C00, s9;
	s20 =	sadd.s32 $0xB8400, s5;
	[dreg:$0x8] =	wrdreg s19  }
0xe: {  	s6 =	smul.u32 $0x13C000, s0;
	s22 =	sadd.s32 $0xA4800, s5;
	[dreg:$0x9] =	wrdreg s20  }
0xf: {  	s0 =	ssub.s32 $0x2, s0;
	s24 =	sadd.s32 $0xB8600, s5;
	[dreg:$0xa] =	wrdreg s22  }
0x10: {  	s6 =	sadd.s32 s8, s6;
	s25 =	sadd.s32 $0xA4A00, s5;
	[dreg:$0xb] =	wrdreg s24  }
0x11: {  	s6 =	sshrl.u32 s6, $0x3;
	s28 =	sadd.s32 $0xB8800, s5;
	[dreg:$0xc] =	wrdreg s25  }
0x12: {  	s2 =	sadd.s32 s6, s2;
	s5 =	sadd.s32 $0xB8A00, s5;
	[dreg:$0xd] =	wrdreg s28  }
0x13: {  	s21 =	sshrl.u32 s0, $0x1;
	s2 =	sadd.s32 $0x3C00, s2;
	[dreg:$0xe] =	wrdreg s5  }
0x14: {  	s0 =	ssub.s32 s0, s21;
	s8 =	simm.s32 $0x5;
	[dreg:$0xf] =	wrdreg s2  }
0x15: {  	s2 =	smax.u32 s0, $0x1;
	s16 =	simm.s32 $0x8000;
	s17 =	simm.s32 $0x1  }
0x16: {  	s19 =	simm.s32 $0x2;
	s22 =	simm.s32 $0x3;
	s25 =	simm.s32 $0x0  }
.LBB2_1:
0x17: {  	[dreg:$0x12] =	wrdreg s2  }
0x18: {  	s18 =	rddreg [dreg:$0x4]  }
0x19: {  	s0 =	rddreg [dreg:$0x10]  }
0x1a: {  	s15 =	rddreg [dreg:$0x11]  }
0x1b: {  	[spmem:s15], [sflag:s0] =	dma.local [hbm:s18], $0x2710  }
0x1c: {  	_ =	swait.ge [sflag:s8], $0x2710  }
0x1d: {  	[sflag:s8] =	ssyncset.done $0x0  }
0x1e: {  	[sflag:s8] =	ssyncadd.s32 $0xFFFFD8F0  }
0x1f: {  	[bflag:$0x0] =	sbarrier.arrive $0xFFFF  }
0x20: {  	s20 =	rddreg [dreg:$0x5]  }
0x21: {  	[tilespmem:s25], [sflag:$0x5] =	stream.linear.gather [hbm4b:s20+s25], $0xC80, $0x38;
	[tilespmem:$0x1E080] =	vst v63  }
0x22: {  	_ =	swait.ge [sflag:s8], $0xC80  }
0x23: {  	[sflag:s8] =	ssyncset.done $0x0  }
0x24: {  	s2 =	simm.s32 $0x2000;
	s21 =	rddreg [dreg:$0x6];
	[sflag:s8] =	ssyncadd.s32 $0xFFFFF380  }
0x25: {  	[tilespmem:s2], [sflag:$0x5] =	stream.linear.gather [hbm4b:s21+s25], $0xC80, $0x38;
	[tilespmem:$0x1E080] =	vst v63  }
0x26: {  	_ =	swait.ge [sflag:s8], $0xC80  }
0x27: {  	[sflag:s8] =	ssyncset.done $0x0  }
0x28: {  	s24 =	simm.s32 $0x1000;
	s23 =	rddreg [dreg:$0x7];
	[sflag:s8] =	ssyncadd.s32 $0xFFFFF380  }
0x29: {  	[tilespmem:s24], [sflag:$0x4] =	stream.linear.gather [hbm4b:s23+s25], $0xC80, $0x38;
	[tilespmem:$0x1E080] =	vst v63  }
0x2a: {  	_ = 	snop  }
0x2b: {  	[tilespmem:s12], [sflag:$0x1] =	stream.indirect.gather [hbm4b:s1+s11], $0x80, s25, s11, $0xb8;
	[tilespmem:$0x1E080] =	vst v63  }
0x2c: {  	s26 =	simm.s32 $0x80  }
0x2d: {  	[tilespmem:s14], [sflag:$0x2] =	stream.indirect.gather [hbm4b:s1+s11], $0x80, s26, s11, $0xb8;
	[tilespmem:$0x1E080] =	vst v63  }
0x2e: {  	s28 =	simm.s32 $0x100  }
0x2f: {  	[tilespmem:s16], [sflag:$0x3] =	stream.indirect.gather [hbm4b:s1+s11], $0x80, s28, s11, $0xb8;
	[tilespmem:$0x1E080] =	vst v63  }
0x30: {  	_ =	swait.ge [sflag:s17], $0x2800  }
0x31: {  	[sflag:s17] =	ssyncset.done $0x0  }
0x32: {  	[sflag:s17] =	ssyncadd.s32 $0xFFFFD800  }
0x33: {  	[spmem:s3] =	stream.indirect.scatter.add.f32 [tilespmem:s12], [sflag:$0x5], $0x80, s2, s11, $0xb8;
	[tilespmem:$0x1E080] =	vst v63  }
0x34: {  	_ =	swait.ge [sflag:s8], $0x2800  }
0x35: {  	[sflag:s8] =	ssyncset.done $0x0  }
0x36: {  	s29 =	simm.s32 $0x180;
	[sflag:s8] =	ssyncadd.s32 $0xFFFFD800  }
0x37: {  	[tilespmem:s12], [sflag:$0x1] =	stream.indirect.gather [hbm4b:s1+s11], $0x80, s29, s11, $0xb8;
	[tilespmem:$0x1E080] =	vst v63  }
0x38: {  	_ =	swait.ge [sflag:s19], $0x2800  }
0x39: {  	[sflag:s19] =	ssyncset.done $0x0  }
0x3a: {  	s30 =	simm.s32 $0x2080;
	[sflag:s19] =	ssyncadd.s32 $0xFFFFD800  }
0x3b: {  	[spmem:s3] =	stream.indirect.scatter.add.f32 [tilespmem:s14], [sflag:$0x5], $0x80, s30, s11, $0xb8;
	[tilespmem:$0x1E080] =	vst v63  }
0x3c: {  	_ =	swait.ge [sflag:s8], $0x2800  }
0x3d: {  	[sflag:s8] =	ssyncset.done $0x0  }
0x3e: {  	s31 =	simm.s32 $0x200;
	[sflag:s8] =	ssyncadd.s32 $0xFFFFD800  }
0x3f: {  	[tilespmem:s14], [sflag:$0x2] =	stream.indirect.gather [hbm4b:s1+s11], $0x80, s31, s11, $0xb8;
	[tilespmem:$0x1E080] =	vst v63  }
0x40: {  	_ =	swait.ge [sflag:s22], $0x2800  }
0x41: {  	[sflag:s22] =	ssyncset.done $0x0  }
0x42: {  	s5 =	simm.s32 $0x2100;
	[sflag:s22] =	ssyncadd.s32 $0xFFFFD800  }
0x43: {  	[spmem:s3] =	stream.indirect.scatter.add.f32 [tilespmem:s16], [sflag:$0x5], $0x80, s5, s11, $0xb8;
	[tilespmem:$0x1E080] =	vst v63  }
0x44: {  	_ =	swait.ge [sflag:s8], $0x2800  }
0x45: {  	[sflag:s8] =	ssyncset.done $0x0  }
0x46: {  	s6 =	simm.s32 $0x280;
	[sflag:s8] =	ssyncadd.s32 $0xFFFFD800  }
0x47: {  	[tilespmem:s16], [sflag:$0x3] =	stream.indirect.gather [hbm4b:s1+s11], $0x80, s6, s11, $0xb8;
	[tilespmem:$0x1E080] =	vst v63  }
0x48: {  	_ =	swait.ge [sflag:s17], $0x2800  }
0x49: {  	[sflag:s17] =	ssyncset.done $0x0  }
0x4a: {  	s7 =	simm.s32 $0x2180;
	[sflag:s17] =	ssyncadd.s32 $0xFFFFD800  }
0x4b: {  	[spmem:s3] =	stream.indirect.scatter.add.f32 [tilespmem:s12], [sflag:$0x5], $0x80, s7, s11, $0xb8;
	[tilespmem:$0x1E080] =	vst v63  }
0x4c: {  	_ =	swait.ge [sflag:s8], $0x2800  }
0x4d: {  	[sflag:s8] =	ssyncset.done $0x0  }
0x4e: {  	s9 =	simm.s32 $0x300;
	[sflag:s8] =	ssyncadd.s32 $0xFFFFD800  }
0x4f: {  	[tilespmem:s12], [sflag:$0x1] =	stream.indirect.gather [hbm4b:s1+s11], $0x80, s9, s11, $0xb8;
	[tilespmem:$0x1E080] =	vst v63  }
0x50: {  	_ =	swait.ge [sflag:s19], $0x2800  }
0x51: {  	[sflag:s19] =	ssyncset.done $0x0  }
0x52: {  	s10 =	simm.s32 $0x2200;
	[sflag:s19] =	ssyncadd.s32 $0xFFFFD800  }
0x53: {  	[spmem:s3] =	stream.indirect.scatter.add.f32 [tilespmem:s14], [sflag:$0x5], $0x80, s10, s11, $0xb8;
	[tilespmem:$0x1E080] =	vst v63  }
0x54: {  	_ =	swait.ge [sflag:s8], $0x2800  }
0x55: {  	[sflag:s8] =	ssyncset.done $0x0  }
0x56: {  	s13 =	simm.s32 $0x380;
	[sflag:s8] =	ssyncadd.s32 $0xFFFFD800  }
0x57: {  	[tilespmem:s14], [sflag:$0x2] =	stream.indirect.gather [hbm4b:s1+s11], $0x80, s13, s11, $0xb8;
	[tilespmem:$0x1E080] =	vst v63  }
0x58: {  	_ =	swait.ge [sflag:s22], $0x2800  }
0x59: {  	[sflag:s22] =	ssyncset.done $0x0  }
0x5a: {  	s15 =	simm.s32 $0x2280;
	[sflag:s22] =	ssyncadd.s32 $0xFFFFD800  }
0x5b: {  	[spmem:s3] =	stream.indirect.scatter.add.f32 [tilespmem:s16], [sflag:$0x5], $0x80, s15, s11, $0xb8;
	[tilespmem:$0x1E080] =	vst v63  }
0x5c: {  	_ =	swait.ge [sflag:s8], $0x2800  }
0x5d: {  	[sflag:s8] =	ssyncset.done $0x0  }
0x5e: {  	s18 =	simm.s32 $0x400;
	[sflag:s8] =	ssyncadd.s32 $0xFFFFD800  }
0x5f: {  	[tilespmem:s16], [sflag:$0x3] =	stream.indirect.gather [hbm4b:s1+s11], $0x80, s18, s11, $0xb8;
	[tilespmem:$0x1E080] =	vst v63  }
0x60: {  	_ =	swait.ge [sflag:s17], $0x2800  }
0x61: {  	[sflag:s17] =	ssyncset.done $0x0  }
0x62: {  	s21 =	simm.s32 $0x2300;
	[sflag:s17] =	ssyncadd.s32 $0xFFFFD800  }
0x63: {  	[spmem:s3] =	stream.indirect.scatter.add.f32 [tilespmem:s12], [sflag:$0x5], $0x80, s21, s11, $0xb8;
	[tilespmem:$0x1E080] =	vst v63  }
0x64: {  	_ =	swait.ge [sflag:s8], $0x2800  }
0x65: {  	[sflag:s8] =	ssyncset.done $0x0  }
0x66: {  	s23 =	simm.s32 $0x480;
	[sflag:s8] =	ssyncadd.s32 $0xFFFFD800  }
0x67: {  	[tilespmem:s12], [sflag:$0x1] =	stream.indirect.gather [hbm4b:s1+s11], $0x80, s23, s11, $0xb8;
	[tilespmem:$0x1E080] =	vst v63  }
0x68: {  	_ =	swait.ge [sflag:s19], $0x2800  }
0x69: {  	[sflag:s19] =	ssyncset.done $0x0  }
0x6a: {  	s24 =	simm.s32 $0x2380;
	[sflag:s19] =	ssyncadd.s32 $0xFFFFD800  }
0x6b: {  	[spmem:s3] =	stream.indirect.scatter.add.f32 [tilespmem:s14], [sflag:$0x5], $0x80, s24, s11, $0xb8;
	[tilespmem:$0x1E080] =	vst v63  }
0x6c: {  	_ =	swait.ge [sflag:s8], $0x2800  }
0x6d: {  	[sflag:s8] =	ssyncset.done $0x0  }
0x6e: {  	s26 =	simm.s32 $0x500;
	[sflag:s8] =	ssyncadd.s32 $0xFFFFD800  }
0x6f: {  	[tilespmem:s14], [sflag:$0x2] =	stream.indirect.gather [hbm4b:s1+s11], $0x80, s26, s11, $0xb8;
	[tilespmem:$0x1E080] =	vst v63  }
0x70: {  	_ =	swait.ge [sflag:s22], $0x2800  }
0x71: {  	[sflag:s22] =	ssyncset.done $0x0  }
0x72: {  	s28 =	simm.s32 $0x2400;
	[sflag:s22] =	ssyncadd.s32 $0xFFFFD800  }
0x73: {  	[spmem:s3] =	stream.indirect.scatter.add.f32 [tilespmem:s16], [sflag:$0x5], $0x80, s28, s11, $0xb8;
	[tilespmem:$0x1E080] =	vst v63  }
0x74: {  	_ =	swait.ge [sflag:s8], $0x2800  }
0x75: {  	[sflag:s8] =	ssyncset.done $0x0  }
0x76: {  	s29 =	simm.s32 $0x580;
	[sflag:s8] =	ssyncadd.s32 $0xFFFFD800  }
0x77: {  	[tilespmem:s16], [sflag:$0x3] =	stream.indirect.gather [hbm4b:s1+s11], $0x80, s29, s11, $0xb8;
	[tilespmem:$0x1E080] =	vst v63  }
0x78: {  	_ =	swait.ge [sflag:s17], $0x2800  }
0x79: {  	[sflag:s17] =	ssyncset.done $0x0  }
0x7a: {  	s30 =	simm.s32 $0x2480;
	[sflag:s17] =	ssyncadd.s32 $0xFFFFD800  }
0x7b: {  	[spmem:s3] =	stream.indirect.scatter.add.f32 [tilespmem:s12], [sflag:$0x5], $0x80, s30, s11, $0xb8;
	[tilespmem:$0x1E080] =	vst v63  }
0x7c: {  	_ =	swait.ge [sflag:s8], $0x2800  }
0x7d: {  	[sflag:s8] =	ssyncset.done $0x0  }
0x7e: {  	s31 =	simm.s32 $0x600;
	[sflag:s8] =	ssyncadd.s32 $0xFFFFD800  }
0x7f: {  	[tilespmem:s12], [sflag:$0x1] =	stream.indirect.gather [hbm4b:s1+s11], $0x80, s31, s11, $0xb8;
	[tilespmem:$0x1E080] =	vst v63  }
0x80: {  	_ =	swait.ge [sflag:s19], $0x2800  }
0x81: {  	[sflag:s19] =	ssyncset.done $0x0  }
0x82: {  	s5 =	simm.s32 $0x2500;
	[sflag:s19] =	ssyncadd.s32 $0xFFFFD800  }
0x83: {  	[spmem:s3] =	stream.indirect.scatter.add.f32 [tilespmem:s14], [sflag:$0x5], $0x80, s5, s11, $0xb8;
	[tilespmem:$0x1E080] =	vst v63  }
0x84: {  	_ =	swait.ge [sflag:s8], $0x2800  }
0x85: {  	[sflag:s8] =	ssyncset.done $0x0  }
0x86: {  	s6 =	simm.s32 $0x680;
	[sflag:s8] =	ssyncadd.s32 $0xFFFFD800  }
0x87: {  	[tilespmem:s14], [sflag:$0x2] =	stream.indirect.gather [hbm4b:s1+s11], $0x80, s6, s11, $0xb8;
	[tilespmem:$0x1E080] =	vst v63  }
0x88: {  	_ =	swait.ge [sflag:s22], $0x2800  }
0x89: {  	[sflag:s22] =	ssyncset.done $0x0  }
0x8a: {  	s7 =	simm.s32 $0x2580;
	[sflag:s22] =	ssyncadd.s32 $0xFFFFD800  }
0x8b: {  	[spmem:s3] =	stream.indirect.scatter.add.f32 [tilespmem:s16], [sflag:$0x5], $0x80, s7, s11, $0xb8;
	[tilespmem:$0x1E080] =	vst v63  }
0x8c: {  	_ =	swait.ge [sflag:s8], $0x2800  }
0x8d: {  	[sflag:s8] =	ssyncset.done $0x0  }
0x8e: {  	s9 =	simm.s32 $0x700;
	[sflag:s8] =	ssyncadd.s32 $0xFFFFD800  }
0x8f: {  	[tilespmem:s16], [sflag:$0x3] =	stream.indirect.gather [hbm4b:s1+s11], $0x80, s9, s11, $0xb8;
	[tilespmem:$0x1E080] =	vst v63  }
0x90: {  	_ =	swait.ge [sflag:s17], $0x2800  }
0x91: {  	[sflag:s17] =	ssyncset.done $0x0  }
0x92: {  	s18 =	simm.s32 $0x2600;
	[sflag:s17] =	ssyncadd.s32 $0xFFFFD800  }
0x93: {  	[spmem:s3] =	stream.indirect.scatter.add.f32 [tilespmem:s12], [sflag:$0x5], $0x80, s18, s11, $0xb8;
	[tilespmem:$0x1E080] =	vst v63  }
0x94: {  	_ =	swait.ge [sflag:s8], $0x2800  }
0x95: {  	[sflag:s8] =	ssyncset.done $0x0  }
0x96: {  	s23 =	simm.s32 $0x780;
	[sflag:s8] =	ssyncadd.s32 $0xFFFFD800  }
0x97: {  	[tilespmem:s12], [sflag:$0x1] =	stream.indirect.gather [hbm4b:s1+s11], $0x80, s23, s11, $0xb8;
	[tilespmem:$0x1E080] =	vst v63  }
0x98: {  	_ =	swait.ge [sflag:s19], $0x2800  }
0x99: {  	[sflag:s19] =	ssyncset.done $0x0  }
0x9a: {  	s24 =	simm.s32 $0x2680;
	[sflag:s19] =	ssyncadd.s32 $0xFFFFD800  }
0x9b: {  	[spmem:s3] =	stream.indirect.scatter.add.f32 [tilespmem:s14], [sflag:$0x5], $0x80, s24, s11, $0xb8;
	[tilespmem:$0x1E080] =	vst v63  }
0x9c: {  	_ =	swait.ge [sflag:s8], $0x2800  }
0x9d: {  	[sflag:s8] =	ssyncset.done $0x0  }
0x9e: {  	s26 =	simm.s32 $0x800;
	[sflag:s8] =	ssyncadd.s32 $0xFFFFD800  }
0x9f: {  	[tilespmem:s14], [sflag:$0x2] =	stream.indirect.gather [hbm4b:s1+s11], $0x80, s26, s11, $0xb8;
	[tilespmem:$0x1E080] =	vst v63  }
0xa0: {  	_ =	swait.ge [sflag:s22], $0x2800  }
0xa1: {  	[sflag:s22] =	ssyncset.done $0x0  }
0xa2: {  	s28 =	simm.s32 $0x2700;
	[sflag:s22] =	ssyncadd.s32 $0xFFFFD800  }
0xa3: {  	[spmem:s3] =	stream.indirect.scatter.add.f32 [tilespmem:s16], [sflag:$0x5], $0x80, s28, s11, $0xb8;
	[tilespmem:$0x1E080] =	vst v63  }
0xa4: {  	_ =	swait.ge [sflag:s8], $0x2800  }
0xa5: {  	[sflag:s8] =	ssyncset.done $0x0  }
0xa6: {  	s29 =	simm.s32 $0x880;
	[sflag:s8] =	ssyncadd.s32 $0xFFFFD800  }
0xa7: {  	[tilespmem:s16], [sflag:$0x3] =	stream.indirect.gather [hbm4b:s1+s11], $0x80, s29, s11, $0xb8;
	[tilespmem:$0x1E080] =	vst v63  }
0xa8: {  	_ =	swait.ge [sflag:s17], $0x2800  }
0xa9: {  	[sflag:s17] =	ssyncset.done $0x0  }
0xaa: {  	s5 =	simm.s32 $0x2780;
	[sflag:s17] =	ssyncadd.s32 $0xFFFFD800  }
0xab: {  	[spmem:s3] =	stream.indirect.scatter.add.f32 [tilespmem:s12], [sflag:$0x5], $0x80, s5, s11, $0xb8;
	[tilespmem:$0x1E080] =	vst v63  }
0xac: {  	_ =	swait.ge [sflag:s8], $0x2800  }
0xad: {  	[sflag:s8] =	ssyncset.done $0x0  }
0xae: {  	s6 =	simm.s32 $0x900;
	[sflag:s8] =	ssyncadd.s32 $0xFFFFD800  }
0xaf: {  	[tilespmem:s12], [sflag:$0x1] =	stream.indirect.gather [hbm4b:s1+s11], $0x80, s6, s11, $0xb8;
	[tilespmem:$0x1E080] =	vst v63  }
0xb0: {  	_ =	swait.ge [sflag:s19], $0x2800  }
0xb1: {  	[sflag:s19] =	ssyncset.done $0x0  }
0xb2: {  	s7 =	simm.s32 $0x2800;
	[sflag:s19] =	ssyncadd.s32 $0xFFFFD800  }
0xb3: {  	[spmem:s3] =	stream.indirect.scatter.add.f32 [tilespmem:s14], [sflag:$0x5], $0x80, s7, s11, $0xb8;
	[tilespmem:$0x1E080] =	vst v63  }
0xb4: {  	_ =	swait.ge [sflag:s8], $0x2800  }
0xb5: {  	[sflag:s8] =	ssyncset.done $0x0  }
0xb6: {  	s9 =	simm.s32 $0x980;
	[sflag:s8] =	ssyncadd.s32 $0xFFFFD800  }
0xb7: {  	[tilespmem:s14], [sflag:$0x2] =	stream.indirect.gather [hbm4b:s1+s11], $0x80, s9, s11, $0xb8;
	[tilespmem:$0x1E080] =	vst v63  }
0xb8: {  	_ =	swait.ge [sflag:s22], $0x2800  }
0xb9: {  	[sflag:s22] =	ssyncset.done $0x0  }
0xba: {  	s18 =	simm.s32 $0x2880;
	[sflag:s22] =	ssyncadd.s32 $0xFFFFD800  }
0xbb: {  	[spmem:s3] =	stream.indirect.scatter.add.f32 [tilespmem:s16], [sflag:$0x5], $0x80, s18, s11, $0xb8;
	[tilespmem:$0x1E080] =	vst v63  }
0xbc: {  	_ =	swait.ge [sflag:s8], $0x2800  }
0xbd: {  	[sflag:s8] =	ssyncset.done $0x0  }
0xbe: {  	s23 =	simm.s32 $0xA00;
	[sflag:s8] =	ssyncadd.s32 $0xFFFFD800  }
0xbf: {  	[tilespmem:s16], [sflag:$0x3] =	stream.indirect.gather [hbm4b:s1+s11], $0x80, s23, s11, $0xb8;
	[tilespmem:$0x1E080] =	vst v63  }
0xc0: {  	_ =	swait.ge [sflag:s17], $0x2800  }
0xc1: {  	[sflag:s17] =	ssyncset.done $0x0  }
0xc2: {  	s24 =	simm.s32 $0x2900;
	[sflag:s17] =	ssyncadd.s32 $0xFFFFD800  }
0xc3: {  	[spmem:s3] =	stream.indirect.scatter.add.f32 [tilespmem:s12], [sflag:$0x5], $0x80, s24, s11, $0xb8;
	[tilespmem:$0x1E080] =	vst v63  }
0xc4: {  	_ =	swait.ge [sflag:s8], $0x2800  }
0xc5: {  	[sflag:s8] =	ssyncset.done $0x0  }
0xc6: {  	s26 =	simm.s32 $0xA80;
	[sflag:s8] =	ssyncadd.s32 $0xFFFFD800  }
0xc7: {  	[tilespmem:s12], [sflag:$0x1] =	stream.indirect.gather [hbm4b:s1+s11], $0x80, s26, s11, $0xb8;
	[tilespmem:$0x1E080] =	vst v63  }
0xc8: {  	_ =	swait.ge [sflag:s19], $0x2800  }
0xc9: {  	[sflag:s19] =	ssyncset.done $0x0  }
0xca: {  	s28 =	simm.s32 $0x2980;
	[sflag:s19] =	ssyncadd.s32 $0xFFFFD800  }
0xcb: {  	[spmem:s3] =	stream.indirect.scatter.add.f32 [tilespmem:s14], [sflag:$0x5], $0x80, s28, s11, $0xb8;
	[tilespmem:$0x1E080] =	vst v63  }
0xcc: {  	_ =	swait.ge [sflag:s8], $0x2800  }
0xcd: {  	[sflag:s8] =	ssyncset.done $0x0  }
0xce: {  	s6 =	simm.s32 $0xB00;
	[sflag:s8] =	ssyncadd.s32 $0xFFFFD800  }
0xcf: {  	[tilespmem:s14], [sflag:$0x2] =	stream.indirect.gather [hbm4b:s1+s11], $0x80, s6, s11, $0xb8;
	[tilespmem:$0x1E080] =	vst v63  }
0xd0: {  	_ =	swait.ge [sflag:s22], $0x2800  }
0xd1: {  	[sflag:s22] =	ssyncset.done $0x0  }
0xd2: {  	s7 =	simm.s32 $0x2A00;
	[sflag:s22] =	ssyncadd.s32 $0xFFFFD800  }
0xd3: {  	[spmem:s3] =	stream.indirect.scatter.add.f32 [tilespmem:s16], [sflag:$0x5], $0x80, s7, s11, $0xb8;
	[tilespmem:$0x1E080] =	vst v63  }
0xd4: {  	_ =	swait.ge [sflag:s8], $0x2800  }
0xd5: {  	[sflag:s8] =	ssyncset.done $0x0  }
0xd6: {  	s18 =	simm.s32 $0xB80;
	s6 =	simm.s32 $0x4;
	[sflag:s8] =	ssyncadd.s32 $0xFFFFD800  }
0xd7: {  	[tilespmem:s16], [sflag:$0x3] =	stream.indirect.gather [hbm4b:s1+s11], $0x80, s18, s11, $0xb8;
	[tilespmem:$0x1E080] =	vst v63  }
0xd8: {  	_ =	swait.ge [sflag:s6], $0xC80  }
0xd9: {  	[sflag:s6] =	ssyncset.done $0x0  }
0xda: {  	[sflag:s6] =	ssyncadd.s32 $0xFFFFF380  }
0xdb: {  	_ =	swait.ge [sflag:s17], $0x2800  }
0xdc: {  	[sflag:s17] =	ssyncset.done $0x0  }
0xdd: {  	s24 =	simm.s32 $0x2A80;
	[sflag:s17] =	ssyncadd.s32 $0xFFFFD800  }
0xde: {  	[spmem:s3] =	stream.indirect.scatter.add.f32 [tilespmem:s12], [sflag:$0x5], $0x80, s24, s11, $0xb8;
	[tilespmem:$0x1E080] =	vst v63  }
0xdf: {  	_ =	swait.ge [sflag:s8], $0x2800  }
0xe0: {  	[sflag:s8] =	ssyncset.done $0x0  }
0xe1: {  	s7 =	simm.s32 $0xC00;
	[sflag:s8] =	ssyncadd.s32 $0xFFFFD800  }
0xe2: {  	[tilespmem:s12], [sflag:$0x1] =	stream.indirect.gather [hbm4b:s1+s11], $0x80, s7, s11, $0xb8;
	[tilespmem:$0x1E080] =	vst v63  }
0xe3: {  	_ =	swait.ge [sflag:s19], $0x2800  }
0xe4: {  	[sflag:s19] =	ssyncset.done $0x0  }
0xe5: {  	s18 =	simm.s32 $0x2B00;
	[sflag:s19] =	ssyncadd.s32 $0xFFFFD800  }
0xe6: {  	[spmem:s3] =	stream.indirect.scatter.add.f32 [tilespmem:s14], [sflag:$0x5], $0x80, s18, s11, $0xb8;
	[tilespmem:$0x1E080] =	vst v63  }
0xe7: {  	_ =	swait.ge [sflag:s8], $0x2800  }
0xe8: {  	[sflag:s8] =	ssyncset.done $0x0  }
0xe9: {  	s4 =	simm.s32 $0x1000;
	[sflag:s8] =	ssyncadd.s32 $0xFFFFD800  }
0xea: {  	[tilespmem:s14], [sflag:$0x2] =	stream.indirect.gather [hbm4b:s1+s11], $0x80, s4, s11, $0xb8;
	[tilespmem:$0x1E080] =	vst v63  }
0xeb: {  	_ =	swait.ge [sflag:s22], $0x2800  }
0xec: {  	[sflag:s22] =	ssyncset.done $0x0  }
0xed: {  	s24 =	simm.s32 $0x2B80;
	[sflag:s22] =	ssyncadd.s32 $0xFFFFD800  }
0xee: {  	[spmem:s3] =	stream.indirect.scatter.add.f32 [tilespmem:s16], [sflag:$0x5], $0x80, s24, s11, $0xb8;
	[tilespmem:$0x1E080] =	vst v63  }
0xef: {  	_ =	swait.ge [sflag:s8], $0x2800  }
0xf0: {  	[sflag:s8] =	ssyncset.done $0x0  }
0xf1: {  	s4 =	simm.s32 $0x1080;
	[sflag:s8] =	ssyncadd.s32 $0xFFFFD800  }
0xf2: {  	[tilespmem:s16], [sflag:$0x3] =	stream.indirect.gather [hbm4b:s1+s11], $0x80, s4, s11, $0xb8;
	[tilespmem:$0x1E080] =	vst v63  }
0xf3: {  	_ =	swait.ge [sflag:s17], $0x2800  }
0xf4: {  	[sflag:s17] =	ssyncset.done $0x0  }
0xf5: {  	s18 =	simm.s32 $0x2C00;
	[sflag:s17] =	ssyncadd.s32 $0xFFFFD800  }
0xf6: {  	[spmem:s3] =	stream.indirect.scatter.add.f32 [tilespmem:s12], [sflag:$0x5], $0x80, s18, s11, $0xb8;
	[tilespmem:$0x1E080] =	vst v63  }
0xf7: {  	_ =	swait.ge [sflag:s8], $0x2800  }
0xf8: {  	[sflag:s8] =	ssyncset.done $0x0  }
0xf9: {  	s24 =	simm.s32 $0x1100;
	[sflag:s8] =	ssyncadd.s32 $0xFFFFD800  }
0xfa: {  	[tilespmem:s12], [sflag:$0x1] =	stream.indirect.gather [hbm4b:s1+s11], $0x80, s24, s11, $0xb8;
	[tilespmem:$0x1E080] =	vst v63  }
0xfb: {  	s18 =	rddreg [dreg:$0x8]  }
0xfc: {  	[tilespmem:s25], [sflag:$0x4] =	stream.linear.gather [hbm4b:s18+s25], $0xC80, $0x38;
	[tilespmem:$0x1E080] =	vst v63  }
0xfd: {  	s24 =	rddreg [dreg:$0x9]  }
0xfe: {  	[tilespmem:s2], [sflag:$0x5] =	stream.linear.gather [hbm4b:s24+s25], $0xC80, $0x38;
	[tilespmem:$0x1E080] =	vst v63  }
0xff: {  	_ =	swait.ge [sflag:s8], $0xC80  }
0x100: {  	[sflag:s8] =	ssyncset.done $0x0  }
0x101: {  	[sflag:s8] =	ssyncadd.s32 $0xFFFFF380  }
0x102: {  	_ =	swait.ge [sflag:s19], $0x2800  }
0x103: {  	[sflag:s19] =	ssyncset.done $0x0  }
0x104: {  	[sflag:s19] =	ssyncadd.s32 $0xFFFFD800  }
0x105: {  	[spmem:s3] =	stream.indirect.scatter.add.f32 [tilespmem:s14], [sflag:$0x5], $0x80, s2, s11, $0xb8;
	[tilespmem:$0x1E080] =	vst v63  }
0x106: {  	_ =	swait.ge [sflag:s8], $0x2800  }
0x107: {  	[sflag:s8] =	ssyncset.done $0x0  }
0x108: {  	s18 =	simm.s32 $0x1180;
	[sflag:s8] =	ssyncadd.s32 $0xFFFFD800  }
0x109: {  	[tilespmem:s14], [sflag:$0x2] =	stream.indirect.gather [hbm4b:s1+s11], $0x80, s18, s11, $0xb8;
	[tilespmem:$0x1E080] =	vst v63  }
0x10a: {  	_ =	swait.ge [sflag:s22], $0x2800  }
0x10b: {  	[sflag:s22] =	ssyncset.done $0x0  }
0x10c: {  	s24 =	simm.s32 $0x2080;
	[sflag:s22] =	ssyncadd.s32 $0xFFFFD800  }
0x10d: {  	[spmem:s3] =	stream.indirect.scatter.add.f32 [tilespmem:s16], [sflag:$0x5], $0x80, s24, s11, $0xb8;
	[tilespmem:$0x1E080] =	vst v63  }
0x10e: {  	_ =	swait.ge [sflag:s8], $0x2800  }
0x10f: {  	[sflag:s8] =	ssyncset.done $0x0  }
0x110: {  	s18 =	simm.s32 $0x1200;
	[sflag:s8] =	ssyncadd.s32 $0xFFFFD800  }
0x111: {  	[tilespmem:s16], [sflag:$0x3] =	stream.indirect.gather [hbm4b:s1+s11], $0x80, s18, s11, $0xb8;
	[tilespmem:$0x1E080] =	vst v63  }
0x112: {  	_ =	swait.ge [sflag:s17], $0x2800  }
0x113: {  	[sflag:s17] =	ssyncset.done $0x0  }
0x114: {  	s0 =	simm.s32 $0x2100;
	[sflag:s17] =	ssyncadd.s32 $0xFFFFD800  }
0x115: {  	[spmem:s3] =	stream.indirect.scatter.add.f32 [tilespmem:s12], [sflag:$0x5], $0x80, s0, s11, $0xb8;
	[tilespmem:$0x1E080] =	vst v63  }
0x116: {  	_ =	swait.ge [sflag:s8], $0x2800  }
0x117: {  	[sflag:s8] =	ssyncset.done $0x0  }
0x118: {  	s24 =	simm.s32 $0x1280;
	[sflag:s8] =	ssyncadd.s32 $0xFFFFD800  }
0x119: {  	[tilespmem:s12], [sflag:$0x1] =	stream.indirect.gather [hbm4b:s1+s11], $0x80, s24, s11, $0xb8;
	[tilespmem:$0x1E080] =	vst v63  }
0x11a: {  	_ =	swait.ge [sflag:s19], $0x2800  }
0x11b: {  	[sflag:s19] =	ssyncset.done $0x0  }
0x11c: {  	s20 =	simm.s32 $0x2180;
	[sflag:s19] =	ssyncadd.s32 $0xFFFFD800  }
0x11d: {  	[spmem:s3] =	stream.indirect.scatter.add.f32 [tilespmem:s14], [sflag:$0x5], $0x80, s20, s11, $0xb8;
	[tilespmem:$0x1E080] =	vst v63  }
0x11e: {  	_ =	swait.ge [sflag:s8], $0x2800  }
0x11f: {  	[sflag:s8] =	ssyncset.done $0x0  }
0x120: {  	s24 =	simm.s32 $0x1300;
	[sflag:s8] =	ssyncadd.s32 $0xFFFFD800  }
0x121: {  	[tilespmem:s14], [sflag:$0x2] =	stream.indirect.gather [hbm4b:s1+s11], $0x80, s24, s11, $0xb8;
	[tilespmem:$0x1E080] =	vst v63  }
0x122: {  	_ =	swait.ge [sflag:s22], $0x2800  }
0x123: {  	[sflag:s22] =	ssyncset.done $0x0  }
0x124: {  	s20 =	simm.s32 $0x2200;
	[sflag:s22] =	ssyncadd.s32 $0xFFFFD800  }
0x125: {  	[spmem:s3] =	stream.indirect.scatter.add.f32 [tilespmem:s16], [sflag:$0x5], $0x80, s20, s11, $0xb8;
	[tilespmem:$0x1E080] =	vst v63  }
0x126: {  	_ =	swait.ge [sflag:s8], $0x2800  }
0x127: {  	[sflag:s8] =	ssyncset.done $0x0  }
0x128: {  	s24 =	simm.s32 $0x1380;
	[sflag:s8] =	ssyncadd.s32 $0xFFFFD800  }
0x129: {  	[tilespmem:s16], [sflag:$0x3] =	stream.indirect.gather [hbm4b:s1+s11], $0x80, s24, s11, $0xb8;
	[tilespmem:$0x1E080] =	vst v63  }
0x12a: {  	_ =	swait.ge [sflag:s17], $0x2800  }
0x12b: {  	[sflag:s17] =	ssyncset.done $0x0  }
0x12c: {  	s10 =	simm.s32 $0x2280;
	[sflag:s17] =	ssyncadd.s32 $0xFFFFD800  }
0x12d: {  	[spmem:s3] =	stream.indirect.scatter.add.f32 [tilespmem:s12], [sflag:$0x5], $0x80, s10, s11, $0xb8;
	[tilespmem:$0x1E080] =	vst v63  }
0x12e: {  	_ =	swait.ge [sflag:s8], $0x2800  }
0x12f: {  	[sflag:s8] =	ssyncset.done $0x0  }
0x130: {  	s18 =	simm.s32 $0x1400;
	[sflag:s8] =	ssyncadd.s32 $0xFFFFD800  }
0x131: {  	[tilespmem:s12], [sflag:$0x1] =	stream.indirect.gather [hbm4b:s1+s11], $0x80, s18, s11, $0xb8;
	[tilespmem:$0x1E080] =	vst v63  }
0x132: {  	_ =	swait.ge [sflag:s19], $0x2800  }
0x133: {  	[sflag:s19] =	ssyncset.done $0x0  }
0x134: {  	s24 =	simm.s32 $0x2300;
	[sflag:s19] =	ssyncadd.s32 $0xFFFFD800  }
0x135: {  	[spmem:s3] =	stream.indirect.scatter.add.f32 [tilespmem:s14], [sflag:$0x5], $0x80, s24, s11, $0xb8;
	[tilespmem:$0x1E080] =	vst v63  }
0x136: {  	_ =	swait.ge [sflag:s8], $0x2800  }
0x137: {  	[sflag:s8] =	ssyncset.done $0x0  }
0x138: {  	s18 =	simm.s32 $0x1480;
	[sflag:s8] =	ssyncadd.s32 $0xFFFFD800  }
0x139: {  	[tilespmem:s14], [sflag:$0x2] =	stream.indirect.gather [hbm4b:s1+s11], $0x80, s18, s11, $0xb8;
	[tilespmem:$0x1E080] =	vst v63  }
0x13a: {  	_ =	swait.ge [sflag:s22], $0x2800  }
0x13b: {  	[sflag:s22] =	ssyncset.done $0x0  }
0x13c: {  	s24 =	simm.s32 $0x2380;
	[sflag:s22] =	ssyncadd.s32 $0xFFFFD800  }
0x13d: {  	[spmem:s3] =	stream.indirect.scatter.add.f32 [tilespmem:s16], [sflag:$0x5], $0x80, s24, s11, $0xb8;
	[tilespmem:$0x1E080] =	vst v63  }
0x13e: {  	_ =	swait.ge [sflag:s8], $0x2800  }
0x13f: {  	[sflag:s8] =	ssyncset.done $0x0  }
0x140: {  	s18 =	simm.s32 $0x1500;
	[sflag:s8] =	ssyncadd.s32 $0xFFFFD800  }
0x141: {  	[tilespmem:s16], [sflag:$0x3] =	stream.indirect.gather [hbm4b:s1+s11], $0x80, s18, s11, $0xb8;
	[tilespmem:$0x1E080] =	vst v63  }
0x142: {  	_ =	swait.ge [sflag:s17], $0x2800  }
0x143: {  	[sflag:s17] =	ssyncset.done $0x0  }
0x144: {  	s10 =	simm.s32 $0x2400;
	[sflag:s17] =	ssyncadd.s32 $0xFFFFD800  }
0x145: {  	[spmem:s3] =	stream.indirect.scatter.add.f32 [tilespmem:s12], [sflag:$0x5], $0x80, s10, s11, $0xb8;
	[tilespmem:$0x1E080] =	vst v63  }
0x146: {  	_ =	swait.ge [sflag:s8], $0x2800  }
0x147: {  	[sflag:s8] =	ssyncset.done $0x0  }
0x148: {  	s24 =	simm.s32 $0x1580;
	[sflag:s8] =	ssyncadd.s32 $0xFFFFD800  }
0x149: {  	[tilespmem:s12], [sflag:$0x1] =	stream.indirect.gather [hbm4b:s1+s11], $0x80, s24, s11, $0xb8;
	[tilespmem:$0x1E080] =	vst v63  }
0x14a: {  	_ =	swait.ge [sflag:s19], $0x2800  }
0x14b: {  	[sflag:s19] =	ssyncset.done $0x0  }
0x14c: {  	s13 =	simm.s32 $0x2480;
	[sflag:s19] =	ssyncadd.s32 $0xFFFFD800  }
0x14d: {  	[spmem:s3] =	stream.indirect.scatter.add.f32 [tilespmem:s14], [sflag:$0x5], $0x80, s13, s11, $0xb8;
	[tilespmem:$0x1E080] =	vst v63  }
0x14e: {  	_ =	swait.ge [sflag:s8], $0x2800  }
0x14f: {  	[sflag:s8] =	ssyncset.done $0x0  }
0x150: {  	s24 =	simm.s32 $0x1600;
	[sflag:s8] =	ssyncadd.s32 $0xFFFFD800  }
0x151: {  	[tilespmem:s14], [sflag:$0x2] =	stream.indirect.gather [hbm4b:s1+s11], $0x80, s24, s11, $0xb8;
	[tilespmem:$0x1E080] =	vst v63  }
0x152: {  	_ =	swait.ge [sflag:s22], $0x2800  }
0x153: {  	[sflag:s22] =	ssyncset.done $0x0  }
0x154: {  	s15 =	simm.s32 $0x2500;
	[sflag:s22] =	ssyncadd.s32 $0xFFFFD800  }
0x155: {  	[spmem:s3] =	stream.indirect.scatter.add.f32 [tilespmem:s16], [sflag:$0x5], $0x80, s15, s11, $0xb8;
	[tilespmem:$0x1E080] =	vst v63  }
0x156: {  	_ =	swait.ge [sflag:s8], $0x2800  }
0x157: {  	[sflag:s8] =	ssyncset.done $0x0  }
0x158: {  	s18 =	simm.s32 $0x1680;
	[sflag:s8] =	ssyncadd.s32 $0xFFFFD800  }
0x159: {  	[tilespmem:s16], [sflag:$0x3] =	stream.indirect.gather [hbm4b:s1+s11], $0x80, s18, s11, $0xb8;
	[tilespmem:$0x1E080] =	vst v63  }
0x15a: {  	_ =	swait.ge [sflag:s17], $0x2800  }
0x15b: {  	[sflag:s17] =	ssyncset.done $0x0  }
0x15c: {  	s21 =	simm.s32 $0x2580;
	[sflag:s17] =	ssyncadd.s32 $0xFFFFD800  }
0x15d: {  	[spmem:s3] =	stream.indirect.scatter.add.f32 [tilespmem:s12], [sflag:$0x5], $0x80, s21, s11, $0xb8;
	[tilespmem:$0x1E080] =	vst v63  }
0x15e: {  	_ =	swait.ge [sflag:s8], $0x2800  }
0x15f: {  	[sflag:s8] =	ssyncset.done $0x0  }
0x160: {  	s24 =	simm.s32 $0x1700;
	[sflag:s8] =	ssyncadd.s32 $0xFFFFD800  }
0x161: {  	[tilespmem:s12], [sflag:$0x1] =	stream.indirect.gather [hbm4b:s1+s11], $0x80, s24, s11, $0xb8;
	[tilespmem:$0x1E080] =	vst v63  }
0x162: {  	_ =	swait.ge [sflag:s19], $0x2800  }
0x163: {  	[sflag:s19] =	ssyncset.done $0x0  }
0x164: {  	s30 =	simm.s32 $0x2600;
	[sflag:s19] =	ssyncadd.s32 $0xFFFFD800  }
0x165: {  	[spmem:s3] =	stream.indirect.scatter.add.f32 [tilespmem:s14], [sflag:$0x5], $0x80, s30, s11, $0xb8;
	[tilespmem:$0x1E080] =	vst v63  }
0x166: {  	_ =	swait.ge [sflag:s8], $0x2800  }
0x167: {  	[sflag:s8] =	ssyncset.done $0x0  }
0x168: {  	s30 =	simm.s32 $0x1780;
	[sflag:s8] =	ssyncadd.s32 $0xFFFFD800  }
0x169: {  	[tilespmem:s14], [sflag:$0x2] =	stream.indirect.gather [hbm4b:s1+s11], $0x80, s30, s11, $0xb8;
	[tilespmem:$0x1E080] =	vst v63  }
0x16a: {  	_ =	swait.ge [sflag:s22], $0x2800  }
0x16b: {  	[sflag:s22] =	ssyncset.done $0x0  }
0x16c: {  	s31 =	simm.s32 $0x2680;
	[sflag:s22] =	ssyncadd.s32 $0xFFFFD800  }
0x16d: {  	[spmem:s3] =	stream.indirect.scatter.add.f32 [tilespmem:s16], [sflag:$0x5], $0x80, s31, s11, $0xb8;
	[tilespmem:$0x1E080] =	vst v63  }
0x16e: {  	_ =	swait.ge [sflag:s8], $0x2800  }
0x16f: {  	[sflag:s8] =	ssyncset.done $0x0  }
0x170: {  	s15 =	simm.s32 $0x1800;
	[sflag:s8] =	ssyncadd.s32 $0xFFFFD800  }
0x171: {  	[tilespmem:s16], [sflag:$0x3] =	stream.indirect.gather [hbm4b:s1+s11], $0x80, s15, s11, $0xb8;
	[tilespmem:$0x1E080] =	vst v63  }
0x172: {  	_ =	swait.ge [sflag:s17], $0x2800  }
0x173: {  	[sflag:s17] =	ssyncset.done $0x0  }
0x174: {  	s18 =	simm.s32 $0x2700;
	[sflag:s17] =	ssyncadd.s32 $0xFFFFD800  }
0x175: {  	[spmem:s3] =	stream.indirect.scatter.add.f32 [tilespmem:s12], [sflag:$0x5], $0x80, s18, s11, $0xb8;
	[tilespmem:$0x1E080] =	vst v63  }
0x176: {  	_ =	swait.ge [sflag:s8], $0x2800  }
0x177: {  	[sflag:s8] =	ssyncset.done $0x0  }
0x178: {  	s21 =	simm.s32 $0x1880;
	[sflag:s8] =	ssyncadd.s32 $0xFFFFD800  }
0x179: {  	[tilespmem:s12], [sflag:$0x1] =	stream.indirect.gather [hbm4b:s1+s11], $0x80, s21, s11, $0xb8;
	[tilespmem:$0x1E080] =	vst v63  }
0x17a: {  	_ =	swait.ge [sflag:s19], $0x2800  }
0x17b: {  	[sflag:s19] =	ssyncset.done $0x0  }
0x17c: {  	s5 =	simm.s32 $0x2780;
	[sflag:s19] =	ssyncadd.s32 $0xFFFFD800  }
0x17d: {  	[spmem:s3] =	stream.indirect.scatter.add.f32 [tilespmem:s14], [sflag:$0x5], $0x80, s5, s11, $0xb8;
	[tilespmem:$0x1E080] =	vst v63  }
0x17e: {  	_ =	swait.ge [sflag:s8], $0x2800  }
0x17f: {  	[sflag:s8] =	ssyncset.done $0x0  }
0x180: {  	s24 =	simm.s32 $0x1900;
	[sflag:s8] =	ssyncadd.s32 $0xFFFFD800  }
0x181: {  	[tilespmem:s14], [sflag:$0x2] =	stream.indirect.gather [hbm4b:s1+s11], $0x80, s24, s11, $0xb8;
	[tilespmem:$0x1E080] =	vst v63  }
0x182: {  	_ =	swait.ge [sflag:s22], $0x2800  }
0x183: {  	[sflag:s22] =	ssyncset.done $0x0  }
0x184: {  	s29 =	simm.s32 $0x2800;
	[sflag:s22] =	ssyncadd.s32 $0xFFFFD800  }
0x185: {  	[spmem:s3] =	stream.indirect.scatter.add.f32 [tilespmem:s16], [sflag:$0x5], $0x80, s29, s11, $0xb8;
	[tilespmem:$0x1E080] =	vst v63  }
0x186: {  	_ =	swait.ge [sflag:s8], $0x2800  }
0x187: {  	[sflag:s8] =	ssyncset.done $0x0  }
0x188: {  	s29 =	simm.s32 $0x1980;
	[sflag:s8] =	ssyncadd.s32 $0xFFFFD800  }
0x189: {  	[tilespmem:s16], [sflag:$0x3] =	stream.indirect.gather [hbm4b:s1+s11], $0x80, s29, s11, $0xb8;
	[tilespmem:$0x1E080] =	vst v63  }
0x18a: {  	_ =	swait.ge [sflag:s17], $0x2800  }
0x18b: {  	[sflag:s17] =	ssyncset.done $0x0  }
0x18c: {  	s9 =	simm.s32 $0x2880;
	[sflag:s17] =	ssyncadd.s32 $0xFFFFD800  }
0x18d: {  	[spmem:s3] =	stream.indirect.scatter.add.f32 [tilespmem:s12], [sflag:$0x5], $0x80, s9, s11, $0xb8;
	[tilespmem:$0x1E080] =	vst v63  }
0x18e: {  	_ =	swait.ge [sflag:s8], $0x2800  }
0x18f: {  	[sflag:s8] =	ssyncset.done $0x0  }
0x190: {  	s30 =	simm.s32 $0x1A00;
	[sflag:s8] =	ssyncadd.s32 $0xFFFFD800  }
0x191: {  	[tilespmem:s12], [sflag:$0x1] =	stream.indirect.gather [hbm4b:s1+s11], $0x80, s30, s11, $0xb8;
	[tilespmem:$0x1E080] =	vst v63  }
0x192: {  	_ =	swait.ge [sflag:s19], $0x2800  }
0x193: {  	[sflag:s19] =	ssyncset.done $0x0  }
0x194: {  	s23 =	simm.s32 $0x2900;
	[sflag:s19] =	ssyncadd.s32 $0xFFFFD800  }
0x195: {  	[spmem:s3] =	stream.indirect.scatter.add.f32 [tilespmem:s14], [sflag:$0x5], $0x80, s23, s11, $0xb8;
	[tilespmem:$0x1E080] =	vst v63  }
0x196: {  	_ =	swait.ge [sflag:s8], $0x2800  }
0x197: {  	[sflag:s8] =	ssyncset.done $0x0  }
0x198: {  	s31 =	simm.s32 $0x1A80;
	[sflag:s8] =	ssyncadd.s32 $0xFFFFD800  }
0x199: {  	[tilespmem:s14], [sflag:$0x2] =	stream.indirect.gather [hbm4b:s1+s11], $0x80, s31, s11, $0xb8;
	[tilespmem:$0x1E080] =	vst v63  }
0x19a: {  	_ =	swait.ge [sflag:s22], $0x2800  }
0x19b: {  	[sflag:s22] =	ssyncset.done $0x0  }
0x19c: {  	s26 =	simm.s32 $0x2980;
	[sflag:s22] =	ssyncadd.s32 $0xFFFFD800  }
0x19d: {  	[spmem:s3] =	stream.indirect.scatter.add.f32 [tilespmem:s16], [sflag:$0x5], $0x80, s26, s11, $0xb8;
	[tilespmem:$0x1E080] =	vst v63  }
0x19e: {  	_ =	swait.ge [sflag:s8], $0x2800  }
0x19f: {  	[sflag:s8] =	ssyncset.done $0x0  }
0x1a0: {  	s9 =	simm.s32 $0x1B00;
	[sflag:s8] =	ssyncadd.s32 $0xFFFFD800  }
0x1a1: {  	[tilespmem:s16], [sflag:$0x3] =	stream.indirect.gather [hbm4b:s1+s11], $0x80, s9, s11, $0xb8;
	[tilespmem:$0x1E080] =	vst v63  }
0x1a2: {  	_ =	swait.ge [sflag:s17], $0x2800  }
0x1a3: {  	[sflag:s17] =	ssyncset.done $0x0  }
0x1a4: {  	s28 =	simm.s32 $0x2A00;
	[sflag:s17] =	ssyncadd.s32 $0xFFFFD800  }
0x1a5: {  	[spmem:s3] =	stream.indirect.scatter.add.f32 [tilespmem:s12], [sflag:$0x5], $0x80, s28, s11, $0xb8;
	[tilespmem:$0x1E080] =	vst v63  }
0x1a6: {  	_ =	swait.ge [sflag:s8], $0x2800  }
0x1a7: {  	[sflag:s8] =	ssyncset.done $0x0  }
0x1a8: {  	s13 =	simm.s32 $0x1B80;
	[sflag:s8] =	ssyncadd.s32 $0xFFFFD800  }
0x1a9: {  	[tilespmem:s12], [sflag:$0x1] =	stream.indirect.gather [hbm4b:s1+s11], $0x80, s13, s11, $0xb8;
	[tilespmem:$0x1E080] =	vst v63  }
0x1aa: {  	_ =	swait.ge [sflag:s6], $0xC80  }
0x1ab: {  	[sflag:s6] =	ssyncset.done $0x0  }
0x1ac: {  	[sflag:s6] =	ssyncadd.s32 $0xFFFFF380  }
0x1ad: {  	_ =	swait.ge [sflag:s19], $0x2800  }
0x1ae: {  	[sflag:s19] =	ssyncset.done $0x0  }
0x1af: {  	s15 =	simm.s32 $0x2A80;
	[sflag:s19] =	ssyncadd.s32 $0xFFFFD800  }
0x1b0: {  	[spmem:s3] =	stream.indirect.scatter.add.f32 [tilespmem:s14], [sflag:$0x5], $0x80, s15, s11, $0xb8;
	[tilespmem:$0x1E080] =	vst v63  }
0x1b1: {  	_ =	swait.ge [sflag:s8], $0x2800  }
0x1b2: {  	[sflag:s8] =	ssyncset.done $0x0  }
0x1b3: {  	s18 =	simm.s32 $0x1C00;
	[sflag:s8] =	ssyncadd.s32 $0xFFFFD800  }
0x1b4: {  	[tilespmem:s14], [sflag:$0x2] =	stream.indirect.gather [hbm4b:s1+s11], $0x80, s18, s11, $0xb8;
	[tilespmem:$0x1E080] =	vst v63  }
0x1b5: {  	_ =	swait.ge [sflag:s22], $0x2800  }
0x1b6: {  	[sflag:s22] =	ssyncset.done $0x0  }
0x1b7: {  	s7 =	simm.s32 $0x2B00;
	[sflag:s22] =	ssyncadd.s32 $0xFFFFD800  }
0x1b8: {  	[spmem:s3] =	stream.indirect.scatter.add.f32 [tilespmem:s16], [sflag:$0x5], $0x80, s7, s11, $0xb8;
	[tilespmem:$0x1E080] =	vst v63  }
0x1b9: {  	_ =	swait.ge [sflag:s8], $0x2800  }
0x1ba: {  	[sflag:s8] =	ssyncset.done $0x0  }
0x1bb: {  	[sflag:s8] =	ssyncadd.s32 $0xFFFFD800  }
0x1bc: {  	[tilespmem:s16], [sflag:$0x3] =	stream.indirect.gather [hbm4b:s1+s11], $0x80, s25, s11, $0xb8;
	[tilespmem:$0x1E080] =	vst v63  }
0x1bd: {  	_ =	swait.ge [sflag:s17], $0x2800  }
0x1be: {  	[sflag:s17] =	ssyncset.done $0x0  }
0x1bf: {  	s21 =	simm.s32 $0x2B80;
	[sflag:s17] =	ssyncadd.s32 $0xFFFFD800  }
0x1c0: {  	[spmem:s3] =	stream.indirect.scatter.add.f32 [tilespmem:s12], [sflag:$0x5], $0x80, s21, s11, $0xb8;
	[tilespmem:$0x1E080] =	vst v63  }
0x1c1: {  	_ =	swait.ge [sflag:s8], $0x2800  }
0x1c2: {  	[sflag:s8] =	ssyncset.done $0x0  }
0x1c3: {  	s23 =	simm.s32 $0x80;
	[sflag:s8] =	ssyncadd.s32 $0xFFFFD800  }
0x1c4: {  	[tilespmem:s12], [sflag:$0x1] =	stream.indirect.gather [hbm4b:s1+s11], $0x80, s23, s11, $0xb8;
	[tilespmem:$0x1E080] =	vst v63  }
0x1c5: {  	_ =	swait.ge [sflag:s19], $0x2800  }
0x1c6: {  	[sflag:s19] =	ssyncset.done $0x0  }
0x1c7: {  	s4 =	simm.s32 $0x2C00;
	[sflag:s19] =	ssyncadd.s32 $0xFFFFD800  }
0x1c8: {  	[spmem:s3] =	stream.indirect.scatter.add.f32 [tilespmem:s14], [sflag:$0x5], $0x80, s4, s11, $0xb8;
	[tilespmem:$0x1E080] =	vst v63  }
0x1c9: {  	_ =	swait.ge [sflag:s8], $0x2800  }
0x1ca: {  	[sflag:s8] =	ssyncset.done $0x0  }
0x1cb: {  	s26 =	simm.s32 $0x100;
	[sflag:s8] =	ssyncadd.s32 $0xFFFFD800  }
0x1cc: {  	[tilespmem:s14], [sflag:$0x2] =	stream.indirect.gather [hbm4b:s1+s11], $0x80, s26, s11, $0xb8;
	[tilespmem:$0x1E080] =	vst v63  }
0x1cd: {  	s29 =	simm.s32 $0x1000;
	s24 =	rddreg [dreg:$0xa]  }
0x1ce: {  	[tilespmem:s29], [sflag:$0x4] =	stream.linear.gather [hbm4b:s24+s25], $0xC80, $0x38;
	[tilespmem:$0x1E080] =	vst v63  }
0x1cf: {  	s28 =	rddreg [dreg:$0xb]  }
0x1d0: {  	[tilespmem:s2], [sflag:$0x5] =	stream.linear.gather [hbm4b:s28+s25], $0xC80, $0x38;
	[tilespmem:$0x1E080] =	vst v63  }
0x1d1: {  	_ =	swait.ge [sflag:s8], $0xC80  }
0x1d2: {  	[sflag:s8] =	ssyncset.done $0x0  }
0x1d3: {  	[sflag:s8] =	ssyncadd.s32 $0xFFFFF380  }
0x1d4: {  	_ =	swait.ge [sflag:s22], $0x2800  }
0x1d5: {  	[sflag:s22] =	ssyncset.done $0x0  }
0x1d6: {  	[sflag:s22] =	ssyncadd.s32 $0xFFFFD800  }
0x1d7: {  	[spmem:s3] =	stream.indirect.scatter.add.f32 [tilespmem:s16], [sflag:$0x5], $0x80, s2, s11, $0xb8;
	[tilespmem:$0x1E080] =	vst v63  }
0x1d8: {  	_ =	swait.ge [sflag:s8], $0x2800  }
0x1d9: {  	[sflag:s8] =	ssyncset.done $0x0  }
0x1da: {  	s30 =	simm.s32 $0x180;
	[sflag:s8] =	ssyncadd.s32 $0xFFFFD800  }
0x1db: {  	[tilespmem:s16], [sflag:$0x3] =	stream.indirect.gather [hbm4b:s1+s11], $0x80, s30, s11, $0xb8;
	[tilespmem:$0x1E080] =	vst v63  }
0x1dc: {  	_ =	swait.ge [sflag:s17], $0x2800  }
0x1dd: {  	[sflag:s17] =	ssyncset.done $0x0  }
0x1de: {  	s31 =	simm.s32 $0x2080;
	[sflag:s17] =	ssyncadd.s32 $0xFFFFD800  }
0x1df: {  	[spmem:s3] =	stream.indirect.scatter.add.f32 [tilespmem:s12], [sflag:$0x5], $0x80, s31, s11, $0xb8;
	[tilespmem:$0x1E080] =	vst v63  }
0x1e0: {  	_ =	swait.ge [sflag:s8], $0x2800  }
0x1e1: {  	[sflag:s8] =	ssyncset.done $0x0  }
0x1e2: {  	s2 =	simm.s32 $0x200;
	[sflag:s8] =	ssyncadd.s32 $0xFFFFD800  }
0x1e3: {  	[tilespmem:s12], [sflag:$0x1] =	stream.indirect.gather [hbm4b:s1+s11], $0x80, s2, s11, $0xb8;
	[tilespmem:$0x1E080] =	vst v63  }
0x1e4: {  	_ =	swait.ge [sflag:s19], $0x2800  }
0x1e5: {  	[sflag:s19] =	ssyncset.done $0x0  }
0x1e6: {  	[sflag:s19] =	ssyncadd.s32 $0xFFFFD800  }
0x1e7: {  	[spmem:s3] =	stream.indirect.scatter.add.f32 [tilespmem:s14], [sflag:$0x5], $0x80, s0, s11, $0xb8;
	[tilespmem:$0x1E080] =	vst v63  }
0x1e8: {  	_ =	swait.ge [sflag:s8], $0x2800  }
0x1e9: {  	[sflag:s8] =	ssyncset.done $0x0  }
0x1ea: {  	s5 =	simm.s32 $0x280;
	[sflag:s8] =	ssyncadd.s32 $0xFFFFD800  }
0x1eb: {  	[tilespmem:s14], [sflag:$0x2] =	stream.indirect.gather [hbm4b:s1+s11], $0x80, s5, s11, $0xb8;
	[tilespmem:$0x1E080] =	vst v63  }
0x1ec: {  	_ =	swait.ge [sflag:s22], $0x2800  }
0x1ed: {  	[sflag:s22] =	ssyncset.done $0x0  }
0x1ee: {  	s7 =	simm.s32 $0x2180;
	[sflag:s22] =	ssyncadd.s32 $0xFFFFD800  }
0x1ef: {  	[spmem:s3] =	stream.indirect.scatter.add.f32 [tilespmem:s16], [sflag:$0x5], $0x80, s7, s11, $0xb8;
	[tilespmem:$0x1E080] =	vst v63  }
0x1f0: {  	_ =	swait.ge [sflag:s8], $0x2800  }
0x1f1: {  	[sflag:s8] =	ssyncset.done $0x0  }
0x1f2: {  	s9 =	simm.s32 $0x300;
	[sflag:s8] =	ssyncadd.s32 $0xFFFFD800  }
0x1f3: {  	[tilespmem:s16], [sflag:$0x3] =	stream.indirect.gather [hbm4b:s1+s11], $0x80, s9, s11, $0xb8;
	[tilespmem:$0x1E080] =	vst v63  }
0x1f4: {  	_ =	swait.ge [sflag:s17], $0x2800  }
0x1f5: {  	[sflag:s17] =	ssyncset.done $0x0  }
0x1f6: {  	s13 =	simm.s32 $0x2200;
	[sflag:s17] =	ssyncadd.s32 $0xFFFFD800  }
0x1f7: {  	[spmem:s3] =	stream.indirect.scatter.add.f32 [tilespmem:s12], [sflag:$0x5], $0x80, s13, s11, $0xb8;
	[tilespmem:$0x1E080] =	vst v63  }
0x1f8: {  	_ =	swait.ge [sflag:s8], $0x2800  }
0x1f9: {  	[sflag:s8] =	ssyncset.done $0x0  }
0x1fa: {  	s15 =	simm.s32 $0x380;
	[sflag:s8] =	ssyncadd.s32 $0xFFFFD800  }
0x1fb: {  	[tilespmem:s12], [sflag:$0x1] =	stream.indirect.gather [hbm4b:s1+s11], $0x80, s15, s11, $0xb8;
	[tilespmem:$0x1E080] =	vst v63  }
0x1fc: {  	_ =	swait.ge [sflag:s19], $0x2800  }
0x1fd: {  	[sflag:s19] =	ssyncset.done $0x0  }
0x1fe: {  	s20 =	simm.s32 $0x2280;
	[sflag:s19] =	ssyncadd.s32 $0xFFFFD800  }
0x1ff: {  	[spmem:s3] =	stream.indirect.scatter.add.f32 [tilespmem:s14], [sflag:$0x5], $0x80, s20, s11, $0xb8;
	[tilespmem:$0x1E080] =	vst v63  }
0x200: {  	_ =	swait.ge [sflag:s8], $0x2800  }
0x201: {  	[sflag:s8] =	ssyncset.done $0x0  }
0x202: {  	s23 =	simm.s32 $0x400;
	[sflag:s8] =	ssyncadd.s32 $0xFFFFD800  }
0x203: {  	[tilespmem:s14], [sflag:$0x2] =	stream.indirect.gather [hbm4b:s1+s11], $0x80, s23, s11, $0xb8;
	[tilespmem:$0x1E080] =	vst v63  }
0x204: {  	_ =	swait.ge [sflag:s22], $0x2800  }
0x205: {  	[sflag:s22] =	ssyncset.done $0x0  }
0x206: {  	s24 =	simm.s32 $0x2300;
	[sflag:s22] =	ssyncadd.s32 $0xFFFFD800  }
0x207: {  	[spmem:s3] =	stream.indirect.scatter.add.f32 [tilespmem:s16], [sflag:$0x5], $0x80, s24, s11, $0xb8;
	[tilespmem:$0x1E080] =	vst v63  }
0x208: {  	_ =	swait.ge [sflag:s8], $0x2800  }
0x209: {  	[sflag:s8] =	ssyncset.done $0x0  }
0x20a: {  	s26 =	simm.s32 $0x480;
	[sflag:s8] =	ssyncadd.s32 $0xFFFFD800  }
0x20b: {  	[tilespmem:s16], [sflag:$0x3] =	stream.indirect.gather [hbm4b:s1+s11], $0x80, s26, s11, $0xb8;
	[tilespmem:$0x1E080] =	vst v63  }
0x20c: {  	_ =	swait.ge [sflag:s17], $0x2800  }
0x20d: {  	[sflag:s17] =	ssyncset.done $0x0  }
0x20e: {  	s28 =	simm.s32 $0x2380;
	[sflag:s17] =	ssyncadd.s32 $0xFFFFD800  }
0x20f: {  	[spmem:s3] =	stream.indirect.scatter.add.f32 [tilespmem:s12], [sflag:$0x5], $0x80, s28, s11, $0xb8;
	[tilespmem:$0x1E080] =	vst v63  }
0x210: {  	_ =	swait.ge [sflag:s8], $0x2800  }
0x211: {  	[sflag:s8] =	ssyncset.done $0x0  }
0x212: {  	s29 =	simm.s32 $0x500;
	[sflag:s8] =	ssyncadd.s32 $0xFFFFD800  }
0x213: {  	[tilespmem:s12], [sflag:$0x1] =	stream.indirect.gather [hbm4b:s1+s11], $0x80, s29, s11, $0xb8;
	[tilespmem:$0x1E080] =	vst v63  }
0x214: {  	_ =	swait.ge [sflag:s19], $0x2800  }
0x215: {  	[sflag:s19] =	ssyncset.done $0x0  }
0x216: {  	[sflag:s19] =	ssyncadd.s32 $0xFFFFD800  }
0x217: {  	[spmem:s3] =	stream.indirect.scatter.add.f32 [tilespmem:s14], [sflag:$0x5], $0x80, s10, s11, $0xb8;
	[tilespmem:$0x1E080] =	vst v63  }
0x218: {  	_ =	swait.ge [sflag:s8], $0x2800  }
0x219: {  	[sflag:s8] =	ssyncset.done $0x0  }
0x21a: {  	s30 =	simm.s32 $0x580;
	[sflag:s8] =	ssyncadd.s32 $0xFFFFD800  }
0x21b: {  	[tilespmem:s14], [sflag:$0x2] =	stream.indirect.gather [hbm4b:s1+s11], $0x80, s30, s11, $0xb8;
	[tilespmem:$0x1E080] =	vst v63  }
0x21c: {  	_ =	swait.ge [sflag:s22], $0x2800  }
0x21d: {  	[sflag:s22] =	ssyncset.done $0x0  }
0x21e: {  	s10 =	simm.s32 $0x2480;
	[sflag:s22] =	ssyncadd.s32 $0xFFFFD800  }
0x21f: {  	[spmem:s3] =	stream.indirect.scatter.add.f32 [tilespmem:s16], [sflag:$0x5], $0x80, s10, s11, $0xb8;
	[tilespmem:$0x1E080] =	vst v63  }
0x220: {  	_ =	swait.ge [sflag:s8], $0x2800  }
0x221: {  	[sflag:s8] =	ssyncset.done $0x0  }
0x222: {  	s31 =	simm.s32 $0x600;
	[sflag:s8] =	ssyncadd.s32 $0xFFFFD800  }
0x223: {  	[tilespmem:s16], [sflag:$0x3] =	stream.indirect.gather [hbm4b:s1+s11], $0x80, s31, s11, $0xb8;
	[tilespmem:$0x1E080] =	vst v63  }
0x224: {  	_ =	swait.ge [sflag:s17], $0x2800  }
0x225: {  	[sflag:s17] =	ssyncset.done $0x0  }
0x226: {  	s13 =	simm.s32 $0x2500;
	[sflag:s17] =	ssyncadd.s32 $0xFFFFD800  }
0x227: {  	[spmem:s3] =	stream.indirect.scatter.add.f32 [tilespmem:s12], [sflag:$0x5], $0x80, s13, s11, $0xb8;
	[tilespmem:$0x1E080] =	vst v63  }
0x228: {  	_ =	swait.ge [sflag:s8], $0x2800  }
0x229: {  	[sflag:s8] =	ssyncset.done $0x0  }
0x22a: {  	s0 =	simm.s32 $0x680;
	[sflag:s8] =	ssyncadd.s32 $0xFFFFD800  }
0x22b: {  	[tilespmem:s12], [sflag:$0x1] =	stream.indirect.gather [hbm4b:s1+s11], $0x80, s0, s11, $0xb8;
	[tilespmem:$0x1E080] =	vst v63  }
0x22c: {  	_ =	swait.ge [sflag:s19], $0x2800  }
0x22d: {  	[sflag:s19] =	ssyncset.done $0x0  }
0x22e: {  	s15 =	simm.s32 $0x2580;
	[sflag:s19] =	ssyncadd.s32 $0xFFFFD800  }
0x22f: {  	[spmem:s3] =	stream.indirect.scatter.add.f32 [tilespmem:s14], [sflag:$0x5], $0x80, s15, s11, $0xb8;
	[tilespmem:$0x1E080] =	vst v63  }
0x230: {  	_ =	swait.ge [sflag:s8], $0x2800  }
0x231: {  	[sflag:s8] =	ssyncset.done $0x0  }
0x232: {  	s2 =	simm.s32 $0x700;
	[sflag:s8] =	ssyncadd.s32 $0xFFFFD800  }
0x233: {  	[tilespmem:s14], [sflag:$0x2] =	stream.indirect.gather [hbm4b:s1+s11], $0x80, s2, s11, $0xb8;
	[tilespmem:$0x1E080] =	vst v63  }
0x234: {  	_ =	swait.ge [sflag:s22], $0x2800  }
0x235: {  	[sflag:s22] =	ssyncset.done $0x0  }
0x236: {  	s20 =	simm.s32 $0x2600;
	[sflag:s22] =	ssyncadd.s32 $0xFFFFD800  }
0x237: {  	[spmem:s3] =	stream.indirect.scatter.add.f32 [tilespmem:s16], [sflag:$0x5], $0x80, s20, s11, $0xb8;
	[tilespmem:$0x1E080] =	vst v63  }
0x238: {  	_ =	swait.ge [sflag:s8], $0x2800  }
0x239: {  	[sflag:s8] =	ssyncset.done $0x0  }
0x23a: {  	s5 =	simm.s32 $0x780;
	[sflag:s8] =	ssyncadd.s32 $0xFFFFD800  }
0x23b: {  	[tilespmem:s16], [sflag:$0x3] =	stream.indirect.gather [hbm4b:s1+s11], $0x80, s5, s11, $0xb8;
	[tilespmem:$0x1E080] =	vst v63  }
0x23c: {  	_ =	swait.ge [sflag:s17], $0x2800  }
0x23d: {  	[sflag:s17] =	ssyncset.done $0x0  }
0x23e: {  	s30 =	simm.s32 $0x2680;
	[sflag:s17] =	ssyncadd.s32 $0xFFFFD800  }
0x23f: {  	[spmem:s3] =	stream.indirect.scatter.add.f32 [tilespmem:s12], [sflag:$0x5], $0x80, s30, s11, $0xb8;
	[tilespmem:$0x1E080] =	vst v63  }
0x240: {  	_ =	swait.ge [sflag:s8], $0x2800  }
0x241: {  	[sflag:s8] =	ssyncset.done $0x0  }
0x242: {  	s7 =	simm.s32 $0x800;
	[sflag:s8] =	ssyncadd.s32 $0xFFFFD800  }
0x243: {  	[tilespmem:s12], [sflag:$0x1] =	stream.indirect.gather [hbm4b:s1+s11], $0x80, s7, s11, $0xb8;
	[tilespmem:$0x1E080] =	vst v63  }
0x244: {  	_ =	swait.ge [sflag:s19], $0x2800  }
0x245: {  	[sflag:s19] =	ssyncset.done $0x0  }
0x246: {  	s31 =	simm.s32 $0x2700;
	[sflag:s19] =	ssyncadd.s32 $0xFFFFD800  }
0x247: {  	[spmem:s3] =	stream.indirect.scatter.add.f32 [tilespmem:s14], [sflag:$0x5], $0x80, s31, s11, $0xb8;
	[tilespmem:$0x1E080] =	vst v63  }
0x248: {  	_ =	swait.ge [sflag:s8], $0x2800  }
0x249: {  	[sflag:s8] =	ssyncset.done $0x0  }
0x24a: {  	s9 =	simm.s32 $0x880;
	[sflag:s8] =	ssyncadd.s32 $0xFFFFD800  }
0x24b: {  	[tilespmem:s14], [sflag:$0x2] =	stream.indirect.gather [hbm4b:s1+s11], $0x80, s9, s11, $0xb8;
	[tilespmem:$0x1E080] =	vst v63  }
0x24c: {  	_ =	swait.ge [sflag:s22], $0x2800  }
0x24d: {  	[sflag:s22] =	ssyncset.done $0x0  }
0x24e: {  	s18 =	simm.s32 $0x2780;
	[sflag:s22] =	ssyncadd.s32 $0xFFFFD800  }
0x24f: {  	[spmem:s3] =	stream.indirect.scatter.add.f32 [tilespmem:s16], [sflag:$0x5], $0x80, s18, s11, $0xb8;
	[tilespmem:$0x1E080] =	vst v63  }
0x250: {  	_ =	swait.ge [sflag:s8], $0x2800  }
0x251: {  	[sflag:s8] =	ssyncset.done $0x0  }
0x252: {  	s23 =	simm.s32 $0x900;
	[sflag:s8] =	ssyncadd.s32 $0xFFFFD800  }
0x253: {  	[tilespmem:s16], [sflag:$0x3] =	stream.indirect.gather [hbm4b:s1+s11], $0x80, s23, s11, $0xb8;
	[tilespmem:$0x1E080] =	vst v63  }
0x254: {  	_ =	swait.ge [sflag:s17], $0x2800  }
0x255: {  	[sflag:s17] =	ssyncset.done $0x0  }
0x256: {  	s2 =	simm.s32 $0x2800;
	[sflag:s17] =	ssyncadd.s32 $0xFFFFD800  }
0x257: {  	[spmem:s3] =	stream.indirect.scatter.add.f32 [tilespmem:s12], [sflag:$0x5], $0x80, s2, s11, $0xb8;
	[tilespmem:$0x1E080] =	vst v63  }
0x258: {  	_ =	swait.ge [sflag:s8], $0x2800  }
0x259: {  	[sflag:s8] =	ssyncset.done $0x0  }
0x25a: {  	s24 =	simm.s32 $0x980;
	[sflag:s8] =	ssyncadd.s32 $0xFFFFD800  }
0x25b: {  	[tilespmem:s12], [sflag:$0x1] =	stream.indirect.gather [hbm4b:s1+s11], $0x80, s24, s11, $0xb8;
	[tilespmem:$0x1E080] =	vst v63  }
0x25c: {  	_ =	swait.ge [sflag:s19], $0x2800  }
0x25d: {  	[sflag:s19] =	ssyncset.done $0x0  }
0x25e: {  	s9 =	simm.s32 $0x2880;
	[sflag:s19] =	ssyncadd.s32 $0xFFFFD800  }
0x25f: {  	[spmem:s3] =	stream.indirect.scatter.add.f32 [tilespmem:s14], [sflag:$0x5], $0x80, s9, s11, $0xb8;
	[tilespmem:$0x1E080] =	vst v63  }
0x260: {  	_ =	swait.ge [sflag:s8], $0x2800  }
0x261: {  	[sflag:s8] =	ssyncset.done $0x0  }
0x262: {  	s26 =	simm.s32 $0xA00;
	[sflag:s8] =	ssyncadd.s32 $0xFFFFD800  }
0x263: {  	[tilespmem:s14], [sflag:$0x2] =	stream.indirect.gather [hbm4b:s1+s11], $0x80, s26, s11, $0xb8;
	[tilespmem:$0x1E080] =	vst v63  }
0x264: {  	_ =	swait.ge [sflag:s22], $0x2800  }
0x265: {  	[sflag:s22] =	ssyncset.done $0x0  }
0x266: {  	s23 =	simm.s32 $0x2900;
	[sflag:s22] =	ssyncadd.s32 $0xFFFFD800  }
0x267: {  	[spmem:s3] =	stream.indirect.scatter.add.f32 [tilespmem:s16], [sflag:$0x5], $0x80, s23, s11, $0xb8;
	[tilespmem:$0x1E080] =	vst v63  }
0x268: {  	_ =	swait.ge [sflag:s8], $0x2800  }
0x269: {  	[sflag:s8] =	ssyncset.done $0x0  }
0x26a: {  	s28 =	simm.s32 $0xA80;
	[sflag:s8] =	ssyncadd.s32 $0xFFFFD800  }
0x26b: {  	[tilespmem:s16], [sflag:$0x3] =	stream.indirect.gather [hbm4b:s1+s11], $0x80, s28, s11, $0xb8;
	[tilespmem:$0x1E080] =	vst v63  }
0x26c: {  	_ =	swait.ge [sflag:s17], $0x2800  }
0x26d: {  	[sflag:s17] =	ssyncset.done $0x0  }
0x26e: {  	s26 =	simm.s32 $0x2980;
	[sflag:s17] =	ssyncadd.s32 $0xFFFFD800  }
0x26f: {  	[spmem:s3] =	stream.indirect.scatter.add.f32 [tilespmem:s12], [sflag:$0x5], $0x80, s26, s11, $0xb8;
	[tilespmem:$0x1E080] =	vst v63  }
0x270: {  	_ =	swait.ge [sflag:s8], $0x2800  }
0x271: {  	[sflag:s8] =	ssyncset.done $0x0  }
0x272: {  	s29 =	simm.s32 $0xB00;
	[sflag:s8] =	ssyncadd.s32 $0xFFFFD800  }
0x273: {  	[tilespmem:s12], [sflag:$0x1] =	stream.indirect.gather [hbm4b:s1+s11], $0x80, s29, s11, $0xb8;
	[tilespmem:$0x1E080] =	vst v63  }
0x274: {  	_ =	swait.ge [sflag:s19], $0x2800  }
0x275: {  	[sflag:s19] =	ssyncset.done $0x0  }
0x276: {  	s28 =	simm.s32 $0x2A00;
	[sflag:s19] =	ssyncadd.s32 $0xFFFFD800  }
0x277: {  	[spmem:s3] =	stream.indirect.scatter.add.f32 [tilespmem:s14], [sflag:$0x5], $0x80, s28, s11, $0xb8;
	[tilespmem:$0x1E080] =	vst v63  }
0x278: {  	_ =	swait.ge [sflag:s8], $0x2800  }
0x279: {  	[sflag:s8] =	ssyncset.done $0x0  }
0x27a: {  	s0 =	simm.s32 $0xB80;
	[sflag:s8] =	ssyncadd.s32 $0xFFFFD800  }
0x27b: {  	[tilespmem:s14], [sflag:$0x2] =	stream.indirect.gather [hbm4b:s1+s11], $0x80, s0, s11, $0xb8;
	[tilespmem:$0x1E080] =	vst v63  }
0x27c: {  	_ =	swait.ge [sflag:s6], $0xC80  }
0x27d: {  	[sflag:s6] =	ssyncset.done $0x0  }
0x27e: {  	[sflag:s6] =	ssyncadd.s32 $0xFFFFF380  }
0x27f: {  	_ =	swait.ge [sflag:s22], $0x2800  }
0x280: {  	[sflag:s22] =	ssyncset.done $0x0  }
0x281: {  	s29 =	simm.s32 $0x2A80;
	[sflag:s22] =	ssyncadd.s32 $0xFFFFD800  }
0x282: {  	[spmem:s3] =	stream.indirect.scatter.add.f32 [tilespmem:s16], [sflag:$0x5], $0x80, s29, s11, $0xb8;
	[tilespmem:$0x1E080] =	vst v63  }
0x283: {  	_ =	swait.ge [sflag:s8], $0x2800  }
0x284: {  	[sflag:s8] =	ssyncset.done $0x0  }
0x285: {  	s7 =	simm.s32 $0xC00;
	[sflag:s8] =	ssyncadd.s32 $0xFFFFD800  }
0x286: {  	[tilespmem:s16], [sflag:$0x3] =	stream.indirect.gather [hbm4b:s1+s11], $0x80, s7, s11, $0xb8;
	[tilespmem:$0x1E080] =	vst v63  }
0x287: {  	_ =	swait.ge [sflag:s17], $0x2800  }
0x288: {  	[sflag:s17] =	ssyncset.done $0x0  }
0x289: {  	s7 =	simm.s32 $0x2B00;
	[sflag:s17] =	ssyncadd.s32 $0xFFFFD800  }
0x28a: {  	[spmem:s3] =	stream.indirect.scatter.add.f32 [tilespmem:s12], [sflag:$0x5], $0x80, s7, s11, $0xb8;
	[tilespmem:$0x1E080] =	vst v63  }
0x28b: {  	_ =	swait.ge [sflag:s8], $0x2800  }
0x28c: {  	[sflag:s8] =	ssyncset.done $0x0  }
0x28d: {  	s4 =	simm.s32 $0x1000;
	[sflag:s8] =	ssyncadd.s32 $0xFFFFD800  }
0x28e: {  	[tilespmem:s12], [sflag:$0x1] =	stream.indirect.gather [hbm4b:s1+s11], $0x80, s4, s11, $0xb8;
	[tilespmem:$0x1E080] =	vst v63  }
0x28f: {  	_ =	swait.ge [sflag:s19], $0x2800  }
0x290: {  	[sflag:s19] =	ssyncset.done $0x0  }
0x291: {  	s21 =	simm.s32 $0x2B80;
	[sflag:s19] =	ssyncadd.s32 $0xFFFFD800  }
0x292: {  	[spmem:s3] =	stream.indirect.scatter.add.f32 [tilespmem:s14], [sflag:$0x5], $0x80, s21, s11, $0xb8;
	[tilespmem:$0x1E080] =	vst v63  }
0x293: {  	_ =	swait.ge [sflag:s8], $0x2800  }
0x294: {  	[sflag:s8] =	ssyncset.done $0x0  }
0x295: {  	s18 =	simm.s32 $0x1080;
	[sflag:s8] =	ssyncadd.s32 $0xFFFFD800  }
0x296: {  	[tilespmem:s14], [sflag:$0x2] =	stream.indirect.gather [hbm4b:s1+s11], $0x80, s18, s11, $0xb8;
	[tilespmem:$0x1E080] =	vst v63  }
0x297: {  	_ =	swait.ge [sflag:s22], $0x2800  }
0x298: {  	[sflag:s22] =	ssyncset.done $0x0  }
0x299: {  	s4 =	simm.s32 $0x2C00;
	[sflag:s22] =	ssyncadd.s32 $0xFFFFD800  }
0x29a: {  	[spmem:s3] =	stream.indirect.scatter.add.f32 [tilespmem:s16], [sflag:$0x5], $0x80, s4, s11, $0xb8;
	[tilespmem:$0x1E080] =	vst v63  }
0x29b: {  	_ =	swait.ge [sflag:s8], $0x2800  }
0x29c: {  	[sflag:s8] =	ssyncset.done $0x0  }
0x29d: {  	s24 =	simm.s32 $0x1100;
	[sflag:s8] =	ssyncadd.s32 $0xFFFFD800  }
0x29e: {  	[tilespmem:s16], [sflag:$0x3] =	stream.indirect.gather [hbm4b:s1+s11], $0x80, s24, s11, $0xb8;
	[tilespmem:$0x1E080] =	vst v63  }
0x29f: {  	s21 =	rddreg [dreg:$0xc]  }
0x2a0: {  	[tilespmem:s25], [sflag:$0x4] =	stream.linear.gather [hbm4b:s21+s25], $0xC80, $0x38;
	[tilespmem:$0x1E080] =	vst v63  }
0x2a1: {  	s5 =	simm.s32 $0x2000;
	s0 =	rddreg [dreg:$0xd]  }
0x2a2: {  	[tilespmem:s5], [sflag:$0x5] =	stream.linear.gather [hbm4b:s0+s25], $0xC80, $0x38;
	[tilespmem:$0x1E080] =	vst v63  }
0x2a3: {  	_ =	swait.ge [sflag:s8], $0xC80  }
0x2a4: {  	[sflag:s8] =	ssyncset.done $0x0  }
0x2a5: {  	[sflag:s8] =	ssyncadd.s32 $0xFFFFF380  }
0x2a6: {  	_ =	swait.ge [sflag:s17], $0x2800  }
0x2a7: {  	[sflag:s17] =	ssyncset.done $0x0  }
0x2a8: {  	[sflag:s17] =	ssyncadd.s32 $0xFFFFD800  }
0x2a9: {  	[spmem:s3] =	stream.indirect.scatter.add.f32 [tilespmem:s12], [sflag:$0x5], $0x80, s5, s11, $0xb8;
	[tilespmem:$0x1E080] =	vst v63  }
0x2aa: {  	_ =	swait.ge [sflag:s8], $0x2800  }
0x2ab: {  	[sflag:s8] =	ssyncset.done $0x0  }
0x2ac: {  	s18 =	simm.s32 $0x1180;
	[sflag:s8] =	ssyncadd.s32 $0xFFFFD800  }
0x2ad: {  	[tilespmem:s12], [sflag:$0x1] =	stream.indirect.gather [hbm4b:s1+s11], $0x80, s18, s11, $0xb8;
	[tilespmem:$0x1E080] =	vst v63  }
0x2ae: {  	_ =	swait.ge [sflag:s19], $0x2800  }
0x2af: {  	[sflag:s19] =	ssyncset.done $0x0  }
0x2b0: {  	s21 =	simm.s32 $0x2080;
	[sflag:s19] =	ssyncadd.s32 $0xFFFFD800  }
0x2b1: {  	[spmem:s3] =	stream.indirect.scatter.add.f32 [tilespmem:s14], [sflag:$0x5], $0x80, s21, s11, $0xb8;
	[tilespmem:$0x1E080] =	vst v63  }
0x2b2: {  	_ =	swait.ge [sflag:s8], $0x2800  }
0x2b3: {  	[sflag:s8] =	ssyncset.done $0x0  }
0x2b4: {  	s24 =	simm.s32 $0x1200;
	[sflag:s8] =	ssyncadd.s32 $0xFFFFD800  }
0x2b5: {  	[tilespmem:s14], [sflag:$0x2] =	stream.indirect.gather [hbm4b:s1+s11], $0x80, s24, s11, $0xb8;
	[tilespmem:$0x1E080] =	vst v63  }
0x2b6: {  	_ =	swait.ge [sflag:s22], $0x2800  }
0x2b7: {  	[sflag:s22] =	ssyncset.done $0x0  }
0x2b8: {  	s18 =	simm.s32 $0x2100;
	[sflag:s22] =	ssyncadd.s32 $0xFFFFD800  }
0x2b9: {  	[spmem:s3] =	stream.indirect.scatter.add.f32 [tilespmem:s16], [sflag:$0x5], $0x80, s18, s11, $0xb8;
	[tilespmem:$0x1E080] =	vst v63  }
0x2ba: {  	_ =	swait.ge [sflag:s8], $0x2800  }
0x2bb: {  	[sflag:s8] =	ssyncset.done $0x0  }
0x2bc: {  	s21 =	simm.s32 $0x1280;
	[sflag:s8] =	ssyncadd.s32 $0xFFFFD800  }
0x2bd: {  	[tilespmem:s16], [sflag:$0x3] =	stream.indirect.gather [hbm4b:s1+s11], $0x80, s21, s11, $0xb8;
	[tilespmem:$0x1E080] =	vst v63  }
0x2be: {  	_ =	swait.ge [sflag:s17], $0x2800  }
0x2bf: {  	[sflag:s17] =	ssyncset.done $0x0  }
0x2c0: {  	s24 =	simm.s32 $0x2180;
	[sflag:s17] =	ssyncadd.s32 $0xFFFFD800  }
0x2c1: {  	[spmem:s3] =	stream.indirect.scatter.add.f32 [tilespmem:s12], [sflag:$0x5], $0x80, s24, s11, $0xb8;
	[tilespmem:$0x1E080] =	vst v63  }
0x2c2: {  	_ =	swait.ge [sflag:s8], $0x2800  }
0x2c3: {  	[sflag:s8] =	ssyncset.done $0x0  }
0x2c4: {  	s18 =	simm.s32 $0x1300;
	[sflag:s8] =	ssyncadd.s32 $0xFFFFD800  }
0x2c5: {  	[tilespmem:s12], [sflag:$0x1] =	stream.indirect.gather [hbm4b:s1+s11], $0x80, s18, s11, $0xb8;
	[tilespmem:$0x1E080] =	vst v63  }
0x2c6: {  	_ =	swait.ge [sflag:s19], $0x2800  }
0x2c7: {  	[sflag:s19] =	ssyncset.done $0x0  }
0x2c8: {  	s21 =	simm.s32 $0x2200;
	[sflag:s19] =	ssyncadd.s32 $0xFFFFD800  }
0x2c9: {  	[spmem:s3] =	stream.indirect.scatter.add.f32 [tilespmem:s14], [sflag:$0x5], $0x80, s21, s11, $0xb8;
	[tilespmem:$0x1E080] =	vst v63  }
0x2ca: {  	_ =	swait.ge [sflag:s8], $0x2800  }
0x2cb: {  	[sflag:s8] =	ssyncset.done $0x0  }
0x2cc: {  	s24 =	simm.s32 $0x1380;
	[sflag:s8] =	ssyncadd.s32 $0xFFFFD800  }
0x2cd: {  	[tilespmem:s14], [sflag:$0x2] =	stream.indirect.gather [hbm4b:s1+s11], $0x80, s24, s11, $0xb8;
	[tilespmem:$0x1E080] =	vst v63  }
0x2ce: {  	_ =	swait.ge [sflag:s22], $0x2800  }
0x2cf: {  	[sflag:s22] =	ssyncset.done $0x0  }
0x2d0: {  	s18 =	simm.s32 $0x2280;
	[sflag:s22] =	ssyncadd.s32 $0xFFFFD800  }
0x2d1: {  	[spmem:s3] =	stream.indirect.scatter.add.f32 [tilespmem:s16], [sflag:$0x5], $0x80, s18, s11, $0xb8;
	[tilespmem:$0x1E080] =	vst v63  }
0x2d2: {  	_ =	swait.ge [sflag:s8], $0x2800  }
0x2d3: {  	[sflag:s8] =	ssyncset.done $0x0  }
0x2d4: {  	s21 =	simm.s32 $0x1400;
	[sflag:s8] =	ssyncadd.s32 $0xFFFFD800  }
0x2d5: {  	[tilespmem:s16], [sflag:$0x3] =	stream.indirect.gather [hbm4b:s1+s11], $0x80, s21, s11, $0xb8;
	[tilespmem:$0x1E080] =	vst v63  }
0x2d6: {  	_ =	swait.ge [sflag:s17], $0x2800  }
0x2d7: {  	[sflag:s17] =	ssyncset.done $0x0  }
0x2d8: {  	s21 =	simm.s32 $0x2300;
	[sflag:s17] =	ssyncadd.s32 $0xFFFFD800  }
0x2d9: {  	[spmem:s3] =	stream.indirect.scatter.add.f32 [tilespmem:s12], [sflag:$0x5], $0x80, s21, s11, $0xb8;
	[tilespmem:$0x1E080] =	vst v63  }
0x2da: {  	_ =	swait.ge [sflag:s8], $0x2800  }
0x2db: {  	[sflag:s8] =	ssyncset.done $0x0  }
0x2dc: {  	s24 =	simm.s32 $0x1480;
	[sflag:s8] =	ssyncadd.s32 $0xFFFFD800  }
0x2dd: {  	[tilespmem:s12], [sflag:$0x1] =	stream.indirect.gather [hbm4b:s1+s11], $0x80, s24, s11, $0xb8;
	[tilespmem:$0x1E080] =	vst v63  }
0x2de: {  	_ =	swait.ge [sflag:s19], $0x2800  }
0x2df: {  	[sflag:s19] =	ssyncset.done $0x0  }
0x2e0: {  	s24 =	simm.s32 $0x2380;
	[sflag:s19] =	ssyncadd.s32 $0xFFFFD800  }
0x2e1: {  	[spmem:s3] =	stream.indirect.scatter.add.f32 [tilespmem:s14], [sflag:$0x5], $0x80, s24, s11, $0xb8;
	[tilespmem:$0x1E080] =	vst v63  }
0x2e2: {  	_ =	swait.ge [sflag:s8], $0x2800  }
0x2e3: {  	[sflag:s8] =	ssyncset.done $0x0  }
0x2e4: {  	s18 =	simm.s32 $0x1500;
	[sflag:s8] =	ssyncadd.s32 $0xFFFFD800  }
0x2e5: {  	[tilespmem:s14], [sflag:$0x2] =	stream.indirect.gather [hbm4b:s1+s11], $0x80, s18, s11, $0xb8;
	[tilespmem:$0x1E080] =	vst v63  }
0x2e6: {  	_ =	swait.ge [sflag:s22], $0x2800  }
0x2e7: {  	[sflag:s22] =	ssyncset.done $0x0  }
0x2e8: {  	s18 =	simm.s32 $0x2400;
	[sflag:s22] =	ssyncadd.s32 $0xFFFFD800  }
0x2e9: {  	[spmem:s3] =	stream.indirect.scatter.add.f32 [tilespmem:s16], [sflag:$0x5], $0x80, s18, s11, $0xb8;
	[tilespmem:$0x1E080] =	vst v63  }
0x2ea: {  	_ =	swait.ge [sflag:s8], $0x2800  }
0x2eb: {  	[sflag:s8] =	ssyncset.done $0x0  }
0x2ec: {  	s18 =	simm.s32 $0x1580;
	[sflag:s8] =	ssyncadd.s32 $0xFFFFD800  }
0x2ed: {  	[tilespmem:s16], [sflag:$0x3] =	stream.indirect.gather [hbm4b:s1+s11], $0x80, s18, s11, $0xb8;
	[tilespmem:$0x1E080] =	vst v63  }
0x2ee: {  	_ =	swait.ge [sflag:s17], $0x2800  }
0x2ef: {  	[sflag:s17] =	ssyncset.done $0x0  }
0x2f0: {  	[sflag:s17] =	ssyncadd.s32 $0xFFFFD800  }
0x2f1: {  	[spmem:s3] =	stream.indirect.scatter.add.f32 [tilespmem:s12], [sflag:$0x5], $0x80, s10, s11, $0xb8;
	[tilespmem:$0x1E080] =	vst v63  }
0x2f2: {  	_ =	swait.ge [sflag:s8], $0x2800  }
0x2f3: {  	[sflag:s8] =	ssyncset.done $0x0  }
0x2f4: {  	s18 =	simm.s32 $0x1600;
	[sflag:s8] =	ssyncadd.s32 $0xFFFFD800  }
0x2f5: {  	[tilespmem:s12], [sflag:$0x1] =	stream.indirect.gather [hbm4b:s1+s11], $0x80, s18, s11, $0xb8;
	[tilespmem:$0x1E080] =	vst v63  }
0x2f6: {  	_ =	swait.ge [sflag:s19], $0x2800  }
0x2f7: {  	[sflag:s19] =	ssyncset.done $0x0  }
0x2f8: {  	[sflag:s19] =	ssyncadd.s32 $0xFFFFD800  }
0x2f9: {  	[spmem:s3] =	stream.indirect.scatter.add.f32 [tilespmem:s14], [sflag:$0x5], $0x80, s13, s11, $0xb8;
	[tilespmem:$0x1E080] =	vst v63  }
0x2fa: {  	_ =	swait.ge [sflag:s8], $0x2800  }
0x2fb: {  	[sflag:s8] =	ssyncset.done $0x0  }
0x2fc: {  	s18 =	simm.s32 $0x1680;
	[sflag:s8] =	ssyncadd.s32 $0xFFFFD800  }
0x2fd: {  	[tilespmem:s14], [sflag:$0x2] =	stream.indirect.gather [hbm4b:s1+s11], $0x80, s18, s11, $0xb8;
	[tilespmem:$0x1E080] =	vst v63  }
0x2fe: {  	_ =	swait.ge [sflag:s22], $0x2800  }
0x2ff: {  	[sflag:s22] =	ssyncset.done $0x0  }
0x300: {  	[sflag:s22] =	ssyncadd.s32 $0xFFFFD800  }
0x301: {  	[spmem:s3] =	stream.indirect.scatter.add.f32 [tilespmem:s16], [sflag:$0x5], $0x80, s15, s11, $0xb8;
	[tilespmem:$0x1E080] =	vst v63  }
0x302: {  	_ =	swait.ge [sflag:s8], $0x2800  }
0x303: {  	[sflag:s8] =	ssyncset.done $0x0  }
0x304: {  	s18 =	simm.s32 $0x1700;
	[sflag:s8] =	ssyncadd.s32 $0xFFFFD800  }
0x305: {  	[tilespmem:s16], [sflag:$0x3] =	stream.indirect.gather [hbm4b:s1+s11], $0x80, s18, s11, $0xb8;
	[tilespmem:$0x1E080] =	vst v63  }
0x306: {  	_ =	swait.ge [sflag:s17], $0x2800  }
0x307: {  	[sflag:s17] =	ssyncset.done $0x0  }
0x308: {  	[sflag:s17] =	ssyncadd.s32 $0xFFFFD800  }
0x309: {  	[spmem:s3] =	stream.indirect.scatter.add.f32 [tilespmem:s12], [sflag:$0x5], $0x80, s20, s11, $0xb8;
	[tilespmem:$0x1E080] =	vst v63  }
0x30a: {  	_ =	swait.ge [sflag:s8], $0x2800  }
0x30b: {  	[sflag:s8] =	ssyncset.done $0x0  }
0x30c: {  	s18 =	simm.s32 $0x1780;
	[sflag:s8] =	ssyncadd.s32 $0xFFFFD800  }
0x30d: {  	[tilespmem:s12], [sflag:$0x1] =	stream.indirect.gather [hbm4b:s1+s11], $0x80, s18, s11, $0xb8;
	[tilespmem:$0x1E080] =	vst v63  }
0x30e: {  	_ =	swait.ge [sflag:s19], $0x2800  }
0x30f: {  	[sflag:s19] =	ssyncset.done $0x0  }
0x310: {  	[sflag:s19] =	ssyncadd.s32 $0xFFFFD800  }
0x311: {  	[spmem:s3] =	stream.indirect.scatter.add.f32 [tilespmem:s14], [sflag:$0x5], $0x80, s30, s11, $0xb8;
	[tilespmem:$0x1E080] =	vst v63  }
0x312: {  	_ =	swait.ge [sflag:s8], $0x2800  }
0x313: {  	[sflag:s8] =	ssyncset.done $0x0  }
0x314: {  	s18 =	simm.s32 $0x1800;
	[sflag:s8] =	ssyncadd.s32 $0xFFFFD800  }
0x315: {  	[tilespmem:s14], [sflag:$0x2] =	stream.indirect.gather [hbm4b:s1+s11], $0x80, s18, s11, $0xb8;
	[tilespmem:$0x1E080] =	vst v63  }
0x316: {  	_ =	swait.ge [sflag:s22], $0x2800  }
0x317: {  	[sflag:s22] =	ssyncset.done $0x0  }
0x318: {  	[sflag:s22] =	ssyncadd.s32 $0xFFFFD800  }
0x319: {  	[spmem:s3] =	stream.indirect.scatter.add.f32 [tilespmem:s16], [sflag:$0x5], $0x80, s31, s11, $0xb8;
	[tilespmem:$0x1E080] =	vst v63  }
0x31a: {  	_ =	swait.ge [sflag:s8], $0x2800  }
0x31b: {  	[sflag:s8] =	ssyncset.done $0x0  }
0x31c: {  	s18 =	simm.s32 $0x1880;
	[sflag:s8] =	ssyncadd.s32 $0xFFFFD800  }
0x31d: {  	[tilespmem:s16], [sflag:$0x3] =	stream.indirect.gather [hbm4b:s1+s11], $0x80, s18, s11, $0xb8;
	[tilespmem:$0x1E080] =	vst v63  }
0x31e: {  	_ =	swait.ge [sflag:s17], $0x2800  }
0x31f: {  	[sflag:s17] =	ssyncset.done $0x0  }
0x320: {  	s18 =	simm.s32 $0x2780;
	[sflag:s17] =	ssyncadd.s32 $0xFFFFD800  }
0x321: {  	[spmem:s3] =	stream.indirect.scatter.add.f32 [tilespmem:s12], [sflag:$0x5], $0x80, s18, s11, $0xb8;
	[tilespmem:$0x1E080] =	vst v63  }
0x322: {  	_ =	swait.ge [sflag:s8], $0x2800  }
0x323: {  	[sflag:s8] =	ssyncset.done $0x0  }
0x324: {  	s18 =	simm.s32 $0x1900;
	[sflag:s8] =	ssyncadd.s32 $0xFFFFD800  }
0x325: {  	[tilespmem:s12], [sflag:$0x1] =	stream.indirect.gather [hbm4b:s1+s11], $0x80, s18, s11, $0xb8;
	[tilespmem:$0x1E080] =	vst v63  }
0x326: {  	_ =	swait.ge [sflag:s19], $0x2800  }
0x327: {  	[sflag:s19] =	ssyncset.done $0x0  }
0x328: {  	[sflag:s19] =	ssyncadd.s32 $0xFFFFD800  }
0x329: {  	[spmem:s3] =	stream.indirect.scatter.add.f32 [tilespmem:s14], [sflag:$0x5], $0x80, s2, s11, $0xb8;
	[tilespmem:$0x1E080] =	vst v63  }
0x32a: {  	_ =	swait.ge [sflag:s8], $0x2800  }
0x32b: {  	[sflag:s8] =	ssyncset.done $0x0  }
0x32c: {  	s18 =	simm.s32 $0x1980;
	[sflag:s8] =	ssyncadd.s32 $0xFFFFD800  }
0x32d: {  	[tilespmem:s14], [sflag:$0x2] =	stream.indirect.gather [hbm4b:s1+s11], $0x80, s18, s11, $0xb8;
	[tilespmem:$0x1E080] =	vst v63  }
0x32e: {  	_ =	swait.ge [sflag:s22], $0x2800  }
0x32f: {  	[sflag:s22] =	ssyncset.done $0x0  }
0x330: {  	[sflag:s22] =	ssyncadd.s32 $0xFFFFD800  }
0x331: {  	[spmem:s3] =	stream.indirect.scatter.add.f32 [tilespmem:s16], [sflag:$0x5], $0x80, s9, s11, $0xb8;
	[tilespmem:$0x1E080] =	vst v63  }
0x332: {  	_ =	swait.ge [sflag:s8], $0x2800  }
0x333: {  	[sflag:s8] =	ssyncset.done $0x0  }
0x334: {  	s18 =	simm.s32 $0x1A00;
	[sflag:s8] =	ssyncadd.s32 $0xFFFFD800  }
0x335: {  	[tilespmem:s16], [sflag:$0x3] =	stream.indirect.gather [hbm4b:s1+s11], $0x80, s18, s11, $0xb8;
	[tilespmem:$0x1E080] =	vst v63  }
0x336: {  	_ =	swait.ge [sflag:s17], $0x2800  }
0x337: {  	[sflag:s17] =	ssyncset.done $0x0  }
0x338: {  	[sflag:s17] =	ssyncadd.s32 $0xFFFFD800  }
0x339: {  	[spmem:s3] =	stream.indirect.scatter.add.f32 [tilespmem:s12], [sflag:$0x5], $0x80, s23, s11, $0xb8;
	[tilespmem:$0x1E080] =	vst v63  }
0x33a: {  	_ =	swait.ge [sflag:s8], $0x2800  }
0x33b: {  	[sflag:s8] =	ssyncset.done $0x0  }
0x33c: {  	s18 =	simm.s32 $0x1A80;
	[sflag:s8] =	ssyncadd.s32 $0xFFFFD800  }
0x33d: {  	[tilespmem:s12], [sflag:$0x1] =	stream.indirect.gather [hbm4b:s1+s11], $0x80, s18, s11, $0xb8;
	[tilespmem:$0x1E080] =	vst v63  }
0x33e: {  	_ =	swait.ge [sflag:s19], $0x2800  }
0x33f: {  	[sflag:s19] =	ssyncset.done $0x0  }
0x340: {  	[sflag:s19] =	ssyncadd.s32 $0xFFFFD800  }
0x341: {  	[spmem:s3] =	stream.indirect.scatter.add.f32 [tilespmem:s14], [sflag:$0x5], $0x80, s26, s11, $0xb8;
	[tilespmem:$0x1E080] =	vst v63  }
0x342: {  	_ =	swait.ge [sflag:s8], $0x2800  }
0x343: {  	[sflag:s8] =	ssyncset.done $0x0  }
0x344: {  	s18 =	simm.s32 $0x1B00;
	[sflag:s8] =	ssyncadd.s32 $0xFFFFD800  }
0x345: {  	[tilespmem:s14], [sflag:$0x2] =	stream.indirect.gather [hbm4b:s1+s11], $0x80, s18, s11, $0xb8;
	[tilespmem:$0x1E080] =	vst v63  }
0x346: {  	_ =	swait.ge [sflag:s22], $0x2800  }
0x347: {  	[sflag:s22] =	ssyncset.done $0x0  }
0x348: {  	[sflag:s22] =	ssyncadd.s32 $0xFFFFD800  }
0x349: {  	[spmem:s3] =	stream.indirect.scatter.add.f32 [tilespmem:s16], [sflag:$0x5], $0x80, s28, s11, $0xb8;
	[tilespmem:$0x1E080] =	vst v63  }
0x34a: {  	_ =	swait.ge [sflag:s8], $0x2800  }
0x34b: {  	[sflag:s8] =	ssyncset.done $0x0  }
0x34c: {  	s18 =	simm.s32 $0x1B80;
	[sflag:s8] =	ssyncadd.s32 $0xFFFFD800  }
0x34d: {  	[tilespmem:s16], [sflag:$0x3] =	stream.indirect.gather [hbm4b:s1+s11], $0x80, s18, s11, $0xb8;
	[tilespmem:$0x1E080] =	vst v63  }
0x34e: {  	_ =	swait.ge [sflag:s6], $0xC80  }
0x34f: {  	[sflag:s6] =	ssyncset.done $0x0  }
0x350: {  	[sflag:s6] =	ssyncadd.s32 $0xFFFFF380  }
0x351: {  	_ =	swait.ge [sflag:s17], $0x2800  }
0x352: {  	[sflag:s17] =	ssyncset.done $0x0  }
0x353: {  	[sflag:s17] =	ssyncadd.s32 $0xFFFFD800  }
0x354: {  	[spmem:s3] =	stream.indirect.scatter.add.f32 [tilespmem:s12], [sflag:$0x5], $0x80, s29, s11, $0xb8;
	[tilespmem:$0x1E080] =	vst v63  }
0x355: {  	_ =	swait.ge [sflag:s8], $0x2800  }
0x356: {  	[sflag:s8] =	ssyncset.done $0x0  }
0x357: {  	s6 =	simm.s32 $0x1C00;
	[sflag:s8] =	ssyncadd.s32 $0xFFFFD800  }
0x358: {  	[tilespmem:s12], [sflag:$0x1] =	stream.indirect.gather [hbm4b:s1+s11], $0x80, s6, s11, $0xb8;
	[tilespmem:$0x1E080] =	vst v63  }
0x359: {  	_ =	swait.ge [sflag:s19], $0x2800  }
0x35a: {  	[sflag:s19] =	ssyncset.done $0x0  }
0x35b: {  	[sflag:s19] =	ssyncadd.s32 $0xFFFFD800  }
0x35c: {  	[spmem:s3] =	stream.indirect.scatter.add.f32 [tilespmem:s14], [sflag:$0x5], $0x80, s7, s11, $0xb8;
	[tilespmem:$0x1E080] =	vst v63  }
0x35d: {  	_ =	swait.ge [sflag:s8], $0x2800  }
0x35e: {  	[sflag:s8] =	ssyncset.done $0x0  }
0x35f: {  	[sflag:s8] =	ssyncadd.s32 $0xFFFFD800  }
0x360: {  	[tilespmem:s14], [sflag:$0x2] =	stream.indirect.gather [hbm4b:s1+s11], $0x80, s25, s11, $0xb8;
	[tilespmem:$0x1E080] =	vst v63  }
0x361: {  	_ =	swait.ge [sflag:s22], $0x2800  }
0x362: {  	[sflag:s22] =	ssyncset.done $0x0  }
0x363: {  	s6 =	simm.s32 $0x2B80;
	[sflag:s22] =	ssyncadd.s32 $0xFFFFD800  }
0x364: {  	[spmem:s3] =	stream.indirect.scatter.add.f32 [tilespmem:s16], [sflag:$0x5], $0x80, s6, s11, $0xb8;
	[tilespmem:$0x1E080] =	vst v63  }
0x365: {  	_ =	swait.ge [sflag:s8], $0x2800  }
0x366: {  	[sflag:s8] =	ssyncset.done $0x0  }
0x367: {  	s18 =	simm.s32 $0x80;
	[sflag:s8] =	ssyncadd.s32 $0xFFFFD800  }
0x368: {  	[tilespmem:s16], [sflag:$0x3] =	stream.indirect.gather [hbm4b:s1+s11], $0x80, s18, s11, $0xb8;
	[tilespmem:$0x1E080] =	vst v63  }
0x369: {  	_ =	swait.ge [sflag:s17], $0x2800  }
0x36a: {  	[sflag:s17] =	ssyncset.done $0x0  }
0x36b: {  	[sflag:s17] =	ssyncadd.s32 $0xFFFFD800  }
0x36c: {  	[spmem:s3] =	stream.indirect.scatter.add.f32 [tilespmem:s12], [sflag:$0x5], $0x80, s4, s11, $0xb8;
	[tilespmem:$0x1E080] =	vst v63  }
0x36d: {  	_ =	swait.ge [sflag:s8], $0x2800  }
0x36e: {  	[sflag:s8] =	ssyncset.done $0x0  }
0x36f: {  	s2 =	simm.s32 $0x100;
	[sflag:s8] =	ssyncadd.s32 $0xFFFFD800  }
0x370: {  	[tilespmem:s12], [sflag:$0x1] =	stream.indirect.gather [hbm4b:s1+s11], $0x80, s2, s11, $0xb8;
	[tilespmem:$0x1E080] =	vst v63  }
0x371: {  	s0 =	simm.s32 $0x2000;
	s18 =	rddreg [dreg:$0xe]  }
0x372: {  	[tilespmem:s0], [sflag:$0x5] =	stream.linear.gather [hbm4b:s18+s25], $0xC80, $0x38;
	[tilespmem:$0x1E080] =	vst v63  }
0x373: {  	_ =	swait.ge [sflag:s8], $0xC80  }
0x374: {  	[sflag:s8] =	ssyncset.done $0x0  }
0x375: {  	[sflag:s8] =	ssyncadd.s32 $0xFFFFF380  }
0x376: {  	_ =	swait.ge [sflag:s19], $0x2800  }
0x377: {  	[sflag:s19] =	ssyncset.done $0x0  }
0x378: {  	[sflag:s19] =	ssyncadd.s32 $0xFFFFD800  }
0x379: {  	[spmem:s3] =	stream.indirect.scatter.add.f32 [tilespmem:s14], [sflag:$0x5], $0x80, s0, s11, $0xb8;
	[tilespmem:$0x1E080] =	vst v63  }
0x37a: {  	_ =	swait.ge [sflag:s8], $0x2800  }
0x37b: {  	[sflag:s8] =	ssyncset.done $0x0  }
0x37c: {  	s2 =	simm.s32 $0x180;
	[sflag:s8] =	ssyncadd.s32 $0xFFFFD800  }
0x37d: {  	[tilespmem:s14], [sflag:$0x2] =	stream.indirect.gather [hbm4b:s1+s11], $0x80, s2, s11, $0xb8;
	[tilespmem:$0x1E080] =	vst v63  }
0x37e: {  	_ =	swait.ge [sflag:s22], $0x2800  }
0x37f: {  	[sflag:s22] =	ssyncset.done $0x0  }
0x380: {  	s18 =	simm.s32 $0x2080;
	[sflag:s22] =	ssyncadd.s32 $0xFFFFD800  }
0x381: {  	[spmem:s3] =	stream.indirect.scatter.add.f32 [tilespmem:s16], [sflag:$0x5], $0x80, s18, s11, $0xb8;
	[tilespmem:$0x1E080] =	vst v63  }
0x382: {  	_ =	swait.ge [sflag:s8], $0x2800  }
0x383: {  	[sflag:s8] =	ssyncset.done $0x0  }
0x384: {  	s2 =	simm.s32 $0x200;
	[sflag:s8] =	ssyncadd.s32 $0xFFFFD800  }
0x385: {  	[tilespmem:s16], [sflag:$0x3] =	stream.indirect.gather [hbm4b:s1+s11], $0x80, s2, s11, $0xb8;
	[tilespmem:$0x1E080] =	vst v63  }
0x386: {  	_ =	swait.ge [sflag:s17], $0x2800  }
0x387: {  	[sflag:s17] =	ssyncset.done $0x0  }
0x388: {  	s18 =	simm.s32 $0x2100;
	[sflag:s17] =	ssyncadd.s32 $0xFFFFD800  }
0x389: {  	[spmem:s3] =	stream.indirect.scatter.add.f32 [tilespmem:s12], [sflag:$0x5], $0x80, s18, s11, $0xb8;
	[tilespmem:$0x1E080] =	vst v63  }
0x38a: {  	_ =	swait.ge [sflag:s8], $0x2800  }
0x38b: {  	[sflag:s8] =	ssyncset.done $0x0  }
0x38c: {  	s2 =	simm.s32 $0x280;
	[sflag:s8] =	ssyncadd.s32 $0xFFFFD800  }
0x38d: {  	[tilespmem:s12], [sflag:$0x1] =	stream.indirect.gather [hbm4b:s1+s11], $0x80, s2, s11, $0xb8;
	[tilespmem:$0x1E080] =	vst v63  }
0x38e: {  	_ =	swait.ge [sflag:s19], $0x2800  }
0x38f: {  	[sflag:s19] =	ssyncset.done $0x0  }
0x390: {  	s18 =	simm.s32 $0x2180;
	[sflag:s19] =	ssyncadd.s32 $0xFFFFD800  }
0x391: {  	[spmem:s3] =	stream.indirect.scatter.add.f32 [tilespmem:s14], [sflag:$0x5], $0x80, s18, s11, $0xb8;
	[tilespmem:$0x1E080] =	vst v63  }
0x392: {  	_ =	swait.ge [sflag:s8], $0x2800  }
0x393: {  	[sflag:s8] =	ssyncset.done $0x0  }
0x394: {  	s2 =	simm.s32 $0x300;
	[sflag:s8] =	ssyncadd.s32 $0xFFFFD800  }
0x395: {  	[tilespmem:s14], [sflag:$0x2] =	stream.indirect.gather [hbm4b:s1+s11], $0x80, s2, s11, $0xb8;
	[tilespmem:$0x1E080] =	vst v63  }
0x396: {  	_ =	swait.ge [sflag:s22], $0x2800  }
0x397: {  	[sflag:s22] =	ssyncset.done $0x0  }
0x398: {  	s18 =	simm.s32 $0x2200;
	[sflag:s22] =	ssyncadd.s32 $0xFFFFD800  }
0x399: {  	[spmem:s3] =	stream.indirect.scatter.add.f32 [tilespmem:s16], [sflag:$0x5], $0x80, s18, s11, $0xb8;
	[tilespmem:$0x1E080] =	vst v63  }
0x39a: {  	_ =	swait.ge [sflag:s8], $0x2800  }
0x39b: {  	[sflag:s8] =	ssyncset.done $0x0  }
0x39c: {  	s2 =	simm.s32 $0x380;
	[sflag:s8] =	ssyncadd.s32 $0xFFFFD800  }
0x39d: {  	[tilespmem:s16], [sflag:$0x3] =	stream.indirect.gather [hbm4b:s1+s11], $0x80, s2, s11, $0xb8;
	[tilespmem:$0x1E080] =	vst v63  }
0x39e: {  	_ =	swait.ge [sflag:s17], $0x2800  }
0x39f: {  	[sflag:s17] =	ssyncset.done $0x0  }
0x3a0: {  	s18 =	simm.s32 $0x2280;
	[sflag:s17] =	ssyncadd.s32 $0xFFFFD800  }
0x3a1: {  	[spmem:s3] =	stream.indirect.scatter.add.f32 [tilespmem:s12], [sflag:$0x5], $0x80, s18, s11, $0xb8;
	[tilespmem:$0x1E080] =	vst v63  }
0x3a2: {  	_ =	swait.ge [sflag:s8], $0x2800  }
0x3a3: {  	[sflag:s8] =	ssyncset.done $0x0  }
0x3a4: {  	s2 =	simm.s32 $0x400;
	[sflag:s8] =	ssyncadd.s32 $0xFFFFD800  }
0x3a5: {  	[tilespmem:s12], [sflag:$0x1] =	stream.indirect.gather [hbm4b:s1+s11], $0x80, s2, s11, $0xb8;
	[tilespmem:$0x1E080] =	vst v63  }
0x3a6: {  	_ =	swait.ge [sflag:s19], $0x2800  }
0x3a7: {  	[sflag:s19] =	ssyncset.done $0x0  }
0x3a8: {  	[sflag:s19] =	ssyncadd.s32 $0xFFFFD800  }
0x3a9: {  	[spmem:s3] =	stream.indirect.scatter.add.f32 [tilespmem:s14], [sflag:$0x5], $0x80, s21, s11, $0xb8;
	[tilespmem:$0x1E080] =	vst v63  }
0x3aa: {  	_ =	swait.ge [sflag:s8], $0x2800  }
0x3ab: {  	[sflag:s8] =	ssyncset.done $0x0  }
0x3ac: {  	s18 =	simm.s32 $0x480;
	[sflag:s8] =	ssyncadd.s32 $0xFFFFD800  }
0x3ad: {  	[tilespmem:s14], [sflag:$0x2] =	stream.indirect.gather [hbm4b:s1+s11], $0x80, s18, s11, $0xb8;
	[tilespmem:$0x1E080] =	vst v63  }
0x3ae: {  	_ =	swait.ge [sflag:s22], $0x2800  }
0x3af: {  	[sflag:s22] =	ssyncset.done $0x0  }
0x3b0: {  	[sflag:s22] =	ssyncadd.s32 $0xFFFFD800  }
0x3b1: {  	[spmem:s3] =	stream.indirect.scatter.add.f32 [tilespmem:s16], [sflag:$0x5], $0x80, s24, s11, $0xb8;
	[tilespmem:$0x1E080] =	vst v63  }
0x3b2: {  	_ =	swait.ge [sflag:s8], $0x2800  }
0x3b3: {  	[sflag:s8] =	ssyncset.done $0x0  }
0x3b4: {  	s21 =	simm.s32 $0x500;
	[sflag:s8] =	ssyncadd.s32 $0xFFFFD800  }
0x3b5: {  	[tilespmem:s16], [sflag:$0x3] =	stream.indirect.gather [hbm4b:s1+s11], $0x80, s21, s11, $0xb8;
	[tilespmem:$0x1E080] =	vst v63  }
0x3b6: {  	_ =	swait.ge [sflag:s17], $0x2800  }
0x3b7: {  	[sflag:s17] =	ssyncset.done $0x0  }
0x3b8: {  	s24 =	simm.s32 $0x2400;
	[sflag:s17] =	ssyncadd.s32 $0xFFFFD800  }
0x3b9: {  	[spmem:s3] =	stream.indirect.scatter.add.f32 [tilespmem:s12], [sflag:$0x5], $0x80, s24, s11, $0xb8;
	[tilespmem:$0x1E080] =	vst v63  }
0x3ba: {  	_ =	swait.ge [sflag:s8], $0x2800  }
0x3bb: {  	[sflag:s8] =	ssyncset.done $0x0  }
0x3bc: {  	s2 =	simm.s32 $0x580;
	[sflag:s8] =	ssyncadd.s32 $0xFFFFD800  }
0x3bd: {  	[tilespmem:s12], [sflag:$0x1] =	stream.indirect.gather [hbm4b:s1+s11], $0x80, s2, s11, $0xb8;
	[tilespmem:$0x1E080] =	vst v63  }
0x3be: {  	_ =	swait.ge [sflag:s19], $0x2800  }
0x3bf: {  	[sflag:s19] =	ssyncset.done $0x0  }
0x3c0: {  	s10 =	simm.s32 $0x2480;
	[sflag:s19] =	ssyncadd.s32 $0xFFFFD800  }
0x3c1: {  	[spmem:s3] =	stream.indirect.scatter.add.f32 [tilespmem:s14], [sflag:$0x5], $0x80, s10, s11, $0xb8;
	[tilespmem:$0x1E080] =	vst v63  }
0x3c2: {  	_ =	swait.ge [sflag:s8], $0x2800  }
0x3c3: {  	[sflag:s8] =	ssyncset.done $0x0  }
0x3c4: {  	s18 =	simm.s32 $0x600;
	[sflag:s8] =	ssyncadd.s32 $0xFFFFD800  }
0x3c5: {  	[tilespmem:s14], [sflag:$0x2] =	stream.indirect.gather [hbm4b:s1+s11], $0x80, s18, s11, $0xb8;
	[tilespmem:$0x1E080] =	vst v63  }
0x3c6: {  	_ =	swait.ge [sflag:s22], $0x2800  }
0x3c7: {  	[sflag:s22] =	ssyncset.done $0x0  }
0x3c8: {  	s13 =	simm.s32 $0x2500;
	[sflag:s22] =	ssyncadd.s32 $0xFFFFD800  }
0x3c9: {  	[spmem:s3] =	stream.indirect.scatter.add.f32 [tilespmem:s16], [sflag:$0x5], $0x80, s13, s11, $0xb8;
	[tilespmem:$0x1E080] =	vst v63  }
0x3ca: {  	_ =	swait.ge [sflag:s8], $0x2800  }
0x3cb: {  	[sflag:s8] =	ssyncset.done $0x0  }
0x3cc: {  	s21 =	simm.s32 $0x680;
	[sflag:s8] =	ssyncadd.s32 $0xFFFFD800  }
0x3cd: {  	[tilespmem:s16], [sflag:$0x3] =	stream.indirect.gather [hbm4b:s1+s11], $0x80, s21, s11, $0xb8;
	[tilespmem:$0x1E080] =	vst v63  }
0x3ce: {  	_ =	swait.ge [sflag:s17], $0x2800  }
0x3cf: {  	[sflag:s17] =	ssyncset.done $0x0  }
0x3d0: {  	s15 =	simm.s32 $0x2580;
	[sflag:s17] =	ssyncadd.s32 $0xFFFFD800  }
0x3d1: {  	[spmem:s3] =	stream.indirect.scatter.add.f32 [tilespmem:s12], [sflag:$0x5], $0x80, s15, s11, $0xb8;
	[tilespmem:$0x1E080] =	vst v63  }
0x3d2: {  	_ =	swait.ge [sflag:s8], $0x2800  }
0x3d3: {  	[sflag:s8] =	ssyncset.done $0x0  }
0x3d4: {  	s24 =	simm.s32 $0x700;
	[sflag:s8] =	ssyncadd.s32 $0xFFFFD800  }
0x3d5: {  	[tilespmem:s12], [sflag:$0x1] =	stream.indirect.gather [hbm4b:s1+s11], $0x80, s24, s11, $0xb8;
	[tilespmem:$0x1E080] =	vst v63  }
0x3d6: {  	_ =	swait.ge [sflag:s19], $0x2800  }
0x3d7: {  	[sflag:s19] =	ssyncset.done $0x0  }
0x3d8: {  	s20 =	simm.s32 $0x2600;
	[sflag:s19] =	ssyncadd.s32 $0xFFFFD800  }
0x3d9: {  	[spmem:s3] =	stream.indirect.scatter.add.f32 [tilespmem:s14], [sflag:$0x5], $0x80, s20, s11, $0xb8;
	[tilespmem:$0x1E080] =	vst v63  }
0x3da: {  	_ =	swait.ge [sflag:s8], $0x2800  }
0x3db: {  	[sflag:s8] =	ssyncset.done $0x0  }
0x3dc: {  	s2 =	simm.s32 $0x780;
	[sflag:s8] =	ssyncadd.s32 $0xFFFFD800  }
0x3dd: {  	[tilespmem:s14], [sflag:$0x2] =	stream.indirect.gather [hbm4b:s1+s11], $0x80, s2, s11, $0xb8;
	[tilespmem:$0x1E080] =	vst v63  }
0x3de: {  	_ =	swait.ge [sflag:s22], $0x2800  }
0x3df: {  	[sflag:s22] =	ssyncset.done $0x0  }
0x3e0: {  	s30 =	simm.s32 $0x2680;
	[sflag:s22] =	ssyncadd.s32 $0xFFFFD800  }
0x3e1: {  	[spmem:s3] =	stream.indirect.scatter.add.f32 [tilespmem:s16], [sflag:$0x5], $0x80, s30, s11, $0xb8;
	[tilespmem:$0x1E080] =	vst v63  }
0x3e2: {  	_ =	swait.ge [sflag:s8], $0x2800  }
0x3e3: {  	[sflag:s8] =	ssyncset.done $0x0  }
0x3e4: {  	s10 =	simm.s32 $0x800;
	[sflag:s8] =	ssyncadd.s32 $0xFFFFD800  }
0x3e5: {  	[tilespmem:s16], [sflag:$0x3] =	stream.indirect.gather [hbm4b:s1+s11], $0x80, s10, s11, $0xb8;
	[tilespmem:$0x1E080] =	vst v63  }
0x3e6: {  	_ =	swait.ge [sflag:s17], $0x2800  }
0x3e7: {  	[sflag:s17] =	ssyncset.done $0x0  }
0x3e8: {  	s31 =	simm.s32 $0x2700;
	[sflag:s17] =	ssyncadd.s32 $0xFFFFD800  }
0x3e9: {  	[spmem:s3] =	stream.indirect.scatter.add.f32 [tilespmem:s12], [sflag:$0x5], $0x80, s31, s11, $0xb8;
	[tilespmem:$0x1E080] =	vst v63  }
0x3ea: {  	_ =	swait.ge [sflag:s8], $0x2800  }
0x3eb: {  	[sflag:s8] =	ssyncset.done $0x0  }
0x3ec: {  	s13 =	simm.s32 $0x880;
	[sflag:s8] =	ssyncadd.s32 $0xFFFFD800  }
0x3ed: {  	[tilespmem:s12], [sflag:$0x1] =	stream.indirect.gather [hbm4b:s1+s11], $0x80, s13, s11, $0xb8;
	[tilespmem:$0x1E080] =	vst v63  }
0x3ee: {  	_ =	swait.ge [sflag:s19], $0x2800  }
0x3ef: {  	[sflag:s19] =	ssyncset.done $0x0  }
0x3f0: {  	s5 =	simm.s32 $0x2780;
	[sflag:s19] =	ssyncadd.s32 $0xFFFFD800  }
0x3f1: {  	[spmem:s3] =	stream.indirect.scatter.add.f32 [tilespmem:s14], [sflag:$0x5], $0x80, s5, s11, $0xb8;
	[tilespmem:$0x1E080] =	vst v63  }
0x3f2: {  	_ =	swait.ge [sflag:s8], $0x2800  }
0x3f3: {  	[sflag:s8] =	ssyncset.done $0x0  }
0x3f4: {  	s15 =	simm.s32 $0x900;
	[sflag:s8] =	ssyncadd.s32 $0xFFFFD800  }
0x3f5: {  	[tilespmem:s14], [sflag:$0x2] =	stream.indirect.gather [hbm4b:s1+s11], $0x80, s15, s11, $0xb8;
	[tilespmem:$0x1E080] =	vst v63  }
0x3f6: {  	_ =	swait.ge [sflag:s22], $0x2800  }
0x3f7: {  	[sflag:s22] =	ssyncset.done $0x0  }
0x3f8: {  	s18 =	simm.s32 $0x2800;
	[sflag:s22] =	ssyncadd.s32 $0xFFFFD800  }
0x3f9: {  	[spmem:s3] =	stream.indirect.scatter.add.f32 [tilespmem:s16], [sflag:$0x5], $0x80, s18, s11, $0xb8;
	[tilespmem:$0x1E080] =	vst v63  }
0x3fa: {  	_ =	swait.ge [sflag:s8], $0x2800  }
0x3fb: {  	[sflag:s8] =	ssyncset.done $0x0  }
0x3fc: {  	s20 =	simm.s32 $0x980;
	[sflag:s8] =	ssyncadd.s32 $0xFFFFD800  }
0x3fd: {  	[tilespmem:s16], [sflag:$0x3] =	stream.indirect.gather [hbm4b:s1+s11], $0x80, s20, s11, $0xb8;
	[tilespmem:$0x1E080] =	vst v63  }
0x3fe: {  	_ =	swait.ge [sflag:s17], $0x2800  }
0x3ff: {  	[sflag:s17] =	ssyncset.done $0x0  }
0x400: {  	s9 =	simm.s32 $0x2880;
	[sflag:s17] =	ssyncadd.s32 $0xFFFFD800  }
0x401: {  	[spmem:s3] =	stream.indirect.scatter.add.f32 [tilespmem:s12], [sflag:$0x5], $0x80, s9, s11, $0xb8;
	[tilespmem:$0x1E080] =	vst v63  }
0x402: {  	_ =	swait.ge [sflag:s8], $0x2800  }
0x403: {  	[sflag:s8] =	ssyncset.done $0x0  }
0x404: {  	s21 =	simm.s32 $0xA00;
	[sflag:s8] =	ssyncadd.s32 $0xFFFFD800  }
0x405: {  	[tilespmem:s12], [sflag:$0x1] =	stream.indirect.gather [hbm4b:s1+s11], $0x80, s21, s11, $0xb8;
	[tilespmem:$0x1E080] =	vst v63  }
0x406: {  	_ =	swait.ge [sflag:s19], $0x2800  }
0x407: {  	[sflag:s19] =	ssyncset.done $0x0  }
0x408: {  	s23 =	simm.s32 $0x2900;
	[sflag:s19] =	ssyncadd.s32 $0xFFFFD800  }
0x409: {  	[spmem:s3] =	stream.indirect.scatter.add.f32 [tilespmem:s14], [sflag:$0x5], $0x80, s23, s11, $0xb8;
	[tilespmem:$0x1E080] =	vst v63  }
0x40a: {  	_ =	swait.ge [sflag:s8], $0x2800  }
0x40b: {  	[sflag:s8] =	ssyncset.done $0x0  }
0x40c: {  	s23 =	simm.s32 $0xA80;
	[sflag:s8] =	ssyncadd.s32 $0xFFFFD800  }
0x40d: {  	[tilespmem:s14], [sflag:$0x2] =	stream.indirect.gather [hbm4b:s1+s11], $0x80, s23, s11, $0xb8;
	[tilespmem:$0x1E080] =	vst v63  }
0x40e: {  	_ =	swait.ge [sflag:s22], $0x2800  }
0x40f: {  	[sflag:s22] =	ssyncset.done $0x0  }
0x410: {  	s26 =	simm.s32 $0x2980;
	[sflag:s22] =	ssyncadd.s32 $0xFFFFD800  }
0x411: {  	[spmem:s3] =	stream.indirect.scatter.add.f32 [tilespmem:s16], [sflag:$0x5], $0x80, s26, s11, $0xb8;
	[tilespmem:$0x1E080] =	vst v63  }
0x412: {  	_ =	swait.ge [sflag:s8], $0x2800  }
0x413: {  	[sflag:s8] =	ssyncset.done $0x0  }
0x414: {  	s24 =	simm.s32 $0xB00;
	[sflag:s8] =	ssyncadd.s32 $0xFFFFD800  }
0x415: {  	[tilespmem:s16], [sflag:$0x3] =	stream.indirect.gather [hbm4b:s1+s11], $0x80, s24, s11, $0xb8;
	[tilespmem:$0x1E080] =	vst v63  }
0x416: {  	_ =	swait.ge [sflag:s17], $0x2800  }
0x417: {  	[sflag:s17] =	ssyncset.done $0x0  }
0x418: {  	s28 =	simm.s32 $0x2A00;
	[sflag:s17] =	ssyncadd.s32 $0xFFFFD800  }
0x419: {  	[spmem:s3] =	stream.indirect.scatter.add.f32 [tilespmem:s12], [sflag:$0x5], $0x80, s28, s11, $0xb8;
	[tilespmem:$0x1E080] =	vst v63  }
0x41a: {  	_ =	swait.ge [sflag:s8], $0x2800  }
0x41b: {  	[sflag:s8] =	ssyncset.done $0x0  }
0x41c: {  	s26 =	simm.s32 $0xB80;
	[sflag:s8] =	ssyncadd.s32 $0xFFFFD800  }
0x41d: {  	[tilespmem:s12], [sflag:$0x1] =	stream.indirect.gather [hbm4b:s1+s11], $0x80, s26, s11, $0xb8;
	[tilespmem:$0x1E080] =	vst v63  }
0x41e: {  	_ =	swait.ge [sflag:s19], $0x2800  }
0x41f: {  	[sflag:s19] =	ssyncset.done $0x0  }
0x420: {  	s29 =	simm.s32 $0x2A80;
	[sflag:s19] =	ssyncadd.s32 $0xFFFFD800  }
0x421: {  	[spmem:s3] =	stream.indirect.scatter.add.f32 [tilespmem:s14], [sflag:$0x5], $0x80, s29, s11, $0xb8;
	[tilespmem:$0x1E080] =	vst v63  }
0x422: {  	_ =	swait.ge [sflag:s8], $0x2800  }
0x423: {  	[sflag:s8] =	ssyncset.done $0x0  }
0x424: {  	s28 =	simm.s32 $0xC00;
	[sflag:s8] =	ssyncadd.s32 $0xFFFFD800  }
0x425: {  	[tilespmem:s14], [sflag:$0x2] =	stream.indirect.gather [hbm4b:s1+s11], $0x80, s28, s11, $0xb8;
	[tilespmem:$0x1E080] =	vst v63  }
0x426: {  	_ =	swait.ge [sflag:s22], $0x2800  }
0x427: {  	[sflag:s22] =	ssyncset.done $0x0  }
0x428: {  	s7 =	simm.s32 $0x2B00;
	[sflag:s22] =	ssyncadd.s32 $0xFFFFD800  }
0x429: {  	[spmem:s3] =	stream.indirect.scatter.add.f32 [tilespmem:s16], [sflag:$0x5], $0x80, s7, s11, $0xb8;
	[tilespmem:$0x1E080] =	vst v63  }
0x42a: {  	_ =	swait.ge [sflag:s8], $0x2800  }
0x42b: {  	[sflag:s8] =	ssyncset.done $0x0  }
0x42c: {  	[sflag:s8] =	ssyncadd.s32 $0xFFFFD800  }
0x42d: {  	_ =	swait.ge [sflag:s17], $0x2800  }
0x42e: {  	[sflag:s17] =	ssyncset.done $0x0  }
0x42f: {  	[sflag:s17] =	ssyncadd.s32 $0xFFFFD800  }
0x430: {  	[spmem:s3] =	stream.indirect.scatter.add.f32 [tilespmem:s12], [sflag:$0x5], $0x80, s6, s11, $0xb8;
	[tilespmem:$0x1E080] =	vst v63  }
0x431: {  	_ =	swait.ge [sflag:s8], $0x2800  }
0x432: {  	[sflag:s8] =	ssyncset.done $0x0  }
0x433: {  	[sflag:s8] =	ssyncadd.s32 $0xFFFFD800  }
0x434: {  	_ =	swait.ge [sflag:s19], $0x2800  }
0x435: {  	[sflag:s19] =	ssyncset.done $0x0  }
0x436: {  	s4 =	simm.s32 $0x2C00;
	[sflag:s19] =	ssyncadd.s32 $0xFFFFD800  }
0x437: {  	[spmem:s3] =	stream.indirect.scatter.add.f32 [tilespmem:s14], [sflag:$0x5], $0x80, s4, s11, $0xb8;
	[tilespmem:$0x1E080] =	vst v63  }
0x438: {  	_ =	swait.ge [sflag:s8], $0x2800  }
0x439: {  	[sflag:s8] =	ssyncset.done $0x0  }
0x43a: {  	[sflag:s8] =	ssyncadd.s32 $0xFFFFD800  }
0x43b: {  	[bflag:$0x0] =	sbarrier.arrive $0xFFFF  }
0x43c: {  	s29 =	rddreg [dreg:$0xf]  }
0x43d: {  	s30 =	rddreg [dreg:$0x11]  }
0x43e: {  	s31 =	rddreg [dreg:$0x10]  }
0x43f: {  	[hbm:s29], [sflag:s31] =	dma.local [spmem:s30], $0x2710  }
0x440: {  	s2 =	rddreg [dreg:$0x12]  }
0x441: {  	p0 =	sne.s32 s2, $0x1  }
.Ltmp0:
0x442: {  	_ = 	snop;
	(pc) =	sbr.rel @p0 .LBB2_1-.Ltmp0, $4  }
0x443: {  	_ = 	snop  }
0x444: {  	_ =	swait.ge [sflag:s8], $0x2710  }
0x445: {  	[sflag:s8] =	ssyncset.done $0x0  }
0x446: {  	s2 =	sadd.s32 $0xFFFFFFFF, s2;
	[sflag:s8] =	ssyncadd.s32 $0xFFFFD8F0  }
0x447: {  	_ =	sfence.sel $0x180000  }
0x448: {  	[bflag:$0x0] =	sbarrier.arrive $0xFFFF  }
0x449: {  	_ =	strace $0x9000004A  }
0x44a: {  	s0 =	stileid.u32;
	[bflag:$0x2] =	sbarrier.arrive $0xFFFF  }
0x44b: {  	p0 =	sne.s32 s0, $0x0;
	s0 =	rddreg [dreg:$0x3]  }
0x44c: {  	s0 =	sadd.s32 @!p0 $0x100000, s0  }
0x44d: {  	[sflag:s0] =	ssyncadd.tile.s32 @!p0 $0x1;
	_ =	shalt  }
.Lfunc_end2:
_tile_overlayer_lowered:
.L_overlay_start_2:
0x44e: {  	(tag) =	ssettag $0x2  }
0x44f: {  	s0 =	rddreg [dreg:$0x0];
	s2 =	stileid.u32  }
0x450: {  	s1 =	rddreg [dreg:$0x1];
	p0 =	sne.s32 s2, $0x0  }
0x451: {  	s3 =	rddreg [dreg:$0x2];
	[bflag:$0x3] =	sbarrier.arrive $0xFFFF;
	s2 =	simm.s32 @!p0 $0x1C05  }
0x452: {  	[timem:s3], [sflag:s2] =	dma.local @!p0 [hbm:s0], s1  }
0x453: {  	s0 =	simm.s32 @!p0 $0x5  }
0x454: {  	_ =	swait.ge @!p0 [sflag:s0], s1  }
0x455: {  	s1 =	ssub.s32 @!p0 $0x0, s1;
	[sflag:s0] =	ssyncset.done @!p0 $0x0  }
0x456: {  	[sflag:s0] =	ssyncadd.s32 @!p0 s1  }
0x457: {  	[bflag:$0x3] =	sbarrier.arrive $0xFFFF  }
0x458: {  	_ =	shalt  }

</sc_bundles>
